<compile_context>
chip_gen: v7x
topology: tpu7x:2x2x1
jax: 0.10.2.dev20260603
libtpu: 0.0.44.dev20260713+nightly
codegen_flags: <defaults>
</compile_context>

<pallas_src>
import jax
import jax.numpy as jnp
from jax import lax
from jax.experimental import pallas as pl
from jax.experimental.pallas import tpu as pltpu
from jax.experimental.pallas import tpu_sc as plsc

_B, _N, _NSOL = 4, 25000, 8
_BN = _B * _N
_NNZ = 3200000
_NW = 32
_PER_W = _NNZ // _NW
_K = 2000
_NCH = _PER_W // _K
_G = _K // 16


def _sc_body(xT_hbm, rowi_hbm, coli_hbm, val_hbm, out_hbm,
             xs_v, rowa_v, cola_v, vala_v, rowb_v, colb_v, valb_v,
             acc_v, sema, semb):
    cid = lax.axis_index("core")
    sid = lax.axis_index("subcore")
    wid = sid * 2 + cid
    base = wid * _PER_W

    z16 = jnp.zeros((16,), jnp.float32)
    for j in range(_NSOL * _B):
        acc_v[pl.ds(j * 16, 16)] = z16

    iota = lax.broadcasted_iota(jnp.int32, (16,), 0)

    def start_chunk(ch, rowv, colv, valv, sem):
        off = base + ch * _K
        pltpu.async_copy(rowi_hbm.at[pl.ds(off, _K)], rowv, sem)
        pltpu.async_copy(coli_hbm.at[pl.ds(off, _K)], colv, sem)
        pltpu.async_copy(val_hbm.at[pl.ds(off, _K)], valv, sem)

    def wait_chunk(ch, rowv, colv, valv, sem):
        off = base + ch * _K
        pltpu.make_async_copy(rowi_hbm.at[pl.ds(off, _K)], rowv, sem).wait()
        pltpu.make_async_copy(coli_hbm.at[pl.ds(off, _K)], colv, sem).wait()
        pltpu.make_async_copy(val_hbm.at[pl.ds(off, _K)], valv, sem).wait()

    def do_chunk(rowv, colv, valv, ibase):
        @plsc.parallel_loop(0, _G, 1, unroll=8)
        def _(g):
            e = g * 16
            rows = rowv[pl.ds(e, 16)]
            cols = colv[pl.ds(e, 16)]
            vals = valv[pl.ds(e, 16)]
            xr = plsc.load_gather(xs_v, [rows])
            xc = plsc.load_gather(xs_v, [cols])
            p = vals * xr * xc
            bf = (rows.astype(jnp.float32) + 0.5) * (1.0 / _N)
            idx = ibase + lax.shift_left(bf.astype(jnp.int32), 4)
            plsc.addupdate_scatter(acc_v, [idx], p)

    for s in range(_NSOL):
        pltpu.sync_copy(xT_hbm.at[s], xs_v)
        ibase = iota + s * 64
        start_chunk(0, rowa_v, cola_v, vala_v, sema)
        start_chunk(1, rowb_v, colb_v, valb_v, semb)

        def pair_body(i, carry):
            del carry
            ch0 = 2 * i
            wait_chunk(ch0, rowa_v, cola_v, vala_v, sema)
            do_chunk(rowa_v, cola_v, vala_v, ibase)

            @pl.when(ch0 + 2 < _NCH)
            def _():
                start_chunk(ch0 + 2, rowa_v, cola_v, vala_v, sema)

            wait_chunk(ch0 + 1, rowb_v, colb_v, valb_v, semb)
            do_chunk(rowb_v, colb_v, valb_v, ibase)

            @pl.when(ch0 + 3 < _NCH)
            def _():
                start_chunk(ch0 + 3, rowb_v, colb_v, valb_v, semb)

            return 0

        lax.fori_loop(0, _NCH // 2, pair_body, 0)
    pltpu.sync_copy(acc_v, out_hbm.at[wid])


_sc_energy = pl.kernel(
    _sc_body,
    out_type=jax.ShapeDtypeStruct((_NW, _NSOL * _B * 16), jnp.float32),
    mesh=plsc.VectorSubcoreMesh(core_axis_name="core", subcore_axis_name="subcore"),
    scratch_types=[
        pltpu.VMEM((_BN,), jnp.float32),
        pltpu.VMEM((_K,), jnp.int32),
        pltpu.VMEM((_K,), jnp.int32),
        pltpu.VMEM((_K,), jnp.float32),
        pltpu.VMEM((_K,), jnp.int32),
        pltpu.VMEM((_K,), jnp.int32),
        pltpu.VMEM((_K,), jnp.float32),
        pltpu.VMEM((_NSOL * _B * 16,), jnp.float32),
        pltpu.SemaphoreType.DMA,
        pltpu.SemaphoreType.DMA,
    ],
    compiler_params=pltpu.CompilerParams(needs_layout_passes=False),
)


def _tc_body(xT3_ref, rhsT3_ref, mass_ref, part_ref, out_ref):
    x = xT3_ref[...]
    r = rhsT3_ref[...]
    m = mass_ref[...]
    loadT = jnp.sum(m[None] * r * x, axis=2)
    vol = jnp.sum(m, axis=1)
    ae = jnp.sum(part_ref[...], axis=(0, 3))
    sigma = loadT / jnp.maximum(ae, 0.0001)
    kkt_e = (0.5 * ae * sigma - loadT) * sigma / vol[None, :]
    comp_b = sigma * loadT / vol[None, :]
    loss = 0.5 * (-jnp.mean(comp_b)) + 0.5 * jnp.mean(kkt_e)
    out_ref[...] = jnp.broadcast_to(loss, (1, 1))


_tc_loss = pl.pallas_call(
    _tc_body,
    out_shape=jax.ShapeDtypeStruct((1, 1), jnp.float32),
)


def kernel(x_hat, rhs, A_ind, A_val, subspace_vectors, mass):
    x32 = x_hat.astype(jnp.float32)
    xT = x32.reshape(_BN, _NSOL).T
    A32 = A_ind.astype(jnp.int32)
    part = _sc_energy(xT, A32[0], A32[1], A_val.astype(jnp.float32))
    xT3 = xT.reshape(_NSOL, _B, _N)
    rhsT3 = rhs.astype(jnp.float32).reshape(_BN, _NSOL).T.reshape(_NSOL, _B, _N)
    mass2 = mass.astype(jnp.float32).reshape(_B, _N)
    out = _tc_loss(xT3, rhsT3, mass2, part.reshape(_NW, _NSOL, _B, 16))
    return out[0, 0]

# --- scband reference (transcript-rebuilt; emitter-appended) ---
"""Pipeline reference for scband-self-supervised-loss-56916906606979 (READ-ONLY COPY).

The authoritative reference and input builder live on the scoring server;
editing this copy changes nothing except your own understanding.
"""

import jax, jax.numpy as jnp
import numpy as np

B, N, NSOL = 4, 25000, 8
NNZ = 3200000
BN = B * N


def setup_inputs(seed: int = 0) -> dict:
    key = jax.random.key(seed)
    k1, k2, k3, k4, k5, k6 = jax.random.split(key, 6)
    x_hat = jax.random.normal(k1, (B, N, NSOL), dtype=jnp.float32)
    rhs = jax.random.normal(k2, (B, N, NSOL), dtype=jnp.float32)
    A_ind = jax.random.randint(k3, (2, NNZ), 0, BN, dtype=jnp.int64)
    A_val = jax.random.normal(k4, (NNZ,), dtype=jnp.float32)
    subspace_vectors = jax.random.normal(k5, (B, N, NSOL), dtype=jnp.float32)
    mass = jax.random.uniform(k6, (B, N, 1), dtype=jnp.float32)
    return {"x_hat": x_hat, "rhs": rhs, "A_ind": A_ind, "A_val": A_val,
            "subspace_vectors": subspace_vectors, "mass": mass}


def _spmv(x_flat, A_ind, A_val):
    # native COO spmv: Ax[row] += val * x[col]; scatter-add (SparseCore-friendly)
    row = A_ind[0]
    col = A_ind[1]
    gathered = A_val[:, None] * jnp.take(x_flat, col, axis=0)
    return jnp.zeros((BN, x_flat.shape[1]), dtype=jnp.float32).at[row].add(gathered)


def reference(x_hat, rhs, A_ind, A_val, subspace_vectors, mass):
    lamb_comp = 0.5
    if mass.ndim == 2:
        mass = mass[:, :, None]
    Mb = mass * rhs                       # [B, N, nsol]
    vol = mass.sum(axis=1)                # [B, 1]
    x_flat = x_hat.reshape(B * N, NSOL).astype(jnp.float32)
    Ax_hat = _spmv(x_flat, A_ind, A_val).reshape(B, N, NSOL)
    a_energy = (Ax_hat * x_hat).sum(axis=1)   # [B, nsol]
    load = (Mb * x_hat).sum(axis=1)           # [B, nsol]
    sigma = load / jnp.maximum(a_energy, 0.0001)
    kkt_energy = (0.5 * a_energy * sigma - load) * sigma / vol
    kkt = kkt_energy.mean()
    w_kkt = 1 - lamb_comp
    w_compliance = lamb_comp
    comp_batch = sigma * (Mb * x_hat).sum(axis=1) / vol
    comp = -comp_batch.mean()
    loss = w_compliance * comp + w_kkt * kkt
    return loss

if __name__ == "__main__":
    import jax
    _d = setup_inputs()
    print(jax.jit(kernel)(*tuple(_d.values())))

</pallas_src>

<mosaic_0001>
#map = affine_map<(d0, d1) -> (0, 0)>
#map1 = affine_map<(d0, d1) -> (0)>
module attributes {stable_mosaic.version = 14 : i64} {
  func.func @_sc_body(%arg0: i32, %arg1: i32, %arg2: memref<8x100000xf32, #tpu.memory_space<hbm>>, %arg3: memref<3200000xi32, #tpu.memory_space<hbm>>, %arg4: memref<3200000xi32, #tpu.memory_space<hbm>>, %arg5: memref<3200000xf32, #tpu.memory_space<hbm>>, %arg6: memref<32x512xf32, #tpu.memory_space<hbm>>, %arg7: memref<100000xf32, #tpu.memory_space<vmem>>, %arg8: memref<2000xi32, #tpu.memory_space<vmem>>, %arg9: memref<2000xi32, #tpu.memory_space<vmem>>, %arg10: memref<2000xf32, #tpu.memory_space<vmem>>, %arg11: memref<2000xi32, #tpu.memory_space<vmem>>, %arg12: memref<2000xi32, #tpu.memory_space<vmem>>, %arg13: memref<2000xf32, #tpu.memory_space<vmem>>, %arg14: memref<512xf32, #tpu.memory_space<vmem>>, %arg15: memref<!tpu.dma_semaphore, #tpu.memory_space<semaphore_mem>>, %arg16: memref<!tpu.dma_semaphore, #tpu.memory_space<semaphore_mem>>) attributes {dimension_semantics = [#tpu.dimension_semantics<core_parallel>, #tpu.dimension_semantics<subcore_parallel>], iteration_bounds = array<i64: 2, 16>, scalar_prefetch = 0 : i64, scratch_operands = 10 : i64, tpu.core_type = #tpu.core_type<sc_vector_subcore>, window_params = [{transform_indices = #map}, {transform_indices = #map1}, {transform_indices = #map1}, {transform_indices = #map1}, {transform_indices = #map}]} {
    %mul3A = arith.constant 2 : i32
    %mul3A_0 = arith.muli %arg1, %mul3A : i32
    %add3A = arith.addi %mul3A_0, %arg0 : i32
    %mul3A_1 = arith.constant 100000 : i32
    %mul3A_2 = arith.muli %add3A, %mul3A_1 : i32
    %broadcast_in_dim3A = arith.constant 0.000000e+00 : f32
    %broadcast_in_dim3A_3 = vector.broadcast %broadcast_in_dim3A : f32 to vector<16xf32>
    %swap3A = arith.constant 0 : index
    %swap3A_4 = tpu.vector_load %arg14[%swap3A] {strides = array<i32>} : memref<512xf32, #tpu.memory_space<vmem>>, vector<16xf32>,
    tpu.vector_store %arg14[%swap3A], %broadcast_in_dim3A_3 {strides = array<i32>} : memref<512xf32, #tpu.memory_space<vmem>>, vector<16xf32>,
    %swap3A_5 = arith.constant 16 : index
    %swap3A_6 = tpu.vector_load %arg14[%swap3A_5] {strides = array<i32>} : memref<512xf32, #tpu.memory_space<vmem>>, vector<16xf32>,
    tpu.vector_store %arg14[%swap3A_5], %broadcast_in_dim3A_3 {strides = array<i32>} : memref<512xf32, #tpu.memory_space<vmem>>, vector<16xf32>,
    %swap3A_7 = arith.constant 32 : index
    %swap3A_8 = tpu.vector_load %arg14[%swap3A_7] {strides = array<i32>} : memref<512xf32, #tpu.memory_space<vmem>>, vector<16xf32>,
    tpu.vector_store %arg14[%swap3A_7], %broadcast_in_dim3A_3 {strides = array<i32>} : memref<512xf32, #tpu.memory_space<vmem>>, vector<16xf32>,
    %swap3A_9 = arith.constant 48 : index
    %swap3A_10 = tpu.vector_load %arg14[%swap3A_9] {strides = array<i32>} : memref<512xf32, #tpu.memory_space<vmem>>, vector<16xf32>,
    tpu.vector_store %arg14[%swap3A_9], %broadcast_in_dim3A_3 {strides = array<i32>} : memref<512xf32, #tpu.memory_space<vmem>>, vector<16xf32>,
    %swap3A_11 = arith.constant 64 : index
    %swap3A_12 = tpu.vector_load %arg14[%swap3A_11] {strides = array<i32>} : memref<512xf32, #tpu.memory_space<vmem>>, vector<16xf32>,
    tpu.vector_store %arg14[%swap3A_11], %broadcast_in_dim3A_3 {strides = array<i32>} : memref<512xf32, #tpu.memory_space<vmem>>, vector<16xf32>,
    %swap3A_13 = arith.constant 80 : index
    %swap3A_14 = tpu.vector_load %arg14[%swap3A_13] {strides = array<i32>} : memref<512xf32, #tpu.memory_space<vmem>>, vector<16xf32>,
    tpu.vector_store %arg14[%swap3A_13], %broadcast_in_dim3A_3 {strides = array<i32>} : memref<512xf32, #tpu.memory_space<vmem>>, vector<16xf32>,
    %swap3A_15 = arith.constant 96 : index
    %swap3A_16 = tpu.vector_load %arg14[%swap3A_15] {strides = array<i32>} : memref<512xf32, #tpu.memory_space<vmem>>, vector<16xf32>,
    tpu.vector_store %arg14[%swap3A_15], %broadcast_in_dim3A_3 {strides = array<i32>} : memref<512xf32, #tpu.memory_space<vmem>>, vector<16xf32>,
    %swap3A_17 = arith.constant 112 : index
    %swap3A_18 = tpu.vector_load %arg14[%swap3A_17] {strides = array<i32>} : memref<512xf32, #tpu.memory_space<vmem>>, vector<16xf32>,
    tpu.vector_store %arg14[%swap3A_17], %broadcast_in_dim3A_3 {strides = array<i32>} : memref<512xf32, #tpu.memory_space<vmem>>, vector<16xf32>,
    %swap3A_19 = arith.constant 128 : index
    %swap3A_20 = tpu.vector_load %arg14[%swap3A_19] {strides = array<i32>} : memref<512xf32, #tpu.memory_space<vmem>>, vector<16xf32>,
    tpu.vector_store %arg14[%swap3A_19], %broadcast_in_dim3A_3 {strides = array<i32>} : memref<512xf32, #tpu.memory_space<vmem>>, vector<16xf32>,
    %swap3A_21 = arith.constant 144 : index
    %swap3A_22 = tpu.vector_load %arg14[%swap3A_21] {strides = array<i32>} : memref<512xf32, #tpu.memory_space<vmem>>, vector<16xf32>,
    tpu.vector_store %arg14[%swap3A_21], %broadcast_in_dim3A_3 {strides = array<i32>} : memref<512xf32, #tpu.memory_space<vmem>>, vector<16xf32>,
    %swap3A_23 = arith.constant 160 : index
    %swap3A_24 = tpu.vector_load %arg14[%swap3A_23] {strides = array<i32>} : memref<512xf32, #tpu.memory_space<vmem>>, vector<16xf32>,
    tpu.vector_store %arg14[%swap3A_23], %broadcast_in_dim3A_3 {strides = array<i32>} : memref<512xf32, #tpu.memory_space<vmem>>, vector<16xf32>,
    %swap3A_25 = arith.constant 176 : index
    %swap3A_26 = tpu.vector_load %arg14[%swap3A_25] {strides = array<i32>} : memref<512xf32, #tpu.memory_space<vmem>>, vector<16xf32>,
    tpu.vector_store %arg14[%swap3A_25], %broadcast_in_dim3A_3 {strides = array<i32>} : memref<512xf32, #tpu.memory_space<vmem>>, vector<16xf32>,
    %swap3A_27 = arith.constant 192 : index
    %swap3A_28 = tpu.vector_load %arg14[%swap3A_27] {strides = array<i32>} : memref<512xf32, #tpu.memory_space<vmem>>, vector<16xf32>,
    tpu.vector_store %arg14[%swap3A_27], %broadcast_in_dim3A_3 {strides = array<i32>} : memref<512xf32, #tpu.memory_space<vmem>>, vector<16xf32>,
    %swap3A_29 = arith.constant 208 : index
    %swap3A_30 = tpu.vector_load %arg14[%swap3A_29] {strides = array<i32>} : memref<512xf32, #tpu.memory_space<vmem>>, vector<16xf32>,
    tpu.vector_store %arg14[%swap3A_29], %broadcast_in_dim3A_3 {strides = array<i32>} : memref<512xf32, #tpu.memory_space<vmem>>, vector<16xf32>,
    %swap3A_31 = arith.constant 224 : index
    %swap3A_32 = tpu.vector_load %arg14[%swap3A_31] {strides = array<i32>} : memref<512xf32, #tpu.memory_space<vmem>>, vector<16xf32>,
    tpu.vector_store %arg14[%swap3A_31], %broadcast_in_dim3A_3 {strides = array<i32>} : memref<512xf32, #tpu.memory_space<vmem>>, vector<16xf32>,
    %swap3A_33 = arith.constant 240 : index
    %swap3A_34 = tpu.vector_load %arg14[%swap3A_33] {strides = array<i32>} : memref<512xf32, #tpu.memory_space<vmem>>, vector<16xf32>,
    tpu.vector_store %arg14[%swap3A_33], %broadcast_in_dim3A_3 {strides = array<i32>} : memref<512xf32, #tpu.memory_space<vmem>>, vector<16xf32>,
    %swap3A_35 = arith.constant 256 : index
    %swap3A_36 = tpu.vector_load %arg14[%swap3A_35] {strides = array<i32>} : memref<512xf32, #tpu.memory_space<vmem>>, vector<16xf32>,
    tpu.vector_store %arg14[%swap3A_35], %broadcast_in_dim3A_3 {strides = array<i32>} : memref<512xf32, #tpu.memory_space<vmem>>, vector<16xf32>,
    %swap3A_37 = arith.constant 272 : index
    %swap3A_38 = tpu.vector_load %arg14[%swap3A_37] {strides = array<i32>} : memref<512xf32, #tpu.memory_space<vmem>>, vector<16xf32>,
    tpu.vector_store %arg14[%swap3A_37], %broadcast_in_dim3A_3 {strides = array<i32>} : memref<512xf32, #tpu.memory_space<vmem>>, vector<16xf32>,
    %swap3A_39 = arith.constant 288 : index
    %swap3A_40 = tpu.vector_load %arg14[%swap3A_39] {strides = array<i32>} : memref<512xf32, #tpu.memory_space<vmem>>, vector<16xf32>,
    tpu.vector_store %arg14[%swap3A_39], %broadcast_in_dim3A_3 {strides = array<i32>} : memref<512xf32, #tpu.memory_space<vmem>>, vector<16xf32>,
    %swap3A_41 = arith.constant 304 : index
    %swap3A_42 = tpu.vector_load %arg14[%swap3A_41] {strides = array<i32>} : memref<512xf32, #tpu.memory_space<vmem>>, vector<16xf32>,
    tpu.vector_store %arg14[%swap3A_41], %broadcast_in_dim3A_3 {strides = array<i32>} : memref<512xf32, #tpu.memory_space<vmem>>, vector<16xf32>,
    %swap3A_43 = arith.constant 320 : index
    %swap3A_44 = tpu.vector_load %arg14[%swap3A_43] {strides = array<i32>} : memref<512xf32, #tpu.memory_space<vmem>>, vector<16xf32>,
    tpu.vector_store %arg14[%swap3A_43], %broadcast_in_dim3A_3 {strides = array<i32>} : memref<512xf32, #tpu.memory_space<vmem>>, vector<16xf32>,
    %swap3A_45 = arith.constant 336 : index
    %swap3A_46 = tpu.vector_load %arg14[%swap3A_45] {strides = array<i32>} : memref<512xf32, #tpu.memory_space<vmem>>, vector<16xf32>,
    tpu.vector_store %arg14[%swap3A_45], %broadcast_in_dim3A_3 {strides = array<i32>} : memref<512xf32, #tpu.memory_space<vmem>>, vector<16xf32>,
    %swap3A_47 = arith.constant 352 : index
    %swap3A_48 = tpu.vector_load %arg14[%swap3A_47] {strides = array<i32>} : memref<512xf32, #tpu.memory_space<vmem>>, vector<16xf32>,
    tpu.vector_store %arg14[%swap3A_47], %broadcast_in_dim3A_3 {strides = array<i32>} : memref<512xf32, #tpu.memory_space<vmem>>, vector<16xf32>,
    %swap3A_49 = arith.constant 368 : index
    %swap3A_50 = tpu.vector_load %arg14[%swap3A_49] {strides = array<i32>} : memref<512xf32, #tpu.memory_space<vmem>>, vector<16xf32>,
    tpu.vector_store %arg14[%swap3A_49], %broadcast_in_dim3A_3 {strides = array<i32>} : memref<512xf32, #tpu.memory_space<vmem>>, vector<16xf32>,
    %swap3A_51 = arith.constant 384 : index
    %swap3A_52 = tpu.vector_load %arg14[%swap3A_51] {strides = array<i32>} : memref<512xf32, #tpu.memory_space<vmem>>, vector<16xf32>,
    tpu.vector_store %arg14[%swap3A_51], %broadcast_in_dim3A_3 {strides = array<i32>} : memref<512xf32, #tpu.memory_space<vmem>>, vector<16xf32>,
    %swap3A_53 = arith.constant 400 : index
    %swap3A_54 = tpu.vector_load %arg14[%swap3A_53] {strides = array<i32>} : memref<512xf32, #tpu.memory_space<vmem>>, vector<16xf32>,
    tpu.vector_store %arg14[%swap3A_53], %broadcast_in_dim3A_3 {strides = array<i32>} : memref<512xf32, #tpu.memory_space<vmem>>, vector<16xf32>,
    %swap3A_55 = arith.constant 416 : index
    %swap3A_56 = tpu.vector_load %arg14[%swap3A_55] {strides = array<i32>} : memref<512xf32, #tpu.memory_space<vmem>>, vector<16xf32>,
    tpu.vector_store %arg14[%swap3A_55], %broadcast_in_dim3A_3 {strides = array<i32>} : memref<512xf32, #tpu.memory_space<vmem>>, vector<16xf32>,
    %swap3A_57 = arith.constant 432 : index
    %swap3A_58 = tpu.vector_load %arg14[%swap3A_57] {strides = array<i32>} : memref<512xf32, #tpu.memory_space<vmem>>, vector<16xf32>,
    tpu.vector_store %arg14[%swap3A_57], %broadcast_in_dim3A_3 {strides = array<i32>} : memref<512xf32, #tpu.memory_space<vmem>>, vector<16xf32>,
    %swap3A_59 = arith.constant 448 : index
    %swap3A_60 = tpu.vector_load %arg14[%swap3A_59] {strides = array<i32>} : memref<512xf32, #tpu.memory_space<vmem>>, vector<16xf32>,
    tpu.vector_store %arg14[%swap3A_59], %broadcast_in_dim3A_3 {strides = array<i32>} : memref<512xf32, #tpu.memory_space<vmem>>, vector<16xf32>,
    %swap3A_61 = arith.constant 464 : index
    %swap3A_62 = tpu.vector_load %arg14[%swap3A_61] {strides = array<i32>} : memref<512xf32, #tpu.memory_space<vmem>>, vector<16xf32>,
    tpu.vector_store %arg14[%swap3A_61], %broadcast_in_dim3A_3 {strides = array<i32>} : memref<512xf32, #tpu.memory_space<vmem>>, vector<16xf32>,
    %swap3A_63 = arith.constant 480 : index
    %swap3A_64 = tpu.vector_load %arg14[%swap3A_63] {strides = array<i32>} : memref<512xf32, #tpu.memory_space<vmem>>, vector<16xf32>,
    tpu.vector_store %arg14[%swap3A_63], %broadcast_in_dim3A_3 {strides = array<i32>} : memref<512xf32, #tpu.memory_space<vmem>>, vector<16xf32>,
    %swap3A_65 = arith.constant 496 : index
    %swap3A_66 = tpu.vector_load %arg14[%swap3A_65] {strides = array<i32>} : memref<512xf32, #tpu.memory_space<vmem>>, vector<16xf32>,
    tpu.vector_store %arg14[%swap3A_65], %broadcast_in_dim3A_3 {strides = array<i32>} : memref<512xf32, #tpu.memory_space<vmem>>, vector<16xf32>,
    %iota3A = tpu.iota {dimensions = array<i32: 0>} : vector<16xi32>
    %run_scoped3A = arith.constant 0 : i32
    "tpu.region"() ({
      %run_scoped3A_280 = tpu.sem_alloc : memref<!tpu.dma_semaphore, #tpu.memory_space<semaphore_mem>>
      %dma_start3A_281 = arith.constant 0 : i32
      %dma_start3A_282 = tpu.memref_slice %arg2[%run_scoped3A, %dma_start3A_281] : memref<8x100000xf32, #tpu.memory_space<hbm>> -> memref<1x100000xf32, #tpu.memory_space<hbm>>
      %dma_start3A_283 = tpu.memref_squeeze %dma_start3A_282 : memref<1x100000xf32, #tpu.memory_space<hbm>> -> memref<100000xf32, #tpu.memory_space<hbm>>
      %dma_start3A_284 = arith.constant 0 : i32
      %dma_start3A_285 = tpu.memref_slice %arg2[%run_scoped3A, %dma_start3A_284] : memref<8x100000xf32, #tpu.memory_space<hbm>> -> memref<1x100000xf32, #tpu.memory_space<hbm>>
      %dma_start3A_286 = tpu.memref_squeeze %dma_start3A_285 : memref<1x100000xf32, #tpu.memory_space<hbm>> -> memref<100000xf32, #tpu.memory_space<hbm>>
      tpu.enqueue_dma source(%dma_start3A_286 : memref<100000xf32, #tpu.memory_space<hbm>>) target(%arg7 : memref<100000xf32, #tpu.memory_space<vmem>>) target_semaphore(%run_scoped3A_280 : memref<!tpu.dma_semaphore, #tpu.memory_space<semaphore_mem>>)
      %dma_wait3A = arith.constant 0 : i32
      %dma_wait3A_287 = tpu.memref_slice %arg2[%run_scoped3A, %dma_wait3A] : memref<8x100000xf32, #tpu.memory_space<hbm>> -> memref<1x100000xf32, #tpu.memory_space<hbm>>
      %dma_wait3A_288 = tpu.memref_squeeze %dma_wait3A_287 : memref<1x100000xf32, #tpu.memory_space<hbm>> -> memref<100000xf32, #tpu.memory_space<hbm>>
      %dma_wait3A_289 = arith.constant 0 : i32
      %dma_wait3A_290 = tpu.memref_slice %arg2[%run_scoped3A, %dma_wait3A_289] : memref<8x100000xf32, #tpu.memory_space<hbm>> -> memref<1x100000xf32, #tpu.memory_space<hbm>>
      %dma_wait3A_291 = tpu.memref_squeeze %dma_wait3A_290 : memref<1x100000xf32, #tpu.memory_space<hbm>> -> memref<100000xf32, #tpu.memory_space<hbm>>
      tpu.wait_dma2 semaphore(%run_scoped3A_280 : memref<!tpu.dma_semaphore, #tpu.memory_space<semaphore_mem>>) src(%dma_wait3A_291 : memref<100000xf32, #tpu.memory_space<hbm>>) dst(%arg7 : memref<100000xf32, #tpu.memory_space<vmem>>)
      tpu.yield
    }) : () -> ()
    %add3A_67 = arith.constant 0 : i32
    %add3A_68 = vector.broadcast %add3A_67 : i32 to vector<16xi32>
    %add3A_69 = arith.addi %iota3A, %add3A_68 : vector<16xi32>
    %add3A_70 = arith.constant 0 : i32
    %add3A_71 = arith.addi %mul3A_2, %add3A_70 : i32
    %dma_start3A = tpu.memref_slice %arg3[%add3A_71] : memref<3200000xi32, #tpu.memory_space<hbm>> -> memref<2000xi32, #tpu.memory_space<hbm>>
    %dma_start3A_72 = tpu.memref_slice %arg3[%add3A_71] : memref<3200000xi32, #tpu.memory_space<hbm>> -> memref<2000xi32, #tpu.memory_space<hbm>>
    tpu.enqueue_dma source(%dma_start3A_72 : memref<2000xi32, #tpu.memory_space<hbm>>) target(%arg8 : memref<2000xi32, #tpu.memory_space<vmem>>) target_semaphore(%arg15 : memref<!tpu.dma_semaphore, #tpu.memory_space<semaphore_mem>>)
    %dma_start3A_73 = tpu.memref_slice %arg4[%add3A_71] : memref<3200000xi32, #tpu.memory_space<hbm>> -> memref<2000xi32, #tpu.memory_space<hbm>>
    %dma_start3A_74 = tpu.memref_slice %arg4[%add3A_71] : memref<3200000xi32, #tpu.memory_space<hbm>> -> memref<2000xi32, #tpu.memory_space<hbm>>
    tpu.enqueue_dma source(%dma_start3A_74 : memref<2000xi32, #tpu.memory_space<hbm>>) target(%arg9 : memref<2000xi32, #tpu.memory_space<vmem>>) target_semaphore(%arg15 : memref<!tpu.dma_semaphore, #tpu.memory_space<semaphore_mem>>)
    %dma_start3A_75 = tpu.memref_slice %arg5[%add3A_71] : memref<3200000xf32, #tpu.memory_space<hbm>> -> memref<2000xf32, #tpu.memory_space<hbm>>
    %dma_start3A_76 = tpu.memref_slice %arg5[%add3A_71] : memref<3200000xf32, #tpu.memory_space<hbm>> -> memref<2000xf32, #tpu.memory_space<hbm>>
    tpu.enqueue_dma source(%dma_start3A_76 : memref<2000xf32, #tpu.memory_space<hbm>>) target(%arg10 : memref<2000xf32, #tpu.memory_space<vmem>>) target_semaphore(%arg15 : memref<!tpu.dma_semaphore, #tpu.memory_space<semaphore_mem>>)
    %add3A_77 = arith.constant 2000 : i32
    %add3A_78 = arith.addi %mul3A_2, %add3A_77 : i32
    %dma_start3A_79 = tpu.memref_slice %arg3[%add3A_78] : memref<3200000xi32, #tpu.memory_space<hbm>> -> memref<2000xi32, #tpu.memory_space<hbm>>
    %dma_start3A_80 = tpu.memref_slice %arg3[%add3A_78] : memref<3200000xi32, #tpu.memory_space<hbm>> -> memref<2000xi32, #tpu.memory_space<hbm>>
    tpu.enqueue_dma source(%dma_start3A_80 : memref<2000xi32, #tpu.memory_space<hbm>>) target(%arg11 : memref<2000xi32, #tpu.memory_space<vmem>>) target_semaphore(%arg16 : memref<!tpu.dma_semaphore, #tpu.memory_space<semaphore_mem>>)
    %dma_start3A_81 = tpu.memref_slice %arg4[%add3A_78] : memref<3200000xi32, #tpu.memory_space<hbm>> -> memref<2000xi32, #tpu.memory_space<hbm>>
    %dma_start3A_82 = tpu.memref_slice %arg4[%add3A_78] : memref<3200000xi32, #tpu.memory_space<hbm>> -> memref<2000xi32, #tpu.memory_space<hbm>>
    tpu.enqueue_dma source(%dma_start3A_82 : memref<2000xi32, #tpu.memory_space<hbm>>) target(%arg12 : memref<2000xi32, #tpu.memory_space<vmem>>) target_semaphore(%arg16 : memref<!tpu.dma_semaphore, #tpu.memory_space<semaphore_mem>>)
    %dma_start3A_83 = tpu.memref_slice %arg5[%add3A_78] : memref<3200000xf32, #tpu.memory_space<hbm>> -> memref<2000xf32, #tpu.memory_space<hbm>>
    %dma_start3A_84 = tpu.memref_slice %arg5[%add3A_78] : memref<3200000xf32, #tpu.memory_space<hbm>> -> memref<2000xf32, #tpu.memory_space<hbm>>
    tpu.enqueue_dma source(%dma_start3A_84 : memref<2000xf32, #tpu.memory_space<hbm>>) target(%arg13 : memref<2000xf32, #tpu.memory_space<vmem>>) target_semaphore(%arg16 : memref<!tpu.dma_semaphore, #tpu.memory_space<semaphore_mem>>)
    %scan3A = arith.constant 0 : i32
    %scan3A_85 = arith.constant 0 : i32
    %scan3A_86 = arith.constant 25 : i32
    %scan3A_87 = arith.addi %scan3A_85, %scan3A_86 : i32
    %scan3A_88 = arith.constant 1 : i32
    %scan3A_89 = scf.for %scan3A_280 = %scan3A_85 to %scan3A_87 step %scan3A_88 iter_args(%scan3A_281 = %scan3A) -> (i32)  : i32 {
      %mul3A_282 = arith.constant 2 : i32
      %mul3A_283 = arith.muli %mul3A_282, %scan3A_280 : i32
      %mul3A_284 = arith.constant 2000 : i32
      %mul3A_285 = arith.muli %mul3A_283, %mul3A_284 : i32
      %add3A_286 = arith.addi %mul3A_2, %mul3A_285 : i32
      %dma_wait3A = tpu.memref_slice %arg3[%add3A_286] : memref<3200000xi32, #tpu.memory_space<hbm>> -> memref<2000xi32, #tpu.memory_space<hbm>>
      %dma_wait3A_287 = tpu.memref_slice %arg3[%add3A_286] : memref<3200000xi32, #tpu.memory_space<hbm>> -> memref<2000xi32, #tpu.memory_space<hbm>>
      tpu.wait_dma2 semaphore(%arg15 : memref<!tpu.dma_semaphore, #tpu.memory_space<semaphore_mem>>) src(%dma_wait3A_287 : memref<2000xi32, #tpu.memory_space<hbm>>) dst(%arg8 : memref<2000xi32, #tpu.memory_space<vmem>>)
      %dma_wait3A_288 = tpu.memref_slice %arg4[%add3A_286] : memref<3200000xi32, #tpu.memory_space<hbm>> -> memref<2000xi32, #tpu.memory_space<hbm>>
      %dma_wait3A_289 = tpu.memref_slice %arg4[%add3A_286] : memref<3200000xi32, #tpu.memory_space<hbm>> -> memref<2000xi32, #tpu.memory_space<hbm>>
      tpu.wait_dma2 semaphore(%arg15 : memref<!tpu.dma_semaphore, #tpu.memory_space<semaphore_mem>>) src(%dma_wait3A_289 : memref<2000xi32, #tpu.memory_space<hbm>>) dst(%arg9 : memref<2000xi32, #tpu.memory_space<vmem>>)
      %dma_wait3A_290 = tpu.memref_slice %arg5[%add3A_286] : memref<3200000xf32, #tpu.memory_space<hbm>> -> memref<2000xf32, #tpu.memory_space<hbm>>
      %dma_wait3A_291 = tpu.memref_slice %arg5[%add3A_286] : memref<3200000xf32, #tpu.memory_space<hbm>> -> memref<2000xf32, #tpu.memory_space<hbm>>
      tpu.wait_dma2 semaphore(%arg15 : memref<!tpu.dma_semaphore, #tpu.memory_space<semaphore_mem>>) src(%dma_wait3A_291 : memref<2000xf32, #tpu.memory_space<hbm>>) dst(%arg10 : memref<2000xf32, #tpu.memory_space<vmem>>)
      %parallel_loop3A = arith.constant 0 : i32
      %parallel_loop3A_292 = arith.constant 125 : i32
      %parallel_loop3A_293 = arith.constant 1 : i32
      scf.for %parallel_loop3A_320 = %parallel_loop3A to %parallel_loop3A_292 step %parallel_loop3A_293  : i32 {
        %parallel_loop3A_321 = arith.constant 16 : i32
        %parallel_loop3A_322 = arith.muli %parallel_loop3A_320, %parallel_loop3A_321 : i32
        %parallel_loop3A_323 = arith.index_cast %parallel_loop3A_322 : i32 to index
        %parallel_loop3A_324 = tpu.vector_load %arg8[%parallel_loop3A_323] {strides = array<i32>} : memref<2000xi32, #tpu.memory_space<vmem>>, vector<16xi32>,
        %parallel_loop3A_325 = arith.index_cast %parallel_loop3A_322 : i32 to index
        %parallel_loop3A_326 = tpu.vector_load %arg9[%parallel_loop3A_325] {strides = array<i32>} : memref<2000xi32, #tpu.memory_space<vmem>>, vector<16xi32>,
        %parallel_loop3A_327 = arith.index_cast %parallel_loop3A_322 : i32 to index
        %parallel_loop3A_328 = tpu.vector_load %arg10[%parallel_loop3A_327] {strides = array<i32>} : memref<2000xf32, #tpu.memory_space<vmem>>, vector<16xf32>,
        %parallel_loop3A_329 = tpu.vector_load_idx %arg7[%parallel_loop3A_324] : memref<100000xf32, #tpu.memory_space<vmem>>[vector<16xi32>], vector<16xf32>,
        %parallel_loop3A_330 = tpu.vector_load_idx %arg7[%parallel_loop3A_326] : memref<100000xf32, #tpu.memory_space<vmem>>[vector<16xi32>], vector<16xf32>,
        %parallel_loop3A_331 = arith.mulf %parallel_loop3A_328, %parallel_loop3A_329 : vector<16xf32>
        %parallel_loop3A_332 = arith.mulf %parallel_loop3A_331, %parallel_loop3A_330 : vector<16xf32>
        %parallel_loop3A_333 = arith.sitofp %parallel_loop3A_324 : vector<16xi32> to vector<16xf32>
        %parallel_loop3A_334 = arith.constant 5.000000e-01 : f32
        %parallel_loop3A_335 = vector.broadcast %parallel_loop3A_334 : f32 to vector<16xf32>
        %parallel_loop3A_336 = arith.addf %parallel_loop3A_333, %parallel_loop3A_335 : vector<16xf32>
        %parallel_loop3A_337 = arith.constant 4.000000e-05 : f32
        %parallel_loop3A_338 = vector.broadcast %parallel_loop3A_337 : f32 to vector<16xf32>
        %parallel_loop3A_339 = arith.mulf %parallel_loop3A_336, %parallel_loop3A_338 : vector<16xf32>
        %parallel_loop3A_340 = arith.fptosi %parallel_loop3A_339 : vector<16xf32> to vector<16xi32>
        %parallel_loop3A_341 = arith.constant 4 : i32
        %parallel_loop3A_342 = vector.broadcast %parallel_loop3A_341 : i32 to vector<16xi32>
        %parallel_loop3A_343 = arith.shli %parallel_loop3A_340, %parallel_loop3A_342 : vector<16xi32>
        %parallel_loop3A_344 = arith.addi %add3A_69, %parallel_loop3A_343 : vector<16xi32>
        tpu.vector_store_idx %arg14[%parallel_loop3A_344], %parallel_loop3A_332 {add = true} : memref<512xf32, #tpu.memory_space<vmem>>[vector<16xi32>], vector<16xf32>,
      } {sc.loop_unroll_factor = 8 : i64, sc.parallel_access}
      %add3A_294 = arith.constant 2 : i32
      %add3A_295 = arith.addi %mul3A_283, %add3A_294 : i32
      %lt3A = arith.constant 50 : i32
      %lt3A_296 = arith.cmpi slt, %add3A_295, %lt3A : i32
      %convert_element_type3A = arith.extui %lt3A_296 : i1 to i32
      %cond3A = arith.constant 0 : i32
      %cond3A_297 = arith.cmpi ne, %convert_element_type3A, %cond3A : i32
      scf.if %cond3A_297 {
        %add3A_320 = arith.constant 2 : i32
        %add3A_321 = arith.addi %mul3A_283, %add3A_320 : i32
        %mul3A_322 = arith.constant 2000 : i32
        %mul3A_323 = arith.muli %add3A_321, %mul3A_322 : i32
        %add3A_324 = arith.addi %mul3A_2, %mul3A_323 : i32
        %dma_start3A_325 = tpu.memref_slice %arg3[%add3A_324] : memref<3200000xi32, #tpu.memory_space<hbm>> -> memref<2000xi32, #tpu.memory_space<hbm>>
        %dma_start3A_326 = tpu.memref_slice %arg3[%add3A_324] : memref<3200000xi32, #tpu.memory_space<hbm>> -> memref<2000xi32, #tpu.memory_space<hbm>>
        tpu.enqueue_dma source(%dma_start3A_326 : memref<2000xi32, #tpu.memory_space<hbm>>) target(%arg8 : memref<2000xi32, #tpu.memory_space<vmem>>) target_semaphore(%arg15 : memref<!tpu.dma_semaphore, #tpu.memory_space<semaphore_mem>>)
        %dma_start3A_327 = tpu.memref_slice %arg4[%add3A_324] : memref<3200000xi32, #tpu.memory_space<hbm>> -> memref<2000xi32, #tpu.memory_space<hbm>>
        %dma_start3A_328 = tpu.memref_slice %arg4[%add3A_324] : memref<3200000xi32, #tpu.memory_space<hbm>> -> memref<2000xi32, #tpu.memory_space<hbm>>
        tpu.enqueue_dma source(%dma_start3A_328 : memref<2000xi32, #tpu.memory_space<hbm>>) target(%arg9 : memref<2000xi32, #tpu.memory_space<vmem>>) target_semaphore(%arg15 : memref<!tpu.dma_semaphore, #tpu.memory_space<semaphore_mem>>)
        %dma_start3A_329 = tpu.memref_slice %arg5[%add3A_324] : memref<3200000xf32, #tpu.memory_space<hbm>> -> memref<2000xf32, #tpu.memory_space<hbm>>
        %dma_start3A_330 = tpu.memref_slice %arg5[%add3A_324] : memref<3200000xf32, #tpu.memory_space<hbm>> -> memref<2000xf32, #tpu.memory_space<hbm>>
        tpu.enqueue_dma source(%dma_start3A_330 : memref<2000xf32, #tpu.memory_space<hbm>>) target(%arg10 : memref<2000xf32, #tpu.memory_space<vmem>>) target_semaphore(%arg15 : memref<!tpu.dma_semaphore, #tpu.memory_space<semaphore_mem>>)
      } else {
      }
      %add3A_298 = arith.constant 1 : i32
      %add3A_299 = arith.addi %mul3A_283, %add3A_298 : i32
      %mul3A_300 = arith.constant 2000 : i32
      %mul3A_301 = arith.muli %add3A_299, %mul3A_300 : i32
      %add3A_302 = arith.addi %mul3A_2, %mul3A_301 : i32
      %dma_wait3A_303 = tpu.memref_slice %arg3[%add3A_302] : memref<3200000xi32, #tpu.memory_space<hbm>> -> memref<2000xi32, #tpu.memory_space<hbm>>
      %dma_wait3A_304 = tpu.memref_slice %arg3[%add3A_302] : memref<3200000xi32, #tpu.memory_space<hbm>> -> memref<2000xi32, #tpu.memory_space<hbm>>
      tpu.wait_dma2 semaphore(%arg16 : memref<!tpu.dma_semaphore, #tpu.memory_space<semaphore_mem>>) src(%dma_wait3A_304 : memref<2000xi32, #tpu.memory_space<hbm>>) dst(%arg11 : memref<2000xi32, #tpu.memory_space<vmem>>)
      %dma_wait3A_305 = tpu.memref_slice %arg4[%add3A_302] : memref<3200000xi32, #tpu.memory_space<hbm>> -> memref<2000xi32, #tpu.memory_space<hbm>>
      %dma_wait3A_306 = tpu.memref_slice %arg4[%add3A_302] : memref<3200000xi32, #tpu.memory_space<hbm>> -> memref<2000xi32, #tpu.memory_space<hbm>>
      tpu.wait_dma2 semaphore(%arg16 : memref<!tpu.dma_semaphore, #tpu.memory_space<semaphore_mem>>) src(%dma_wait3A_306 : memref<2000xi32, #tpu.memory_space<hbm>>) dst(%arg12 : memref<2000xi32, #tpu.memory_space<vmem>>)
      %dma_wait3A_307 = tpu.memref_slice %arg5[%add3A_302] : memref<3200000xf32, #tpu.memory_space<hbm>> -> memref<2000xf32, #tpu.memory_space<hbm>>
      %dma_wait3A_308 = tpu.memref_slice %arg5[%add3A_302] : memref<3200000xf32, #tpu.memory_space<hbm>> -> memref<2000xf32, #tpu.memory_space<hbm>>
      tpu.wait_dma2 semaphore(%arg16 : memref<!tpu.dma_semaphore, #tpu.memory_space<semaphore_mem>>) src(%dma_wait3A_308 : memref<2000xf32, #tpu.memory_space<hbm>>) dst(%arg13 : memref<2000xf32, #tpu.memory_space<vmem>>)
      %parallel_loop3A_309 = arith.constant 0 : i32
      %parallel_loop3A_310 = arith.constant 125 : i32
      %parallel_loop3A_311 = arith.constant 1 : i32
      scf.for %parallel_loop3A_320 = %parallel_loop3A_309 to %parallel_loop3A_310 step %parallel_loop3A_311  : i32 {
        %parallel_loop3A_321 = arith.constant 16 : i32
        %parallel_loop3A_322 = arith.muli %parallel_loop3A_320, %parallel_loop3A_321 : i32
        %parallel_loop3A_323 = arith.index_cast %parallel_loop3A_322 : i32 to index
        %parallel_loop3A_324 = tpu.vector_load %arg11[%parallel_loop3A_323] {strides = array<i32>} : memref<2000xi32, #tpu.memory_space<vmem>>, vector<16xi32>,
        %parallel_loop3A_325 = arith.index_cast %parallel_loop3A_322 : i32 to index
        %parallel_loop3A_326 = tpu.vector_load %arg12[%parallel_loop3A_325] {strides = array<i32>} : memref<2000xi32, #tpu.memory_space<vmem>>, vector<16xi32>,
        %parallel_loop3A_327 = arith.index_cast %parallel_loop3A_322 : i32 to index
        %parallel_loop3A_328 = tpu.vector_load %arg13[%parallel_loop3A_327] {strides = array<i32>} : memref<2000xf32, #tpu.memory_space<vmem>>, vector<16xf32>,
        %parallel_loop3A_329 = tpu.vector_load_idx %arg7[%parallel_loop3A_324] : memref<100000xf32, #tpu.memory_space<vmem>>[vector<16xi32>], vector<16xf32>,
        %parallel_loop3A_330 = tpu.vector_load_idx %arg7[%parallel_loop3A_326] : memref<100000xf32, #tpu.memory_space<vmem>>[vector<16xi32>], vector<16xf32>,
        %parallel_loop3A_331 = arith.mulf %parallel_loop3A_328, %parallel_loop3A_329 : vector<16xf32>
        %parallel_loop3A_332 = arith.mulf %parallel_loop3A_331, %parallel_loop3A_330 : vector<16xf32>
        %parallel_loop3A_333 = arith.sitofp %parallel_loop3A_324 : vector<16xi32> to vector<16xf32>
        %parallel_loop3A_334 = arith.constant 5.000000e-01 : f32
        %parallel_loop3A_335 = vector.broadcast %parallel_loop3A_334 : f32 to vector<16xf32>
        %parallel_loop3A_336 = arith.addf %parallel_loop3A_333, %parallel_loop3A_335 : vector<16xf32>
        %parallel_loop3A_337 = arith.constant 4.000000e-05 : f32
        %parallel_loop3A_338 = vector.broadcast %parallel_loop3A_337 : f32 to vector<16xf32>
        %parallel_loop3A_339 = arith.mulf %parallel_loop3A_336, %parallel_loop3A_338 : vector<16xf32>
        %parallel_loop3A_340 = arith.fptosi %parallel_loop3A_339 : vector<16xf32> to vector<16xi32>
        %parallel_loop3A_341 = arith.constant 4 : i32
        %parallel_loop3A_342 = vector.broadcast %parallel_loop3A_341 : i32 to vector<16xi32>
        %parallel_loop3A_343 = arith.shli %parallel_loop3A_340, %parallel_loop3A_342 : vector<16xi32>
        %parallel_loop3A_344 = arith.addi %add3A_69, %parallel_loop3A_343 : vector<16xi32>
        tpu.vector_store_idx %arg14[%parallel_loop3A_344], %parallel_loop3A_332 {add = true} : memref<512xf32, #tpu.memory_space<vmem>>[vector<16xi32>], vector<16xf32>,
      } {sc.loop_unroll_factor = 8 : i64, sc.parallel_access}
      %add3A_312 = arith.constant 3 : i32
      %add3A_313 = arith.addi %mul3A_283, %add3A_312 : i32
      %lt3A_314 = arith.constant 50 : i32
      %lt3A_315 = arith.cmpi slt, %add3A_313, %lt3A_314 : i32
      %convert_element_type3A_316 = arith.extui %lt3A_315 : i1 to i32
      %cond3A_317 = arith.constant 0 : i32
      %cond3A_318 = arith.cmpi ne, %convert_element_type3A_316, %cond3A_317 : i32
      scf.if %cond3A_318 {
        %add3A_320 = arith.constant 3 : i32
        %add3A_321 = arith.addi %mul3A_283, %add3A_320 : i32
        %mul3A_322 = arith.constant 2000 : i32
        %mul3A_323 = arith.muli %add3A_321, %mul3A_322 : i32
        %add3A_324 = arith.addi %mul3A_2, %mul3A_323 : i32
        %dma_start3A_325 = tpu.memref_slice %arg3[%add3A_324] : memref<3200000xi32, #tpu.memory_space<hbm>> -> memref<2000xi32, #tpu.memory_space<hbm>>
        %dma_start3A_326 = tpu.memref_slice %arg3[%add3A_324] : memref<3200000xi32, #tpu.memory_space<hbm>> -> memref<2000xi32, #tpu.memory_space<hbm>>
        tpu.enqueue_dma source(%dma_start3A_326 : memref<2000xi32, #tpu.memory_space<hbm>>) target(%arg11 : memref<2000xi32, #tpu.memory_space<vmem>>) target_semaphore(%arg16 : memref<!tpu.dma_semaphore, #tpu.memory_space<semaphore_mem>>)
        %dma_start3A_327 = tpu.memref_slice %arg4[%add3A_324] : memref<3200000xi32, #tpu.memory_space<hbm>> -> memref<2000xi32, #tpu.memory_space<hbm>>
        %dma_start3A_328 = tpu.memref_slice %arg4[%add3A_324] : memref<3200000xi32, #tpu.memory_space<hbm>> -> memref<2000xi32, #tpu.memory_space<hbm>>
        tpu.enqueue_dma source(%dma_start3A_328 : memref<2000xi32, #tpu.memory_space<hbm>>) target(%arg12 : memref<2000xi32, #tpu.memory_space<vmem>>) target_semaphore(%arg16 : memref<!tpu.dma_semaphore, #tpu.memory_space<semaphore_mem>>)
        %dma_start3A_329 = tpu.memref_slice %arg5[%add3A_324] : memref<3200000xf32, #tpu.memory_space<hbm>> -> memref<2000xf32, #tpu.memory_space<hbm>>
        %dma_start3A_330 = tpu.memref_slice %arg5[%add3A_324] : memref<3200000xf32, #tpu.memory_space<hbm>> -> memref<2000xf32, #tpu.memory_space<hbm>>
        tpu.enqueue_dma source(%dma_start3A_330 : memref<2000xf32, #tpu.memory_space<hbm>>) target(%arg13 : memref<2000xf32, #tpu.memory_space<vmem>>) target_semaphore(%arg16 : memref<!tpu.dma_semaphore, #tpu.memory_space<semaphore_mem>>)
      } else {
      }
      %scan3A_319 = arith.constant 0 : i32
      scf.yield %scan3A_319 : i32
    }
    %scan3A_90 = arith.constant 25 : i32
    %run_scoped3A_91 = arith.constant 1 : i32
    "tpu.region"() ({
      %run_scoped3A_280 = tpu.sem_alloc : memref<!tpu.dma_semaphore, #tpu.memory_space<semaphore_mem>>
      %dma_start3A_281 = arith.constant 0 : i32
      %dma_start3A_282 = tpu.memref_slice %arg2[%run_scoped3A_91, %dma_start3A_281] : memref<8x100000xf32, #tpu.memory_space<hbm>> -> memref<1x100000xf32, #tpu.memory_space<hbm>>
      %dma_start3A_283 = tpu.memref_squeeze %dma_start3A_282 : memref<1x100000xf32, #tpu.memory_space<hbm>> -> memref<100000xf32, #tpu.memory_space<hbm>>
      %dma_start3A_284 = arith.constant 0 : i32
      %dma_start3A_285 = tpu.memref_slice %arg2[%run_scoped3A_91, %dma_start3A_284] : memref<8x100000xf32, #tpu.memory_space<hbm>> -> memref<1x100000xf32, #tpu.memory_space<hbm>>
      %dma_start3A_286 = tpu.memref_squeeze %dma_start3A_285 : memref<1x100000xf32, #tpu.memory_space<hbm>> -> memref<100000xf32, #tpu.memory_space<hbm>>
      tpu.enqueue_dma source(%dma_start3A_286 : memref<100000xf32, #tpu.memory_space<hbm>>) target(%arg7 : memref<100000xf32, #tpu.memory_space<vmem>>) target_semaphore(%run_scoped3A_280 : memref<!tpu.dma_semaphore, #tpu.memory_space<semaphore_mem>>)
      %dma_wait3A = arith.constant 0 : i32
      %dma_wait3A_287 = tpu.memref_slice %arg2[%run_scoped3A_91, %dma_wait3A] : memref<8x100000xf32, #tpu.memory_space<hbm>> -> memref<1x100000xf32, #tpu.memory_space<hbm>>
      %dma_wait3A_288 = tpu.memref_squeeze %dma_wait3A_287 : memref<1x100000xf32, #tpu.memory_space<hbm>> -> memref<100000xf32, #tpu.memory_space<hbm>>
      %dma_wait3A_289 = arith.constant 0 : i32
      %dma_wait3A_290 = tpu.memref_slice %arg2[%run_scoped3A_91, %dma_wait3A_289] : memref<8x100000xf32, #tpu.memory_space<hbm>> -> memref<1x100000xf32, #tpu.memory_space<hbm>>
      %dma_wait3A_291 = tpu.memref_squeeze %dma_wait3A_290 : memref<1x100000xf32, #tpu.memory_space<hbm>> -> memref<100000xf32, #tpu.memory_space<hbm>>
      tpu.wait_dma2 semaphore(%run_scoped3A_280 : memref<!tpu.dma_semaphore, #tpu.memory_space<semaphore_mem>>) src(%dma_wait3A_291 : memref<100000xf32, #tpu.memory_space<hbm>>) dst(%arg7 : memref<100000xf32, #tpu.memory_space<vmem>>)
      tpu.yield
    }) : () -> ()
    %add3A_92 = arith.constant 64 : i32
    %add3A_93 = vector.broadcast %add3A_92 : i32 to vector<16xi32>
    %add3A_94 = arith.addi %iota3A, %add3A_93 : vector<16xi32>
    %add3A_95 = arith.constant 0 : i32
    %add3A_96 = arith.addi %mul3A_2, %add3A_95 : i32
    %dma_start3A_97 = tpu.memref_slice %arg3[%add3A_96] : memref<3200000xi32, #tpu.memory_space<hbm>> -> memref<2000xi32, #tpu.memory_space<hbm>>
    %dma_start3A_98 = tpu.memref_slice %arg3[%add3A_96] : memref<3200000xi32, #tpu.memory_space<hbm>> -> memref<2000xi32, #tpu.memory_space<hbm>>
    tpu.enqueue_dma source(%dma_start3A_98 : memref<2000xi32, #tpu.memory_space<hbm>>) target(%arg8 : memref<2000xi32, #tpu.memory_space<vmem>>) target_semaphore(%arg15 : memref<!tpu.dma_semaphore, #tpu.memory_space<semaphore_mem>>)
    %dma_start3A_99 = tpu.memref_slice %arg4[%add3A_96] : memref<3200000xi32, #tpu.memory_space<hbm>> -> memref<2000xi32, #tpu.memory_space<hbm>>
    %dma_start3A_100 = tpu.memref_slice %arg4[%add3A_96] : memref<3200000xi32, #tpu.memory_space<hbm>> -> memref<2000xi32, #tpu.memory_space<hbm>>
    tpu.enqueue_dma source(%dma_start3A_100 : memref<2000xi32, #tpu.memory_space<hbm>>) target(%arg9 : memref<2000xi32, #tpu.memory_space<vmem>>) target_semaphore(%arg15 : memref<!tpu.dma_semaphore, #tpu.memory_space<semaphore_mem>>)
    %dma_start3A_101 = tpu.memref_slice %arg5[%add3A_96] : memref<3200000xf32, #tpu.memory_space<hbm>> -> memref<2000xf32, #tpu.memory_space<hbm>>
    %dma_start3A_102 = tpu.memref_slice %arg5[%add3A_96] : memref<3200000xf32, #tpu.memory_space<hbm>> -> memref<2000xf32, #tpu.memory_space<hbm>>
    tpu.enqueue_dma source(%dma_start3A_102 : memref<2000xf32, #tpu.memory_space<hbm>>) target(%arg10 : memref<2000xf32, #tpu.memory_space<vmem>>) target_semaphore(%arg15 : memref<!tpu.dma_semaphore, #tpu.memory_space<semaphore_mem>>)
    %add3A_103 = arith.constant 2000 : i32
    %add3A_104 = arith.addi %mul3A_2, %add3A_103 : i32
    %dma_start3A_105 = tpu.memref_slice %arg3[%add3A_104] : memref<3200000xi32, #tpu.memory_space<hbm>> -> memref<2000xi32, #tpu.memory_space<hbm>>
    %dma_start3A_106 = tpu.memref_slice %arg3[%add3A_104] : memref<3200000xi32, #tpu.memory_space<hbm>> -> memref<2000xi32, #tpu.memory_space<hbm>>
    tpu.enqueue_dma source(%dma_start3A_106 : memref<2000xi32, #tpu.memory_space<hbm>>) target(%arg11 : memref<2000xi32, #tpu.memory_space<vmem>>) target_semaphore(%arg16 : memref<!tpu.dma_semaphore, #tpu.memory_space<semaphore_mem>>)
    %dma_start3A_107 = tpu.memref_slice %arg4[%add3A_104] : memref<3200000xi32, #tpu.memory_space<hbm>> -> memref<2000xi32, #tpu.memory_space<hbm>>
    %dma_start3A_108 = tpu.memref_slice %arg4[%add3A_104] : memref<3200000xi32, #tpu.memory_space<hbm>> -> memref<2000xi32, #tpu.memory_space<hbm>>
    tpu.enqueue_dma source(%dma_start3A_108 : memref<2000xi32, #tpu.memory_space<hbm>>) target(%arg12 : memref<2000xi32, #tpu.memory_space<vmem>>) target_semaphore(%arg16 : memref<!tpu.dma_semaphore, #tpu.memory_space<semaphore_mem>>)
    %dma_start3A_109 = tpu.memref_slice %arg5[%add3A_104] : memref<3200000xf32, #tpu.memory_space<hbm>> -> memref<2000xf32, #tpu.memory_space<hbm>>
    %dma_start3A_110 = tpu.memref_slice %arg5[%add3A_104] : memref<3200000xf32, #tpu.memory_space<hbm>> -> memref<2000xf32, #tpu.memory_space<hbm>>
    tpu.enqueue_dma source(%dma_start3A_110 : memref<2000xf32, #tpu.memory_space<hbm>>) target(%arg13 : memref<2000xf32, #tpu.memory_space<vmem>>) target_semaphore(%arg16 : memref<!tpu.dma_semaphore, #tpu.memory_space<semaphore_mem>>)
    %scan3A_111 = arith.constant 0 : i32
    %scan3A_112 = arith.constant 0 : i32
    %scan3A_113 = arith.constant 25 : i32
    %scan3A_114 = arith.addi %scan3A_112, %scan3A_113 : i32
    %scan3A_115 = arith.constant 1 : i32
    %scan3A_116 = scf.for %scan3A_280 = %scan3A_112 to %scan3A_114 step %scan3A_115 iter_args(%scan3A_281 = %scan3A_111) -> (i32)  : i32 {
      %mul3A_282 = arith.constant 2 : i32
      %mul3A_283 = arith.muli %mul3A_282, %scan3A_280 : i32
      %mul3A_284 = arith.constant 2000 : i32
      %mul3A_285 = arith.muli %mul3A_283, %mul3A_284 : i32
      %add3A_286 = arith.addi %mul3A_2, %mul3A_285 : i32
      %dma_wait3A = tpu.memref_slice %arg3[%add3A_286] : memref<3200000xi32, #tpu.memory_space<hbm>> -> memref<2000xi32, #tpu.memory_space<hbm>>
      %dma_wait3A_287 = tpu.memref_slice %arg3[%add3A_286] : memref<3200000xi32, #tpu.memory_space<hbm>> -> memref<2000xi32, #tpu.memory_space<hbm>>
      tpu.wait_dma2 semaphore(%arg15 : memref<!tpu.dma_semaphore, #tpu.memory_space<semaphore_mem>>) src(%dma_wait3A_287 : memref<2000xi32, #tpu.memory_space<hbm>>) dst(%arg8 : memref<2000xi32, #tpu.memory_space<vmem>>)
      %dma_wait3A_288 = tpu.memref_slice %arg4[%add3A_286] : memref<3200000xi32, #tpu.memory_space<hbm>> -> memref<2000xi32, #tpu.memory_space<hbm>>
      %dma_wait3A_289 = tpu.memref_slice %arg4[%add3A_286] : memref<3200000xi32, #tpu.memory_space<hbm>> -> memref<2000xi32, #tpu.memory_space<hbm>>
      tpu.wait_dma2 semaphore(%arg15 : memref<!tpu.dma_semaphore, #tpu.memory_space<semaphore_mem>>) src(%dma_wait3A_289 : memref<2000xi32, #tpu.memory_space<hbm>>) dst(%arg9 : memref<2000xi32, #tpu.memory_space<vmem>>)
      %dma_wait3A_290 = tpu.memref_slice %arg5[%add3A_286] : memref<3200000xf32, #tpu.memory_space<hbm>> -> memref<2000xf32, #tpu.memory_space<hbm>>
      %dma_wait3A_291 = tpu.memref_slice %arg5[%add3A_286] : memref<3200000xf32, #tpu.memory_space<hbm>> -> memref<2000xf32, #tpu.memory_space<hbm>>
      tpu.wait_dma2 semaphore(%arg15 : memref<!tpu.dma_semaphore, #tpu.memory_space<semaphore_mem>>) src(%dma_wait3A_291 : memref<2000xf32, #tpu.memory_space<hbm>>) dst(%arg10 : memref<2000xf32, #tpu.memory_space<vmem>>)
      %parallel_loop3A = arith.constant 0 : i32
      %parallel_loop3A_292 = arith.constant 125 : i32
      %parallel_loop3A_293 = arith.constant 1 : i32
      scf.for %parallel_loop3A_320 = %parallel_loop3A to %parallel_loop3A_292 step %parallel_loop3A_293  : i32 {
        %parallel_loop3A_321 = arith.constant 16 : i32
        %parallel_loop3A_322 = arith.muli %parallel_loop3A_320, %parallel_loop3A_321 : i32
        %parallel_loop3A_323 = arith.index_cast %parallel_loop3A_322 : i32 to index
        %parallel_loop3A_324 = tpu.vector_load %arg8[%parallel_loop3A_323] {strides = array<i32>} : memref<2000xi32, #tpu.memory_space<vmem>>, vector<16xi32>,
        %parallel_loop3A_325 = arith.index_cast %parallel_loop3A_322 : i32 to index
        %parallel_loop3A_326 = tpu.vector_load %arg9[%parallel_loop3A_325] {strides = array<i32>} : memref<2000xi32, #tpu.memory_space<vmem>>, vector<16xi32>,
        %parallel_loop3A_327 = arith.index_cast %parallel_loop3A_322 : i32 to index
        %parallel_loop3A_328 = tpu.vector_load %arg10[%parallel_loop3A_327] {strides = array<i32>} : memref<2000xf32, #tpu.memory_space<vmem>>, vector<16xf32>,
        %parallel_loop3A_329 = tpu.vector_load_idx %arg7[%parallel_loop3A_324] : memref<100000xf32, #tpu.memory_space<vmem>>[vector<16xi32>], vector<16xf32>,
        %parallel_loop3A_330 = tpu.vector_load_idx %arg7[%parallel_loop3A_326] : memref<100000xf32, #tpu.memory_space<vmem>>[vector<16xi32>], vector<16xf32>,
        %parallel_loop3A_331 = arith.mulf %parallel_loop3A_328, %parallel_loop3A_329 : vector<16xf32>
        %parallel_loop3A_332 = arith.mulf %parallel_loop3A_331, %parallel_loop3A_330 : vector<16xf32>
        %parallel_loop3A_333 = arith.sitofp %parallel_loop3A_324 : vector<16xi32> to vector<16xf32>
        %parallel_loop3A_334 = arith.constant 5.000000e-01 : f32
        %parallel_loop3A_335 = vector.broadcast %parallel_loop3A_334 : f32 to vector<16xf32>
        %parallel_loop3A_336 = arith.addf %parallel_loop3A_333, %parallel_loop3A_335 : vector<16xf32>
        %parallel_loop3A_337 = arith.constant 4.000000e-05 : f32
        %parallel_loop3A_338 = vector.broadcast %parallel_loop3A_337 : f32 to vector<16xf32>
        %parallel_loop3A_339 = arith.mulf %parallel_loop3A_336, %parallel_loop3A_338 : vector<16xf32>
        %parallel_loop3A_340 = arith.fptosi %parallel_loop3A_339 : vector<16xf32> to vector<16xi32>
        %parallel_loop3A_341 = arith.constant 4 : i32
        %parallel_loop3A_342 = vector.broadcast %parallel_loop3A_341 : i32 to vector<16xi32>
        %parallel_loop3A_343 = arith.shli %parallel_loop3A_340, %parallel_loop3A_342 : vector<16xi32>
        %parallel_loop3A_344 = arith.addi %add3A_94, %parallel_loop3A_343 : vector<16xi32>
        tpu.vector_store_idx %arg14[%parallel_loop3A_344], %parallel_loop3A_332 {add = true} : memref<512xf32, #tpu.memory_space<vmem>>[vector<16xi32>], vector<16xf32>,
      } {sc.loop_unroll_factor = 8 : i64, sc.parallel_access}
      %add3A_294 = arith.constant 2 : i32
      %add3A_295 = arith.addi %mul3A_283, %add3A_294 : i32
      %lt3A = arith.constant 50 : i32
      %lt3A_296 = arith.cmpi slt, %add3A_295, %lt3A : i32
      %convert_element_type3A = arith.extui %lt3A_296 : i1 to i32
      %cond3A = arith.constant 0 : i32
      %cond3A_297 = arith.cmpi ne, %convert_element_type3A, %cond3A : i32
      scf.if %cond3A_297 {
        %add3A_320 = arith.constant 2 : i32
        %add3A_321 = arith.addi %mul3A_283, %add3A_320 : i32
        %mul3A_322 = arith.constant 2000 : i32
        %mul3A_323 = arith.muli %add3A_321, %mul3A_322 : i32
        %add3A_324 = arith.addi %mul3A_2, %mul3A_323 : i32
        %dma_start3A_325 = tpu.memref_slice %arg3[%add3A_324] : memref<3200000xi32, #tpu.memory_space<hbm>> -> memref<2000xi32, #tpu.memory_space<hbm>>
        %dma_start3A_326 = tpu.memref_slice %arg3[%add3A_324] : memref<3200000xi32, #tpu.memory_space<hbm>> -> memref<2000xi32, #tpu.memory_space<hbm>>
        tpu.enqueue_dma source(%dma_start3A_326 : memref<2000xi32, #tpu.memory_space<hbm>>) target(%arg8 : memref<2000xi32, #tpu.memory_space<vmem>>) target_semaphore(%arg15 : memref<!tpu.dma_semaphore, #tpu.memory_space<semaphore_mem>>)
        %dma_start3A_327 = tpu.memref_slice %arg4[%add3A_324] : memref<3200000xi32, #tpu.memory_space<hbm>> -> memref<2000xi32, #tpu.memory_space<hbm>>
        %dma_start3A_328 = tpu.memref_slice %arg4[%add3A_324] : memref<3200000xi32, #tpu.memory_space<hbm>> -> memref<2000xi32, #tpu.memory_space<hbm>>
        tpu.enqueue_dma source(%dma_start3A_328 : memref<2000xi32, #tpu.memory_space<hbm>>) target(%arg9 : memref<2000xi32, #tpu.memory_space<vmem>>) target_semaphore(%arg15 : memref<!tpu.dma_semaphore, #tpu.memory_space<semaphore_mem>>)
        %dma_start3A_329 = tpu.memref_slice %arg5[%add3A_324] : memref<3200000xf32, #tpu.memory_space<hbm>> -> memref<2000xf32, #tpu.memory_space<hbm>>
        %dma_start3A_330 = tpu.memref_slice %arg5[%add3A_324] : memref<3200000xf32, #tpu.memory_space<hbm>> -> memref<2000xf32, #tpu.memory_space<hbm>>
        tpu.enqueue_dma source(%dma_start3A_330 : memref<2000xf32, #tpu.memory_space<hbm>>) target(%arg10 : memref<2000xf32, #tpu.memory_space<vmem>>) target_semaphore(%arg15 : memref<!tpu.dma_semaphore, #tpu.memory_space<semaphore_mem>>)
      } else {
      }
      %add3A_298 = arith.constant 1 : i32
      %add3A_299 = arith.addi %mul3A_283, %add3A_298 : i32
      %mul3A_300 = arith.constant 2000 : i32
      %mul3A_301 = arith.muli %add3A_299, %mul3A_300 : i32
      %add3A_302 = arith.addi %mul3A_2, %mul3A_301 : i32
      %dma_wait3A_303 = tpu.memref_slice %arg3[%add3A_302] : memref<3200000xi32, #tpu.memory_space<hbm>> -> memref<2000xi32, #tpu.memory_space<hbm>>
      %dma_wait3A_304 = tpu.memref_slice %arg3[%add3A_302] : memref<3200000xi32, #tpu.memory_space<hbm>> -> memref<2000xi32, #tpu.memory_space<hbm>>
      tpu.wait_dma2 semaphore(%arg16 : memref<!tpu.dma_semaphore, #tpu.memory_space<semaphore_mem>>) src(%dma_wait3A_304 : memref<2000xi32, #tpu.memory_space<hbm>>) dst(%arg11 : memref<2000xi32, #tpu.memory_space<vmem>>)
      %dma_wait3A_305 = tpu.memref_slice %arg4[%add3A_302] : memref<3200000xi32, #tpu.memory_space<hbm>> -> memref<2000xi32, #tpu.memory_space<hbm>>
      %dma_wait3A_306 = tpu.memref_slice %arg4[%add3A_302] : memref<3200000xi32, #tpu.memory_space<hbm>> -> memref<2000xi32, #tpu.memory_space<hbm>>
      tpu.wait_dma2 semaphore(%arg16 : memref<!tpu.dma_semaphore, #tpu.memory_space<semaphore_mem>>) src(%dma_wait3A_306 : memref<2000xi32, #tpu.memory_space<hbm>>) dst(%arg12 : memref<2000xi32, #tpu.memory_space<vmem>>)
      %dma_wait3A_307 = tpu.memref_slice %arg5[%add3A_302] : memref<3200000xf32, #tpu.memory_space<hbm>> -> memref<2000xf32, #tpu.memory_space<hbm>>
      %dma_wait3A_308 = tpu.memref_slice %arg5[%add3A_302] : memref<3200000xf32, #tpu.memory_space<hbm>> -> memref<2000xf32, #tpu.memory_space<hbm>>
      tpu.wait_dma2 semaphore(%arg16 : memref<!tpu.dma_semaphore, #tpu.memory_space<semaphore_mem>>) src(%dma_wait3A_308 : memref<2000xf32, #tpu.memory_space<hbm>>) dst(%arg13 : memref<2000xf32, #tpu.memory_space<vmem>>)
      %parallel_loop3A_309 = arith.constant 0 : i32
      %parallel_loop3A_310 = arith.constant 125 : i32
      %parallel_loop3A_311 = arith.constant 1 : i32
      scf.for %parallel_loop3A_320 = %parallel_loop3A_309 to %parallel_loop3A_310 step %parallel_loop3A_311  : i32 {
        %parallel_loop3A_321 = arith.constant 16 : i32
        %parallel_loop3A_322 = arith.muli %parallel_loop3A_320, %parallel_loop3A_321 : i32
        %parallel_loop3A_323 = arith.index_cast %parallel_loop3A_322 : i32 to index
        %parallel_loop3A_324 = tpu.vector_load %arg11[%parallel_loop3A_323] {strides = array<i32>} : memref<2000xi32, #tpu.memory_space<vmem>>, vector<16xi32>,
        %parallel_loop3A_325 = arith.index_cast %parallel_loop3A_322 : i32 to index
        %parallel_loop3A_326 = tpu.vector_load %arg12[%parallel_loop3A_325] {strides = array<i32>} : memref<2000xi32, #tpu.memory_space<vmem>>, vector<16xi32>,
        %parallel_loop3A_327 = arith.index_cast %parallel_loop3A_322 : i32 to index
        %parallel_loop3A_328 = tpu.vector_load %arg13[%parallel_loop3A_327] {strides = array<i32>} : memref<2000xf32, #tpu.memory_space<vmem>>, vector<16xf32>,
        %parallel_loop3A_329 = tpu.vector_load_idx %arg7[%parallel_loop3A_324] : memref<100000xf32, #tpu.memory_space<vmem>>[vector<16xi32>], vector<16xf32>,
        %parallel_loop3A_330 = tpu.vector_load_idx %arg7[%parallel_loop3A_326] : memref<100000xf32, #tpu.memory_space<vmem>>[vector<16xi32>], vector<16xf32>,
        %parallel_loop3A_331 = arith.mulf %parallel_loop3A_328, %parallel_loop3A_329 : vector<16xf32>
        %parallel_loop3A_332 = arith.mulf %parallel_loop3A_331, %parallel_loop3A_330 : vector<16xf32>
        %parallel_loop3A_333 = arith.sitofp %parallel_loop3A_324 : vector<16xi32> to vector<16xf32>
        %parallel_loop3A_334 = arith.constant 5.000000e-01 : f32
        %parallel_loop3A_335 = vector.broadcast %parallel_loop3A_334 : f32 to vector<16xf32>
        %parallel_loop3A_336 = arith.addf %parallel_loop3A_333, %parallel_loop3A_335 : vector<16xf32>
        %parallel_loop3A_337 = arith.constant 4.000000e-05 : f32
        %parallel_loop3A_338 = vector.broadcast %parallel_loop3A_337 : f32 to vector<16xf32>
        %parallel_loop3A_339 = arith.mulf %parallel_loop3A_336, %parallel_loop3A_338 : vector<16xf32>
        %parallel_loop3A_340 = arith.fptosi %parallel_loop3A_339 : vector<16xf32> to vector<16xi32>
        %parallel_loop3A_341 = arith.constant 4 : i32
        %parallel_loop3A_342 = vector.broadcast %parallel_loop3A_341 : i32 to vector<16xi32>
        %parallel_loop3A_343 = arith.shli %parallel_loop3A_340, %parallel_loop3A_342 : vector<16xi32>
        %parallel_loop3A_344 = arith.addi %add3A_94, %parallel_loop3A_343 : vector<16xi32>
        tpu.vector_store_idx %arg14[%parallel_loop3A_344], %parallel_loop3A_332 {add = true} : memref<512xf32, #tpu.memory_space<vmem>>[vector<16xi32>], vector<16xf32>,
      } {sc.loop_unroll_factor = 8 : i64, sc.parallel_access}
      %add3A_312 = arith.constant 3 : i32
      %add3A_313 = arith.addi %mul3A_283, %add3A_312 : i32
      %lt3A_314 = arith.constant 50 : i32
      %lt3A_315 = arith.cmpi slt, %add3A_313, %lt3A_314 : i32
      %convert_element_type3A_316 = arith.extui %lt3A_315 : i1 to i32
      %cond3A_317 = arith.constant 0 : i32
      %cond3A_318 = arith.cmpi ne, %convert_element_type3A_316, %cond3A_317 : i32
      scf.if %cond3A_318 {
        %add3A_320 = arith.constant 3 : i32
        %add3A_321 = arith.addi %mul3A_283, %add3A_320 : i32
        %mul3A_322 = arith.constant 2000 : i32
        %mul3A_323 = arith.muli %add3A_321, %mul3A_322 : i32
        %add3A_324 = arith.addi %mul3A_2, %mul3A_323 : i32
        %dma_start3A_325 = tpu.memref_slice %arg3[%add3A_324] : memref<3200000xi32, #tpu.memory_space<hbm>> -> memref<2000xi32, #tpu.memory_space<hbm>>
        %dma_start3A_326 = tpu.memref_slice %arg3[%add3A_324] : memref<3200000xi32, #tpu.memory_space<hbm>> -> memref<2000xi32, #tpu.memory_space<hbm>>
        tpu.enqueue_dma source(%dma_start3A_326 : memref<2000xi32, #tpu.memory_space<hbm>>) target(%arg11 : memref<2000xi32, #tpu.memory_space<vmem>>) target_semaphore(%arg16 : memref<!tpu.dma_semaphore, #tpu.memory_space<semaphore_mem>>)
        %dma_start3A_327 = tpu.memref_slice %arg4[%add3A_324] : memref<3200000xi32, #tpu.memory_space<hbm>> -> memref<2000xi32, #tpu.memory_space<hbm>>
        %dma_start3A_328 = tpu.memref_slice %arg4[%add3A_324] : memref<3200000xi32, #tpu.memory_space<hbm>> -> memref<2000xi32, #tpu.memory_space<hbm>>
        tpu.enqueue_dma source(%dma_start3A_328 : memref<2000xi32, #tpu.memory_space<hbm>>) target(%arg12 : memref<2000xi32, #tpu.memory_space<vmem>>) target_semaphore(%arg16 : memref<!tpu.dma_semaphore, #tpu.memory_space<semaphore_mem>>)
        %dma_start3A_329 = tpu.memref_slice %arg5[%add3A_324] : memref<3200000xf32, #tpu.memory_space<hbm>> -> memref<2000xf32, #tpu.memory_space<hbm>>
        %dma_start3A_330 = tpu.memref_slice %arg5[%add3A_324] : memref<3200000xf32, #tpu.memory_space<hbm>> -> memref<2000xf32, #tpu.memory_space<hbm>>
        tpu.enqueue_dma source(%dma_start3A_330 : memref<2000xf32, #tpu.memory_space<hbm>>) target(%arg13 : memref<2000xf32, #tpu.memory_space<vmem>>) target_semaphore(%arg16 : memref<!tpu.dma_semaphore, #tpu.memory_space<semaphore_mem>>)
      } else {
      }
      %scan3A_319 = arith.constant 0 : i32
      scf.yield %scan3A_319 : i32
    }
    %scan3A_117 = arith.constant 25 : i32
    %run_scoped3A_118 = arith.constant 2 : i32
    "tpu.region"() ({
      %run_scoped3A_280 = tpu.sem_alloc : memref<!tpu.dma_semaphore, #tpu.memory_space<semaphore_mem>>
      %dma_start3A_281 = arith.constant 0 : i32
      %dma_start3A_282 = tpu.memref_slice %arg2[%run_scoped3A_118, %dma_start3A_281] : memref<8x100000xf32, #tpu.memory_space<hbm>> -> memref<1x100000xf32, #tpu.memory_space<hbm>>
      %dma_start3A_283 = tpu.memref_squeeze %dma_start3A_282 : memref<1x100000xf32, #tpu.memory_space<hbm>> -> memref<100000xf32, #tpu.memory_space<hbm>>
      %dma_start3A_284 = arith.constant 0 : i32
      %dma_start3A_285 = tpu.memref_slice %arg2[%run_scoped3A_118, %dma_start3A_284] : memref<8x100000xf32, #tpu.memory_space<hbm>> -> memref<1x100000xf32, #tpu.memory_space<hbm>>
      %dma_start3A_286 = tpu.memref_squeeze %dma_start3A_285 : memref<1x100000xf32, #tpu.memory_space<hbm>> -> memref<100000xf32, #tpu.memory_space<hbm>>
      tpu.enqueue_dma source(%dma_start3A_286 : memref<100000xf32, #tpu.memory_space<hbm>>) target(%arg7 : memref<100000xf32, #tpu.memory_space<vmem>>) target_semaphore(%run_scoped3A_280 : memref<!tpu.dma_semaphore, #tpu.memory_space<semaphore_mem>>)
      %dma_wait3A = arith.constant 0 : i32
      %dma_wait3A_287 = tpu.memref_slice %arg2[%run_scoped3A_118, %dma_wait3A] : memref<8x100000xf32, #tpu.memory_space<hbm>> -> memref<1x100000xf32, #tpu.memory_space<hbm>>
      %dma_wait3A_288 = tpu.memref_squeeze %dma_wait3A_287 : memref<1x100000xf32, #tpu.memory_space<hbm>> -> memref<100000xf32, #tpu.memory_space<hbm>>
      %dma_wait3A_289 = arith.constant 0 : i32
      %dma_wait3A_290 = tpu.memref_slice %arg2[%run_scoped3A_118, %dma_wait3A_289] : memref<8x100000xf32, #tpu.memory_space<hbm>> -> memref<1x100000xf32, #tpu.memory_space<hbm>>
      %dma_wait3A_291 = tpu.memref_squeeze %dma_wait3A_290 : memref<1x100000xf32, #tpu.memory_space<hbm>> -> memref<100000xf32, #tpu.memory_space<hbm>>
      tpu.wait_dma2 semaphore(%run_scoped3A_280 : memref<!tpu.dma_semaphore, #tpu.memory_space<semaphore_mem>>) src(%dma_wait3A_291 : memref<100000xf32, #tpu.memory_space<hbm>>) dst(%arg7 : memref<100000xf32, #tpu.memory_space<vmem>>)
      tpu.yield
    }) : () -> ()
    %add3A_119 = arith.constant 128 : i32
    %add3A_120 = vector.broadcast %add3A_119 : i32 to vector<16xi32>
    %add3A_121 = arith.addi %iota3A, %add3A_120 : vector<16xi32>
    %add3A_122 = arith.constant 0 : i32
    %add3A_123 = arith.addi %mul3A_2, %add3A_122 : i32
    %dma_start3A_124 = tpu.memref_slice %arg3[%add3A_123] : memref<3200000xi32, #tpu.memory_space<hbm>> -> memref<2000xi32, #tpu.memory_space<hbm>>
    %dma_start3A_125 = tpu.memref_slice %arg3[%add3A_123] : memref<3200000xi32, #tpu.memory_space<hbm>> -> memref<2000xi32, #tpu.memory_space<hbm>>
    tpu.enqueue_dma source(%dma_start3A_125 : memref<2000xi32, #tpu.memory_space<hbm>>) target(%arg8 : memref<2000xi32, #tpu.memory_space<vmem>>) target_semaphore(%arg15 : memref<!tpu.dma_semaphore, #tpu.memory_space<semaphore_mem>>)
    %dma_start3A_126 = tpu.memref_slice %arg4[%add3A_123] : memref<3200000xi32, #tpu.memory_space<hbm>> -> memref<2000xi32, #tpu.memory_space<hbm>>
    %dma_start3A_127 = tpu.memref_slice %arg4[%add3A_123] : memref<3200000xi32, #tpu.memory_space<hbm>> -> memref<2000xi32, #tpu.memory_space<hbm>>
    tpu.enqueue_dma source(%dma_start3A_127 : memref<2000xi32, #tpu.memory_space<hbm>>) target(%arg9 : memref<2000xi32, #tpu.memory_space<vmem>>) target_semaphore(%arg15 : memref<!tpu.dma_semaphore, #tpu.memory_space<semaphore_mem>>)
    %dma_start3A_128 = tpu.memref_slice %arg5[%add3A_123] : memref<3200000xf32, #tpu.memory_space<hbm>> -> memref<2000xf32, #tpu.memory_space<hbm>>
    %dma_start3A_129 = tpu.memref_slice %arg5[%add3A_123] : memref<3200000xf32, #tpu.memory_space<hbm>> -> memref<2000xf32, #tpu.memory_space<hbm>>
    tpu.enqueue_dma source(%dma_start3A_129 : memref<2000xf32, #tpu.memory_space<hbm>>) target(%arg10 : memref<2000xf32, #tpu.memory_space<vmem>>) target_semaphore(%arg15 : memref<!tpu.dma_semaphore, #tpu.memory_space<semaphore_mem>>)
    %add3A_130 = arith.constant 2000 : i32
    %add3A_131 = arith.addi %mul3A_2, %add3A_130 : i32
    %dma_start3A_132 = tpu.memref_slice %arg3[%add3A_131] : memref<3200000xi32, #tpu.memory_space<hbm>> -> memref<2000xi32, #tpu.memory_space<hbm>>
    %dma_start3A_133 = tpu.memref_slice %arg3[%add3A_131] : memref<3200000xi32, #tpu.memory_space<hbm>> -> memref<2000xi32, #tpu.memory_space<hbm>>
    tpu.enqueue_dma source(%dma_start3A_133 : memref<2000xi32, #tpu.memory_space<hbm>>) target(%arg11 : memref<2000xi32, #tpu.memory_space<vmem>>) target_semaphore(%arg16 : memref<!tpu.dma_semaphore, #tpu.memory_space<semaphore_mem>>)
    %dma_start3A_134 = tpu.memref_slice %arg4[%add3A_131] : memref<3200000xi32, #tpu.memory_space<hbm>> -> memref<2000xi32, #tpu.memory_space<hbm>>
    %dma_start3A_135 = tpu.memref_slice %arg4[%add3A_131] : memref<3200000xi32, #tpu.memory_space<hbm>> -> memref<2000xi32, #tpu.memory_space<hbm>>
    tpu.enqueue_dma source(%dma_start3A_135 : memref<2000xi32, #tpu.memory_space<hbm>>) target(%arg12 : memref<2000xi32, #tpu.memory_space<vmem>>) target_semaphore(%arg16 : memref<!tpu.dma_semaphore, #tpu.memory_space<semaphore_mem>>)
    %dma_start3A_136 = tpu.memref_slice %arg5[%add3A_131] : memref<3200000xf32, #tpu.memory_space<hbm>> -> memref<2000xf32, #tpu.memory_space<hbm>>
    %dma_start3A_137 = tpu.memref_slice %arg5[%add3A_131] : memref<3200000xf32, #tpu.memory_space<hbm>> -> memref<2000xf32, #tpu.memory_space<hbm>>
    tpu.enqueue_dma source(%dma_start3A_137 : memref<2000xf32, #tpu.memory_space<hbm>>) target(%arg13 : memref<2000xf32, #tpu.memory_space<vmem>>) target_semaphore(%arg16 : memref<!tpu.dma_semaphore, #tpu.memory_space<semaphore_mem>>)
    %scan3A_138 = arith.constant 0 : i32
    %scan3A_139 = arith.constant 0 : i32
    %scan3A_140 = arith.constant 25 : i32
    %scan3A_141 = arith.addi %scan3A_139, %scan3A_140 : i32
    %scan3A_142 = arith.constant 1 : i32
    %scan3A_143 = scf.for %scan3A_280 = %scan3A_139 to %scan3A_141 step %scan3A_142 iter_args(%scan3A_281 = %scan3A_138) -> (i32)  : i32 {
      %mul3A_282 = arith.constant 2 : i32
      %mul3A_283 = arith.muli %mul3A_282, %scan3A_280 : i32
      %mul3A_284 = arith.constant 2000 : i32
      %mul3A_285 = arith.muli %mul3A_283, %mul3A_284 : i32
      %add3A_286 = arith.addi %mul3A_2, %mul3A_285 : i32
      %dma_wait3A = tpu.memref_slice %arg3[%add3A_286] : memref<3200000xi32, #tpu.memory_space<hbm>> -> memref<2000xi32, #tpu.memory_space<hbm>>
      %dma_wait3A_287 = tpu.memref_slice %arg3[%add3A_286] : memref<3200000xi32, #tpu.memory_space<hbm>> -> memref<2000xi32, #tpu.memory_space<hbm>>
      tpu.wait_dma2 semaphore(%arg15 : memref<!tpu.dma_semaphore, #tpu.memory_space<semaphore_mem>>) src(%dma_wait3A_287 : memref<2000xi32, #tpu.memory_space<hbm>>) dst(%arg8 : memref<2000xi32, #tpu.memory_space<vmem>>)
      %dma_wait3A_288 = tpu.memref_slice %arg4[%add3A_286] : memref<3200000xi32, #tpu.memory_space<hbm>> -> memref<2000xi32, #tpu.memory_space<hbm>>
      %dma_wait3A_289 = tpu.memref_slice %arg4[%add3A_286] : memref<3200000xi32, #tpu.memory_space<hbm>> -> memref<2000xi32, #tpu.memory_space<hbm>>
      tpu.wait_dma2 semaphore(%arg15 : memref<!tpu.dma_semaphore, #tpu.memory_space<semaphore_mem>>) src(%dma_wait3A_289 : memref<2000xi32, #tpu.memory_space<hbm>>) dst(%arg9 : memref<2000xi32, #tpu.memory_space<vmem>>)
      %dma_wait3A_290 = tpu.memref_slice %arg5[%add3A_286] : memref<3200000xf32, #tpu.memory_space<hbm>> -> memref<2000xf32, #tpu.memory_space<hbm>>
      %dma_wait3A_291 = tpu.memref_slice %arg5[%add3A_286] : memref<3200000xf32, #tpu.memory_space<hbm>> -> memref<2000xf32, #tpu.memory_space<hbm>>
      tpu.wait_dma2 semaphore(%arg15 : memref<!tpu.dma_semaphore, #tpu.memory_space<semaphore_mem>>) src(%dma_wait3A_291 : memref<2000xf32, #tpu.memory_space<hbm>>) dst(%arg10 : memref<2000xf32, #tpu.memory_space<vmem>>)
      %parallel_loop3A = arith.constant 0 : i32
      %parallel_loop3A_292 = arith.constant 125 : i32
      %parallel_loop3A_293 = arith.constant 1 : i32
      scf.for %parallel_loop3A_320 = %parallel_loop3A to %parallel_loop3A_292 step %parallel_loop3A_293  : i32 {
        %parallel_loop3A_321 = arith.constant 16 : i32
        %parallel_loop3A_322 = arith.muli %parallel_loop3A_320, %parallel_loop3A_321 : i32
        %parallel_loop3A_323 = arith.index_cast %parallel_loop3A_322 : i32 to index
        %parallel_loop3A_324 = tpu.vector_load %arg8[%parallel_loop3A_323] {strides = array<i32>} : memref<2000xi32, #tpu.memory_space<vmem>>, vector<16xi32>,
        %parallel_loop3A_325 = arith.index_cast %parallel_loop3A_322 : i32 to index
        %parallel_loop3A_326 = tpu.vector_load %arg9[%parallel_loop3A_325] {strides = array<i32>} : memref<2000xi32, #tpu.memory_space<vmem>>, vector<16xi32>,
        %parallel_loop3A_327 = arith.index_cast %parallel_loop3A_322 : i32 to index
        %parallel_loop3A_328 = tpu.vector_load %arg10[%parallel_loop3A_327] {strides = array<i32>} : memref<2000xf32, #tpu.memory_space<vmem>>, vector<16xf32>,
        %parallel_loop3A_329 = tpu.vector_load_idx %arg7[%parallel_loop3A_324] : memref<100000xf32, #tpu.memory_space<vmem>>[vector<16xi32>], vector<16xf32>,
        %parallel_loop3A_330 = tpu.vector_load_idx %arg7[%parallel_loop3A_326] : memref<100000xf32, #tpu.memory_space<vmem>>[vector<16xi32>], vector<16xf32>,
        %parallel_loop3A_331 = arith.mulf %parallel_loop3A_328, %parallel_loop3A_329 : vector<16xf32>
        %parallel_loop3A_332 = arith.mulf %parallel_loop3A_331, %parallel_loop3A_330 : vector<16xf32>
        %parallel_loop3A_333 = arith.sitofp %parallel_loop3A_324 : vector<16xi32> to vector<16xf32>
        %parallel_loop3A_334 = arith.constant 5.000000e-01 : f32
        %parallel_loop3A_335 = vector.broadcast %parallel_loop3A_334 : f32 to vector<16xf32>
        %parallel_loop3A_336 = arith.addf %parallel_loop3A_333, %parallel_loop3A_335 : vector<16xf32>
        %parallel_loop3A_337 = arith.constant 4.000000e-05 : f32
        %parallel_loop3A_338 = vector.broadcast %parallel_loop3A_337 : f32 to vector<16xf32>
        %parallel_loop3A_339 = arith.mulf %parallel_loop3A_336, %parallel_loop3A_338 : vector<16xf32>
        %parallel_loop3A_340 = arith.fptosi %parallel_loop3A_339 : vector<16xf32> to vector<16xi32>
        %parallel_loop3A_341 = arith.constant 4 : i32
        %parallel_loop3A_342 = vector.broadcast %parallel_loop3A_341 : i32 to vector<16xi32>
        %parallel_loop3A_343 = arith.shli %parallel_loop3A_340, %parallel_loop3A_342 : vector<16xi32>
        %parallel_loop3A_344 = arith.addi %add3A_121, %parallel_loop3A_343 : vector<16xi32>
        tpu.vector_store_idx %arg14[%parallel_loop3A_344], %parallel_loop3A_332 {add = true} : memref<512xf32, #tpu.memory_space<vmem>>[vector<16xi32>], vector<16xf32>,
      } {sc.loop_unroll_factor = 8 : i64, sc.parallel_access}
      %add3A_294 = arith.constant 2 : i32
      %add3A_295 = arith.addi %mul3A_283, %add3A_294 : i32
      %lt3A = arith.constant 50 : i32
      %lt3A_296 = arith.cmpi slt, %add3A_295, %lt3A : i32
      %convert_element_type3A = arith.extui %lt3A_296 : i1 to i32
      %cond3A = arith.constant 0 : i32
      %cond3A_297 = arith.cmpi ne, %convert_element_type3A, %cond3A : i32
      scf.if %cond3A_297 {
        %add3A_320 = arith.constant 2 : i32
        %add3A_321 = arith.addi %mul3A_283, %add3A_320 : i32
        %mul3A_322 = arith.constant 2000 : i32
        %mul3A_323 = arith.muli %add3A_321, %mul3A_322 : i32
        %add3A_324 = arith.addi %mul3A_2, %mul3A_323 : i32
        %dma_start3A_325 = tpu.memref_slice %arg3[%add3A_324] : memref<3200000xi32, #tpu.memory_space<hbm>> -> memref<2000xi32, #tpu.memory_space<hbm>>
        %dma_start3A_326 = tpu.memref_slice %arg3[%add3A_324] : memref<3200000xi32, #tpu.memory_space<hbm>> -> memref<2000xi32, #tpu.memory_space<hbm>>
        tpu.enqueue_dma source(%dma_start3A_326 : memref<2000xi32, #tpu.memory_space<hbm>>) target(%arg8 : memref<2000xi32, #tpu.memory_space<vmem>>) target_semaphore(%arg15 : memref<!tpu.dma_semaphore, #tpu.memory_space<semaphore_mem>>)
        %dma_start3A_327 = tpu.memref_slice %arg4[%add3A_324] : memref<3200000xi32, #tpu.memory_space<hbm>> -> memref<2000xi32, #tpu.memory_space<hbm>>
        %dma_start3A_328 = tpu.memref_slice %arg4[%add3A_324] : memref<3200000xi32, #tpu.memory_space<hbm>> -> memref<2000xi32, #tpu.memory_space<hbm>>
        tpu.enqueue_dma source(%dma_start3A_328 : memref<2000xi32, #tpu.memory_space<hbm>>) target(%arg9 : memref<2000xi32, #tpu.memory_space<vmem>>) target_semaphore(%arg15 : memref<!tpu.dma_semaphore, #tpu.memory_space<semaphore_mem>>)
        %dma_start3A_329 = tpu.memref_slice %arg5[%add3A_324] : memref<3200000xf32, #tpu.memory_space<hbm>> -> memref<2000xf32, #tpu.memory_space<hbm>>
        %dma_start3A_330 = tpu.memref_slice %arg5[%add3A_324] : memref<3200000xf32, #tpu.memory_space<hbm>> -> memref<2000xf32, #tpu.memory_space<hbm>>
        tpu.enqueue_dma source(%dma_start3A_330 : memref<2000xf32, #tpu.memory_space<hbm>>) target(%arg10 : memref<2000xf32, #tpu.memory_space<vmem>>) target_semaphore(%arg15 : memref<!tpu.dma_semaphore, #tpu.memory_space<semaphore_mem>>)
      } else {
      }
      %add3A_298 = arith.constant 1 : i32
      %add3A_299 = arith.addi %mul3A_283, %add3A_298 : i32
      %mul3A_300 = arith.constant 2000 : i32
      %mul3A_301 = arith.muli %add3A_299, %mul3A_300 : i32
      %add3A_302 = arith.addi %mul3A_2, %mul3A_301 : i32
      %dma_wait3A_303 = tpu.memref_slice %arg3[%add3A_302] : memref<3200000xi32, #tpu.memory_space<hbm>> -> memref<2000xi32, #tpu.memory_space<hbm>>
      %dma_wait3A_304 = tpu.memref_slice %arg3[%add3A_302] : memref<3200000xi32, #tpu.memory_space<hbm>> -> memref<2000xi32, #tpu.memory_space<hbm>>
      tpu.wait_dma2 semaphore(%arg16 : memref<!tpu.dma_semaphore, #tpu.memory_space<semaphore_mem>>) src(%dma_wait3A_304 : memref<2000xi32, #tpu.memory_space<hbm>>) dst(%arg11 : memref<2000xi32, #tpu.memory_space<vmem>>)
      %dma_wait3A_305 = tpu.memref_slice %arg4[%add3A_302] : memref<3200000xi32, #tpu.memory_space<hbm>> -> memref<2000xi32, #tpu.memory_space<hbm>>
      %dma_wait3A_306 = tpu.memref_slice %arg4[%add3A_302] : memref<3200000xi32, #tpu.memory_space<hbm>> -> memref<2000xi32, #tpu.memory_space<hbm>>
      tpu.wait_dma2 semaphore(%arg16 : memref<!tpu.dma_semaphore, #tpu.memory_space<semaphore_mem>>) src(%dma_wait3A_306 : memref<2000xi32, #tpu.memory_space<hbm>>) dst(%arg12 : memref<2000xi32, #tpu.memory_space<vmem>>)
      %dma_wait3A_307 = tpu.memref_slice %arg5[%add3A_302] : memref<3200000xf32, #tpu.memory_space<hbm>> -> memref<2000xf32, #tpu.memory_space<hbm>>
      %dma_wait3A_308 = tpu.memref_slice %arg5[%add3A_302] : memref<3200000xf32, #tpu.memory_space<hbm>> -> memref<2000xf32, #tpu.memory_space<hbm>>
      tpu.wait_dma2 semaphore(%arg16 : memref<!tpu.dma_semaphore, #tpu.memory_space<semaphore_mem>>) src(%dma_wait3A_308 : memref<2000xf32, #tpu.memory_space<hbm>>) dst(%arg13 : memref<2000xf32, #tpu.memory_space<vmem>>)
      %parallel_loop3A_309 = arith.constant 0 : i32
      %parallel_loop3A_310 = arith.constant 125 : i32
      %parallel_loop3A_311 = arith.constant 1 : i32
      scf.for %parallel_loop3A_320 = %parallel_loop3A_309 to %parallel_loop3A_310 step %parallel_loop3A_311  : i32 {
        %parallel_loop3A_321 = arith.constant 16 : i32
        %parallel_loop3A_322 = arith.muli %parallel_loop3A_320, %parallel_loop3A_321 : i32
        %parallel_loop3A_323 = arith.index_cast %parallel_loop3A_322 : i32 to index
        %parallel_loop3A_324 = tpu.vector_load %arg11[%parallel_loop3A_323] {strides = array<i32>} : memref<2000xi32, #tpu.memory_space<vmem>>, vector<16xi32>,
        %parallel_loop3A_325 = arith.index_cast %parallel_loop3A_322 : i32 to index
        %parallel_loop3A_326 = tpu.vector_load %arg12[%parallel_loop3A_325] {strides = array<i32>} : memref<2000xi32, #tpu.memory_space<vmem>>, vector<16xi32>,
        %parallel_loop3A_327 = arith.index_cast %parallel_loop3A_322 : i32 to index
        %parallel_loop3A_328 = tpu.vector_load %arg13[%parallel_loop3A_327] {strides = array<i32>} : memref<2000xf32, #tpu.memory_space<vmem>>, vector<16xf32>,
        %parallel_loop3A_329 = tpu.vector_load_idx %arg7[%parallel_loop3A_324] : memref<100000xf32, #tpu.memory_space<vmem>>[vector<16xi32>], vector<16xf32>,
        %parallel_loop3A_330 = tpu.vector_load_idx %arg7[%parallel_loop3A_326] : memref<100000xf32, #tpu.memory_space<vmem>>[vector<16xi32>], vector<16xf32>,
        %parallel_loop3A_331 = arith.mulf %parallel_loop3A_328, %parallel_loop3A_329 : vector<16xf32>
        %parallel_loop3A_332 = arith.mulf %parallel_loop3A_331, %parallel_loop3A_330 : vector<16xf32>
        %parallel_loop3A_333 = arith.sitofp %parallel_loop3A_324 : vector<16xi32> to vector<16xf32>
        %parallel_loop3A_334 = arith.constant 5.000000e-01 : f32
        %parallel_loop3A_335 = vector.broadcast %parallel_loop3A_334 : f32 to vector<16xf32>
        %parallel_loop3A_336 = arith.addf %parallel_loop3A_333, %parallel_loop3A_335 : vector<16xf32>
        %parallel_loop3A_337 = arith.constant 4.000000e-05 : f32
        %parallel_loop3A_338 = vector.broadcast %parallel_loop3A_337 : f32 to vector<16xf32>
        %parallel_loop3A_339 = arith.mulf %parallel_loop3A_336, %parallel_loop3A_338 : vector<16xf32>
        %parallel_loop3A_340 = arith.fptosi %parallel_loop3A_339 : vector<16xf32> to vector<16xi32>
        %parallel_loop3A_341 = arith.constant 4 : i32
        %parallel_loop3A_342 = vector.broadcast %parallel_loop3A_341 : i32 to vector<16xi32>
        %parallel_loop3A_343 = arith.shli %parallel_loop3A_340, %parallel_loop3A_342 : vector<16xi32>
        %parallel_loop3A_344 = arith.addi %add3A_121, %parallel_loop3A_343 : vector<16xi32>
        tpu.vector_store_idx %arg14[%parallel_loop3A_344], %parallel_loop3A_332 {add = true} : memref<512xf32, #tpu.memory_space<vmem>>[vector<16xi32>], vector<16xf32>,
      } {sc.loop_unroll_factor = 8 : i64, sc.parallel_access}
      %add3A_312 = arith.constant 3 : i32
      %add3A_313 = arith.addi %mul3A_283, %add3A_312 : i32
      %lt3A_314 = arith.constant 50 : i32
      %lt3A_315 = arith.cmpi slt, %add3A_313, %lt3A_314 : i32
      %convert_element_type3A_316 = arith.extui %lt3A_315 : i1 to i32
      %cond3A_317 = arith.constant 0 : i32
      %cond3A_318 = arith.cmpi ne, %convert_element_type3A_316, %cond3A_317 : i32
      scf.if %cond3A_318 {
        %add3A_320 = arith.constant 3 : i32
        %add3A_321 = arith.addi %mul3A_283, %add3A_320 : i32
        %mul3A_322 = arith.constant 2000 : i32
        %mul3A_323 = arith.muli %add3A_321, %mul3A_322 : i32
        %add3A_324 = arith.addi %mul3A_2, %mul3A_323 : i32
        %dma_start3A_325 = tpu.memref_slice %arg3[%add3A_324] : memref<3200000xi32, #tpu.memory_space<hbm>> -> memref<2000xi32, #tpu.memory_space<hbm>>
        %dma_start3A_326 = tpu.memref_slice %arg3[%add3A_324] : memref<3200000xi32, #tpu.memory_space<hbm>> -> memref<2000xi32, #tpu.memory_space<hbm>>
        tpu.enqueue_dma source(%dma_start3A_326 : memref<2000xi32, #tpu.memory_space<hbm>>) target(%arg11 : memref<2000xi32, #tpu.memory_space<vmem>>) target_semaphore(%arg16 : memref<!tpu.dma_semaphore, #tpu.memory_space<semaphore_mem>>)
        %dma_start3A_327 = tpu.memref_slice %arg4[%add3A_324] : memref<3200000xi32, #tpu.memory_space<hbm>> -> memref<2000xi32, #tpu.memory_space<hbm>>
        %dma_start3A_328 = tpu.memref_slice %arg4[%add3A_324] : memref<3200000xi32, #tpu.memory_space<hbm>> -> memref<2000xi32, #tpu.memory_space<hbm>>
        tpu.enqueue_dma source(%dma_start3A_328 : memref<2000xi32, #tpu.memory_space<hbm>>) target(%arg12 : memref<2000xi32, #tpu.memory_space<vmem>>) target_semaphore(%arg16 : memref<!tpu.dma_semaphore, #tpu.memory_space<semaphore_mem>>)
        %dma_start3A_329 = tpu.memref_slice %arg5[%add3A_324] : memref<3200000xf32, #tpu.memory_space<hbm>> -> memref<2000xf32, #tpu.memory_space<hbm>>
        %dma_start3A_330 = tpu.memref_slice %arg5[%add3A_324] : memref<3200000xf32, #tpu.memory_space<hbm>> -> memref<2000xf32, #tpu.memory_space<hbm>>
        tpu.enqueue_dma source(%dma_start3A_330 : memref<2000xf32, #tpu.memory_space<hbm>>) target(%arg13 : memref<2000xf32, #tpu.memory_space<vmem>>) target_semaphore(%arg16 : memref<!tpu.dma_semaphore, #tpu.memory_space<semaphore_mem>>)
      } else {
      }
      %scan3A_319 = arith.constant 0 : i32
      scf.yield %scan3A_319 : i32
    }
    %scan3A_144 = arith.constant 25 : i32
    %run_scoped3A_145 = arith.constant 3 : i32
    "tpu.region"() ({
      %run_scoped3A_280 = tpu.sem_alloc : memref<!tpu.dma_semaphore, #tpu.memory_space<semaphore_mem>>
      %dma_start3A_281 = arith.constant 0 : i32
      %dma_start3A_282 = tpu.memref_slice %arg2[%run_scoped3A_145, %dma_start3A_281] : memref<8x100000xf32, #tpu.memory_space<hbm>> -> memref<1x100000xf32, #tpu.memory_space<hbm>>
      %dma_start3A_283 = tpu.memref_squeeze %dma_start3A_282 : memref<1x100000xf32, #tpu.memory_space<hbm>> -> memref<100000xf32, #tpu.memory_space<hbm>>
      %dma_start3A_284 = arith.constant 0 : i32
      %dma_start3A_285 = tpu.memref_slice %arg2[%run_scoped3A_145, %dma_start3A_284] : memref<8x100000xf32, #tpu.memory_space<hbm>> -> memref<1x100000xf32, #tpu.memory_space<hbm>>
      %dma_start3A_286 = tpu.memref_squeeze %dma_start3A_285 : memref<1x100000xf32, #tpu.memory_space<hbm>> -> memref<100000xf32, #tpu.memory_space<hbm>>
      tpu.enqueue_dma source(%dma_start3A_286 : memref<100000xf32, #tpu.memory_space<hbm>>) target(%arg7 : memref<100000xf32, #tpu.memory_space<vmem>>) target_semaphore(%run_scoped3A_280 : memref<!tpu.dma_semaphore, #tpu.memory_space<semaphore_mem>>)
      %dma_wait3A = arith.constant 0 : i32
      %dma_wait3A_287 = tpu.memref_slice %arg2[%run_scoped3A_145, %dma_wait3A] : memref<8x100000xf32, #tpu.memory_space<hbm>> -> memref<1x100000xf32, #tpu.memory_space<hbm>>
      %dma_wait3A_288 = tpu.memref_squeeze %dma_wait3A_287 : memref<1x100000xf32, #tpu.memory_space<hbm>> -> memref<100000xf32, #tpu.memory_space<hbm>>
      %dma_wait3A_289 = arith.constant 0 : i32
      %dma_wait3A_290 = tpu.memref_slice %arg2[%run_scoped3A_145, %dma_wait3A_289] : memref<8x100000xf32, #tpu.memory_space<hbm>> -> memref<1x100000xf32, #tpu.memory_space<hbm>>
      %dma_wait3A_291 = tpu.memref_squeeze %dma_wait3A_290 : memref<1x100000xf32, #tpu.memory_space<hbm>> -> memref<100000xf32, #tpu.memory_space<hbm>>
      tpu.wait_dma2 semaphore(%run_scoped3A_280 : memref<!tpu.dma_semaphore, #tpu.memory_space<semaphore_mem>>) src(%dma_wait3A_291 : memref<100000xf32, #tpu.memory_space<hbm>>) dst(%arg7 : memref<100000xf32, #tpu.memory_space<vmem>>)
      tpu.yield
    }) : () -> ()
    %add3A_146 = arith.constant 192 : i32
    %add3A_147 = vector.broadcast %add3A_146 : i32 to vector<16xi32>
    %add3A_148 = arith.addi %iota3A, %add3A_147 : vector<16xi32>
    %add3A_149 = arith.constant 0 : i32
    %add3A_150 = arith.addi %mul3A_2, %add3A_149 : i32
    %dma_start3A_151 = tpu.memref_slice %arg3[%add3A_150] : memref<3200000xi32, #tpu.memory_space<hbm>> -> memref<2000xi32, #tpu.memory_space<hbm>>
    %dma_start3A_152 = tpu.memref_slice %arg3[%add3A_150] : memref<3200000xi32, #tpu.memory_space<hbm>> -> memref<2000xi32, #tpu.memory_space<hbm>>
    tpu.enqueue_dma source(%dma_start3A_152 : memref<2000xi32, #tpu.memory_space<hbm>>) target(%arg8 : memref<2000xi32, #tpu.memory_space<vmem>>) target_semaphore(%arg15 : memref<!tpu.dma_semaphore, #tpu.memory_space<semaphore_mem>>)
    %dma_start3A_153 = tpu.memref_slice %arg4[%add3A_150] : memref<3200000xi32, #tpu.memory_space<hbm>> -> memref<2000xi32, #tpu.memory_space<hbm>>
    %dma_start3A_154 = tpu.memref_slice %arg4[%add3A_150] : memref<3200000xi32, #tpu.memory_space<hbm>> -> memref<2000xi32, #tpu.memory_space<hbm>>
    tpu.enqueue_dma source(%dma_start3A_154 : memref<2000xi32, #tpu.memory_space<hbm>>) target(%arg9 : memref<2000xi32, #tpu.memory_space<vmem>>) target_semaphore(%arg15 : memref<!tpu.dma_semaphore, #tpu.memory_space<semaphore_mem>>)
    %dma_start3A_155 = tpu.memref_slice %arg5[%add3A_150] : memref<3200000xf32, #tpu.memory_space<hbm>> -> memref<2000xf32, #tpu.memory_space<hbm>>
    %dma_start3A_156 = tpu.memref_slice %arg5[%add3A_150] : memref<3200000xf32, #tpu.memory_space<hbm>> -> memref<2000xf32, #tpu.memory_space<hbm>>
    tpu.enqueue_dma source(%dma_start3A_156 : memref<2000xf32, #tpu.memory_space<hbm>>) target(%arg10 : memref<2000xf32, #tpu.memory_space<vmem>>) target_semaphore(%arg15 : memref<!tpu.dma_semaphore, #tpu.memory_space<semaphore_mem>>)
    %add3A_157 = arith.constant 2000 : i32
    %add3A_158 = arith.addi %mul3A_2, %add3A_157 : i32
    %dma_start3A_159 = tpu.memref_slice %arg3[%add3A_158] : memref<3200000xi32, #tpu.memory_space<hbm>> -> memref<2000xi32, #tpu.memory_space<hbm>>
    %dma_start3A_160 = tpu.memref_slice %arg3[%add3A_158] : memref<3200000xi32, #tpu.memory_space<hbm>> -> memref<2000xi32, #tpu.memory_space<hbm>>
    tpu.enqueue_dma source(%dma_start3A_160 : memref<2000xi32, #tpu.memory_space<hbm>>) target(%arg11 : memref<2000xi32, #tpu.memory_space<vmem>>) target_semaphore(%arg16 : memref<!tpu.dma_semaphore, #tpu.memory_space<semaphore_mem>>)
    %dma_start3A_161 = tpu.memref_slice %arg4[%add3A_158] : memref<3200000xi32, #tpu.memory_space<hbm>> -> memref<2000xi32, #tpu.memory_space<hbm>>
    %dma_start3A_162 = tpu.memref_slice %arg4[%add3A_158] : memref<3200000xi32, #tpu.memory_space<hbm>> -> memref<2000xi32, #tpu.memory_space<hbm>>
    tpu.enqueue_dma source(%dma_start3A_162 : memref<2000xi32, #tpu.memory_space<hbm>>) target(%arg12 : memref<2000xi32, #tpu.memory_space<vmem>>) target_semaphore(%arg16 : memref<!tpu.dma_semaphore, #tpu.memory_space<semaphore_mem>>)
    %dma_start3A_163 = tpu.memref_slice %arg5[%add3A_158] : memref<3200000xf32, #tpu.memory_space<hbm>> -> memref<2000xf32, #tpu.memory_space<hbm>>
    %dma_start3A_164 = tpu.memref_slice %arg5[%add3A_158] : memref<3200000xf32, #tpu.memory_space<hbm>> -> memref<2000xf32, #tpu.memory_space<hbm>>
    tpu.enqueue_dma source(%dma_start3A_164 : memref<2000xf32, #tpu.memory_space<hbm>>) target(%arg13 : memref<2000xf32, #tpu.memory_space<vmem>>) target_semaphore(%arg16 : memref<!tpu.dma_semaphore, #tpu.memory_space<semaphore_mem>>)
    %scan3A_165 = arith.constant 0 : i32
    %scan3A_166 = arith.constant 0 : i32
    %scan3A_167 = arith.constant 25 : i32
    %scan3A_168 = arith.addi %scan3A_166, %scan3A_167 : i32
    %scan3A_169 = arith.constant 1 : i32
    %scan3A_170 = scf.for %scan3A_280 = %scan3A_166 to %scan3A_168 step %scan3A_169 iter_args(%scan3A_281 = %scan3A_165) -> (i32)  : i32 {
      %mul3A_282 = arith.constant 2 : i32
      %mul3A_283 = arith.muli %mul3A_282, %scan3A_280 : i32
      %mul3A_284 = arith.constant 2000 : i32
      %mul3A_285 = arith.muli %mul3A_283, %mul3A_284 : i32
      %add3A_286 = arith.addi %mul3A_2, %mul3A_285 : i32
      %dma_wait3A = tpu.memref_slice %arg3[%add3A_286] : memref<3200000xi32, #tpu.memory_space<hbm>> -> memref<2000xi32, #tpu.memory_space<hbm>>
      %dma_wait3A_287 = tpu.memref_slice %arg3[%add3A_286] : memref<3200000xi32, #tpu.memory_space<hbm>> -> memref<2000xi32, #tpu.memory_space<hbm>>
      tpu.wait_dma2 semaphore(%arg15 : memref<!tpu.dma_semaphore, #tpu.memory_space<semaphore_mem>>) src(%dma_wait3A_287 : memref<2000xi32, #tpu.memory_space<hbm>>) dst(%arg8 : memref<2000xi32, #tpu.memory_space<vmem>>)
      %dma_wait3A_288 = tpu.memref_slice %arg4[%add3A_286] : memref<3200000xi32, #tpu.memory_space<hbm>> -> memref<2000xi32, #tpu.memory_space<hbm>>
      %dma_wait3A_289 = tpu.memref_slice %arg4[%add3A_286] : memref<3200000xi32, #tpu.memory_space<hbm>> -> memref<2000xi32, #tpu.memory_space<hbm>>
      tpu.wait_dma2 semaphore(%arg15 : memref<!tpu.dma_semaphore, #tpu.memory_space<semaphore_mem>>) src(%dma_wait3A_289 : memref<2000xi32, #tpu.memory_space<hbm>>) dst(%arg9 : memref<2000xi32, #tpu.memory_space<vmem>>)
      %dma_wait3A_290 = tpu.memref_slice %arg5[%add3A_286] : memref<3200000xf32, #tpu.memory_space<hbm>> -> memref<2000xf32, #tpu.memory_space<hbm>>
      %dma_wait3A_291 = tpu.memref_slice %arg5[%add3A_286] : memref<3200000xf32, #tpu.memory_space<hbm>> -> memref<2000xf32, #tpu.memory_space<hbm>>
      tpu.wait_dma2 semaphore(%arg15 : memref<!tpu.dma_semaphore, #tpu.memory_space<semaphore_mem>>) src(%dma_wait3A_291 : memref<2000xf32, #tpu.memory_space<hbm>>) dst(%arg10 : memref<2000xf32, #tpu.memory_space<vmem>>)
      %parallel_loop3A = arith.constant 0 : i32
      %parallel_loop3A_292 = arith.constant 125 : i32
      %parallel_loop3A_293 = arith.constant 1 : i32
      scf.for %parallel_loop3A_320 = %parallel_loop3A to %parallel_loop3A_292 step %parallel_loop3A_293  : i32 {
        %parallel_loop3A_321 = arith.constant 16 : i32
        %parallel_loop3A_322 = arith.muli %parallel_loop3A_320, %parallel_loop3A_321 : i32
        %parallel_loop3A_323 = arith.index_cast %parallel_loop3A_322 : i32 to index
        %parallel_loop3A_324 = tpu.vector_load %arg8[%parallel_loop3A_323] {strides = array<i32>} : memref<2000xi32, #tpu.memory_space<vmem>>, vector<16xi32>,
        %parallel_loop3A_325 = arith.index_cast %parallel_loop3A_322 : i32 to index
        %parallel_loop3A_326 = tpu.vector_load %arg9[%parallel_loop3A_325] {strides = array<i32>} : memref<2000xi32, #tpu.memory_space<vmem>>, vector<16xi32>,
        %parallel_loop3A_327 = arith.index_cast %parallel_loop3A_322 : i32 to index
        %parallel_loop3A_328 = tpu.vector_load %arg10[%parallel_loop3A_327] {strides = array<i32>} : memref<2000xf32, #tpu.memory_space<vmem>>, vector<16xf32>,
        %parallel_loop3A_329 = tpu.vector_load_idx %arg7[%parallel_loop3A_324] : memref<100000xf32, #tpu.memory_space<vmem>>[vector<16xi32>], vector<16xf32>,
        %parallel_loop3A_330 = tpu.vector_load_idx %arg7[%parallel_loop3A_326] : memref<100000xf32, #tpu.memory_space<vmem>>[vector<16xi32>], vector<16xf32>,
        %parallel_loop3A_331 = arith.mulf %parallel_loop3A_328, %parallel_loop3A_329 : vector<16xf32>
        %parallel_loop3A_332 = arith.mulf %parallel_loop3A_331, %parallel_loop3A_330 : vector<16xf32>
        %parallel_loop3A_333 = arith.sitofp %parallel_loop3A_324 : vector<16xi32> to vector<16xf32>
        %parallel_loop3A_334 = arith.constant 5.000000e-01 : f32
        %parallel_loop3A_335 = vector.broadcast %parallel_loop3A_334 : f32 to vector<16xf32>
        %parallel_loop3A_336 = arith.addf %parallel_loop3A_333, %parallel_loop3A_335 : vector<16xf32>
        %parallel_loop3A_337 = arith.constant 4.000000e-05 : f32
        %parallel_loop3A_338 = vector.broadcast %parallel_loop3A_337 : f32 to vector<16xf32>
        %parallel_loop3A_339 = arith.mulf %parallel_loop3A_336, %parallel_loop3A_338 : vector<16xf32>
        %parallel_loop3A_340 = arith.fptosi %parallel_loop3A_339 : vector<16xf32> to vector<16xi32>
        %parallel_loop3A_341 = arith.constant 4 : i32
        %parallel_loop3A_342 = vector.broadcast %parallel_loop3A_341 : i32 to vector<16xi32>
        %parallel_loop3A_343 = arith.shli %parallel_loop3A_340, %parallel_loop3A_342 : vector<16xi32>
        %parallel_loop3A_344 = arith.addi %add3A_148, %parallel_loop3A_343 : vector<16xi32>
        tpu.vector_store_idx %arg14[%parallel_loop3A_344], %parallel_loop3A_332 {add = true} : memref<512xf32, #tpu.memory_space<vmem>>[vector<16xi32>], vector<16xf32>,
      } {sc.loop_unroll_factor = 8 : i64, sc.parallel_access}
      %add3A_294 = arith.constant 2 : i32
      %add3A_295 = arith.addi %mul3A_283, %add3A_294 : i32
      %lt3A = arith.constant 50 : i32
      %lt3A_296 = arith.cmpi slt, %add3A_295, %lt3A : i32
      %convert_element_type3A = arith.extui %lt3A_296 : i1 to i32
      %cond3A = arith.constant 0 : i32
      %cond3A_297 = arith.cmpi ne, %convert_element_type3A, %cond3A : i32
      scf.if %cond3A_297 {
        %add3A_320 = arith.constant 2 : i32
        %add3A_321 = arith.addi %mul3A_283, %add3A_320 : i32
        %mul3A_322 = arith.constant 2000 : i32
        %mul3A_323 = arith.muli %add3A_321, %mul3A_322 : i32
        %add3A_324 = arith.addi %mul3A_2, %mul3A_323 : i32
        %dma_start3A_325 = tpu.memref_slice %arg3[%add3A_324] : memref<3200000xi32, #tpu.memory_space<hbm>> -> memref<2000xi32, #tpu.memory_space<hbm>>
        %dma_start3A_326 = tpu.memref_slice %arg3[%add3A_324] : memref<3200000xi32, #tpu.memory_space<hbm>> -> memref<2000xi32, #tpu.memory_space<hbm>>
        tpu.enqueue_dma source(%dma_start3A_326 : memref<2000xi32, #tpu.memory_space<hbm>>) target(%arg8 : memref<2000xi32, #tpu.memory_space<vmem>>) target_semaphore(%arg15 : memref<!tpu.dma_semaphore, #tpu.memory_space<semaphore_mem>>)
        %dma_start3A_327 = tpu.memref_slice %arg4[%add3A_324] : memref<3200000xi32, #tpu.memory_space<hbm>> -> memref<2000xi32, #tpu.memory_space<hbm>>
        %dma_start3A_328 = tpu.memref_slice %arg4[%add3A_324] : memref<3200000xi32, #tpu.memory_space<hbm>> -> memref<2000xi32, #tpu.memory_space<hbm>>
        tpu.enqueue_dma source(%dma_start3A_328 : memref<2000xi32, #tpu.memory_space<hbm>>) target(%arg9 : memref<2000xi32, #tpu.memory_space<vmem>>) target_semaphore(%arg15 : memref<!tpu.dma_semaphore, #tpu.memory_space<semaphore_mem>>)
        %dma_start3A_329 = tpu.memref_slice %arg5[%add3A_324] : memref<3200000xf32, #tpu.memory_space<hbm>> -> memref<2000xf32, #tpu.memory_space<hbm>>
        %dma_start3A_330 = tpu.memref_slice %arg5[%add3A_324] : memref<3200000xf32, #tpu.memory_space<hbm>> -> memref<2000xf32, #tpu.memory_space<hbm>>
        tpu.enqueue_dma source(%dma_start3A_330 : memref<2000xf32, #tpu.memory_space<hbm>>) target(%arg10 : memref<2000xf32, #tpu.memory_space<vmem>>) target_semaphore(%arg15 : memref<!tpu.dma_semaphore, #tpu.memory_space<semaphore_mem>>)
      } else {
      }
      %add3A_298 = arith.constant 1 : i32
      %add3A_299 = arith.addi %mul3A_283, %add3A_298 : i32
      %mul3A_300 = arith.constant 2000 : i32
      %mul3A_301 = arith.muli %add3A_299, %mul3A_300 : i32
      %add3A_302 = arith.addi %mul3A_2, %mul3A_301 : i32
      %dma_wait3A_303 = tpu.memref_slice %arg3[%add3A_302] : memref<3200000xi32, #tpu.memory_space<hbm>> -> memref<2000xi32, #tpu.memory_space<hbm>>
      %dma_wait3A_304 = tpu.memref_slice %arg3[%add3A_302] : memref<3200000xi32, #tpu.memory_space<hbm>> -> memref<2000xi32, #tpu.memory_space<hbm>>
      tpu.wait_dma2 semaphore(%arg16 : memref<!tpu.dma_semaphore, #tpu.memory_space<semaphore_mem>>) src(%dma_wait3A_304 : memref<2000xi32, #tpu.memory_space<hbm>>) dst(%arg11 : memref<2000xi32, #tpu.memory_space<vmem>>)
      %dma_wait3A_305 = tpu.memref_slice %arg4[%add3A_302] : memref<3200000xi32, #tpu.memory_space<hbm>> -> memref<2000xi32, #tpu.memory_space<hbm>>
      %dma_wait3A_306 = tpu.memref_slice %arg4[%add3A_302] : memref<3200000xi32, #tpu.memory_space<hbm>> -> memref<2000xi32, #tpu.memory_space<hbm>>
      tpu.wait_dma2 semaphore(%arg16 : memref<!tpu.dma_semaphore, #tpu.memory_space<semaphore_mem>>) src(%dma_wait3A_306 : memref<2000xi32, #tpu.memory_space<hbm>>) dst(%arg12 : memref<2000xi32, #tpu.memory_space<vmem>>)
      %dma_wait3A_307 = tpu.memref_slice %arg5[%add3A_302] : memref<3200000xf32, #tpu.memory_space<hbm>> -> memref<2000xf32, #tpu.memory_space<hbm>>
      %dma_wait3A_308 = tpu.memref_slice %arg5[%add3A_302] : memref<3200000xf32, #tpu.memory_space<hbm>> -> memref<2000xf32, #tpu.memory_space<hbm>>
      tpu.wait_dma2 semaphore(%arg16 : memref<!tpu.dma_semaphore, #tpu.memory_space<semaphore_mem>>) src(%dma_wait3A_308 : memref<2000xf32, #tpu.memory_space<hbm>>) dst(%arg13 : memref<2000xf32, #tpu.memory_space<vmem>>)
      %parallel_loop3A_309 = arith.constant 0 : i32
      %parallel_loop3A_310 = arith.constant 125 : i32
      %parallel_loop3A_311 = arith.constant 1 : i32
      scf.for %parallel_loop3A_320 = %parallel_loop3A_309 to %parallel_loop3A_310 step %parallel_loop3A_311  : i32 {
        %parallel_loop3A_321 = arith.constant 16 : i32
        %parallel_loop3A_322 = arith.muli %parallel_loop3A_320, %parallel_loop3A_321 : i32
        %parallel_loop3A_323 = arith.index_cast %parallel_loop3A_322 : i32 to index
        %parallel_loop3A_324 = tpu.vector_load %arg11[%parallel_loop3A_323] {strides = array<i32>} : memref<2000xi32, #tpu.memory_space<vmem>>, vector<16xi32>,
        %parallel_loop3A_325 = arith.index_cast %parallel_loop3A_322 : i32 to index
        %parallel_loop3A_326 = tpu.vector_load %arg12[%parallel_loop3A_325] {strides = array<i32>} : memref<2000xi32, #tpu.memory_space<vmem>>, vector<16xi32>,
        %parallel_loop3A_327 = arith.index_cast %parallel_loop3A_322 : i32 to index
        %parallel_loop3A_328 = tpu.vector_load %arg13[%parallel_loop3A_327] {strides = array<i32>} : memref<2000xf32, #tpu.memory_space<vmem>>, vector<16xf32>,
        %parallel_loop3A_329 = tpu.vector_load_idx %arg7[%parallel_loop3A_324] : memref<100000xf32, #tpu.memory_space<vmem>>[vector<16xi32>], vector<16xf32>,
        %parallel_loop3A_330 = tpu.vector_load_idx %arg7[%parallel_loop3A_326] : memref<100000xf32, #tpu.memory_space<vmem>>[vector<16xi32>], vector<16xf32>,
        %parallel_loop3A_331 = arith.mulf %parallel_loop3A_328, %parallel_loop3A_329 : vector<16xf32>
        %parallel_loop3A_332 = arith.mulf %parallel_loop3A_331, %parallel_loop3A_330 : vector<16xf32>
        %parallel_loop3A_333 = arith.sitofp %parallel_loop3A_324 : vector<16xi32> to vector<16xf32>
        %parallel_loop3A_334 = arith.constant 5.000000e-01 : f32
        %parallel_loop3A_335 = vector.broadcast %parallel_loop3A_334 : f32 to vector<16xf32>
        %parallel_loop3A_336 = arith.addf %parallel_loop3A_333, %parallel_loop3A_335 : vector<16xf32>
        %parallel_loop3A_337 = arith.constant 4.000000e-05 : f32
        %parallel_loop3A_338 = vector.broadcast %parallel_loop3A_337 : f32 to vector<16xf32>
        %parallel_loop3A_339 = arith.mulf %parallel_loop3A_336, %parallel_loop3A_338 : vector<16xf32>
        %parallel_loop3A_340 = arith.fptosi %parallel_loop3A_339 : vector<16xf32> to vector<16xi32>
        %parallel_loop3A_341 = arith.constant 4 : i32
        %parallel_loop3A_342 = vector.broadcast %parallel_loop3A_341 : i32 to vector<16xi32>
        %parallel_loop3A_343 = arith.shli %parallel_loop3A_340, %parallel_loop3A_342 : vector<16xi32>
        %parallel_loop3A_344 = arith.addi %add3A_148, %parallel_loop3A_343 : vector<16xi32>
        tpu.vector_store_idx %arg14[%parallel_loop3A_344], %parallel_loop3A_332 {add = true} : memref<512xf32, #tpu.memory_space<vmem>>[vector<16xi32>], vector<16xf32>,
      } {sc.loop_unroll_factor = 8 : i64, sc.parallel_access}
      %add3A_312 = arith.constant 3 : i32
      %add3A_313 = arith.addi %mul3A_283, %add3A_312 : i32
      %lt3A_314 = arith.constant 50 : i32
      %lt3A_315 = arith.cmpi slt, %add3A_313, %lt3A_314 : i32
      %convert_element_type3A_316 = arith.extui %lt3A_315 : i1 to i32
      %cond3A_317 = arith.constant 0 : i32
      %cond3A_318 = arith.cmpi ne, %convert_element_type3A_316, %cond3A_317 : i32
      scf.if %cond3A_318 {
        %add3A_320 = arith.constant 3 : i32
        %add3A_321 = arith.addi %mul3A_283, %add3A_320 : i32
        %mul3A_322 = arith.constant 2000 : i32
        %mul3A_323 = arith.muli %add3A_321, %mul3A_322 : i32
        %add3A_324 = arith.addi %mul3A_2, %mul3A_323 : i32
        %dma_start3A_325 = tpu.memref_slice %arg3[%add3A_324] : memref<3200000xi32, #tpu.memory_space<hbm>> -> memref<2000xi32, #tpu.memory_space<hbm>>
        %dma_start3A_326 = tpu.memref_slice %arg3[%add3A_324] : memref<3200000xi32, #tpu.memory_space<hbm>> -> memref<2000xi32, #tpu.memory_space<hbm>>
        tpu.enqueue_dma source(%dma_start3A_326 : memref<2000xi32, #tpu.memory_space<hbm>>) target(%arg11 : memref<2000xi32, #tpu.memory_space<vmem>>) target_semaphore(%arg16 : memref<!tpu.dma_semaphore, #tpu.memory_space<semaphore_mem>>)
        %dma_start3A_327 = tpu.memref_slice %arg4[%add3A_324] : memref<3200000xi32, #tpu.memory_space<hbm>> -> memref<2000xi32, #tpu.memory_space<hbm>>
        %dma_start3A_328 = tpu.memref_slice %arg4[%add3A_324] : memref<3200000xi32, #tpu.memory_space<hbm>> -> memref<2000xi32, #tpu.memory_space<hbm>>
        tpu.enqueue_dma source(%dma_start3A_328 : memref<2000xi32, #tpu.memory_space<hbm>>) target(%arg12 : memref<2000xi32, #tpu.memory_space<vmem>>) target_semaphore(%arg16 : memref<!tpu.dma_semaphore, #tpu.memory_space<semaphore_mem>>)
        %dma_start3A_329 = tpu.memref_slice %arg5[%add3A_324] : memref<3200000xf32, #tpu.memory_space<hbm>> -> memref<2000xf32, #tpu.memory_space<hbm>>
        %dma_start3A_330 = tpu.memref_slice %arg5[%add3A_324] : memref<3200000xf32, #tpu.memory_space<hbm>> -> memref<2000xf32, #tpu.memory_space<hbm>>
        tpu.enqueue_dma source(%dma_start3A_330 : memref<2000xf32, #tpu.memory_space<hbm>>) target(%arg13 : memref<2000xf32, #tpu.memory_space<vmem>>) target_semaphore(%arg16 : memref<!tpu.dma_semaphore, #tpu.memory_space<semaphore_mem>>)
      } else {
      }
      %scan3A_319 = arith.constant 0 : i32
      scf.yield %scan3A_319 : i32
    }
    %scan3A_171 = arith.constant 25 : i32
    %run_scoped3A_172 = arith.constant 4 : i32
    "tpu.region"() ({
      %run_scoped3A_280 = tpu.sem_alloc : memref<!tpu.dma_semaphore, #tpu.memory_space<semaphore_mem>>
      %dma_start3A_281 = arith.constant 0 : i32
      %dma_start3A_282 = tpu.memref_slice %arg2[%run_scoped3A_172, %dma_start3A_281] : memref<8x100000xf32, #tpu.memory_space<hbm>> -> memref<1x100000xf32, #tpu.memory_space<hbm>>
      %dma_start3A_283 = tpu.memref_squeeze %dma_start3A_282 : memref<1x100000xf32, #tpu.memory_space<hbm>> -> memref<100000xf32, #tpu.memory_space<hbm>>
      %dma_start3A_284 = arith.constant 0 : i32
      %dma_start3A_285 = tpu.memref_slice %arg2[%run_scoped3A_172, %dma_start3A_284] : memref<8x100000xf32, #tpu.memory_space<hbm>> -> memref<1x100000xf32, #tpu.memory_space<hbm>>
      %dma_start3A_286 = tpu.memref_squeeze %dma_start3A_285 : memref<1x100000xf32, #tpu.memory_space<hbm>> -> memref<100000xf32, #tpu.memory_space<hbm>>
      tpu.enqueue_dma source(%dma_start3A_286 : memref<100000xf32, #tpu.memory_space<hbm>>) target(%arg7 : memref<100000xf32, #tpu.memory_space<vmem>>) target_semaphore(%run_scoped3A_280 : memref<!tpu.dma_semaphore, #tpu.memory_space<semaphore_mem>>)
      %dma_wait3A = arith.constant 0 : i32
      %dma_wait3A_287 = tpu.memref_slice %arg2[%run_scoped3A_172, %dma_wait3A] : memref<8x100000xf32, #tpu.memory_space<hbm>> -> memref<1x100000xf32, #tpu.memory_space<hbm>>
      %dma_wait3A_288 = tpu.memref_squeeze %dma_wait3A_287 : memref<1x100000xf32, #tpu.memory_space<hbm>> -> memref<100000xf32, #tpu.memory_space<hbm>>
      %dma_wait3A_289 = arith.constant 0 : i32
      %dma_wait3A_290 = tpu.memref_slice %arg2[%run_scoped3A_172, %dma_wait3A_289] : memref<8x100000xf32, #tpu.memory_space<hbm>> -> memref<1x100000xf32, #tpu.memory_space<hbm>>
      %dma_wait3A_291 = tpu.memref_squeeze %dma_wait3A_290 : memref<1x100000xf32, #tpu.memory_space<hbm>> -> memref<100000xf32, #tpu.memory_space<hbm>>
      tpu.wait_dma2 semaphore(%run_scoped3A_280 : memref<!tpu.dma_semaphore, #tpu.memory_space<semaphore_mem>>) src(%dma_wait3A_291 : memref<100000xf32, #tpu.memory_space<hbm>>) dst(%arg7 : memref<100000xf32, #tpu.memory_space<vmem>>)
      tpu.yield
    }) : () -> ()
    %add3A_173 = arith.constant 256 : i32
    %add3A_174 = vector.broadcast %add3A_173 : i32 to vector<16xi32>
    %add3A_175 = arith.addi %iota3A, %add3A_174 : vector<16xi32>
    %add3A_176 = arith.constant 0 : i32
    %add3A_177 = arith.addi %mul3A_2, %add3A_176 : i32
    %dma_start3A_178 = tpu.memref_slice %arg3[%add3A_177] : memref<3200000xi32, #tpu.memory_space<hbm>> -> memref<2000xi32, #tpu.memory_space<hbm>>
    %dma_start3A_179 = tpu.memref_slice %arg3[%add3A_177] : memref<3200000xi32, #tpu.memory_space<hbm>> -> memref<2000xi32, #tpu.memory_space<hbm>>
    tpu.enqueue_dma source(%dma_start3A_179 : memref<2000xi32, #tpu.memory_space<hbm>>) target(%arg8 : memref<2000xi32, #tpu.memory_space<vmem>>) target_semaphore(%arg15 : memref<!tpu.dma_semaphore, #tpu.memory_space<semaphore_mem>>)
    %dma_start3A_180 = tpu.memref_slice %arg4[%add3A_177] : memref<3200000xi32, #tpu.memory_space<hbm>> -> memref<2000xi32, #tpu.memory_space<hbm>>
    %dma_start3A_181 = tpu.memref_slice %arg4[%add3A_177] : memref<3200000xi32, #tpu.memory_space<hbm>> -> memref<2000xi32, #tpu.memory_space<hbm>>
    tpu.enqueue_dma source(%dma_start3A_181 : memref<2000xi32, #tpu.memory_space<hbm>>) target(%arg9 : memref<2000xi32, #tpu.memory_space<vmem>>) target_semaphore(%arg15 : memref<!tpu.dma_semaphore, #tpu.memory_space<semaphore_mem>>)
    %dma_start3A_182 = tpu.memref_slice %arg5[%add3A_177] : memref<3200000xf32, #tpu.memory_space<hbm>> -> memref<2000xf32, #tpu.memory_space<hbm>>
    %dma_start3A_183 = tpu.memref_slice %arg5[%add3A_177] : memref<3200000xf32, #tpu.memory_space<hbm>> -> memref<2000xf32, #tpu.memory_space<hbm>>
    tpu.enqueue_dma source(%dma_start3A_183 : memref<2000xf32, #tpu.memory_space<hbm>>) target(%arg10 : memref<2000xf32, #tpu.memory_space<vmem>>) target_semaphore(%arg15 : memref<!tpu.dma_semaphore, #tpu.memory_space<semaphore_mem>>)
    %add3A_184 = arith.constant 2000 : i32
    %add3A_185 = arith.addi %mul3A_2, %add3A_184 : i32
    %dma_start3A_186 = tpu.memref_slice %arg3[%add3A_185] : memref<3200000xi32, #tpu.memory_space<hbm>> -> memref<2000xi32, #tpu.memory_space<hbm>>
    %dma_start3A_187 = tpu.memref_slice %arg3[%add3A_185] : memref<3200000xi32, #tpu.memory_space<hbm>> -> memref<2000xi32, #tpu.memory_space<hbm>>
    tpu.enqueue_dma source(%dma_start3A_187 : memref<2000xi32, #tpu.memory_space<hbm>>) target(%arg11 : memref<2000xi32, #tpu.memory_space<vmem>>) target_semaphore(%arg16 : memref<!tpu.dma_semaphore, #tpu.memory_space<semaphore_mem>>)
    %dma_start3A_188 = tpu.memref_slice %arg4[%add3A_185] : memref<3200000xi32, #tpu.memory_space<hbm>> -> memref<2000xi32, #tpu.memory_space<hbm>>
    %dma_start3A_189 = tpu.memref_slice %arg4[%add3A_185] : memref<3200000xi32, #tpu.memory_space<hbm>> -> memref<2000xi32, #tpu.memory_space<hbm>>
    tpu.enqueue_dma source(%dma_start3A_189 : memref<2000xi32, #tpu.memory_space<hbm>>) target(%arg12 : memref<2000xi32, #tpu.memory_space<vmem>>) target_semaphore(%arg16 : memref<!tpu.dma_semaphore, #tpu.memory_space<semaphore_mem>>)
    %dma_start3A_190 = tpu.memref_slice %arg5[%add3A_185] : memref<3200000xf32, #tpu.memory_space<hbm>> -> memref<2000xf32, #tpu.memory_space<hbm>>
    %dma_start3A_191 = tpu.memref_slice %arg5[%add3A_185] : memref<3200000xf32, #tpu.memory_space<hbm>> -> memref<2000xf32, #tpu.memory_space<hbm>>
    tpu.enqueue_dma source(%dma_start3A_191 : memref<2000xf32, #tpu.memory_space<hbm>>) target(%arg13 : memref<2000xf32, #tpu.memory_space<vmem>>) target_semaphore(%arg16 : memref<!tpu.dma_semaphore, #tpu.memory_space<semaphore_mem>>)
    %scan3A_192 = arith.constant 0 : i32
    %scan3A_193 = arith.constant 0 : i32
    %scan3A_194 = arith.constant 25 : i32
    %scan3A_195 = arith.addi %scan3A_193, %scan3A_194 : i32
    %scan3A_196 = arith.constant 1 : i32
    %scan3A_197 = scf.for %scan3A_280 = %scan3A_193 to %scan3A_195 step %scan3A_196 iter_args(%scan3A_281 = %scan3A_192) -> (i32)  : i32 {
      %mul3A_282 = arith.constant 2 : i32
      %mul3A_283 = arith.muli %mul3A_282, %scan3A_280 : i32
      %mul3A_284 = arith.constant 2000 : i32
      %mul3A_285 = arith.muli %mul3A_283, %mul3A_284 : i32
      %add3A_286 = arith.addi %mul3A_2, %mul3A_285 : i32
      %dma_wait3A = tpu.memref_slice %arg3[%add3A_286] : memref<3200000xi32, #tpu.memory_space<hbm>> -> memref<2000xi32, #tpu.memory_space<hbm>>
      %dma_wait3A_287 = tpu.memref_slice %arg3[%add3A_286] : memref<3200000xi32, #tpu.memory_space<hbm>> -> memref<2000xi32, #tpu.memory_space<hbm>>
      tpu.wait_dma2 semaphore(%arg15 : memref<!tpu.dma_semaphore, #tpu.memory_space<semaphore_mem>>) src(%dma_wait3A_287 : memref<2000xi32, #tpu.memory_space<hbm>>) dst(%arg8 : memref<2000xi32, #tpu.memory_space<vmem>>)
      %dma_wait3A_288 = tpu.memref_slice %arg4[%add3A_286] : memref<3200000xi32, #tpu.memory_space<hbm>> -> memref<2000xi32, #tpu.memory_space<hbm>>
      %dma_wait3A_289 = tpu.memref_slice %arg4[%add3A_286] : memref<3200000xi32, #tpu.memory_space<hbm>> -> memref<2000xi32, #tpu.memory_space<hbm>>
      tpu.wait_dma2 semaphore(%arg15 : memref<!tpu.dma_semaphore, #tpu.memory_space<semaphore_mem>>) src(%dma_wait3A_289 : memref<2000xi32, #tpu.memory_space<hbm>>) dst(%arg9 : memref<2000xi32, #tpu.memory_space<vmem>>)
      %dma_wait3A_290 = tpu.memref_slice %arg5[%add3A_286] : memref<3200000xf32, #tpu.memory_space<hbm>> -> memref<2000xf32, #tpu.memory_space<hbm>>
      %dma_wait3A_291 = tpu.memref_slice %arg5[%add3A_286] : memref<3200000xf32, #tpu.memory_space<hbm>> -> memref<2000xf32, #tpu.memory_space<hbm>>
      tpu.wait_dma2 semaphore(%arg15 : memref<!tpu.dma_semaphore, #tpu.memory_space<semaphore_mem>>) src(%dma_wait3A_291 : memref<2000xf32, #tpu.memory_space<hbm>>) dst(%arg10 : memref<2000xf32, #tpu.memory_space<vmem>>)
      %parallel_loop3A = arith.constant 0 : i32
      %parallel_loop3A_292 = arith.constant 125 : i32
      %parallel_loop3A_293 = arith.constant 1 : i32
      scf.for %parallel_loop3A_320 = %parallel_loop3A to %parallel_loop3A_292 step %parallel_loop3A_293  : i32 {
        %parallel_loop3A_321 = arith.constant 16 : i32
        %parallel_loop3A_322 = arith.muli %parallel_loop3A_320, %parallel_loop3A_321 : i32
        %parallel_loop3A_323 = arith.index_cast %parallel_loop3A_322 : i32 to index
        %parallel_loop3A_324 = tpu.vector_load %arg8[%parallel_loop3A_323] {strides = array<i32>} : memref<2000xi32, #tpu.memory_space<vmem>>, vector<16xi32>,
        %parallel_loop3A_325 = arith.index_cast %parallel_loop3A_322 : i32 to index
        %parallel_loop3A_326 = tpu.vector_load %arg9[%parallel_loop3A_325] {strides = array<i32>} : memref<2000xi32, #tpu.memory_space<vmem>>, vector<16xi32>,
        %parallel_loop3A_327 = arith.index_cast %parallel_loop3A_322 : i32 to index
        %parallel_loop3A_328 = tpu.vector_load %arg10[%parallel_loop3A_327] {strides = array<i32>} : memref<2000xf32, #tpu.memory_space<vmem>>, vector<16xf32>,
        %parallel_loop3A_329 = tpu.vector_load_idx %arg7[%parallel_loop3A_324] : memref<100000xf32, #tpu.memory_space<vmem>>[vector<16xi32>], vector<16xf32>,
        %parallel_loop3A_330 = tpu.vector_load_idx %arg7[%parallel_loop3A_326] : memref<100000xf32, #tpu.memory_space<vmem>>[vector<16xi32>], vector<16xf32>,
        %parallel_loop3A_331 = arith.mulf %parallel_loop3A_328, %parallel_loop3A_329 : vector<16xf32>
        %parallel_loop3A_332 = arith.mulf %parallel_loop3A_331, %parallel_loop3A_330 : vector<16xf32>
        %parallel_loop3A_333 = arith.sitofp %parallel_loop3A_324 : vector<16xi32> to vector<16xf32>
        %parallel_loop3A_334 = arith.constant 5.000000e-01 : f32
        %parallel_loop3A_335 = vector.broadcast %parallel_loop3A_334 : f32 to vector<16xf32>
        %parallel_loop3A_336 = arith.addf %parallel_loop3A_333, %parallel_loop3A_335 : vector<16xf32>
        %parallel_loop3A_337 = arith.constant 4.000000e-05 : f32
        %parallel_loop3A_338 = vector.broadcast %parallel_loop3A_337 : f32 to vector<16xf32>
        %parallel_loop3A_339 = arith.mulf %parallel_loop3A_336, %parallel_loop3A_338 : vector<16xf32>
        %parallel_loop3A_340 = arith.fptosi %parallel_loop3A_339 : vector<16xf32> to vector<16xi32>
        %parallel_loop3A_341 = arith.constant 4 : i32
        %parallel_loop3A_342 = vector.broadcast %parallel_loop3A_341 : i32 to vector<16xi32>
        %parallel_loop3A_343 = arith.shli %parallel_loop3A_340, %parallel_loop3A_342 : vector<16xi32>
        %parallel_loop3A_344 = arith.addi %add3A_175, %parallel_loop3A_343 : vector<16xi32>
        tpu.vector_store_idx %arg14[%parallel_loop3A_344], %parallel_loop3A_332 {add = true} : memref<512xf32, #tpu.memory_space<vmem>>[vector<16xi32>], vector<16xf32>,
      } {sc.loop_unroll_factor = 8 : i64, sc.parallel_access}
      %add3A_294 = arith.constant 2 : i32
      %add3A_295 = arith.addi %mul3A_283, %add3A_294 : i32
      %lt3A = arith.constant 50 : i32
      %lt3A_296 = arith.cmpi slt, %add3A_295, %lt3A : i32
      %convert_element_type3A = arith.extui %lt3A_296 : i1 to i32
      %cond3A = arith.constant 0 : i32
      %cond3A_297 = arith.cmpi ne, %convert_element_type3A, %cond3A : i32
      scf.if %cond3A_297 {
        %add3A_320 = arith.constant 2 : i32
        %add3A_321 = arith.addi %mul3A_283, %add3A_320 : i32
        %mul3A_322 = arith.constant 2000 : i32
        %mul3A_323 = arith.muli %add3A_321, %mul3A_322 : i32
        %add3A_324 = arith.addi %mul3A_2, %mul3A_323 : i32
        %dma_start3A_325 = tpu.memref_slice %arg3[%add3A_324] : memref<3200000xi32, #tpu.memory_space<hbm>> -> memref<2000xi32, #tpu.memory_space<hbm>>
        %dma_start3A_326 = tpu.memref_slice %arg3[%add3A_324] : memref<3200000xi32, #tpu.memory_space<hbm>> -> memref<2000xi32, #tpu.memory_space<hbm>>
        tpu.enqueue_dma source(%dma_start3A_326 : memref<2000xi32, #tpu.memory_space<hbm>>) target(%arg8 : memref<2000xi32, #tpu.memory_space<vmem>>) target_semaphore(%arg15 : memref<!tpu.dma_semaphore, #tpu.memory_space<semaphore_mem>>)
        %dma_start3A_327 = tpu.memref_slice %arg4[%add3A_324] : memref<3200000xi32, #tpu.memory_space<hbm>> -> memref<2000xi32, #tpu.memory_space<hbm>>
        %dma_start3A_328 = tpu.memref_slice %arg4[%add3A_324] : memref<3200000xi32, #tpu.memory_space<hbm>> -> memref<2000xi32, #tpu.memory_space<hbm>>
        tpu.enqueue_dma source(%dma_start3A_328 : memref<2000xi32, #tpu.memory_space<hbm>>) target(%arg9 : memref<2000xi32, #tpu.memory_space<vmem>>) target_semaphore(%arg15 : memref<!tpu.dma_semaphore, #tpu.memory_space<semaphore_mem>>)
        %dma_start3A_329 = tpu.memref_slice %arg5[%add3A_324] : memref<3200000xf32, #tpu.memory_space<hbm>> -> memref<2000xf32, #tpu.memory_space<hbm>>
        %dma_start3A_330 = tpu.memref_slice %arg5[%add3A_324] : memref<3200000xf32, #tpu.memory_space<hbm>> -> memref<2000xf32, #tpu.memory_space<hbm>>
        tpu.enqueue_dma source(%dma_start3A_330 : memref<2000xf32, #tpu.memory_space<hbm>>) target(%arg10 : memref<2000xf32, #tpu.memory_space<vmem>>) target_semaphore(%arg15 : memref<!tpu.dma_semaphore, #tpu.memory_space<semaphore_mem>>)
      } else {
      }
      %add3A_298 = arith.constant 1 : i32
      %add3A_299 = arith.addi %mul3A_283, %add3A_298 : i32
      %mul3A_300 = arith.constant 2000 : i32
      %mul3A_301 = arith.muli %add3A_299, %mul3A_300 : i32
      %add3A_302 = arith.addi %mul3A_2, %mul3A_301 : i32
      %dma_wait3A_303 = tpu.memref_slice %arg3[%add3A_302] : memref<3200000xi32, #tpu.memory_space<hbm>> -> memref<2000xi32, #tpu.memory_space<hbm>>
      %dma_wait3A_304 = tpu.memref_slice %arg3[%add3A_302] : memref<3200000xi32, #tpu.memory_space<hbm>> -> memref<2000xi32, #tpu.memory_space<hbm>>
      tpu.wait_dma2 semaphore(%arg16 : memref<!tpu.dma_semaphore, #tpu.memory_space<semaphore_mem>>) src(%dma_wait3A_304 : memref<2000xi32, #tpu.memory_space<hbm>>) dst(%arg11 : memref<2000xi32, #tpu.memory_space<vmem>>)
      %dma_wait3A_305 = tpu.memref_slice %arg4[%add3A_302] : memref<3200000xi32, #tpu.memory_space<hbm>> -> memref<2000xi32, #tpu.memory_space<hbm>>
      %dma_wait3A_306 = tpu.memref_slice %arg4[%add3A_302] : memref<3200000xi32, #tpu.memory_space<hbm>> -> memref<2000xi32, #tpu.memory_space<hbm>>
      tpu.wait_dma2 semaphore(%arg16 : memref<!tpu.dma_semaphore, #tpu.memory_space<semaphore_mem>>) src(%dma_wait3A_306 : memref<2000xi32, #tpu.memory_space<hbm>>) dst(%arg12 : memref<2000xi32, #tpu.memory_space<vmem>>)
      %dma_wait3A_307 = tpu.memref_slice %arg5[%add3A_302] : memref<3200000xf32, #tpu.memory_space<hbm>> -> memref<2000xf32, #tpu.memory_space<hbm>>
      %dma_wait3A_308 = tpu.memref_slice %arg5[%add3A_302] : memref<3200000xf32, #tpu.memory_space<hbm>> -> memref<2000xf32, #tpu.memory_space<hbm>>
      tpu.wait_dma2 semaphore(%arg16 : memref<!tpu.dma_semaphore, #tpu.memory_space<semaphore_mem>>) src(%dma_wait3A_308 : memref<2000xf32, #tpu.memory_space<hbm>>) dst(%arg13 : memref<2000xf32, #tpu.memory_space<vmem>>)
      %parallel_loop3A_309 = arith.constant 0 : i32
      %parallel_loop3A_310 = arith.constant 125 : i32
      %parallel_loop3A_311 = arith.constant 1 : i32
      scf.for %parallel_loop3A_320 = %parallel_loop3A_309 to %parallel_loop3A_310 step %parallel_loop3A_311  : i32 {
        %parallel_loop3A_321 = arith.constant 16 : i32
        %parallel_loop3A_322 = arith.muli %parallel_loop3A_320, %parallel_loop3A_321 : i32
        %parallel_loop3A_323 = arith.index_cast %parallel_loop3A_322 : i32 to index
        %parallel_loop3A_324 = tpu.vector_load %arg11[%parallel_loop3A_323] {strides = array<i32>} : memref<2000xi32, #tpu.memory_space<vmem>>, vector<16xi32>,
        %parallel_loop3A_325 = arith.index_cast %parallel_loop3A_322 : i32 to index
        %parallel_loop3A_326 = tpu.vector_load %arg12[%parallel_loop3A_325] {strides = array<i32>} : memref<2000xi32, #tpu.memory_space<vmem>>, vector<16xi32>,
        %parallel_loop3A_327 = arith.index_cast %parallel_loop3A_322 : i32 to index
        %parallel_loop3A_328 = tpu.vector_load %arg13[%parallel_loop3A_327] {strides = array<i32>} : memref<2000xf32, #tpu.memory_space<vmem>>, vector<16xf32>,
        %parallel_loop3A_329 = tpu.vector_load_idx %arg7[%parallel_loop3A_324] : memref<100000xf32, #tpu.memory_space<vmem>>[vector<16xi32>], vector<16xf32>,
        %parallel_loop3A_330 = tpu.vector_load_idx %arg7[%parallel_loop3A_326] : memref<100000xf32, #tpu.memory_space<vmem>>[vector<16xi32>], vector<16xf32>,
        %parallel_loop3A_331 = arith.mulf %parallel_loop3A_328, %parallel_loop3A_329 : vector<16xf32>
        %parallel_loop3A_332 = arith.mulf %parallel_loop3A_331, %parallel_loop3A_330 : vector<16xf32>
        %parallel_loop3A_333 = arith.sitofp %parallel_loop3A_324 : vector<16xi32> to vector<16xf32>
        %parallel_loop3A_334 = arith.constant 5.000000e-01 : f32
        %parallel_loop3A_335 = vector.broadcast %parallel_loop3A_334 : f32 to vector<16xf32>
        %parallel_loop3A_336 = arith.addf %parallel_loop3A_333, %parallel_loop3A_335 : vector<16xf32>
        %parallel_loop3A_337 = arith.constant 4.000000e-05 : f32
        %parallel_loop3A_338 = vector.broadcast %parallel_loop3A_337 : f32 to vector<16xf32>
        %parallel_loop3A_339 = arith.mulf %parallel_loop3A_336, %parallel_loop3A_338 : vector<16xf32>
        %parallel_loop3A_340 = arith.fptosi %parallel_loop3A_339 : vector<16xf32> to vector<16xi32>
        %parallel_loop3A_341 = arith.constant 4 : i32
        %parallel_loop3A_342 = vector.broadcast %parallel_loop3A_341 : i32 to vector<16xi32>
        %parallel_loop3A_343 = arith.shli %parallel_loop3A_340, %parallel_loop3A_342 : vector<16xi32>
        %parallel_loop3A_344 = arith.addi %add3A_175, %parallel_loop3A_343 : vector<16xi32>
        tpu.vector_store_idx %arg14[%parallel_loop3A_344], %parallel_loop3A_332 {add = true} : memref<512xf32, #tpu.memory_space<vmem>>[vector<16xi32>], vector<16xf32>,
      } {sc.loop_unroll_factor = 8 : i64, sc.parallel_access}
      %add3A_312 = arith.constant 3 : i32
      %add3A_313 = arith.addi %mul3A_283, %add3A_312 : i32
      %lt3A_314 = arith.constant 50 : i32
      %lt3A_315 = arith.cmpi slt, %add3A_313, %lt3A_314 : i32
      %convert_element_type3A_316 = arith.extui %lt3A_315 : i1 to i32
      %cond3A_317 = arith.constant 0 : i32
      %cond3A_318 = arith.cmpi ne, %convert_element_type3A_316, %cond3A_317 : i32
      scf.if %cond3A_318 {
        %add3A_320 = arith.constant 3 : i32
        %add3A_321 = arith.addi %mul3A_283, %add3A_320 : i32
        %mul3A_322 = arith.constant 2000 : i32
        %mul3A_323 = arith.muli %add3A_321, %mul3A_322 : i32
        %add3A_324 = arith.addi %mul3A_2, %mul3A_323 : i32
        %dma_start3A_325 = tpu.memref_slice %arg3[%add3A_324] : memref<3200000xi32, #tpu.memory_space<hbm>> -> memref<2000xi32, #tpu.memory_space<hbm>>
        %dma_start3A_326 = tpu.memref_slice %arg3[%add3A_324] : memref<3200000xi32, #tpu.memory_space<hbm>> -> memref<2000xi32, #tpu.memory_space<hbm>>
        tpu.enqueue_dma source(%dma_start3A_326 : memref<2000xi32, #tpu.memory_space<hbm>>) target(%arg11 : memref<2000xi32, #tpu.memory_space<vmem>>) target_semaphore(%arg16 : memref<!tpu.dma_semaphore, #tpu.memory_space<semaphore_mem>>)
        %dma_start3A_327 = tpu.memref_slice %arg4[%add3A_324] : memref<3200000xi32, #tpu.memory_space<hbm>> -> memref<2000xi32, #tpu.memory_space<hbm>>
        %dma_start3A_328 = tpu.memref_slice %arg4[%add3A_324] : memref<3200000xi32, #tpu.memory_space<hbm>> -> memref<2000xi32, #tpu.memory_space<hbm>>
        tpu.enqueue_dma source(%dma_start3A_328 : memref<2000xi32, #tpu.memory_space<hbm>>) target(%arg12 : memref<2000xi32, #tpu.memory_space<vmem>>) target_semaphore(%arg16 : memref<!tpu.dma_semaphore, #tpu.memory_space<semaphore_mem>>)
        %dma_start3A_329 = tpu.memref_slice %arg5[%add3A_324] : memref<3200000xf32, #tpu.memory_space<hbm>> -> memref<2000xf32, #tpu.memory_space<hbm>>
        %dma_start3A_330 = tpu.memref_slice %arg5[%add3A_324] : memref<3200000xf32, #tpu.memory_space<hbm>> -> memref<2000xf32, #tpu.memory_space<hbm>>
        tpu.enqueue_dma source(%dma_start3A_330 : memref<2000xf32, #tpu.memory_space<hbm>>) target(%arg13 : memref<2000xf32, #tpu.memory_space<vmem>>) target_semaphore(%arg16 : memref<!tpu.dma_semaphore, #tpu.memory_space<semaphore_mem>>)
      } else {
      }
      %scan3A_319 = arith.constant 0 : i32
      scf.yield %scan3A_319 : i32
    }
    %scan3A_198 = arith.constant 25 : i32
    %run_scoped3A_199 = arith.constant 5 : i32
    "tpu.region"() ({
      %run_scoped3A_280 = tpu.sem_alloc : memref<!tpu.dma_semaphore, #tpu.memory_space<semaphore_mem>>
      %dma_start3A_281 = arith.constant 0 : i32
      %dma_start3A_282 = tpu.memref_slice %arg2[%run_scoped3A_199, %dma_start3A_281] : memref<8x100000xf32, #tpu.memory_space<hbm>> -> memref<1x100000xf32, #tpu.memory_space<hbm>>
      %dma_start3A_283 = tpu.memref_squeeze %dma_start3A_282 : memref<1x100000xf32, #tpu.memory_space<hbm>> -> memref<100000xf32, #tpu.memory_space<hbm>>
      %dma_start3A_284 = arith.constant 0 : i32
      %dma_start3A_285 = tpu.memref_slice %arg2[%run_scoped3A_199, %dma_start3A_284] : memref<8x100000xf32, #tpu.memory_space<hbm>> -> memref<1x100000xf32, #tpu.memory_space<hbm>>
      %dma_start3A_286 = tpu.memref_squeeze %dma_start3A_285 : memref<1x100000xf32, #tpu.memory_space<hbm>> -> memref<100000xf32, #tpu.memory_space<hbm>>
      tpu.enqueue_dma source(%dma_start3A_286 : memref<100000xf32, #tpu.memory_space<hbm>>) target(%arg7 : memref<100000xf32, #tpu.memory_space<vmem>>) target_semaphore(%run_scoped3A_280 : memref<!tpu.dma_semaphore, #tpu.memory_space<semaphore_mem>>)
      %dma_wait3A = arith.constant 0 : i32
      %dma_wait3A_287 = tpu.memref_slice %arg2[%run_scoped3A_199, %dma_wait3A] : memref<8x100000xf32, #tpu.memory_space<hbm>> -> memref<1x100000xf32, #tpu.memory_space<hbm>>
      %dma_wait3A_288 = tpu.memref_squeeze %dma_wait3A_287 : memref<1x100000xf32, #tpu.memory_space<hbm>> -> memref<100000xf32, #tpu.memory_space<hbm>>
      %dma_wait3A_289 = arith.constant 0 : i32
      %dma_wait3A_290 = tpu.memref_slice %arg2[%run_scoped3A_199, %dma_wait3A_289] : memref<8x100000xf32, #tpu.memory_space<hbm>> -> memref<1x100000xf32, #tpu.memory_space<hbm>>
      %dma_wait3A_291 = tpu.memref_squeeze %dma_wait3A_290 : memref<1x100000xf32, #tpu.memory_space<hbm>> -> memref<100000xf32, #tpu.memory_space<hbm>>
      tpu.wait_dma2 semaphore(%run_scoped3A_280 : memref<!tpu.dma_semaphore, #tpu.memory_space<semaphore_mem>>) src(%dma_wait3A_291 : memref<100000xf32, #tpu.memory_space<hbm>>) dst(%arg7 : memref<100000xf32, #tpu.memory_space<vmem>>)
      tpu.yield
    }) : () -> ()
    %add3A_200 = arith.constant 320 : i32
    %add3A_201 = vector.broadcast %add3A_200 : i32 to vector<16xi32>
    %add3A_202 = arith.addi %iota3A, %add3A_201 : vector<16xi32>
    %add3A_203 = arith.constant 0 : i32
    %add3A_204 = arith.addi %mul3A_2, %add3A_203 : i32
    %dma_start3A_205 = tpu.memref_slice %arg3[%add3A_204] : memref<3200000xi32, #tpu.memory_space<hbm>> -> memref<2000xi32, #tpu.memory_space<hbm>>
    %dma_start3A_206 = tpu.memref_slice %arg3[%add3A_204] : memref<3200000xi32, #tpu.memory_space<hbm>> -> memref<2000xi32, #tpu.memory_space<hbm>>
    tpu.enqueue_dma source(%dma_start3A_206 : memref<2000xi32, #tpu.memory_space<hbm>>) target(%arg8 : memref<2000xi32, #tpu.memory_space<vmem>>) target_semaphore(%arg15 : memref<!tpu.dma_semaphore, #tpu.memory_space<semaphore_mem>>)
    %dma_start3A_207 = tpu.memref_slice %arg4[%add3A_204] : memref<3200000xi32, #tpu.memory_space<hbm>> -> memref<2000xi32, #tpu.memory_space<hbm>>
    %dma_start3A_208 = tpu.memref_slice %arg4[%add3A_204] : memref<3200000xi32, #tpu.memory_space<hbm>> -> memref<2000xi32, #tpu.memory_space<hbm>>
    tpu.enqueue_dma source(%dma_start3A_208 : memref<2000xi32, #tpu.memory_space<hbm>>) target(%arg9 : memref<2000xi32, #tpu.memory_space<vmem>>) target_semaphore(%arg15 : memref<!tpu.dma_semaphore, #tpu.memory_space<semaphore_mem>>)
    %dma_start3A_209 = tpu.memref_slice %arg5[%add3A_204] : memref<3200000xf32, #tpu.memory_space<hbm>> -> memref<2000xf32, #tpu.memory_space<hbm>>
    %dma_start3A_210 = tpu.memref_slice %arg5[%add3A_204] : memref<3200000xf32, #tpu.memory_space<hbm>> -> memref<2000xf32, #tpu.memory_space<hbm>>
    tpu.enqueue_dma source(%dma_start3A_210 : memref<2000xf32, #tpu.memory_space<hbm>>) target(%arg10 : memref<2000xf32, #tpu.memory_space<vmem>>) target_semaphore(%arg15 : memref<!tpu.dma_semaphore, #tpu.memory_space<semaphore_mem>>)
    %add3A_211 = arith.constant 2000 : i32
    %add3A_212 = arith.addi %mul3A_2, %add3A_211 : i32
    %dma_start3A_213 = tpu.memref_slice %arg3[%add3A_212] : memref<3200000xi32, #tpu.memory_space<hbm>> -> memref<2000xi32, #tpu.memory_space<hbm>>
    %dma_start3A_214 = tpu.memref_slice %arg3[%add3A_212] : memref<3200000xi32, #tpu.memory_space<hbm>> -> memref<2000xi32, #tpu.memory_space<hbm>>
    tpu.enqueue_dma source(%dma_start3A_214 : memref<2000xi32, #tpu.memory_space<hbm>>) target(%arg11 : memref<2000xi32, #tpu.memory_space<vmem>>) target_semaphore(%arg16 : memref<!tpu.dma_semaphore, #tpu.memory_space<semaphore_mem>>)
    %dma_start3A_215 = tpu.memref_slice %arg4[%add3A_212] : memref<3200000xi32, #tpu.memory_space<hbm>> -> memref<2000xi32, #tpu.memory_space<hbm>>
    %dma_start3A_216 = tpu.memref_slice %arg4[%add3A_212] : memref<3200000xi32, #tpu.memory_space<hbm>> -> memref<2000xi32, #tpu.memory_space<hbm>>
    tpu.enqueue_dma source(%dma_start3A_216 : memref<2000xi32, #tpu.memory_space<hbm>>) target(%arg12 : memref<2000xi32, #tpu.memory_space<vmem>>) target_semaphore(%arg16 : memref<!tpu.dma_semaphore, #tpu.memory_space<semaphore_mem>>)
    %dma_start3A_217 = tpu.memref_slice %arg5[%add3A_212] : memref<3200000xf32, #tpu.memory_space<hbm>> -> memref<2000xf32, #tpu.memory_space<hbm>>
    %dma_start3A_218 = tpu.memref_slice %arg5[%add3A_212] : memref<3200000xf32, #tpu.memory_space<hbm>> -> memref<2000xf32, #tpu.memory_space<hbm>>
    tpu.enqueue_dma source(%dma_start3A_218 : memref<2000xf32, #tpu.memory_space<hbm>>) target(%arg13 : memref<2000xf32, #tpu.memory_space<vmem>>) target_semaphore(%arg16 : memref<!tpu.dma_semaphore, #tpu.memory_space<semaphore_mem>>)
    %scan3A_219 = arith.constant 0 : i32
    %scan3A_220 = arith.constant 0 : i32
    %scan3A_221 = arith.constant 25 : i32
    %scan3A_222 = arith.addi %scan3A_220, %scan3A_221 : i32
    %scan3A_223 = arith.constant 1 : i32
    %scan3A_224 = scf.for %scan3A_280 = %scan3A_220 to %scan3A_222 step %scan3A_223 iter_args(%scan3A_281 = %scan3A_219) -> (i32)  : i32 {
      %mul3A_282 = arith.constant 2 : i32
      %mul3A_283 = arith.muli %mul3A_282, %scan3A_280 : i32
      %mul3A_284 = arith.constant 2000 : i32
      %mul3A_285 = arith.muli %mul3A_283, %mul3A_284 : i32
      %add3A_286 = arith.addi %mul3A_2, %mul3A_285 : i32
      %dma_wait3A = tpu.memref_slice %arg3[%add3A_286] : memref<3200000xi32, #tpu.memory_space<hbm>> -> memref<2000xi32, #tpu.memory_space<hbm>>
      %dma_wait3A_287 = tpu.memref_slice %arg3[%add3A_286] : memref<3200000xi32, #tpu.memory_space<hbm>> -> memref<2000xi32, #tpu.memory_space<hbm>>
      tpu.wait_dma2 semaphore(%arg15 : memref<!tpu.dma_semaphore, #tpu.memory_space<semaphore_mem>>) src(%dma_wait3A_287 : memref<2000xi32, #tpu.memory_space<hbm>>) dst(%arg8 : memref<2000xi32, #tpu.memory_space<vmem>>)
      %dma_wait3A_288 = tpu.memref_slice %arg4[%add3A_286] : memref<3200000xi32, #tpu.memory_space<hbm>> -> memref<2000xi32, #tpu.memory_space<hbm>>
      %dma_wait3A_289 = tpu.memref_slice %arg4[%add3A_286] : memref<3200000xi32, #tpu.memory_space<hbm>> -> memref<2000xi32, #tpu.memory_space<hbm>>
      tpu.wait_dma2 semaphore(%arg15 : memref<!tpu.dma_semaphore, #tpu.memory_space<semaphore_mem>>) src(%dma_wait3A_289 : memref<2000xi32, #tpu.memory_space<hbm>>) dst(%arg9 : memref<2000xi32, #tpu.memory_space<vmem>>)
      %dma_wait3A_290 = tpu.memref_slice %arg5[%add3A_286] : memref<3200000xf32, #tpu.memory_space<hbm>> -> memref<2000xf32, #tpu.memory_space<hbm>>
      %dma_wait3A_291 = tpu.memref_slice %arg5[%add3A_286] : memref<3200000xf32, #tpu.memory_space<hbm>> -> memref<2000xf32, #tpu.memory_space<hbm>>
      tpu.wait_dma2 semaphore(%arg15 : memref<!tpu.dma_semaphore, #tpu.memory_space<semaphore_mem>>) src(%dma_wait3A_291 : memref<2000xf32, #tpu.memory_space<hbm>>) dst(%arg10 : memref<2000xf32, #tpu.memory_space<vmem>>)
      %parallel_loop3A = arith.constant 0 : i32
      %parallel_loop3A_292 = arith.constant 125 : i32
      %parallel_loop3A_293 = arith.constant 1 : i32
      scf.for %parallel_loop3A_320 = %parallel_loop3A to %parallel_loop3A_292 step %parallel_loop3A_293  : i32 {
        %parallel_loop3A_321 = arith.constant 16 : i32
        %parallel_loop3A_322 = arith.muli %parallel_loop3A_320, %parallel_loop3A_321 : i32
        %parallel_loop3A_323 = arith.index_cast %parallel_loop3A_322 : i32 to index
        %parallel_loop3A_324 = tpu.vector_load %arg8[%parallel_loop3A_323] {strides = array<i32>} : memref<2000xi32, #tpu.memory_space<vmem>>, vector<16xi32>,
        %parallel_loop3A_325 = arith.index_cast %parallel_loop3A_322 : i32 to index
        %parallel_loop3A_326 = tpu.vector_load %arg9[%parallel_loop3A_325] {strides = array<i32>} : memref<2000xi32, #tpu.memory_space<vmem>>, vector<16xi32>,
        %parallel_loop3A_327 = arith.index_cast %parallel_loop3A_322 : i32 to index
        %parallel_loop3A_328 = tpu.vector_load %arg10[%parallel_loop3A_327] {strides = array<i32>} : memref<2000xf32, #tpu.memory_space<vmem>>, vector<16xf32>,
        %parallel_loop3A_329 = tpu.vector_load_idx %arg7[%parallel_loop3A_324] : memref<100000xf32, #tpu.memory_space<vmem>>[vector<16xi32>], vector<16xf32>,
        %parallel_loop3A_330 = tpu.vector_load_idx %arg7[%parallel_loop3A_326] : memref<100000xf32, #tpu.memory_space<vmem>>[vector<16xi32>], vector<16xf32>,
        %parallel_loop3A_331 = arith.mulf %parallel_loop3A_328, %parallel_loop3A_329 : vector<16xf32>
        %parallel_loop3A_332 = arith.mulf %parallel_loop3A_331, %parallel_loop3A_330 : vector<16xf32>
        %parallel_loop3A_333 = arith.sitofp %parallel_loop3A_324 : vector<16xi32> to vector<16xf32>
        %parallel_loop3A_334 = arith.constant 5.000000e-01 : f32
        %parallel_loop3A_335 = vector.broadcast %parallel_loop3A_334 : f32 to vector<16xf32>
        %parallel_loop3A_336 = arith.addf %parallel_loop3A_333, %parallel_loop3A_335 : vector<16xf32>
        %parallel_loop3A_337 = arith.constant 4.000000e-05 : f32
        %parallel_loop3A_338 = vector.broadcast %parallel_loop3A_337 : f32 to vector<16xf32>
        %parallel_loop3A_339 = arith.mulf %parallel_loop3A_336, %parallel_loop3A_338 : vector<16xf32>
        %parallel_loop3A_340 = arith.fptosi %parallel_loop3A_339 : vector<16xf32> to vector<16xi32>
        %parallel_loop3A_341 = arith.constant 4 : i32
        %parallel_loop3A_342 = vector.broadcast %parallel_loop3A_341 : i32 to vector<16xi32>
        %parallel_loop3A_343 = arith.shli %parallel_loop3A_340, %parallel_loop3A_342 : vector<16xi32>
        %parallel_loop3A_344 = arith.addi %add3A_202, %parallel_loop3A_343 : vector<16xi32>
        tpu.vector_store_idx %arg14[%parallel_loop3A_344], %parallel_loop3A_332 {add = true} : memref<512xf32, #tpu.memory_space<vmem>>[vector<16xi32>], vector<16xf32>,
      } {sc.loop_unroll_factor = 8 : i64, sc.parallel_access}
      %add3A_294 = arith.constant 2 : i32
      %add3A_295 = arith.addi %mul3A_283, %add3A_294 : i32
      %lt3A = arith.constant 50 : i32
      %lt3A_296 = arith.cmpi slt, %add3A_295, %lt3A : i32
      %convert_element_type3A = arith.extui %lt3A_296 : i1 to i32
      %cond3A = arith.constant 0 : i32
      %cond3A_297 = arith.cmpi ne, %convert_element_type3A, %cond3A : i32
      scf.if %cond3A_297 {
        %add3A_320 = arith.constant 2 : i32
        %add3A_321 = arith.addi %mul3A_283, %add3A_320 : i32
        %mul3A_322 = arith.constant 2000 : i32
        %mul3A_323 = arith.muli %add3A_321, %mul3A_322 : i32
        %add3A_324 = arith.addi %mul3A_2, %mul3A_323 : i32
        %dma_start3A_325 = tpu.memref_slice %arg3[%add3A_324] : memref<3200000xi32, #tpu.memory_space<hbm>> -> memref<2000xi32, #tpu.memory_space<hbm>>
        %dma_start3A_326 = tpu.memref_slice %arg3[%add3A_324] : memref<3200000xi32, #tpu.memory_space<hbm>> -> memref<2000xi32, #tpu.memory_space<hbm>>
        tpu.enqueue_dma source(%dma_start3A_326 : memref<2000xi32, #tpu.memory_space<hbm>>) target(%arg8 : memref<2000xi32, #tpu.memory_space<vmem>>) target_semaphore(%arg15 : memref<!tpu.dma_semaphore, #tpu.memory_space<semaphore_mem>>)
        %dma_start3A_327 = tpu.memref_slice %arg4[%add3A_324] : memref<3200000xi32, #tpu.memory_space<hbm>> -> memref<2000xi32, #tpu.memory_space<hbm>>
        %dma_start3A_328 = tpu.memref_slice %arg4[%add3A_324] : memref<3200000xi32, #tpu.memory_space<hbm>> -> memref<2000xi32, #tpu.memory_space<hbm>>
        tpu.enqueue_dma source(%dma_start3A_328 : memref<2000xi32, #tpu.memory_space<hbm>>) target(%arg9 : memref<2000xi32, #tpu.memory_space<vmem>>) target_semaphore(%arg15 : memref<!tpu.dma_semaphore, #tpu.memory_space<semaphore_mem>>)
        %dma_start3A_329 = tpu.memref_slice %arg5[%add3A_324] : memref<3200000xf32, #tpu.memory_space<hbm>> -> memref<2000xf32, #tpu.memory_space<hbm>>
        %dma_start3A_330 = tpu.memref_slice %arg5[%add3A_324] : memref<3200000xf32, #tpu.memory_space<hbm>> -> memref<2000xf32, #tpu.memory_space<hbm>>
        tpu.enqueue_dma source(%dma_start3A_330 : memref<2000xf32, #tpu.memory_space<hbm>>) target(%arg10 : memref<2000xf32, #tpu.memory_space<vmem>>) target_semaphore(%arg15 : memref<!tpu.dma_semaphore, #tpu.memory_space<semaphore_mem>>)
      } else {
      }
      %add3A_298 = arith.constant 1 : i32
      %add3A_299 = arith.addi %mul3A_283, %add3A_298 : i32
      %mul3A_300 = arith.constant 2000 : i32
      %mul3A_301 = arith.muli %add3A_299, %mul3A_300 : i32
      %add3A_302 = arith.addi %mul3A_2, %mul3A_301 : i32
      %dma_wait3A_303 = tpu.memref_slice %arg3[%add3A_302] : memref<3200000xi32, #tpu.memory_space<hbm>> -> memref<2000xi32, #tpu.memory_space<hbm>>
      %dma_wait3A_304 = tpu.memref_slice %arg3[%add3A_302] : memref<3200000xi32, #tpu.memory_space<hbm>> -> memref<2000xi32, #tpu.memory_space<hbm>>
      tpu.wait_dma2 semaphore(%arg16 : memref<!tpu.dma_semaphore, #tpu.memory_space<semaphore_mem>>) src(%dma_wait3A_304 : memref<2000xi32, #tpu.memory_space<hbm>>) dst(%arg11 : memref<2000xi32, #tpu.memory_space<vmem>>)
      %dma_wait3A_305 = tpu.memref_slice %arg4[%add3A_302] : memref<3200000xi32, #tpu.memory_space<hbm>> -> memref<2000xi32, #tpu.memory_space<hbm>>
      %dma_wait3A_306 = tpu.memref_slice %arg4[%add3A_302] : memref<3200000xi32, #tpu.memory_space<hbm>> -> memref<2000xi32, #tpu.memory_space<hbm>>
      tpu.wait_dma2 semaphore(%arg16 : memref<!tpu.dma_semaphore, #tpu.memory_space<semaphore_mem>>) src(%dma_wait3A_306 : memref<2000xi32, #tpu.memory_space<hbm>>) dst(%arg12 : memref<2000xi32, #tpu.memory_space<vmem>>)
      %dma_wait3A_307 = tpu.memref_slice %arg5[%add3A_302] : memref<3200000xf32, #tpu.memory_space<hbm>> -> memref<2000xf32, #tpu.memory_space<hbm>>
      %dma_wait3A_308 = tpu.memref_slice %arg5[%add3A_302] : memref<3200000xf32, #tpu.memory_space<hbm>> -> memref<2000xf32, #tpu.memory_space<hbm>>
      tpu.wait_dma2 semaphore(%arg16 : memref<!tpu.dma_semaphore, #tpu.memory_space<semaphore_mem>>) src(%dma_wait3A_308 : memref<2000xf32, #tpu.memory_space<hbm>>) dst(%arg13 : memref<2000xf32, #tpu.memory_space<vmem>>)
      %parallel_loop3A_309 = arith.constant 0 : i32
      %parallel_loop3A_310 = arith.constant 125 : i32
      %parallel_loop3A_311 = arith.constant 1 : i32
      scf.for %parallel_loop3A_320 = %parallel_loop3A_309 to %parallel_loop3A_310 step %parallel_loop3A_311  : i32 {
        %parallel_loop3A_321 = arith.constant 16 : i32
        %parallel_loop3A_322 = arith.muli %parallel_loop3A_320, %parallel_loop3A_321 : i32
        %parallel_loop3A_323 = arith.index_cast %parallel_loop3A_322 : i32 to index
        %parallel_loop3A_324 = tpu.vector_load %arg11[%parallel_loop3A_323] {strides = array<i32>} : memref<2000xi32, #tpu.memory_space<vmem>>, vector<16xi32>,
        %parallel_loop3A_325 = arith.index_cast %parallel_loop3A_322 : i32 to index
        %parallel_loop3A_326 = tpu.vector_load %arg12[%parallel_loop3A_325] {strides = array<i32>} : memref<2000xi32, #tpu.memory_space<vmem>>, vector<16xi32>,
        %parallel_loop3A_327 = arith.index_cast %parallel_loop3A_322 : i32 to index
        %parallel_loop3A_328 = tpu.vector_load %arg13[%parallel_loop3A_327] {strides = array<i32>} : memref<2000xf32, #tpu.memory_space<vmem>>, vector<16xf32>,
        %parallel_loop3A_329 = tpu.vector_load_idx %arg7[%parallel_loop3A_324] : memref<100000xf32, #tpu.memory_space<vmem>>[vector<16xi32>], vector<16xf32>,
        %parallel_loop3A_330 = tpu.vector_load_idx %arg7[%parallel_loop3A_326] : memref<100000xf32, #tpu.memory_space<vmem>>[vector<16xi32>], vector<16xf32>,
        %parallel_loop3A_331 = arith.mulf %parallel_loop3A_328, %parallel_loop3A_329 : vector<16xf32>
        %parallel_loop3A_332 = arith.mulf %parallel_loop3A_331, %parallel_loop3A_330 : vector<16xf32>
        %parallel_loop3A_333 = arith.sitofp %parallel_loop3A_324 : vector<16xi32> to vector<16xf32>
        %parallel_loop3A_334 = arith.constant 5.000000e-01 : f32
        %parallel_loop3A_335 = vector.broadcast %parallel_loop3A_334 : f32 to vector<16xf32>
        %parallel_loop3A_336 = arith.addf %parallel_loop3A_333, %parallel_loop3A_335 : vector<16xf32>
        %parallel_loop3A_337 = arith.constant 4.000000e-05 : f32
        %parallel_loop3A_338 = vector.broadcast %parallel_loop3A_337 : f32 to vector<16xf32>
        %parallel_loop3A_339 = arith.mulf %parallel_loop3A_336, %parallel_loop3A_338 : vector<16xf32>
        %parallel_loop3A_340 = arith.fptosi %parallel_loop3A_339 : vector<16xf32> to vector<16xi32>
        %parallel_loop3A_341 = arith.constant 4 : i32
        %parallel_loop3A_342 = vector.broadcast %parallel_loop3A_341 : i32 to vector<16xi32>
        %parallel_loop3A_343 = arith.shli %parallel_loop3A_340, %parallel_loop3A_342 : vector<16xi32>
        %parallel_loop3A_344 = arith.addi %add3A_202, %parallel_loop3A_343 : vector<16xi32>
        tpu.vector_store_idx %arg14[%parallel_loop3A_344], %parallel_loop3A_332 {add = true} : memref<512xf32, #tpu.memory_space<vmem>>[vector<16xi32>], vector<16xf32>,
      } {sc.loop_unroll_factor = 8 : i64, sc.parallel_access}
      %add3A_312 = arith.constant 3 : i32
      %add3A_313 = arith.addi %mul3A_283, %add3A_312 : i32
      %lt3A_314 = arith.constant 50 : i32
      %lt3A_315 = arith.cmpi slt, %add3A_313, %lt3A_314 : i32
      %convert_element_type3A_316 = arith.extui %lt3A_315 : i1 to i32
      %cond3A_317 = arith.constant 0 : i32
      %cond3A_318 = arith.cmpi ne, %convert_element_type3A_316, %cond3A_317 : i32
      scf.if %cond3A_318 {
        %add3A_320 = arith.constant 3 : i32
        %add3A_321 = arith.addi %mul3A_283, %add3A_320 : i32
        %mul3A_322 = arith.constant 2000 : i32
        %mul3A_323 = arith.muli %add3A_321, %mul3A_322 : i32
        %add3A_324 = arith.addi %mul3A_2, %mul3A_323 : i32
        %dma_start3A_325 = tpu.memref_slice %arg3[%add3A_324] : memref<3200000xi32, #tpu.memory_space<hbm>> -> memref<2000xi32, #tpu.memory_space<hbm>>
        %dma_start3A_326 = tpu.memref_slice %arg3[%add3A_324] : memref<3200000xi32, #tpu.memory_space<hbm>> -> memref<2000xi32, #tpu.memory_space<hbm>>
        tpu.enqueue_dma source(%dma_start3A_326 : memref<2000xi32, #tpu.memory_space<hbm>>) target(%arg11 : memref<2000xi32, #tpu.memory_space<vmem>>) target_semaphore(%arg16 : memref<!tpu.dma_semaphore, #tpu.memory_space<semaphore_mem>>)
        %dma_start3A_327 = tpu.memref_slice %arg4[%add3A_324] : memref<3200000xi32, #tpu.memory_space<hbm>> -> memref<2000xi32, #tpu.memory_space<hbm>>
        %dma_start3A_328 = tpu.memref_slice %arg4[%add3A_324] : memref<3200000xi32, #tpu.memory_space<hbm>> -> memref<2000xi32, #tpu.memory_space<hbm>>
        tpu.enqueue_dma source(%dma_start3A_328 : memref<2000xi32, #tpu.memory_space<hbm>>) target(%arg12 : memref<2000xi32, #tpu.memory_space<vmem>>) target_semaphore(%arg16 : memref<!tpu.dma_semaphore, #tpu.memory_space<semaphore_mem>>)
        %dma_start3A_329 = tpu.memref_slice %arg5[%add3A_324] : memref<3200000xf32, #tpu.memory_space<hbm>> -> memref<2000xf32, #tpu.memory_space<hbm>>
        %dma_start3A_330 = tpu.memref_slice %arg5[%add3A_324] : memref<3200000xf32, #tpu.memory_space<hbm>> -> memref<2000xf32, #tpu.memory_space<hbm>>
        tpu.enqueue_dma source(%dma_start3A_330 : memref<2000xf32, #tpu.memory_space<hbm>>) target(%arg13 : memref<2000xf32, #tpu.memory_space<vmem>>) target_semaphore(%arg16 : memref<!tpu.dma_semaphore, #tpu.memory_space<semaphore_mem>>)
      } else {
      }
      %scan3A_319 = arith.constant 0 : i32
      scf.yield %scan3A_319 : i32
    }
    %scan3A_225 = arith.constant 25 : i32
    %run_scoped3A_226 = arith.constant 6 : i32
    "tpu.region"() ({
      %run_scoped3A_280 = tpu.sem_alloc : memref<!tpu.dma_semaphore, #tpu.memory_space<semaphore_mem>>
      %dma_start3A_281 = arith.constant 0 : i32
      %dma_start3A_282 = tpu.memref_slice %arg2[%run_scoped3A_226, %dma_start3A_281] : memref<8x100000xf32, #tpu.memory_space<hbm>> -> memref<1x100000xf32, #tpu.memory_space<hbm>>
      %dma_start3A_283 = tpu.memref_squeeze %dma_start3A_282 : memref<1x100000xf32, #tpu.memory_space<hbm>> -> memref<100000xf32, #tpu.memory_space<hbm>>
      %dma_start3A_284 = arith.constant 0 : i32
      %dma_start3A_285 = tpu.memref_slice %arg2[%run_scoped3A_226, %dma_start3A_284] : memref<8x100000xf32, #tpu.memory_space<hbm>> -> memref<1x100000xf32, #tpu.memory_space<hbm>>
      %dma_start3A_286 = tpu.memref_squeeze %dma_start3A_285 : memref<1x100000xf32, #tpu.memory_space<hbm>> -> memref<100000xf32, #tpu.memory_space<hbm>>
      tpu.enqueue_dma source(%dma_start3A_286 : memref<100000xf32, #tpu.memory_space<hbm>>) target(%arg7 : memref<100000xf32, #tpu.memory_space<vmem>>) target_semaphore(%run_scoped3A_280 : memref<!tpu.dma_semaphore, #tpu.memory_space<semaphore_mem>>)
      %dma_wait3A = arith.constant 0 : i32
      %dma_wait3A_287 = tpu.memref_slice %arg2[%run_scoped3A_226, %dma_wait3A] : memref<8x100000xf32, #tpu.memory_space<hbm>> -> memref<1x100000xf32, #tpu.memory_space<hbm>>
      %dma_wait3A_288 = tpu.memref_squeeze %dma_wait3A_287 : memref<1x100000xf32, #tpu.memory_space<hbm>> -> memref<100000xf32, #tpu.memory_space<hbm>>
      %dma_wait3A_289 = arith.constant 0 : i32
      %dma_wait3A_290 = tpu.memref_slice %arg2[%run_scoped3A_226, %dma_wait3A_289] : memref<8x100000xf32, #tpu.memory_space<hbm>> -> memref<1x100000xf32, #tpu.memory_space<hbm>>
      %dma_wait3A_291 = tpu.memref_squeeze %dma_wait3A_290 : memref<1x100000xf32, #tpu.memory_space<hbm>> -> memref<100000xf32, #tpu.memory_space<hbm>>
      tpu.wait_dma2 semaphore(%run_scoped3A_280 : memref<!tpu.dma_semaphore, #tpu.memory_space<semaphore_mem>>) src(%dma_wait3A_291 : memref<100000xf32, #tpu.memory_space<hbm>>) dst(%arg7 : memref<100000xf32, #tpu.memory_space<vmem>>)
      tpu.yield
    }) : () -> ()
    %add3A_227 = arith.constant 384 : i32
    %add3A_228 = vector.broadcast %add3A_227 : i32 to vector<16xi32>
    %add3A_229 = arith.addi %iota3A, %add3A_228 : vector<16xi32>
    %add3A_230 = arith.constant 0 : i32
    %add3A_231 = arith.addi %mul3A_2, %add3A_230 : i32
    %dma_start3A_232 = tpu.memref_slice %arg3[%add3A_231] : memref<3200000xi32, #tpu.memory_space<hbm>> -> memref<2000xi32, #tpu.memory_space<hbm>>
    %dma_start3A_233 = tpu.memref_slice %arg3[%add3A_231] : memref<3200000xi32, #tpu.memory_space<hbm>> -> memref<2000xi32, #tpu.memory_space<hbm>>
    tpu.enqueue_dma source(%dma_start3A_233 : memref<2000xi32, #tpu.memory_space<hbm>>) target(%arg8 : memref<2000xi32, #tpu.memory_space<vmem>>) target_semaphore(%arg15 : memref<!tpu.dma_semaphore, #tpu.memory_space<semaphore_mem>>)
    %dma_start3A_234 = tpu.memref_slice %arg4[%add3A_231] : memref<3200000xi32, #tpu.memory_space<hbm>> -> memref<2000xi32, #tpu.memory_space<hbm>>
    %dma_start3A_235 = tpu.memref_slice %arg4[%add3A_231] : memref<3200000xi32, #tpu.memory_space<hbm>> -> memref<2000xi32, #tpu.memory_space<hbm>>
    tpu.enqueue_dma source(%dma_start3A_235 : memref<2000xi32, #tpu.memory_space<hbm>>) target(%arg9 : memref<2000xi32, #tpu.memory_space<vmem>>) target_semaphore(%arg15 : memref<!tpu.dma_semaphore, #tpu.memory_space<semaphore_mem>>)
    %dma_start3A_236 = tpu.memref_slice %arg5[%add3A_231] : memref<3200000xf32, #tpu.memory_space<hbm>> -> memref<2000xf32, #tpu.memory_space<hbm>>
    %dma_start3A_237 = tpu.memref_slice %arg5[%add3A_231] : memref<3200000xf32, #tpu.memory_space<hbm>> -> memref<2000xf32, #tpu.memory_space<hbm>>
    tpu.enqueue_dma source(%dma_start3A_237 : memref<2000xf32, #tpu.memory_space<hbm>>) target(%arg10 : memref<2000xf32, #tpu.memory_space<vmem>>) target_semaphore(%arg15 : memref<!tpu.dma_semaphore, #tpu.memory_space<semaphore_mem>>)
    %add3A_238 = arith.constant 2000 : i32
    %add3A_239 = arith.addi %mul3A_2, %add3A_238 : i32
    %dma_start3A_240 = tpu.memref_slice %arg3[%add3A_239] : memref<3200000xi32, #tpu.memory_space<hbm>> -> memref<2000xi32, #tpu.memory_space<hbm>>
    %dma_start3A_241 = tpu.memref_slice %arg3[%add3A_239] : memref<3200000xi32, #tpu.memory_space<hbm>> -> memref<2000xi32, #tpu.memory_space<hbm>>
    tpu.enqueue_dma source(%dma_start3A_241 : memref<2000xi32, #tpu.memory_space<hbm>>) target(%arg11 : memref<2000xi32, #tpu.memory_space<vmem>>) target_semaphore(%arg16 : memref<!tpu.dma_semaphore, #tpu.memory_space<semaphore_mem>>)
    %dma_start3A_242 = tpu.memref_slice %arg4[%add3A_239] : memref<3200000xi32, #tpu.memory_space<hbm>> -> memref<2000xi32, #tpu.memory_space<hbm>>
    %dma_start3A_243 = tpu.memref_slice %arg4[%add3A_239] : memref<3200000xi32, #tpu.memory_space<hbm>> -> memref<2000xi32, #tpu.memory_space<hbm>>
    tpu.enqueue_dma source(%dma_start3A_243 : memref<2000xi32, #tpu.memory_space<hbm>>) target(%arg12 : memref<2000xi32, #tpu.memory_space<vmem>>) target_semaphore(%arg16 : memref<!tpu.dma_semaphore, #tpu.memory_space<semaphore_mem>>)
    %dma_start3A_244 = tpu.memref_slice %arg5[%add3A_239] : memref<3200000xf32, #tpu.memory_space<hbm>> -> memref<2000xf32, #tpu.memory_space<hbm>>
    %dma_start3A_245 = tpu.memref_slice %arg5[%add3A_239] : memref<3200000xf32, #tpu.memory_space<hbm>> -> memref<2000xf32, #tpu.memory_space<hbm>>
    tpu.enqueue_dma source(%dma_start3A_245 : memref<2000xf32, #tpu.memory_space<hbm>>) target(%arg13 : memref<2000xf32, #tpu.memory_space<vmem>>) target_semaphore(%arg16 : memref<!tpu.dma_semaphore, #tpu.memory_space<semaphore_mem>>)
    %scan3A_246 = arith.constant 0 : i32
    %scan3A_247 = arith.constant 0 : i32
    %scan3A_248 = arith.constant 25 : i32
    %scan3A_249 = arith.addi %scan3A_247, %scan3A_248 : i32
    %scan3A_250 = arith.constant 1 : i32
    %scan3A_251 = scf.for %scan3A_280 = %scan3A_247 to %scan3A_249 step %scan3A_250 iter_args(%scan3A_281 = %scan3A_246) -> (i32)  : i32 {
      %mul3A_282 = arith.constant 2 : i32
      %mul3A_283 = arith.muli %mul3A_282, %scan3A_280 : i32
      %mul3A_284 = arith.constant 2000 : i32
      %mul3A_285 = arith.muli %mul3A_283, %mul3A_284 : i32
      %add3A_286 = arith.addi %mul3A_2, %mul3A_285 : i32
      %dma_wait3A = tpu.memref_slice %arg3[%add3A_286] : memref<3200000xi32, #tpu.memory_space<hbm>> -> memref<2000xi32, #tpu.memory_space<hbm>>
      %dma_wait3A_287 = tpu.memref_slice %arg3[%add3A_286] : memref<3200000xi32, #tpu.memory_space<hbm>> -> memref<2000xi32, #tpu.memory_space<hbm>>
      tpu.wait_dma2 semaphore(%arg15 : memref<!tpu.dma_semaphore, #tpu.memory_space<semaphore_mem>>) src(%dma_wait3A_287 : memref<2000xi32, #tpu.memory_space<hbm>>) dst(%arg8 : memref<2000xi32, #tpu.memory_space<vmem>>)
      %dma_wait3A_288 = tpu.memref_slice %arg4[%add3A_286] : memref<3200000xi32, #tpu.memory_space<hbm>> -> memref<2000xi32, #tpu.memory_space<hbm>>
      %dma_wait3A_289 = tpu.memref_slice %arg4[%add3A_286] : memref<3200000xi32, #tpu.memory_space<hbm>> -> memref<2000xi32, #tpu.memory_space<hbm>>
      tpu.wait_dma2 semaphore(%arg15 : memref<!tpu.dma_semaphore, #tpu.memory_space<semaphore_mem>>) src(%dma_wait3A_289 : memref<2000xi32, #tpu.memory_space<hbm>>) dst(%arg9 : memref<2000xi32, #tpu.memory_space<vmem>>)
      %dma_wait3A_290 = tpu.memref_slice %arg5[%add3A_286] : memref<3200000xf32, #tpu.memory_space<hbm>> -> memref<2000xf32, #tpu.memory_space<hbm>>
      %dma_wait3A_291 = tpu.memref_slice %arg5[%add3A_286] : memref<3200000xf32, #tpu.memory_space<hbm>> -> memref<2000xf32, #tpu.memory_space<hbm>>
      tpu.wait_dma2 semaphore(%arg15 : memref<!tpu.dma_semaphore, #tpu.memory_space<semaphore_mem>>) src(%dma_wait3A_291 : memref<2000xf32, #tpu.memory_space<hbm>>) dst(%arg10 : memref<2000xf32, #tpu.memory_space<vmem>>)
      %parallel_loop3A = arith.constant 0 : i32
      %parallel_loop3A_292 = arith.constant 125 : i32
      %parallel_loop3A_293 = arith.constant 1 : i32
      scf.for %parallel_loop3A_320 = %parallel_loop3A to %parallel_loop3A_292 step %parallel_loop3A_293  : i32 {
        %parallel_loop3A_321 = arith.constant 16 : i32
        %parallel_loop3A_322 = arith.muli %parallel_loop3A_320, %parallel_loop3A_321 : i32
        %parallel_loop3A_323 = arith.index_cast %parallel_loop3A_322 : i32 to index
        %parallel_loop3A_324 = tpu.vector_load %arg8[%parallel_loop3A_323] {strides = array<i32>} : memref<2000xi32, #tpu.memory_space<vmem>>, vector<16xi32>,
        %parallel_loop3A_325 = arith.index_cast %parallel_loop3A_322 : i32 to index
        %parallel_loop3A_326 = tpu.vector_load %arg9[%parallel_loop3A_325] {strides = array<i32>} : memref<2000xi32, #tpu.memory_space<vmem>>, vector<16xi32>,
        %parallel_loop3A_327 = arith.index_cast %parallel_loop3A_322 : i32 to index
        %parallel_loop3A_328 = tpu.vector_load %arg10[%parallel_loop3A_327] {strides = array<i32>} : memref<2000xf32, #tpu.memory_space<vmem>>, vector<16xf32>,
        %parallel_loop3A_329 = tpu.vector_load_idx %arg7[%parallel_loop3A_324] : memref<100000xf32, #tpu.memory_space<vmem>>[vector<16xi32>], vector<16xf32>,
        %parallel_loop3A_330 = tpu.vector_load_idx %arg7[%parallel_loop3A_326] : memref<100000xf32, #tpu.memory_space<vmem>>[vector<16xi32>], vector<16xf32>,
        %parallel_loop3A_331 = arith.mulf %parallel_loop3A_328, %parallel_loop3A_329 : vector<16xf32>
        %parallel_loop3A_332 = arith.mulf %parallel_loop3A_331, %parallel_loop3A_330 : vector<16xf32>
        %parallel_loop3A_333 = arith.sitofp %parallel_loop3A_324 : vector<16xi32> to vector<16xf32>
        %parallel_loop3A_334 = arith.constant 5.000000e-01 : f32
        %parallel_loop3A_335 = vector.broadcast %parallel_loop3A_334 : f32 to vector<16xf32>
        %parallel_loop3A_336 = arith.addf %parallel_loop3A_333, %parallel_loop3A_335 : vector<16xf32>
        %parallel_loop3A_337 = arith.constant 4.000000e-05 : f32
        %parallel_loop3A_338 = vector.broadcast %parallel_loop3A_337 : f32 to vector<16xf32>
        %parallel_loop3A_339 = arith.mulf %parallel_loop3A_336, %parallel_loop3A_338 : vector<16xf32>
        %parallel_loop3A_340 = arith.fptosi %parallel_loop3A_339 : vector<16xf32> to vector<16xi32>
        %parallel_loop3A_341 = arith.constant 4 : i32
        %parallel_loop3A_342 = vector.broadcast %parallel_loop3A_341 : i32 to vector<16xi32>
        %parallel_loop3A_343 = arith.shli %parallel_loop3A_340, %parallel_loop3A_342 : vector<16xi32>
        %parallel_loop3A_344 = arith.addi %add3A_229, %parallel_loop3A_343 : vector<16xi32>
        tpu.vector_store_idx %arg14[%parallel_loop3A_344], %parallel_loop3A_332 {add = true} : memref<512xf32, #tpu.memory_space<vmem>>[vector<16xi32>], vector<16xf32>,
      } {sc.loop_unroll_factor = 8 : i64, sc.parallel_access}
      %add3A_294 = arith.constant 2 : i32
      %add3A_295 = arith.addi %mul3A_283, %add3A_294 : i32
      %lt3A = arith.constant 50 : i32
      %lt3A_296 = arith.cmpi slt, %add3A_295, %lt3A : i32
      %convert_element_type3A = arith.extui %lt3A_296 : i1 to i32
      %cond3A = arith.constant 0 : i32
      %cond3A_297 = arith.cmpi ne, %convert_element_type3A, %cond3A : i32
      scf.if %cond3A_297 {
        %add3A_320 = arith.constant 2 : i32
        %add3A_321 = arith.addi %mul3A_283, %add3A_320 : i32
        %mul3A_322 = arith.constant 2000 : i32
        %mul3A_323 = arith.muli %add3A_321, %mul3A_322 : i32
        %add3A_324 = arith.addi %mul3A_2, %mul3A_323 : i32
        %dma_start3A_325 = tpu.memref_slice %arg3[%add3A_324] : memref<3200000xi32, #tpu.memory_space<hbm>> -> memref<2000xi32, #tpu.memory_space<hbm>>
        %dma_start3A_326 = tpu.memref_slice %arg3[%add3A_324] : memref<3200000xi32, #tpu.memory_space<hbm>> -> memref<2000xi32, #tpu.memory_space<hbm>>
        tpu.enqueue_dma source(%dma_start3A_326 : memref<2000xi32, #tpu.memory_space<hbm>>) target(%arg8 : memref<2000xi32, #tpu.memory_space<vmem>>) target_semaphore(%arg15 : memref<!tpu.dma_semaphore, #tpu.memory_space<semaphore_mem>>)
        %dma_start3A_327 = tpu.memref_slice %arg4[%add3A_324] : memref<3200000xi32, #tpu.memory_space<hbm>> -> memref<2000xi32, #tpu.memory_space<hbm>>
        %dma_start3A_328 = tpu.memref_slice %arg4[%add3A_324] : memref<3200000xi32, #tpu.memory_space<hbm>> -> memref<2000xi32, #tpu.memory_space<hbm>>
        tpu.enqueue_dma source(%dma_start3A_328 : memref<2000xi32, #tpu.memory_space<hbm>>) target(%arg9 : memref<2000xi32, #tpu.memory_space<vmem>>) target_semaphore(%arg15 : memref<!tpu.dma_semaphore, #tpu.memory_space<semaphore_mem>>)
        %dma_start3A_329 = tpu.memref_slice %arg5[%add3A_324] : memref<3200000xf32, #tpu.memory_space<hbm>> -> memref<2000xf32, #tpu.memory_space<hbm>>
        %dma_start3A_330 = tpu.memref_slice %arg5[%add3A_324] : memref<3200000xf32, #tpu.memory_space<hbm>> -> memref<2000xf32, #tpu.memory_space<hbm>>
        tpu.enqueue_dma source(%dma_start3A_330 : memref<2000xf32, #tpu.memory_space<hbm>>) target(%arg10 : memref<2000xf32, #tpu.memory_space<vmem>>) target_semaphore(%arg15 : memref<!tpu.dma_semaphore, #tpu.memory_space<semaphore_mem>>)
      } else {
      }
      %add3A_298 = arith.constant 1 : i32
      %add3A_299 = arith.addi %mul3A_283, %add3A_298 : i32
      %mul3A_300 = arith.constant 2000 : i32
      %mul3A_301 = arith.muli %add3A_299, %mul3A_300 : i32
      %add3A_302 = arith.addi %mul3A_2, %mul3A_301 : i32
      %dma_wait3A_303 = tpu.memref_slice %arg3[%add3A_302] : memref<3200000xi32, #tpu.memory_space<hbm>> -> memref<2000xi32, #tpu.memory_space<hbm>>
      %dma_wait3A_304 = tpu.memref_slice %arg3[%add3A_302] : memref<3200000xi32, #tpu.memory_space<hbm>> -> memref<2000xi32, #tpu.memory_space<hbm>>
      tpu.wait_dma2 semaphore(%arg16 : memref<!tpu.dma_semaphore, #tpu.memory_space<semaphore_mem>>) src(%dma_wait3A_304 : memref<2000xi32, #tpu.memory_space<hbm>>) dst(%arg11 : memref<2000xi32, #tpu.memory_space<vmem>>)
      %dma_wait3A_305 = tpu.memref_slice %arg4[%add3A_302] : memref<3200000xi32, #tpu.memory_space<hbm>> -> memref<2000xi32, #tpu.memory_space<hbm>>
      %dma_wait3A_306 = tpu.memref_slice %arg4[%add3A_302] : memref<3200000xi32, #tpu.memory_space<hbm>> -> memref<2000xi32, #tpu.memory_space<hbm>>
      tpu.wait_dma2 semaphore(%arg16 : memref<!tpu.dma_semaphore, #tpu.memory_space<semaphore_mem>>) src(%dma_wait3A_306 : memref<2000xi32, #tpu.memory_space<hbm>>) dst(%arg12 : memref<2000xi32, #tpu.memory_space<vmem>>)
      %dma_wait3A_307 = tpu.memref_slice %arg5[%add3A_302] : memref<3200000xf32, #tpu.memory_space<hbm>> -> memref<2000xf32, #tpu.memory_space<hbm>>
      %dma_wait3A_308 = tpu.memref_slice %arg5[%add3A_302] : memref<3200000xf32, #tpu.memory_space<hbm>> -> memref<2000xf32, #tpu.memory_space<hbm>>
      tpu.wait_dma2 semaphore(%arg16 : memref<!tpu.dma_semaphore, #tpu.memory_space<semaphore_mem>>) src(%dma_wait3A_308 : memref<2000xf32, #tpu.memory_space<hbm>>) dst(%arg13 : memref<2000xf32, #tpu.memory_space<vmem>>)
      %parallel_loop3A_309 = arith.constant 0 : i32
      %parallel_loop3A_310 = arith.constant 125 : i32
      %parallel_loop3A_311 = arith.constant 1 : i32
      scf.for %parallel_loop3A_320 = %parallel_loop3A_309 to %parallel_loop3A_310 step %parallel_loop3A_311  : i32 {
        %parallel_loop3A_321 = arith.constant 16 : i32
        %parallel_loop3A_322 = arith.muli %parallel_loop3A_320, %parallel_loop3A_321 : i32
        %parallel_loop3A_323 = arith.index_cast %parallel_loop3A_322 : i32 to index
        %parallel_loop3A_324 = tpu.vector_load %arg11[%parallel_loop3A_323] {strides = array<i32>} : memref<2000xi32, #tpu.memory_space<vmem>>, vector<16xi32>,
        %parallel_loop3A_325 = arith.index_cast %parallel_loop3A_322 : i32 to index
        %parallel_loop3A_326 = tpu.vector_load %arg12[%parallel_loop3A_325] {strides = array<i32>} : memref<2000xi32, #tpu.memory_space<vmem>>, vector<16xi32>,
        %parallel_loop3A_327 = arith.index_cast %parallel_loop3A_322 : i32 to index
        %parallel_loop3A_328 = tpu.vector_load %arg13[%parallel_loop3A_327] {strides = array<i32>} : memref<2000xf32, #tpu.memory_space<vmem>>, vector<16xf32>,
        %parallel_loop3A_329 = tpu.vector_load_idx %arg7[%parallel_loop3A_324] : memref<100000xf32, #tpu.memory_space<vmem>>[vector<16xi32>], vector<16xf32>,
        %parallel_loop3A_330 = tpu.vector_load_idx %arg7[%parallel_loop3A_326] : memref<100000xf32, #tpu.memory_space<vmem>>[vector<16xi32>], vector<16xf32>,
        %parallel_loop3A_331 = arith.mulf %parallel_loop3A_328, %parallel_loop3A_329 : vector<16xf32>
        %parallel_loop3A_332 = arith.mulf %parallel_loop3A_331, %parallel_loop3A_330 : vector<16xf32>
        %parallel_loop3A_333 = arith.sitofp %parallel_loop3A_324 : vector<16xi32> to vector<16xf32>
        %parallel_loop3A_334 = arith.constant 5.000000e-01 : f32
        %parallel_loop3A_335 = vector.broadcast %parallel_loop3A_334 : f32 to vector<16xf32>
        %parallel_loop3A_336 = arith.addf %parallel_loop3A_333, %parallel_loop3A_335 : vector<16xf32>
        %parallel_loop3A_337 = arith.constant 4.000000e-05 : f32
        %parallel_loop3A_338 = vector.broadcast %parallel_loop3A_337 : f32 to vector<16xf32>
        %parallel_loop3A_339 = arith.mulf %parallel_loop3A_336, %parallel_loop3A_338 : vector<16xf32>
        %parallel_loop3A_340 = arith.fptosi %parallel_loop3A_339 : vector<16xf32> to vector<16xi32>
        %parallel_loop3A_341 = arith.constant 4 : i32
        %parallel_loop3A_342 = vector.broadcast %parallel_loop3A_341 : i32 to vector<16xi32>
        %parallel_loop3A_343 = arith.shli %parallel_loop3A_340, %parallel_loop3A_342 : vector<16xi32>
        %parallel_loop3A_344 = arith.addi %add3A_229, %parallel_loop3A_343 : vector<16xi32>
        tpu.vector_store_idx %arg14[%parallel_loop3A_344], %parallel_loop3A_332 {add = true} : memref<512xf32, #tpu.memory_space<vmem>>[vector<16xi32>], vector<16xf32>,
      } {sc.loop_unroll_factor = 8 : i64, sc.parallel_access}
      %add3A_312 = arith.constant 3 : i32
      %add3A_313 = arith.addi %mul3A_283, %add3A_312 : i32
      %lt3A_314 = arith.constant 50 : i32
      %lt3A_315 = arith.cmpi slt, %add3A_313, %lt3A_314 : i32
      %convert_element_type3A_316 = arith.extui %lt3A_315 : i1 to i32
      %cond3A_317 = arith.constant 0 : i32
      %cond3A_318 = arith.cmpi ne, %convert_element_type3A_316, %cond3A_317 : i32
      scf.if %cond3A_318 {
        %add3A_320 = arith.constant 3 : i32
        %add3A_321 = arith.addi %mul3A_283, %add3A_320 : i32
        %mul3A_322 = arith.constant 2000 : i32
        %mul3A_323 = arith.muli %add3A_321, %mul3A_322 : i32
        %add3A_324 = arith.addi %mul3A_2, %mul3A_323 : i32
        %dma_start3A_325 = tpu.memref_slice %arg3[%add3A_324] : memref<3200000xi32, #tpu.memory_space<hbm>> -> memref<2000xi32, #tpu.memory_space<hbm>>
        %dma_start3A_326 = tpu.memref_slice %arg3[%add3A_324] : memref<3200000xi32, #tpu.memory_space<hbm>> -> memref<2000xi32, #tpu.memory_space<hbm>>
        tpu.enqueue_dma source(%dma_start3A_326 : memref<2000xi32, #tpu.memory_space<hbm>>) target(%arg11 : memref<2000xi32, #tpu.memory_space<vmem>>) target_semaphore(%arg16 : memref<!tpu.dma_semaphore, #tpu.memory_space<semaphore_mem>>)
        %dma_start3A_327 = tpu.memref_slice %arg4[%add3A_324] : memref<3200000xi32, #tpu.memory_space<hbm>> -> memref<2000xi32, #tpu.memory_space<hbm>>
        %dma_start3A_328 = tpu.memref_slice %arg4[%add3A_324] : memref<3200000xi32, #tpu.memory_space<hbm>> -> memref<2000xi32, #tpu.memory_space<hbm>>
        tpu.enqueue_dma source(%dma_start3A_328 : memref<2000xi32, #tpu.memory_space<hbm>>) target(%arg12 : memref<2000xi32, #tpu.memory_space<vmem>>) target_semaphore(%arg16 : memref<!tpu.dma_semaphore, #tpu.memory_space<semaphore_mem>>)
        %dma_start3A_329 = tpu.memref_slice %arg5[%add3A_324] : memref<3200000xf32, #tpu.memory_space<hbm>> -> memref<2000xf32, #tpu.memory_space<hbm>>
        %dma_start3A_330 = tpu.memref_slice %arg5[%add3A_324] : memref<3200000xf32, #tpu.memory_space<hbm>> -> memref<2000xf32, #tpu.memory_space<hbm>>
        tpu.enqueue_dma source(%dma_start3A_330 : memref<2000xf32, #tpu.memory_space<hbm>>) target(%arg13 : memref<2000xf32, #tpu.memory_space<vmem>>) target_semaphore(%arg16 : memref<!tpu.dma_semaphore, #tpu.memory_space<semaphore_mem>>)
      } else {
      }
      %scan3A_319 = arith.constant 0 : i32
      scf.yield %scan3A_319 : i32
    }
    %scan3A_252 = arith.constant 25 : i32
    %run_scoped3A_253 = arith.constant 7 : i32
    "tpu.region"() ({
      %run_scoped3A_280 = tpu.sem_alloc : memref<!tpu.dma_semaphore, #tpu.memory_space<semaphore_mem>>
      %dma_start3A_281 = arith.constant 0 : i32
      %dma_start3A_282 = tpu.memref_slice %arg2[%run_scoped3A_253, %dma_start3A_281] : memref<8x100000xf32, #tpu.memory_space<hbm>> -> memref<1x100000xf32, #tpu.memory_space<hbm>>
      %dma_start3A_283 = tpu.memref_squeeze %dma_start3A_282 : memref<1x100000xf32, #tpu.memory_space<hbm>> -> memref<100000xf32, #tpu.memory_space<hbm>>
      %dma_start3A_284 = arith.constant 0 : i32
      %dma_start3A_285 = tpu.memref_slice %arg2[%run_scoped3A_253, %dma_start3A_284] : memref<8x100000xf32, #tpu.memory_space<hbm>> -> memref<1x100000xf32, #tpu.memory_space<hbm>>
      %dma_start3A_286 = tpu.memref_squeeze %dma_start3A_285 : memref<1x100000xf32, #tpu.memory_space<hbm>> -> memref<100000xf32, #tpu.memory_space<hbm>>
      tpu.enqueue_dma source(%dma_start3A_286 : memref<100000xf32, #tpu.memory_space<hbm>>) target(%arg7 : memref<100000xf32, #tpu.memory_space<vmem>>) target_semaphore(%run_scoped3A_280 : memref<!tpu.dma_semaphore, #tpu.memory_space<semaphore_mem>>)
      %dma_wait3A = arith.constant 0 : i32
      %dma_wait3A_287 = tpu.memref_slice %arg2[%run_scoped3A_253, %dma_wait3A] : memref<8x100000xf32, #tpu.memory_space<hbm>> -> memref<1x100000xf32, #tpu.memory_space<hbm>>
      %dma_wait3A_288 = tpu.memref_squeeze %dma_wait3A_287 : memref<1x100000xf32, #tpu.memory_space<hbm>> -> memref<100000xf32, #tpu.memory_space<hbm>>
      %dma_wait3A_289 = arith.constant 0 : i32
      %dma_wait3A_290 = tpu.memref_slice %arg2[%run_scoped3A_253, %dma_wait3A_289] : memref<8x100000xf32, #tpu.memory_space<hbm>> -> memref<1x100000xf32, #tpu.memory_space<hbm>>
      %dma_wait3A_291 = tpu.memref_squeeze %dma_wait3A_290 : memref<1x100000xf32, #tpu.memory_space<hbm>> -> memref<100000xf32, #tpu.memory_space<hbm>>
      tpu.wait_dma2 semaphore(%run_scoped3A_280 : memref<!tpu.dma_semaphore, #tpu.memory_space<semaphore_mem>>) src(%dma_wait3A_291 : memref<100000xf32, #tpu.memory_space<hbm>>) dst(%arg7 : memref<100000xf32, #tpu.memory_space<vmem>>)
      tpu.yield
    }) : () -> ()
    %add3A_254 = arith.constant 448 : i32
    %add3A_255 = vector.broadcast %add3A_254 : i32 to vector<16xi32>
    %add3A_256 = arith.addi %iota3A, %add3A_255 : vector<16xi32>
    %add3A_257 = arith.constant 0 : i32
    %add3A_258 = arith.addi %mul3A_2, %add3A_257 : i32
    %dma_start3A_259 = tpu.memref_slice %arg3[%add3A_258] : memref<3200000xi32, #tpu.memory_space<hbm>> -> memref<2000xi32, #tpu.memory_space<hbm>>
    %dma_start3A_260 = tpu.memref_slice %arg3[%add3A_258] : memref<3200000xi32, #tpu.memory_space<hbm>> -> memref<2000xi32, #tpu.memory_space<hbm>>
    tpu.enqueue_dma source(%dma_start3A_260 : memref<2000xi32, #tpu.memory_space<hbm>>) target(%arg8 : memref<2000xi32, #tpu.memory_space<vmem>>) target_semaphore(%arg15 : memref<!tpu.dma_semaphore, #tpu.memory_space<semaphore_mem>>)
    %dma_start3A_261 = tpu.memref_slice %arg4[%add3A_258] : memref<3200000xi32, #tpu.memory_space<hbm>> -> memref<2000xi32, #tpu.memory_space<hbm>>
    %dma_start3A_262 = tpu.memref_slice %arg4[%add3A_258] : memref<3200000xi32, #tpu.memory_space<hbm>> -> memref<2000xi32, #tpu.memory_space<hbm>>
    tpu.enqueue_dma source(%dma_start3A_262 : memref<2000xi32, #tpu.memory_space<hbm>>) target(%arg9 : memref<2000xi32, #tpu.memory_space<vmem>>) target_semaphore(%arg15 : memref<!tpu.dma_semaphore, #tpu.memory_space<semaphore_mem>>)
    %dma_start3A_263 = tpu.memref_slice %arg5[%add3A_258] : memref<3200000xf32, #tpu.memory_space<hbm>> -> memref<2000xf32, #tpu.memory_space<hbm>>
    %dma_start3A_264 = tpu.memref_slice %arg5[%add3A_258] : memref<3200000xf32, #tpu.memory_space<hbm>> -> memref<2000xf32, #tpu.memory_space<hbm>>
    tpu.enqueue_dma source(%dma_start3A_264 : memref<2000xf32, #tpu.memory_space<hbm>>) target(%arg10 : memref<2000xf32, #tpu.memory_space<vmem>>) target_semaphore(%arg15 : memref<!tpu.dma_semaphore, #tpu.memory_space<semaphore_mem>>)
    %add3A_265 = arith.constant 2000 : i32
    %add3A_266 = arith.addi %mul3A_2, %add3A_265 : i32
    %dma_start3A_267 = tpu.memref_slice %arg3[%add3A_266] : memref<3200000xi32, #tpu.memory_space<hbm>> -> memref<2000xi32, #tpu.memory_space<hbm>>
    %dma_start3A_268 = tpu.memref_slice %arg3[%add3A_266] : memref<3200000xi32, #tpu.memory_space<hbm>> -> memref<2000xi32, #tpu.memory_space<hbm>>
    tpu.enqueue_dma source(%dma_start3A_268 : memref<2000xi32, #tpu.memory_space<hbm>>) target(%arg11 : memref<2000xi32, #tpu.memory_space<vmem>>) target_semaphore(%arg16 : memref<!tpu.dma_semaphore, #tpu.memory_space<semaphore_mem>>)
    %dma_start3A_269 = tpu.memref_slice %arg4[%add3A_266] : memref<3200000xi32, #tpu.memory_space<hbm>> -> memref<2000xi32, #tpu.memory_space<hbm>>
    %dma_start3A_270 = tpu.memref_slice %arg4[%add3A_266] : memref<3200000xi32, #tpu.memory_space<hbm>> -> memref<2000xi32, #tpu.memory_space<hbm>>
    tpu.enqueue_dma source(%dma_start3A_270 : memref<2000xi32, #tpu.memory_space<hbm>>) target(%arg12 : memref<2000xi32, #tpu.memory_space<vmem>>) target_semaphore(%arg16 : memref<!tpu.dma_semaphore, #tpu.memory_space<semaphore_mem>>)
    %dma_start3A_271 = tpu.memref_slice %arg5[%add3A_266] : memref<3200000xf32, #tpu.memory_space<hbm>> -> memref<2000xf32, #tpu.memory_space<hbm>>
    %dma_start3A_272 = tpu.memref_slice %arg5[%add3A_266] : memref<3200000xf32, #tpu.memory_space<hbm>> -> memref<2000xf32, #tpu.memory_space<hbm>>
    tpu.enqueue_dma source(%dma_start3A_272 : memref<2000xf32, #tpu.memory_space<hbm>>) target(%arg13 : memref<2000xf32, #tpu.memory_space<vmem>>) target_semaphore(%arg16 : memref<!tpu.dma_semaphore, #tpu.memory_space<semaphore_mem>>)
    %scan3A_273 = arith.constant 0 : i32
    %scan3A_274 = arith.constant 0 : i32
    %scan3A_275 = arith.constant 25 : i32
    %scan3A_276 = arith.addi %scan3A_274, %scan3A_275 : i32
    %scan3A_277 = arith.constant 1 : i32
    %scan3A_278 = scf.for %scan3A_280 = %scan3A_274 to %scan3A_276 step %scan3A_277 iter_args(%scan3A_281 = %scan3A_273) -> (i32)  : i32 {
      %mul3A_282 = arith.constant 2 : i32
      %mul3A_283 = arith.muli %mul3A_282, %scan3A_280 : i32
      %mul3A_284 = arith.constant 2000 : i32
      %mul3A_285 = arith.muli %mul3A_283, %mul3A_284 : i32
      %add3A_286 = arith.addi %mul3A_2, %mul3A_285 : i32
      %dma_wait3A = tpu.memref_slice %arg3[%add3A_286] : memref<3200000xi32, #tpu.memory_space<hbm>> -> memref<2000xi32, #tpu.memory_space<hbm>>
      %dma_wait3A_287 = tpu.memref_slice %arg3[%add3A_286] : memref<3200000xi32, #tpu.memory_space<hbm>> -> memref<2000xi32, #tpu.memory_space<hbm>>
      tpu.wait_dma2 semaphore(%arg15 : memref<!tpu.dma_semaphore, #tpu.memory_space<semaphore_mem>>) src(%dma_wait3A_287 : memref<2000xi32, #tpu.memory_space<hbm>>) dst(%arg8 : memref<2000xi32, #tpu.memory_space<vmem>>)
      %dma_wait3A_288 = tpu.memref_slice %arg4[%add3A_286] : memref<3200000xi32, #tpu.memory_space<hbm>> -> memref<2000xi32, #tpu.memory_space<hbm>>
      %dma_wait3A_289 = tpu.memref_slice %arg4[%add3A_286] : memref<3200000xi32, #tpu.memory_space<hbm>> -> memref<2000xi32, #tpu.memory_space<hbm>>
      tpu.wait_dma2 semaphore(%arg15 : memref<!tpu.dma_semaphore, #tpu.memory_space<semaphore_mem>>) src(%dma_wait3A_289 : memref<2000xi32, #tpu.memory_space<hbm>>) dst(%arg9 : memref<2000xi32, #tpu.memory_space<vmem>>)
      %dma_wait3A_290 = tpu.memref_slice %arg5[%add3A_286] : memref<3200000xf32, #tpu.memory_space<hbm>> -> memref<2000xf32, #tpu.memory_space<hbm>>
      %dma_wait3A_291 = tpu.memref_slice %arg5[%add3A_286] : memref<3200000xf32, #tpu.memory_space<hbm>> -> memref<2000xf32, #tpu.memory_space<hbm>>
      tpu.wait_dma2 semaphore(%arg15 : memref<!tpu.dma_semaphore, #tpu.memory_space<semaphore_mem>>) src(%dma_wait3A_291 : memref<2000xf32, #tpu.memory_space<hbm>>) dst(%arg10 : memref<2000xf32, #tpu.memory_space<vmem>>)
      %parallel_loop3A = arith.constant 0 : i32
      %parallel_loop3A_292 = arith.constant 125 : i32
      %parallel_loop3A_293 = arith.constant 1 : i32
      scf.for %parallel_loop3A_320 = %parallel_loop3A to %parallel_loop3A_292 step %parallel_loop3A_293  : i32 {
        %parallel_loop3A_321 = arith.constant 16 : i32
        %parallel_loop3A_322 = arith.muli %parallel_loop3A_320, %parallel_loop3A_321 : i32
        %parallel_loop3A_323 = arith.index_cast %parallel_loop3A_322 : i32 to index
        %parallel_loop3A_324 = tpu.vector_load %arg8[%parallel_loop3A_323] {strides = array<i32>} : memref<2000xi32, #tpu.memory_space<vmem>>, vector<16xi32>,
        %parallel_loop3A_325 = arith.index_cast %parallel_loop3A_322 : i32 to index
        %parallel_loop3A_326 = tpu.vector_load %arg9[%parallel_loop3A_325] {strides = array<i32>} : memref<2000xi32, #tpu.memory_space<vmem>>, vector<16xi32>,
        %parallel_loop3A_327 = arith.index_cast %parallel_loop3A_322 : i32 to index
        %parallel_loop3A_328 = tpu.vector_load %arg10[%parallel_loop3A_327] {strides = array<i32>} : memref<2000xf32, #tpu.memory_space<vmem>>, vector<16xf32>,
        %parallel_loop3A_329 = tpu.vector_load_idx %arg7[%parallel_loop3A_324] : memref<100000xf32, #tpu.memory_space<vmem>>[vector<16xi32>], vector<16xf32>,
        %parallel_loop3A_330 = tpu.vector_load_idx %arg7[%parallel_loop3A_326] : memref<100000xf32, #tpu.memory_space<vmem>>[vector<16xi32>], vector<16xf32>,
        %parallel_loop3A_331 = arith.mulf %parallel_loop3A_328, %parallel_loop3A_329 : vector<16xf32>
        %parallel_loop3A_332 = arith.mulf %parallel_loop3A_331, %parallel_loop3A_330 : vector<16xf32>
        %parallel_loop3A_333 = arith.sitofp %parallel_loop3A_324 : vector<16xi32> to vector<16xf32>
        %parallel_loop3A_334 = arith.constant 5.000000e-01 : f32
        %parallel_loop3A_335 = vector.broadcast %parallel_loop3A_334 : f32 to vector<16xf32>
        %parallel_loop3A_336 = arith.addf %parallel_loop3A_333, %parallel_loop3A_335 : vector<16xf32>
        %parallel_loop3A_337 = arith.constant 4.000000e-05 : f32
        %parallel_loop3A_338 = vector.broadcast %parallel_loop3A_337 : f32 to vector<16xf32>
        %parallel_loop3A_339 = arith.mulf %parallel_loop3A_336, %parallel_loop3A_338 : vector<16xf32>
        %parallel_loop3A_340 = arith.fptosi %parallel_loop3A_339 : vector<16xf32> to vector<16xi32>
        %parallel_loop3A_341 = arith.constant 4 : i32
        %parallel_loop3A_342 = vector.broadcast %parallel_loop3A_341 : i32 to vector<16xi32>
        %parallel_loop3A_343 = arith.shli %parallel_loop3A_340, %parallel_loop3A_342 : vector<16xi32>
        %parallel_loop3A_344 = arith.addi %add3A_256, %parallel_loop3A_343 : vector<16xi32>
        tpu.vector_store_idx %arg14[%parallel_loop3A_344], %parallel_loop3A_332 {add = true} : memref<512xf32, #tpu.memory_space<vmem>>[vector<16xi32>], vector<16xf32>,
      } {sc.loop_unroll_factor = 8 : i64, sc.parallel_access}
      %add3A_294 = arith.constant 2 : i32
      %add3A_295 = arith.addi %mul3A_283, %add3A_294 : i32
      %lt3A = arith.constant 50 : i32
      %lt3A_296 = arith.cmpi slt, %add3A_295, %lt3A : i32
      %convert_element_type3A = arith.extui %lt3A_296 : i1 to i32
      %cond3A = arith.constant 0 : i32
      %cond3A_297 = arith.cmpi ne, %convert_element_type3A, %cond3A : i32
      scf.if %cond3A_297 {
        %add3A_320 = arith.constant 2 : i32
        %add3A_321 = arith.addi %mul3A_283, %add3A_320 : i32
        %mul3A_322 = arith.constant 2000 : i32
        %mul3A_323 = arith.muli %add3A_321, %mul3A_322 : i32
        %add3A_324 = arith.addi %mul3A_2, %mul3A_323 : i32
        %dma_start3A_325 = tpu.memref_slice %arg3[%add3A_324] : memref<3200000xi32, #tpu.memory_space<hbm>> -> memref<2000xi32, #tpu.memory_space<hbm>>
        %dma_start3A_326 = tpu.memref_slice %arg3[%add3A_324] : memref<3200000xi32, #tpu.memory_space<hbm>> -> memref<2000xi32, #tpu.memory_space<hbm>>
        tpu.enqueue_dma source(%dma_start3A_326 : memref<2000xi32, #tpu.memory_space<hbm>>) target(%arg8 : memref<2000xi32, #tpu.memory_space<vmem>>) target_semaphore(%arg15 : memref<!tpu.dma_semaphore, #tpu.memory_space<semaphore_mem>>)
        %dma_start3A_327 = tpu.memref_slice %arg4[%add3A_324] : memref<3200000xi32, #tpu.memory_space<hbm>> -> memref<2000xi32, #tpu.memory_space<hbm>>
        %dma_start3A_328 = tpu.memref_slice %arg4[%add3A_324] : memref<3200000xi32, #tpu.memory_space<hbm>> -> memref<2000xi32, #tpu.memory_space<hbm>>
        tpu.enqueue_dma source(%dma_start3A_328 : memref<2000xi32, #tpu.memory_space<hbm>>) target(%arg9 : memref<2000xi32, #tpu.memory_space<vmem>>) target_semaphore(%arg15 : memref<!tpu.dma_semaphore, #tpu.memory_space<semaphore_mem>>)
        %dma_start3A_329 = tpu.memref_slice %arg5[%add3A_324] : memref<3200000xf32, #tpu.memory_space<hbm>> -> memref<2000xf32, #tpu.memory_space<hbm>>
        %dma_start3A_330 = tpu.memref_slice %arg5[%add3A_324] : memref<3200000xf32, #tpu.memory_space<hbm>> -> memref<2000xf32, #tpu.memory_space<hbm>>
        tpu.enqueue_dma source(%dma_start3A_330 : memref<2000xf32, #tpu.memory_space<hbm>>) target(%arg10 : memref<2000xf32, #tpu.memory_space<vmem>>) target_semaphore(%arg15 : memref<!tpu.dma_semaphore, #tpu.memory_space<semaphore_mem>>)
      } else {
      }
      %add3A_298 = arith.constant 1 : i32
      %add3A_299 = arith.addi %mul3A_283, %add3A_298 : i32
      %mul3A_300 = arith.constant 2000 : i32
      %mul3A_301 = arith.muli %add3A_299, %mul3A_300 : i32
      %add3A_302 = arith.addi %mul3A_2, %mul3A_301 : i32
      %dma_wait3A_303 = tpu.memref_slice %arg3[%add3A_302] : memref<3200000xi32, #tpu.memory_space<hbm>> -> memref<2000xi32, #tpu.memory_space<hbm>>
      %dma_wait3A_304 = tpu.memref_slice %arg3[%add3A_302] : memref<3200000xi32, #tpu.memory_space<hbm>> -> memref<2000xi32, #tpu.memory_space<hbm>>
      tpu.wait_dma2 semaphore(%arg16 : memref<!tpu.dma_semaphore, #tpu.memory_space<semaphore_mem>>) src(%dma_wait3A_304 : memref<2000xi32, #tpu.memory_space<hbm>>) dst(%arg11 : memref<2000xi32, #tpu.memory_space<vmem>>)
      %dma_wait3A_305 = tpu.memref_slice %arg4[%add3A_302] : memref<3200000xi32, #tpu.memory_space<hbm>> -> memref<2000xi32, #tpu.memory_space<hbm>>
      %dma_wait3A_306 = tpu.memref_slice %arg4[%add3A_302] : memref<3200000xi32, #tpu.memory_space<hbm>> -> memref<2000xi32, #tpu.memory_space<hbm>>
      tpu.wait_dma2 semaphore(%arg16 : memref<!tpu.dma_semaphore, #tpu.memory_space<semaphore_mem>>) src(%dma_wait3A_306 : memref<2000xi32, #tpu.memory_space<hbm>>) dst(%arg12 : memref<2000xi32, #tpu.memory_space<vmem>>)
      %dma_wait3A_307 = tpu.memref_slice %arg5[%add3A_302] : memref<3200000xf32, #tpu.memory_space<hbm>> -> memref<2000xf32, #tpu.memory_space<hbm>>
      %dma_wait3A_308 = tpu.memref_slice %arg5[%add3A_302] : memref<3200000xf32, #tpu.memory_space<hbm>> -> memref<2000xf32, #tpu.memory_space<hbm>>
      tpu.wait_dma2 semaphore(%arg16 : memref<!tpu.dma_semaphore, #tpu.memory_space<semaphore_mem>>) src(%dma_wait3A_308 : memref<2000xf32, #tpu.memory_space<hbm>>) dst(%arg13 : memref<2000xf32, #tpu.memory_space<vmem>>)
      %parallel_loop3A_309 = arith.constant 0 : i32
      %parallel_loop3A_310 = arith.constant 125 : i32
      %parallel_loop3A_311 = arith.constant 1 : i32
      scf.for %parallel_loop3A_320 = %parallel_loop3A_309 to %parallel_loop3A_310 step %parallel_loop3A_311  : i32 {
        %parallel_loop3A_321 = arith.constant 16 : i32
        %parallel_loop3A_322 = arith.muli %parallel_loop3A_320, %parallel_loop3A_321 : i32
        %parallel_loop3A_323 = arith.index_cast %parallel_loop3A_322 : i32 to index
        %parallel_loop3A_324 = tpu.vector_load %arg11[%parallel_loop3A_323] {strides = array<i32>} : memref<2000xi32, #tpu.memory_space<vmem>>, vector<16xi32>,
        %parallel_loop3A_325 = arith.index_cast %parallel_loop3A_322 : i32 to index
        %parallel_loop3A_326 = tpu.vector_load %arg12[%parallel_loop3A_325] {strides = array<i32>} : memref<2000xi32, #tpu.memory_space<vmem>>, vector<16xi32>,
        %parallel_loop3A_327 = arith.index_cast %parallel_loop3A_322 : i32 to index
        %parallel_loop3A_328 = tpu.vector_load %arg13[%parallel_loop3A_327] {strides = array<i32>} : memref<2000xf32, #tpu.memory_space<vmem>>, vector<16xf32>,
        %parallel_loop3A_329 = tpu.vector_load_idx %arg7[%parallel_loop3A_324] : memref<100000xf32, #tpu.memory_space<vmem>>[vector<16xi32>], vector<16xf32>,
        %parallel_loop3A_330 = tpu.vector_load_idx %arg7[%parallel_loop3A_326] : memref<100000xf32, #tpu.memory_space<vmem>>[vector<16xi32>], vector<16xf32>,
        %parallel_loop3A_331 = arith.mulf %parallel_loop3A_328, %parallel_loop3A_329 : vector<16xf32>
        %parallel_loop3A_332 = arith.mulf %parallel_loop3A_331, %parallel_loop3A_330 : vector<16xf32>
        %parallel_loop3A_333 = arith.sitofp %parallel_loop3A_324 : vector<16xi32> to vector<16xf32>
        %parallel_loop3A_334 = arith.constant 5.000000e-01 : f32
        %parallel_loop3A_335 = vector.broadcast %parallel_loop3A_334 : f32 to vector<16xf32>
        %parallel_loop3A_336 = arith.addf %parallel_loop3A_333, %parallel_loop3A_335 : vector<16xf32>
        %parallel_loop3A_337 = arith.constant 4.000000e-05 : f32
        %parallel_loop3A_338 = vector.broadcast %parallel_loop3A_337 : f32 to vector<16xf32>
        %parallel_loop3A_339 = arith.mulf %parallel_loop3A_336, %parallel_loop3A_338 : vector<16xf32>
        %parallel_loop3A_340 = arith.fptosi %parallel_loop3A_339 : vector<16xf32> to vector<16xi32>
        %parallel_loop3A_341 = arith.constant 4 : i32
        %parallel_loop3A_342 = vector.broadcast %parallel_loop3A_341 : i32 to vector<16xi32>
        %parallel_loop3A_343 = arith.shli %parallel_loop3A_340, %parallel_loop3A_342 : vector<16xi32>
        %parallel_loop3A_344 = arith.addi %add3A_256, %parallel_loop3A_343 : vector<16xi32>
        tpu.vector_store_idx %arg14[%parallel_loop3A_344], %parallel_loop3A_332 {add = true} : memref<512xf32, #tpu.memory_space<vmem>>[vector<16xi32>], vector<16xf32>,
      } {sc.loop_unroll_factor = 8 : i64, sc.parallel_access}
      %add3A_312 = arith.constant 3 : i32
      %add3A_313 = arith.addi %mul3A_283, %add3A_312 : i32
      %lt3A_314 = arith.constant 50 : i32
      %lt3A_315 = arith.cmpi slt, %add3A_313, %lt3A_314 : i32
      %convert_element_type3A_316 = arith.extui %lt3A_315 : i1 to i32
      %cond3A_317 = arith.constant 0 : i32
      %cond3A_318 = arith.cmpi ne, %convert_element_type3A_316, %cond3A_317 : i32
      scf.if %cond3A_318 {
        %add3A_320 = arith.constant 3 : i32
        %add3A_321 = arith.addi %mul3A_283, %add3A_320 : i32
        %mul3A_322 = arith.constant 2000 : i32
        %mul3A_323 = arith.muli %add3A_321, %mul3A_322 : i32
        %add3A_324 = arith.addi %mul3A_2, %mul3A_323 : i32
        %dma_start3A_325 = tpu.memref_slice %arg3[%add3A_324] : memref<3200000xi32, #tpu.memory_space<hbm>> -> memref<2000xi32, #tpu.memory_space<hbm>>
        %dma_start3A_326 = tpu.memref_slice %arg3[%add3A_324] : memref<3200000xi32, #tpu.memory_space<hbm>> -> memref<2000xi32, #tpu.memory_space<hbm>>
        tpu.enqueue_dma source(%dma_start3A_326 : memref<2000xi32, #tpu.memory_space<hbm>>) target(%arg11 : memref<2000xi32, #tpu.memory_space<vmem>>) target_semaphore(%arg16 : memref<!tpu.dma_semaphore, #tpu.memory_space<semaphore_mem>>)
        %dma_start3A_327 = tpu.memref_slice %arg4[%add3A_324] : memref<3200000xi32, #tpu.memory_space<hbm>> -> memref<2000xi32, #tpu.memory_space<hbm>>
        %dma_start3A_328 = tpu.memref_slice %arg4[%add3A_324] : memref<3200000xi32, #tpu.memory_space<hbm>> -> memref<2000xi32, #tpu.memory_space<hbm>>
        tpu.enqueue_dma source(%dma_start3A_328 : memref<2000xi32, #tpu.memory_space<hbm>>) target(%arg12 : memref<2000xi32, #tpu.memory_space<vmem>>) target_semaphore(%arg16 : memref<!tpu.dma_semaphore, #tpu.memory_space<semaphore_mem>>)
        %dma_start3A_329 = tpu.memref_slice %arg5[%add3A_324] : memref<3200000xf32, #tpu.memory_space<hbm>> -> memref<2000xf32, #tpu.memory_space<hbm>>
        %dma_start3A_330 = tpu.memref_slice %arg5[%add3A_324] : memref<3200000xf32, #tpu.memory_space<hbm>> -> memref<2000xf32, #tpu.memory_space<hbm>>
        tpu.enqueue_dma source(%dma_start3A_330 : memref<2000xf32, #tpu.memory_space<hbm>>) target(%arg13 : memref<2000xf32, #tpu.memory_space<vmem>>) target_semaphore(%arg16 : memref<!tpu.dma_semaphore, #tpu.memory_space<semaphore_mem>>)
      } else {
      }
      %scan3A_319 = arith.constant 0 : i32
      scf.yield %scan3A_319 : i32
    }
    %scan3A_279 = arith.constant 25 : i32
    "tpu.region"() ({
      %run_scoped3A_280 = tpu.sem_alloc : memref<!tpu.dma_semaphore, #tpu.memory_space<semaphore_mem>>
      %dma_start3A_281 = arith.constant 0 : i32
      %dma_start3A_282 = tpu.memref_slice %arg6[%add3A, %dma_start3A_281] : memref<32x512xf32, #tpu.memory_space<hbm>> -> memref<1x512xf32, #tpu.memory_space<hbm>>
      %dma_start3A_283 = tpu.memref_squeeze %dma_start3A_282 : memref<1x512xf32, #tpu.memory_space<hbm>> -> memref<512xf32, #tpu.memory_space<hbm>>
      %dma_start3A_284 = arith.constant 0 : i32
      %dma_start3A_285 = tpu.memref_slice %arg6[%add3A, %dma_start3A_284] : memref<32x512xf32, #tpu.memory_space<hbm>> -> memref<1x512xf32, #tpu.memory_space<hbm>>
      %dma_start3A_286 = tpu.memref_squeeze %dma_start3A_285 : memref<1x512xf32, #tpu.memory_space<hbm>> -> memref<512xf32, #tpu.memory_space<hbm>>
      tpu.enqueue_dma source(%arg14 : memref<512xf32, #tpu.memory_space<vmem>>) target(%dma_start3A_286 : memref<512xf32, #tpu.memory_space<hbm>>) target_semaphore(%run_scoped3A_280 : memref<!tpu.dma_semaphore, #tpu.memory_space<semaphore_mem>>)
      %dma_wait3A = arith.constant 0 : i32
      %dma_wait3A_287 = tpu.memref_slice %arg6[%add3A, %dma_wait3A] : memref<32x512xf32, #tpu.memory_space<hbm>> -> memref<1x512xf32, #tpu.memory_space<hbm>>
      %dma_wait3A_288 = tpu.memref_squeeze %dma_wait3A_287 : memref<1x512xf32, #tpu.memory_space<hbm>> -> memref<512xf32, #tpu.memory_space<hbm>>
      %dma_wait3A_289 = arith.constant 0 : i32
      %dma_wait3A_290 = tpu.memref_slice %arg6[%add3A, %dma_wait3A_289] : memref<32x512xf32, #tpu.memory_space<hbm>> -> memref<1x512xf32, #tpu.memory_space<hbm>>
      %dma_wait3A_291 = tpu.memref_squeeze %dma_wait3A_290 : memref<1x512xf32, #tpu.memory_space<hbm>> -> memref<512xf32, #tpu.memory_space<hbm>>
      tpu.wait_dma2 semaphore(%run_scoped3A_280 : memref<!tpu.dma_semaphore, #tpu.memory_space<semaphore_mem>>) src(%arg14 : memref<512xf32, #tpu.memory_space<vmem>>) dst(%dma_wait3A_291 : memref<512xf32, #tpu.memory_space<hbm>>)
      tpu.yield
    }) : () -> ()
    return
  }
}

module attributes {stable_mosaic.version = 14 : i64} {
  func.func @_tc_body(%arg0: memref<8x4x25000xf32, #tpu.memory_space<vmem>>, %arg1: memref<8x4x25000xf32, #tpu.memory_space<vmem>>, %arg2: memref<4x25000xf32, #tpu.memory_space<vmem>>, %arg3: memref<32x8x4x16xf32, #tpu.memory_space<vmem>>, %arg4: memref<1x1xf32, #tpu.memory_space<vmem>>) attributes {dimension_semantics = [], scalar_prefetch = 0 : i64, scratch_operands = 0 : i64, tpu.core_type = #tpu.core_type<tc>} {
    %get3A = arith.constant 0 : index
    %get3A_0 = arith.constant 0 : index
    %get3A_1 = arith.constant 0 : index
    %get3A_2 = vector.load %arg0[%get3A, %get3A_0, %get3A_1] : memref<8x4x25000xf32, #tpu.memory_space<vmem>>, vector<8x4x25000xf32>
    %get3A_3 = arith.constant 0 : index
    %get3A_4 = arith.constant 0 : index
    %get3A_5 = arith.constant 0 : index
    %get3A_6 = vector.load %arg1[%get3A_3, %get3A_4, %get3A_5] : memref<8x4x25000xf32, #tpu.memory_space<vmem>>, vector<8x4x25000xf32>
    %get3A_7 = arith.constant 0 : index
    %get3A_8 = arith.constant 0 : index
    %get3A_9 = vector.load %arg2[%get3A_7, %get3A_8] : memref<4x25000xf32, #tpu.memory_space<vmem>>, vector<4x25000xf32>
    %broadcast_in_dim3A = vector.shape_cast %get3A_9 : vector<4x25000xf32> to vector<1x4x25000xf32>
    %mul3A = vector.broadcast %broadcast_in_dim3A : vector<1x4x25000xf32> to vector<8x4x25000xf32>
    %mul3A_10 = arith.mulf %mul3A, %get3A_6 : vector<8x4x25000xf32>
    %mul3A_11 = arith.mulf %mul3A_10, %get3A_2 : vector<8x4x25000xf32>
    %reduce_sum3A = arith.constant dense<0.000000e+00> : vector<8x4xf32>
    %reduce_sum3A_12 = vector.multi_reduction <add>, %mul3A_11, %reduce_sum3A [2] : vector<8x4x25000xf32> to vector<8x4xf32>
    %reduce_sum3A_13 = arith.constant dense<0.000000e+00> : vector<4xf32>
    %reduce_sum3A_14 = vector.multi_reduction <add>, %get3A_9, %reduce_sum3A_13 [1] : vector<4x25000xf32> to vector<4xf32>
    %get3A_15 = arith.constant 0 : index
    %get3A_16 = arith.constant 0 : index
    %get3A_17 = arith.constant 0 : index
    %get3A_18 = arith.constant 0 : index
    %get3A_19 = vector.load %arg3[%get3A_15, %get3A_16, %get3A_17, %get3A_18] : memref<32x8x4x16xf32, #tpu.memory_space<vmem>>, vector<32x8x4x16xf32>
    %reduce_sum3A_20 = arith.constant dense<0.000000e+00> : vector<8x4xf32>
    %reduce_sum3A_21 = vector.multi_reduction <add>, %get3A_19, %reduce_sum3A_20 [0, 3] : vector<32x8x4x16xf32> to vector<8x4xf32>
    %max3A = arith.constant 9.99999974E-5 : f32
    %max3A_22 = vector.broadcast %max3A : f32 to vector<8x4xf32>
    %max3A_23 = arith.maximumf %reduce_sum3A_21, %max3A_22 : vector<8x4xf32>
    %div3A = arith.divf %reduce_sum3A_12, %max3A_23 : vector<8x4xf32>
    %mul3A_24 = arith.constant 5.000000e-01 : f32
    %mul3A_25 = vector.broadcast %mul3A_24 : f32 to vector<8x4xf32>
    %mul3A_26 = arith.mulf %mul3A_25, %reduce_sum3A_21 : vector<8x4xf32>
    %mul3A_27 = arith.mulf %mul3A_26, %div3A : vector<8x4xf32>
    %sub3A = arith.subf %mul3A_27, %reduce_sum3A_12 : vector<8x4xf32>
    %mul3A_28 = arith.mulf %sub3A, %div3A : vector<8x4xf32>
    %broadcast_in_dim3A_29 = vector.shape_cast %reduce_sum3A_14 : vector<4xf32> to vector<1x4xf32>
    %div3A_30 = vector.broadcast %broadcast_in_dim3A_29 : vector<1x4xf32> to vector<8x4xf32>
    %div3A_31 = arith.divf %mul3A_28, %div3A_30 : vector<8x4xf32>
    %mul3A_32 = arith.mulf %div3A, %reduce_sum3A_12 : vector<8x4xf32>
    %broadcast_in_dim3A_33 = vector.shape_cast %reduce_sum3A_14 : vector<4xf32> to vector<1x4xf32>
    %div3A_34 = vector.broadcast %broadcast_in_dim3A_33 : vector<1x4xf32> to vector<8x4xf32>
    %div3A_35 = arith.divf %mul3A_32, %div3A_34 : vector<8x4xf32>
    %reduce_sum3A_36 = vector.shape_cast %div3A_35 : vector<8x4xf32> to vector<1x8x4xf32>
    %reduce_sum3A_37 = arith.constant dense<0.000000e+00> : vector<1xf32>
    %reduce_sum3A_38 = vector.multi_reduction <add>, %reduce_sum3A_36, %reduce_sum3A_37 [1, 2] : vector<1x8x4xf32> to vector<1xf32>
    %reduce_sum3A_39 = vector.shape_cast %reduce_sum3A_38 : vector<1xf32> to vector<1x1x1xf32>
    %reduce_sum3A_40 = vector.extract %reduce_sum3A_39[0, 0, 0] : f32 from vector<1x1x1xf32>
    %div3A_41 = arith.constant 3.200000e+01 : f32
    %div3A_42 = arith.divf %reduce_sum3A_40, %div3A_41 : f32
    %neg3A = arith.constant 0.000000e+00 : f32
    %neg3A_43 = arith.subf %neg3A, %div3A_42 : f32
    %mul3A_44 = arith.constant 5.000000e-01 : f32
    %mul3A_45 = arith.mulf %mul3A_44, %neg3A_43 : f32
    %reduce_sum3A_46 = vector.shape_cast %div3A_31 : vector<8x4xf32> to vector<1x8x4xf32>
    %reduce_sum3A_47 = arith.constant dense<0.000000e+00> : vector<1xf32>
    %reduce_sum3A_48 = vector.multi_reduction <add>, %reduce_sum3A_46, %reduce_sum3A_47 [1, 2] : vector<1x8x4xf32> to vector<1xf32>
    %reduce_sum3A_49 = vector.shape_cast %reduce_sum3A_48 : vector<1xf32> to vector<1x1x1xf32>
    %reduce_sum3A_50 = vector.extract %reduce_sum3A_49[0, 0, 0] : f32 from vector<1x1x1xf32>
    %div3A_51 = arith.constant 3.200000e+01 : f32
    %div3A_52 = arith.divf %reduce_sum3A_50, %div3A_51 : f32
    %mul3A_53 = arith.constant 5.000000e-01 : f32
    %mul3A_54 = arith.mulf %mul3A_53, %div3A_52 : f32
    %add3A = arith.addf %mul3A_45, %mul3A_54 : f32
    %broadcast_in_dim3A_55 = vector.broadcast %add3A : f32 to vector<1x1xf32>
    %swap3A = arith.constant 0 : index
    %swap3A_56 = arith.constant 0 : index
    %swap3A_57 = vector.load %arg4[%swap3A, %swap3A_56] : memref<1x1xf32, #tpu.memory_space<vmem>>, vector<1x1xf32>
    tpu.vector_store %arg4[%swap3A, %swap3A_56], %broadcast_in_dim3A_55 {strides = array<i32>} : memref<1x1xf32, #tpu.memory_space<vmem>>, vector<1x1xf32>,
    return
  }
}

</mosaic_0001>

<sc_bundles>
// kernel: kernel.4.cloned.1.call-start
scs
__scs_entry_jumppad:
0x0: {  	(pc) =	sbr.rel $0x88, $3  }
0x1: {  	(tag) =	ssettag $0x0;
	lr =	simm.s32 $0x1  }
0x2: {  	[smem:$0x3F9C] =	sst lr;
	_ =	strace $0xD0000000  }
0x3: {  	_ = 	snop  }
0x4: {  	_ = 	snop  }
0x5: {  	_ = 	snop  }
0x6: {  	_ = 	snop  }
0x7: {  	_ = 	snop  }
__scs_overlays_trampoline_lowered:
0x8: {  	[smem:$0x3FAB] =	sst s0  }
0x9: {  	[smem:$0x3FAC] =	sst s1  }
0xa: {  	[smem:$0x3FAD] =	sst s2  }
0xb: {  	[smem:$0x3FAE] =	sst s3  }
0xc: {  	[smem:$0x3FAF] =	sst s4  }
0xd: {  	[smem:$0x3FB0] =	sst s5  }
0xe: {  	[smem:$0x3FB1] =	sst s6  }
0xf: {  	[smem:$0x3FB2] =	sst s7  }
0x10: {  	[smem:$0x3FB3] =	sst s8  }
0x11: {  	[smem:$0x3FB4] =	sst s9;
	s0 =	simm.s32 @!p0 $0x0  }
0x12: {  	s1 =	sld [smem:$0x3F9A];
	s0 =	simm.s32 @p0 $0x1  }
0x13: {  	[smem:$0x3FB5] =	sst s0;
	s0 =	simm.s32 @!p1 $0x0  }
0x14: {  	s2 =	sld [smem:$0x3F99];
	s0 =	simm.s32 @p1 $0x1  }
0x15: {  	[smem:$0x3FB6] =	sst s0;
	s0 =	simm.s32 @!p2 $0x0  }
0x16: {  	s3 =	sld [smem:$0x3FDB];
	s0 =	simm.s32 @p2 $0x1  }
0x17: {  	s4 =	simm.s32 $0x1BF5;
	[smem:$0x3FB8] =	sst s0  }
0x18: {  	s0 =	sld [smem:$0x3F9B];
	_ =	swait.ge [sflag:s4], $0x0  }
0x19: {  	s7 =	sld [smem:$0x3F9C]  }
0x1a: {  	s8 =	sadd.s32 $0xFFFFE003, lr  }
0x1b: {  	s9 =	sadd.s32 $0xFFFFFEF7, lr;
	s5 =	simm.s32 $0xFFFFFFFF;
	p2 =	slt.u32 s8, $0xFFFFF086  }
0x1c: {  	p1 =	slt.u32 s9, $0xF7A;
	s5 =	simm.s32 @!p2 $0x0  }
0x1d: {  	s5 =	simm.s32 @p1 $0x1;
	p0 =	seq.s32 s7, s2  }
0x1e: {  	s7 =	smul.u32 @!p0 $0xF7A, s2;
	p2 =	seq.s32 @!p0 s5, $0x0  }
0x1f: {  	s9 =	smul.u32 $0xF7A, s1;
	s8 =	simm.s32 @!p0 $0x1BF5;
	p2 =	por !p2, p0  }
0x20: {  	[sflag:s8] =	ssyncset.s32 @!p0 $0xFFFFF086;
	s6 =	sadd.s32 @!p0 s3, s7;
	s7 =	simm.s32 @!p0 $0x108  }
0x21: {  	s3 =	sadd.s32 s3, s9;
	s6 =	sadd.s32 @!p0 $0x88, s6;
	s7 =	simm.s32 @p2 $0x1082  }
0x22: {  	[simem:s7], [sflag:s8] =	dma.local @!p0 [hbm:s6], $0xF7A  }
0x23: {  	s9 =	sor.u32 $0xD0000000, s2;
	s6 =	simm.s32 $0x108;
	_ =	swait.ge @!p0 [sflag:s8], $0x0  }
0x24: {  	s3 =	sadd.s32 $0x88, s3;
	s6 =	simm.s32 @!p1 $0x1082;
	[sflag:s4] =	ssyncset.s32 $0xFFFFF086  }
0x25: {  	[simem:s6], [sflag:s4] =	dma.local [hbm:s3], $0xF7A  }
0x26: {  	[smem:$0x3F9C] =	sst s1;
	(tag) =	ssettag s2;
	_ =	strace s9  }
0x27: {  	s1 =	sld [smem:$0x3FAC]  }
0x28: {  	s2 =	sld [smem:$0x3FAD]  }
0x29: {  	s4 =	sld [smem:$0x3FAF]  }
0x2a: {  	p0 =	seq.s32 s5, $0x0;
	s5 =	sld [smem:$0x3FB0]  }
0x2b: {  	s6 =	sld [smem:$0x3FB1]  }
0x2c: {  	s7 =	sld [smem:$0x3FB2]  }
0x2d: {  	s3 =	simm.s32 $0x108;
	s8 =	sld [smem:$0x3FB3]  }
0x2e: {  	s3 =	simm.s32 @!p0 $0x1082;
	s9 =	sld [smem:$0x3FB4]  }
0x2f: {  	lr =	sadd.s32 s0, s3;
	s0 =	sld [smem:$0x3FAB]  }
0x30: {  	s3 =	sld [smem:$0x3FAE]  }
0x31: {  	[smem:$0x3FB7] =	sst s10  }
0x32: {  	s10 =	sld [smem:$0x3FB5];
	_ =	sdelay $0x3  }
0x33: {  	p0 =	seq.s32 s10, $0x1;
	s10 =	sld [smem:$0x3FB7];
	_ =	sdelay $0x3  }
0x34: {  	[smem:$0x3FB7] =	sst s10  }
0x35: {  	s10 =	sld [smem:$0x3FB6];
	_ =	sdelay $0x3  }
0x36: {  	p1 =	seq.s32 s10, $0x1;
	s10 =	sld [smem:$0x3FB7];
	_ =	sdelay $0x3  }
0x37: {  	[smem:$0x3FB7] =	sst s10  }
0x38: {  	s10 =	sld [smem:$0x3FB8]  }
0x39: {  	_ = 	snop;
	(pc) =	sbr.ind lr, $3  }
0x3a: {  	_ = 	snop  }
0x3b: {  	_ = 	snop  }
0x3c: {  	p2 =	seq.s32 s10, $0x1;
	s10 =	sld [smem:$0x3FB7]  }
0x3d: {  	_ =	shalt  }
0x3e: {  	_ =	shalt  }
0x3f: {  	_ =	shalt  }
0x40: {  	_ =	shalt  }
0x41: {  	_ =	shalt  }
0x42: {  	_ =	shalt  }
0x43: {  	_ =	shalt  }
0x44: {  	_ =	shalt  }
0x45: {  	_ =	shalt  }
0x46: {  	_ =	shalt  }
0x47: {  	_ =	shalt  }
0x48: {  	_ =	shalt  }
0x49: {  	_ =	shalt  }
0x4a: {  	_ =	shalt  }
0x4b: {  	_ =	shalt  }
0x4c: {  	_ =	shalt  }
0x4d: {  	_ =	shalt  }
0x4e: {  	_ =	shalt  }
0x4f: {  	_ =	shalt  }
0x50: {  	_ =	shalt  }
0x51: {  	_ =	shalt  }
0x52: {  	_ =	shalt  }
0x53: {  	_ =	shalt  }
0x54: {  	_ =	shalt  }
0x55: {  	_ =	shalt  }
0x56: {  	_ =	shalt  }
0x57: {  	_ =	shalt  }
0x58: {  	_ =	shalt  }
0x59: {  	_ =	shalt  }
0x5a: {  	_ =	shalt  }
0x5b: {  	_ =	shalt  }
0x5c: {  	_ =	shalt  }
0x5d: {  	_ =	shalt  }
0x5e: {  	_ =	shalt  }
0x5f: {  	_ =	shalt  }
0x60: {  	_ =	shalt  }
0x61: {  	_ =	shalt  }
0x62: {  	_ =	shalt  }
0x63: {  	_ =	shalt  }
0x64: {  	_ =	shalt  }
0x65: {  	_ =	shalt  }
0x66: {  	_ =	shalt  }
0x67: {  	_ =	shalt  }
0x68: {  	_ =	shalt  }
0x69: {  	_ =	shalt  }
0x6a: {  	_ =	shalt  }
0x6b: {  	_ =	shalt  }
0x6c: {  	_ =	shalt  }
0x6d: {  	_ =	shalt  }
0x6e: {  	_ =	shalt  }
0x6f: {  	_ =	shalt  }
0x70: {  	_ =	shalt  }
0x71: {  	_ =	shalt  }
0x72: {  	_ =	shalt  }
0x73: {  	_ =	shalt  }
0x74: {  	_ =	shalt  }
0x75: {  	_ =	shalt  }
0x76: {  	_ =	shalt  }
0x77: {  	_ =	shalt  }
0x78: {  	_ =	shalt  }
0x79: {  	_ =	shalt  }
0x7a: {  	_ =	shalt  }
0x7b: {  	_ =	shalt  }
0x7c: {  	_ =	shalt  }
0x7d: {  	_ =	shalt  }
0x7e: {  	_ =	shalt  }
0x7f: {  	_ =	shalt  }
0x80: {  	_ =	shalt  }
0x81: {  	_ =	shalt  }
0x82: {  	_ =	shalt  }
0x83: {  	_ =	shalt  }
0x84: {  	_ =	shalt  }
0x85: {  	_ =	shalt  }
0x86: {  	_ =	shalt  }
0x87: {  	_ =	shalt  }
.Lfunc_end0:
.L_simem_size_0:
called_computation_lowered:
.L_overlay_start_0:
0x88: {  	s2 =	sld [smem:$0x3FD9]  }
0x89: {  	s3 =	sld [smem:$0x3FFE];
	_ =	sdelay $0x1  }
0x8a: {  	s1 =	srdreg.scid  }
0x8b: {  	s0 =	sand.u32 $0x1, s1  }
0x8c: {  	s17 =	sshll.u32 s0, $0xA;
	s2 =	sadd.s32 s3, s2  }
0x8d: {  	s2 =	sadd.s32 s2, s17  }
0x8e: {  	[smem:$0x3FC3] =	sst s2  }
0x8f: {  	_ = 	snop  }
0x90: {  	s2 =	sld [smem:$0x3FC6];
	(tm) =	ssettm $0x1  }
0x91: {  	s18 =	sld [smem:$0x3FFB];
	_ =	sdelay $0x3  }
0x92: {  	_ =	strace s18  }
0x93: {  	s3 =	sld [smem:$0x3FFC];
	_ =	sdelay $0x3  }
0x94: {  	_ =	strace s3  }
0x95: {  	s3 =	sld [smem:$0x3FFD];
	_ =	sdelay $0x3  }
0x96: {  	_ =	strace s3  }
0x97: {  	_ =	strace $0x8FFFFFFF  }
0x98: {  	s19 =	sld [smem:$0x3FDB];
	_ =	sdelay $0x1  }
0x99: {  	s4 =	simm.s32 $_scs_section_size  }
0x9a: {  	s5 =	simm.s32 $_size__tile_overlayer_lowered;
	s6 =	simm.s32 $_tile_overlayer_lowered  }
0x9b: {  	s22 =	simm.s32 $0x1BFF;
	s21 =	sshll.u32 s6, $0x1;
	s3 =	sadd.s32 s4, s19  }
0x9c: {  	s7 =	simm.s32 $0x0;
	s20 =	sshll.u32 s5, $0x1;
	s5 =	sadd.s32 s21, s3  }
0x9d: {  	[timem:s7], [sflag:s22] =	dma.local [hbm:s5], s20  }
0x9e: {  	_ =	swait.ge [sflag:s22], s20  }
0x9f: {  	s4 =	ssub.s32 $0x0, s20;
	[sflag:s22] =	ssyncset.done $0x0  }
0xa0: {  	[sflag:s22] =	ssyncadd.s32 s4;
	_ =	sdelay $0x1  }
0xa1: {  	s23 =	simm.s32 $0x1B8B  }
0xa2: {  	_ =	swait.ge [sflag:s23], $0x1  }
0xa3: {  	[sflag:s23] =	ssyncset.done $0x0  }
0xa4: {  	s25 =	simm.s32 $0x1B8E;
	s24 =	sld [smem:$0x3FFE];
	[sflag:s23] =	ssyncadd.s32 $0xFFFFFFFF  }
0xa5: {  	s26 =	simm.s32 $execute0_lowered;
	[smem:$0x3FD2] =	sst s25  }
0xa6: {  	s5 =	sshll.u32 s26, $0x1;
	_ =	strace $0x80000046;
	[dreg:$0x1] =	wrdreg $0xFFFFFFFF  }
0xa7: {  	s28 =	simm.s32 $_size_execute0_lowered;
	s3 =	sadd.s32 s3, s5;
	[dreg:$0x0] =	wrdreg $0x0  }
0xa8: {  	s5 =	sshll.u32 s28, $0x1;
	[dreg:$0x2] =	wrdreg s3  }
0xa9: {  	[dreg:$0x3] =	wrdreg s5  }
0xaa: {  	[dreg:$0x4] =	wrdreg $0xC0  }
0xab: {  	_ =	task [dreg:s7], $0x5FFFF  }
0xac: {  	[dreg:$0x1] =	wrdreg $0xFFFFFFFF  }
0xad: {  	[dreg:$0x0] =	wrdreg $0x60  }
0xae: {  	[dreg:$0x2] =	wrdreg s24  }
0xaf: {  	[dreg:$0x3] =	wrdreg s2  }
0xb0: {  	[dreg:$0x4] =	wrdreg $0x9  }
0xb1: {  	_ =	task.clear_ibuf [dreg:s7], $0x5FFFF;
	_ =	strace $0x90000046  }
0xb2: {  	s29 =	simm.s32 $0x9;
	_ =	strace $0x80000048  }
0xb3: {  	_ =	swait.ge [sflag:s29], $0x1  }
0xb4: {  	[sflag:s29] =	ssyncadd.s32 $0xFFFFFFFF  }
0xb5: {  	_ =	strace $0x90000048  }
0xb6: {  	_ =	sfence  }
0xb7: {  	s30 =	sld [smem:$0x0];
	_ =	sdelay $0x2  }
0xb8: {  	s31 =	sshll.u32 s1, $0xD;
	s1 =	sshrl.u32 s1, $0x2  }
0xb9: {  	s3 =	sand.u32 $0x4000, s31;
	s1 =	sadd.s32 s1, s30  }
0xba: {  	s0 =	sor.u32 s3, s0;
	s1 =	sshll.u32 s1, $0x11  }
0xbb: {  	s0 =	sor.u32 s1, s0  }
0xbc: {  	s0 =	sadd.s32 $0x8F2B, s0  }
0xbd: {  	[sflag:s0] =	ssyncadd.remote.s32 $0x1  }
0xbe: {  	_ =	sfence.sel $0xFFFF  }
0xbf: {  	[dreg:$0x0] =	wrdreg $0xFFFFFFFF;
	(pc) =	sbr.abs _section_cstart, $3  }
0xc0: {  	[dreg:$0x1] =	wrdreg $0xFFFFFFFF  }
0xc1: {  	_ =	task.clear_ibuf [dreg:s7], $0x2FFFF;
	_ =	strace $0x9FFFFFFF  }
0xc2: {  	(tm) =	ssettm $0x7FFFFFFF  }
0xc3: {  	_ =	shalt  }
tec
execute0_lowered:
.L_overlay_start_1:
0x0: {  	(tag) =	ssettag $0x1  }
0x1: {  	s0 =	rddreg [dreg:$0x0]  }
0x2: {  	s2 =	rddreg [dreg:$0x1]  }
0x3: {  	s3 =	simm.s32 $0x0;
	s7 =	stileid.u32;
	s1 =	srdreg.scid  }
0x4: {  	s29 =	simm.s32 $0x18F00;
	s30 =	simm.s32 $0x19700;
	s31 =	simm.s32 $0x19F00  }
0x5: {  	s17 =	simm.s32 $0x0;
	[smem:$0x7FF] =	sst s3;
	s1 =	sand.u32 $0x1, s1  }
0x6: {  	s4 =	sshll.u32 s7, $0x1;
	s5 =	sadd.s32 $0xC4600, s0;
	s6 =	sadd.s32 $0xE00, s0  }
0x7: {  	s16 =	sadd.s32 $0xC4610, s0;
	_ =	strace $0x80000047;
	[dreg:$0x3] =	wrdreg s5  }
0x8: {  	s7 =	sshll.u32 s7, $0x7;
	s21 =	sadd.s32 $0xC4620, s0;
	[dreg:$0x4] =	wrdreg s16  }
0x9: {  	s22 =	sadd.s32 $0xC4630, s0;
	s23 =	sadd.s32 $0xC4640, s0;
	[dreg:$0x5] =	wrdreg s21  }
0xa: {  	s24 =	sadd.s32 $0xC4650, s0;
	s25 =	sadd.s32 $0xC4660, s0;
	[dreg:$0x6] =	wrdreg s22  }
0xb: {  	s4 =	sor.u32 s1, s4;
	s5 =	sadd.s32 $0x62A00, s0;
	[dreg:$0x7] =	wrdreg s23  }
0xc: {  	s1 =	ssub.s32 $0x2, s1;
	s7 =	sand.u32 $0x600, s7;
	[dreg:$0x8] =	wrdreg s24  }
0xd: {  	[dreg:$0x9] =	wrdreg s25;
	s24 =	simm.s32 $0x80;
	s25 =	simm.s32 $0x400  }
0xe: {  	s16 =	simm.s32 $0x2;
	s14 =	smul.u32 $0x186A0, s4;
	s8 =	sshrl.u32 s1, $0x1  }
0xf: {  	s15 =	sadd.s32 s7, s0;
	s4 =	sshll.u32 s4, $0x4;
	s0 =	sadd.s32 $0xC4670, s0  }
0x10: {  	s1 =	ssub.s32 s1, s8;
	s4 =	sand.u32 $0x70, s4;
	[dreg:$0xa] =	wrdreg s0  }
0x11: {  	s10 =	sshrl.u32 s14, $0x3;
	s13 =	sadd.s32 $0xFA0, s14;
	s14 =	sadd.s32 $0x1770, s14  }
0x12: {  	s26 =	sadd.s32 s4, s15;
	s28 =	smax.u32 s1, $0x1;
	s1 =	simm.s32 $0x1AF00  }
.Ltmp0:
0x13: {  	s4 =	simm.s32 $0x1;
	s15 =	simm.s32 $0x1B700;
	(pc) =	sbr.rel .LBB2_1-.Ltmp0, $4  }
0x14: {  	s7 =	sadd.s32 s5, s10;
	s8 =	sadd.s32 s6, s10;
	s9 =	sadd.s32 s2, s10  }
0x15: {  	s12 =	sadd.s32 $0xFA, s10;
	s0 =	sadd.s32 $0xDCE00, s26;
	[dreg:$0xc] =	wrdreg s28  }
0x16: {  	v0 =	vimm.f32 $0.0e+00;
	v1 =	vlaneseq.u32;
	s26 =	simm.s32 $0x3;
	s10 =	sadd.s32 s5, s12;
	s11 =	sadd.s32 s6, s12  }
0x17: {  	v2 =	vor.u32 $0x40, v1;
	v3 =	vor.u32 $0x80, v1;
	v4 =	vor.u32 $0xC0, v1;
	s12 =	sadd.s32 s2, s12;
	[dreg:$0xb] =	wrdreg s0;
	s0 =	simm.s32 $0x1A700  }
.LBB2_89:
0x18: {  	s18 =	rddreg [dreg:$0xb]  }
0x19: {  	[hbm4b:s18+s24] =	stream.strided.scatter [tilespmem:s15], [sflag:$0x3], $0x200, s25, s24, $0x38;
	[tilespmem:$0x1B900] =	vst v63  }
0x1a: {  	_ =	swait.ge [sflag:s26], $0x200  }
0x1b: {  	s17 =	sadd.s32 $0x1, s17;
	s28 =	rddreg [dreg:$0xc]  }
0x1c: {  	p0 =	sne.s32 s17, s28  }
.Ltmp1:
0x1d: {  	_ = 	snop;
	(pc) =	sbr.rel @!p0 .LBB2_90-.Ltmp1, $3  }
0x1e: {  	_ =	sdelay $0x1  }
0x1f: {  	[sflag:s26] =	ssyncset.done $0x0  }
0x20: {  	[sflag:s26] =	ssyncadd.s32 $0xFFFFFE00  }
.LBB2_1:
0x21: {  	[tilespmem:$0x1B700] =	vst v0  }
0x22: {  	[tilespmem:$0x1B710] =	vst v0  }
0x23: {  	[tilespmem:$0x1B720] =	vst v0  }
0x24: {  	[tilespmem:$0x1B730] =	vst v0  }
0x25: {  	[tilespmem:$0x1B740] =	vst v0  }
0x26: {  	[tilespmem:$0x1B750] =	vst v0  }
0x27: {  	[tilespmem:$0x1B760] =	vst v0  }
0x28: {  	[tilespmem:$0x1B770] =	vst v0  }
0x29: {  	[tilespmem:$0x1B780] =	vst v0  }
0x2a: {  	[tilespmem:$0x1B790] =	vst v0  }
0x2b: {  	[tilespmem:$0x1B7A0] =	vst v0  }
0x2c: {  	[tilespmem:$0x1B7B0] =	vst v0  }
0x2d: {  	[tilespmem:$0x1B7C0] =	vst v0  }
0x2e: {  	[tilespmem:$0x1B7D0] =	vst v0  }
0x2f: {  	[tilespmem:$0x1B7E0] =	vst v0  }
0x30: {  	[tilespmem:$0x1B7F0] =	vst v0  }
0x31: {  	[tilespmem:$0x1B800] =	vst v0  }
0x32: {  	[tilespmem:$0x1B810] =	vst v0  }
0x33: {  	[tilespmem:$0x1B820] =	vst v0  }
0x34: {  	[tilespmem:$0x1B830] =	vst v0  }
0x35: {  	[tilespmem:$0x1B840] =	vst v0  }
0x36: {  	[tilespmem:$0x1B850] =	vst v0  }
0x37: {  	[tilespmem:$0x1B860] =	vst v0  }
0x38: {  	[tilespmem:$0x1B870] =	vst v0  }
0x39: {  	[tilespmem:$0x1B880] =	vst v0  }
0x3a: {  	[tilespmem:$0x1B890] =	vst v0  }
0x3b: {  	[tilespmem:$0x1B8A0] =	vst v0  }
0x3c: {  	[tilespmem:$0x1B8B0] =	vst v0  }
0x3d: {  	[tilespmem:$0x1B8C0] =	vst v0  }
0x3e: {  	[tilespmem:$0x1B8D0] =	vst v0  }
0x3f: {  	[tilespmem:$0x1B8E0] =	vst v0  }
0x40: {  	[tilespmem:$0x1B8F0] =	vst v0;
	s18 =	rddreg [dreg:$0x3]  }
0x41: {  	[tilespmem:s3], [sflag:$0x3] =	stream.strided.gather [hbm4b:s18+s24], $0x18700, s25, s24, $0x38;
	[tilespmem:$0x1B900] =	vst v63  }
0x42: {  	_ =	swait.ge [sflag:s26], $0x18700  }
0x43: {  	[sflag:s26] =	ssyncset.done $0x0  }
0x44: {  	s28 =	simm.s32 $0x18700;
	[sflag:s26] =	ssyncadd.s32 $0xFFFE7900  }
0x45: {  	[tilespmem:s28], [sflag:$0x1] =	stream.linear.gather [hbm4b:s7+s3], $0x7D0, $0x38;
	[tilespmem:$0x1B900] =	vst v63  }
0x46: {  	_ = 	snop  }
0x47: {  	[tilespmem:s29], [sflag:$0x1] =	stream.linear.gather [hbm4b:s8+s3], $0x7D0, $0x38;
	[tilespmem:$0x1B900] =	vst v63  }
0x48: {  	_ = 	snop  }
0x49: {  	[tilespmem:s30], [sflag:$0x1] =	stream.linear.gather [hbm4b:s9+s3], $0x7D0, $0x38;
	[tilespmem:$0x1B900] =	vst v63  }
0x4a: {  	_ = 	snop  }
0x4b: {  	[tilespmem:s31], [sflag:$0x2] =	stream.linear.gather [hbm4b:s10+s3], $0x7D0, $0x38;
	[tilespmem:$0x1B900] =	vst v63  }
0x4c: {  	_ = 	snop  }
0x4d: {  	[tilespmem:s0], [sflag:$0x2] =	stream.linear.gather [hbm4b:s11+s3], $0x7D0, $0x38;
	[tilespmem:$0x1B900] =	vst v63  }
0x4e: {  	s18 =	simm.s32 $0x0  }
0x4f: {  	[tilespmem:s1], [sflag:$0x2] =	stream.linear.gather [hbm4b:s12+s3], $0x7D0, $0x38;
	[tilespmem:$0x1B900] =	vst v63  }
.LBB2_2:
0x50: {  	_ =	swait.ge [sflag:s4], $0x7D0  }
0x51: {  	[sflag:s4] =	ssyncset.done $0x0  }
0x52: {  	[sflag:s4] =	ssyncadd.s32 $0xFFFFF830  }
0x53: {  	_ =	swait.ge [sflag:s4], $0x7D0  }
0x54: {  	[sflag:s4] =	ssyncset.done $0x0  }
0x55: {  	[sflag:s4] =	ssyncadd.s32 $0xFFFFF830  }
0x56: {  	_ =	swait.ge [sflag:s4], $0x7D0  }
0x57: {  	[sflag:s4] =	ssyncset.done $0x0  }
0x58: {  	s19 =	simm.s32 $0x18740;
	[sflag:s4] =	ssyncadd.s32 $0xFFFFF830  }
0x59: {  	v5 =	vld [tilespmem:s19+$0x30]  }
0x5a: {  	v6 =	vld [tilespmem:s19+$0xFFFFFFD0]  }
0x5b: {  	v7 =	vld [tilespmem:s19+$0xFFFFFFE0]  }
0x5c: {  	s20 =	simm.s32 $0x18F40;
	v8 =	vld [tilespmem:s19+$0xFFFFFFF0]  }
0x5d: {  	v9 =	vld [tilespmem:s20+$0x30]  }
0x5e: {  	v10 =	vld [tilespmem:s19+$0x0]  }
0x5f: {  	v12 =	vld [tilespmem:s19+$0x10]  }
0x60: {  	v13 =	vld [tilespmem:s19+$0x20]  }
0x61: {  	v14 =	vld [tilespmem:s19+$0xFFFFFFC0]  }
0x62: {  	s21 =	simm.s32 $0x19740;
	v15 =	vld [tilespmem:s20+$0xFFFFFFC0]  }
0x63: {  	v16 =	vld [tilespmem:s21+$0x30]  }
0x64: {  	v17 =	vld [tilespmem:s20+$0xFFFFFFD0]  }
0x65: {  	v18 =	vld [tilespmem:s20+$0xFFFFFFE0]  }
0x66: {  	v19 =	vld [tilespmem:s20+$0xFFFFFFF0]  }
0x67: {  	v20 =	vld [tilespmem:s20+$0x0];
	v11 =	vcvt.s32.f32 v5  }
0x68: {  	v57 =	vld [tilespmem:s20+$0x10]  }
0x69: {  	v22 =	vld [tilespmem:s20+$0x20];
	v11 =	vadd.f32 $5.000000000e-01, v11  }
0x6a: {  	v26 =	vld [tilespmem:s21+$0xFFFFFFC0]  }
0x6b: {  	v27 =	vld [tilespmem:s21+$0xFFFFFFD0];
	v11 =	vmul.f32 $3.999999900e-05, v11  }
0x6c: {  	s19 =	simm.s32 $0x0;
	v28 =	vld [tilespmem:s21+$0xFFFFFFE0];
	v21 =	vcvt.s32.f32 v6;
	v23 =	vcvt.s32.f32 v10  }
0x6d: {  	v24 =	vcvt.s32.f32 v12;
	v5 =	vld.idx.msk [tilespmem:v5+s19+$0x0], $0xffff;
	v11 =	vtrunc.f32 v11  }
0x6e: {  	v29 =	vld [tilespmem:s21+$0xFFFFFFF0];
	v25 =	vcvt.s32.f32 v13;
	v11 =	vcvt.f32.s32 v11  }
0x6f: {  	v59 =	vcvt.s32.f32 v8;
	v21 =	vadd.f32 $5.000000000e-01, v21;
	v23 =	vadd.f32 $5.000000000e-01, v23;
	v9 =	vld.idx.msk [tilespmem:v9+s19+$0x0], $0xffff  }
0x70: {  	v30 =	vld [tilespmem:s21+$0x0];
	v24 =	vadd.f32 $5.000000000e-01, v24;
	v25 =	vadd.f32 $5.000000000e-01, v25;
	v11 =	vshll.u32 v11, $0x4  }
0x71: {  	v58 =	vld.idx.msk [tilespmem:v14+s19+$0x0], $0xffff;
	v14 =	vcvt.s32.f32 v14;
	v21 =	vmul.f32 $3.999999900e-05, v21;
	v11 =	vor.u32 v1, v11  }
0x72: {  	v60 =	vld [tilespmem:s21+$0x10];
	v23 =	vmul.f32 $3.999999900e-05, v23;
	v5 =	vmul.f32 v5, v16  }
0x73: {  	v6 =	vld.idx.msk [tilespmem:v6+s19+$0x0], $0xffff;
	v24 =	vmul.f32 $3.999999900e-05, v24;
	v25 =	vmul.f32 $3.999999900e-05, v25  }
0x74: {  	v8 =	vld.idx.msk [tilespmem:v8+s19+$0x0], $0xffff;
	v14 =	vadd.f32 $5.000000000e-01, v14;
	v21 =	vtrunc.f32 v21;
	v5 =	vmul.f32 v9, v5  }
0x75: {  	v12 =	vld.idx.msk [tilespmem:v12+s19+$0x0], $0xffff;
	v23 =	vtrunc.f32 v23;
	v24 =	vtrunc.f32 v24  }
0x76: {  	v14 =	vmul.f32 $3.999999900e-05, v14;
	[tilespmem:v11+s15+$0x0] =	vst.idx.add.f32.msk $0xffff, v5;
	v5 =	vcvt.s32.f32 v7  }
0x77: {  	v61 =	vld [tilespmem:s21+$0x20];
	v21 =	vcvt.f32.s32 v21;
	v23 =	vcvt.f32.s32 v23  }
0x78: {  	v10 =	vld.idx.msk [tilespmem:v10+s19+$0x0], $0xffff;
	v24 =	vcvt.f32.s32 v24;
	v6 =	vmul.f32 v6, v27;
	v5 =	vadd.f32 $5.000000000e-01, v5  }
0x79: {  	v13 =	vld.idx.msk [tilespmem:v13+s19+$0x0], $0xffff;
	v8 =	vmul.f32 v8, v29;
	v14 =	vtrunc.f32 v14;
	v11 =	vadd.f32 $5.000000000e-01, v59  }
0x7a: {  	v15 =	vld.idx.msk [tilespmem:v15+s19+$0x0], $0xffff;
	v14 =	vcvt.f32.s32 v14;
	v5 =	vmul.f32 $3.999999900e-05, v5  }
0x7b: {  	v17 =	vld.idx.msk [tilespmem:v17+s19+$0x0], $0xffff;
	v63 =	vmul.f32 v12, v60;
	v21 =	vshll.u32 v21, $0x4;
	v11 =	vmul.f32 $3.999999900e-05, v11  }
0x7c: {  	v24 =	vshll.u32 v24, $0x4;
	v14 =	vshll.u32 v14, $0x4;
	v7 =	vld.idx.msk [tilespmem:v7+s19+$0x0], $0xffff;
	v5 =	vtrunc.f32 v5  }
0x7d: {  	v16 =	vld.idx.msk [tilespmem:v57+s19+$0x0], $0xffff;
	v14 =	vor.u32 v1, v14;
	v11 =	vtrunc.f32 v11;
	v5 =	vcvt.f32.s32 v5  }
0x7e: {  	v18 =	vld.idx.msk [tilespmem:v18+s19+$0x0], $0xffff;
	v9 =	vmul.f32 v58, v26;
	v21 =	vor.u32 v1, v21;
	v11 =	vcvt.f32.s32 v11  }
0x7f: {  	v19 =	vld.idx.msk [tilespmem:v19+s19+$0x0], $0xffff;
	v23 =	vshll.u32 v23, $0x4;
	v62 =	vor.u32 v1, v24;
	v5 =	vshll.u32 v5, $0x4  }
0x80: {  	v20 =	vld.idx.msk [tilespmem:v20+s19+$0x0], $0xffff;
	v9 =	vmul.f32 v15, v9;
	v11 =	vshll.u32 v11, $0x4;
	v5 =	vor.u32 v1, v5  }
0x81: {  	v22 =	vld.idx.msk [tilespmem:v22+s19+$0x0], $0xffff;
	v6 =	vmul.f32 v17, v6;
	v7 =	vmul.f32 v7, v28;
	v11 =	vor.u32 v1, v11  }
0x82: {  	v25 =	vtrunc.f32 v25;
	v23 =	vor.u32 v1, v23;
	[tilespmem:v14+s15+$0x0] =	vst.idx.add.f32.msk $0xffff, v9;
	v9 =	vmul.f32 v16, v63  }
0x83: {  	v10 =	vmul.f32 v10, v30;
	[tilespmem:v21+s15+$0x0] =	vst.idx.add.f32.msk $0xffff, v6;
	v7 =	vmul.f32 v18, v7  }
0x84: {  	v6 =	vmul.f32 v19, v8;
	v8 =	vcvt.f32.s32 v25;
	[tilespmem:v62+s15+$0x0] =	vst.idx.add.f32.msk $0xffff, v9  }
0x85: {  	[tilespmem:v5+s15+$0x0] =	vst.idx.add.f32.msk $0xffff, v7;
	v5 =	vmul.f32 v20, v10;
	v7 =	vmul.f32 v13, v61  }
0x86: {  	[tilespmem:v11+s15+$0x0] =	vst.idx.add.f32.msk $0xffff, v6;
	v6 =	vshll.u32 v8, $0x4  }
0x87: {  	s22 =	simm.s32 $0x0;
	s23 =	simm.s32 $0x187C0;
	[tilespmem:v23+s15+$0x0] =	vst.idx.add.f32.msk $0xffff, v5;
	v5 =	vor.u32 v1, v6;
	v6 =	vmul.f32 v22, v7  }
.LBB2_3:
0x88: {  	v7 =	vld [tilespmem:s23+$0x30];
	s22 =	sadd.s32 $0x8, s22  }
0x89: {  	v8 =	vld [tilespmem:s23+$0xFFFFFFD0];
	p0 =	slt.u32 s22, $0x70  }
0x8a: {  	v9 =	vld [tilespmem:s23+$0xFFFFFFE0]  }
0x8b: {  	s20 =	sadd.s32 $0x80, s20;
	v10 =	vld [tilespmem:s23+$0xFFFFFFF0]  }
0x8c: {  	v11 =	vld [tilespmem:s20+$0x30]  }
0x8d: {  	v12 =	vld [tilespmem:s23+$0x0];
	v13 =	vcvt.s32.f32 v7  }
0x8e: {  	v14 =	vcvt.s32.f32 v8;
	v15 =	vld [tilespmem:s23+$0x10]  }
0x8f: {  	v16 =	vcvt.s32.f32 v9;
	v17 =	vld [tilespmem:s23+$0x20];
	v13 =	vadd.f32 $5.000000000e-01, v13  }
0x90: {  	v18 =	vld [tilespmem:s23+$0xFFFFFFC0];
	v14 =	vadd.f32 $5.000000000e-01, v14;
	v19 =	vcvt.s32.f32 v10  }
0x91: {  	v20 =	vld [tilespmem:s20+$0xFFFFFFC0];
	v16 =	vadd.f32 $5.000000000e-01, v16;
	v13 =	vmul.f32 $3.999999900e-05, v13  }
0x92: {  	s21 =	sadd.s32 $0x80, s21;
	v14 =	vmul.f32 $3.999999900e-05, v14;
	v19 =	vadd.f32 $5.000000000e-01, v19;
	v21 =	vcvt.s32.f32 v12;
	v7 =	vld.idx.msk [tilespmem:v7+s19+$0x0], $0xffff  }
0x93: {  	v22 =	vcvt.s32.f32 v15;
	v23 =	vld [tilespmem:s21+$0x30];
	v13 =	vtrunc.f32 v13  }
0x94: {  	v21 =	vadd.f32 $5.000000000e-01, v21;
	v24 =	vcvt.s32.f32 v17;
	v11 =	vld.idx.msk [tilespmem:v11+s19+$0x0], $0xffff;
	v13 =	vcvt.f32.s32 v13  }
0x95: {  	v16 =	vmul.f32 $3.999999900e-05, v16;
	v25 =	vcvt.s32.f32 v18;
	v26 =	vld [tilespmem:s20+$0xFFFFFFD0];
	v22 =	vadd.f32 $5.000000000e-01, v22  }
0x96: {  	v19 =	vmul.f32 $3.999999900e-05, v19;
	v27 =	vld [tilespmem:s20+$0xFFFFFFE0];
	v24 =	vadd.f32 $5.000000000e-01, v24;
	v13 =	vshll.u32 v13, $0x4  }
0x97: {  	v21 =	vmul.f32 $3.999999900e-05, v21;
	v25 =	vadd.f32 $5.000000000e-01, v25;
	v28 =	vld [tilespmem:s20+$0xFFFFFFF0];
	v13 =	vor.u32 v1, v13  }
0x98: {  	v22 =	vmul.f32 $3.999999900e-05, v22;
	v29 =	vld [tilespmem:s20+$0x0];
	v7 =	vmul.f32 v7, v23  }
0x99: {  	v24 =	vmul.f32 $3.999999900e-05, v24;
	v23 =	vmul.f32 $3.999999900e-05, v25;
	v25 =	vld [tilespmem:s20+$0x10]  }
0x9a: {  	v14 =	vtrunc.f32 v14;
	v30 =	vld [tilespmem:s20+$0x20];
	v7 =	vmul.f32 v11, v7  }
0x9b: {  	v16 =	vtrunc.f32 v16;
	v11 =	vld.idx.msk [tilespmem:v18+s19+$0x0], $0xffff;
	v18 =	vtrunc.f32 v23  }
0x9c: {  	v19 =	vtrunc.f32 v19;
	v21 =	vtrunc.f32 v21;
	[tilespmem:v13+s15+$0x0] =	vst.idx.add.f32.msk $0xffff, v7  }
0x9d: {  	v13 =	vtrunc.f32 v24;
	v7 =	vld.idx.msk [tilespmem:v8+s19+$0x0], $0xffff;
	v8 =	vtrunc.f32 v22  }
0x9e: {  	v14 =	vcvt.f32.s32 v14;
	v18 =	vcvt.f32.s32 v18;
	v9 =	vld.idx.msk [tilespmem:v9+s19+$0x0], $0xffff  }
0x9f: {  	v16 =	vcvt.f32.s32 v16;
	v19 =	vcvt.f32.s32 v19;
	v10 =	vld.idx.msk [tilespmem:v10+s19+$0x0], $0xffff  }
0xa0: {  	v21 =	vcvt.f32.s32 v21;
	v18 =	vshll.u32 v18, $0x4;
	v8 =	vcvt.f32.s32 v8;
	v12 =	vld.idx.msk [tilespmem:v12+s19+$0x0], $0xffff  }
0xa1: {  	v14 =	vshll.u32 v14, $0x4;
	v16 =	vshll.u32 v16, $0x4;
	v13 =	vcvt.f32.s32 v13;
	v15 =	vld.idx.msk [tilespmem:v15+s19+$0x0], $0xffff  }
0xa2: {  	v19 =	vshll.u32 v19, $0x4;
	v21 =	vshll.u32 v21, $0x4;
	v8 =	vshll.u32 v8, $0x4;
	v17 =	vld.idx.msk [tilespmem:v17+s19+$0x0], $0xffff  }
0xa3: {  	v14 =	vor.u32 v1, v14;
	v18 =	vor.u32 v1, v18;
	v13 =	vshll.u32 v13, $0x4;
	v22 =	vld [tilespmem:s21+$0xFFFFFFC0]  }
0xa4: {  	v16 =	vor.u32 v1, v16;
	v19 =	vor.u32 v1, v19;
	v21 =	vor.u32 v1, v21;
	v23 =	vld [tilespmem:s21+$0xFFFFFFD0]  }
0xa5: {  	v13 =	vor.u32 v1, v13;
	v8 =	vor.u32 v1, v8;
	v24 =	vld [tilespmem:s21+$0xFFFFFFE0]  }
0xa6: {  	v31 =	vld [tilespmem:s21+$0xFFFFFFF0]  }
0xa7: {  	v32 =	vld [tilespmem:s21+$0x0]  }
0xa8: {  	v11 =	vmul.f32 v11, v22;
	v22 =	vld [tilespmem:s21+$0x10]  }
0xa9: {  	v7 =	vmul.f32 v7, v23;
	v23 =	vld [tilespmem:s21+$0x20]  }
0xaa: {  	v20 =	vld.idx.msk [tilespmem:v20+s19+$0x0], $0xffff;
	v9 =	vmul.f32 v9, v24  }
0xab: {  	v24 =	vld.idx.msk [tilespmem:v26+s19+$0x0], $0xffff;
	v10 =	vmul.f32 v10, v31  }
0xac: {  	v26 =	vld.idx.msk [tilespmem:v27+s19+$0x0], $0xffff;
	v12 =	vmul.f32 v12, v32  }
0xad: {  	v27 =	vld.idx.msk [tilespmem:v28+s19+$0x0], $0xffff;
	v15 =	vmul.f32 v15, v22  }
0xae: {  	v22 =	vld.idx.msk [tilespmem:v29+s19+$0x0], $0xffff;
	v17 =	vmul.f32 v17, v23  }
0xaf: {  	v23 =	vld.idx.msk [tilespmem:v25+s19+$0x0], $0xffff  }
0xb0: {  	v11 =	vmul.f32 v20, v11;
	v20 =	vld.idx.msk [tilespmem:v30+s19+$0x0], $0xffff  }
0xb1: {  	v7 =	vmul.f32 v24, v7;
	[tilespmem:v5+s15+$0x0] =	vst.idx.add.f32.msk $0xffff, v6;
	v5 =	vmov v13  }
0xb2: {  	v6 =	vmul.f32 v26, v9;
	[tilespmem:v18+s15+$0x0] =	vst.idx.add.f32.msk $0xffff, v11  }
.Ltmp2:
0xb3: {  	[tilespmem:v14+s15+$0x0] =	vst.idx.add.f32.msk $0xffff, v7;
	v7 =	vmul.f32 v27, v10;
	(pc) =	sbr.rel @p0 .LBB2_3-.Ltmp2, $4  }
0xb4: {  	[tilespmem:v16+s15+$0x0] =	vst.idx.add.f32.msk $0xffff, v6;
	v6 =	vmul.f32 v22, v12  }
0xb5: {  	[tilespmem:v19+s15+$0x0] =	vst.idx.add.f32.msk $0xffff, v7;
	v7 =	vmul.f32 v23, v15  }
0xb6: {  	[tilespmem:v21+s15+$0x0] =	vst.idx.add.f32.msk $0xffff, v6;
	v6 =	vmul.f32 v20, v17  }
0xb7: {  	s23 =	sadd.s32 $0x80, s23;
	[tilespmem:v8+s15+$0x0] =	vst.idx.add.f32.msk $0xffff, v7  }
0xb8: {  	_ =	sdelay $0x3  }
0xb9: {  	[tilespmem:v5+s15+$0x0] =	vst.idx.add.f32.msk $0xffff, v6  }
.LBB2_5:
0xba: {  	s20 =	sshra.s32 s19, $0x2  }
0xbb: {  	v5 =	vld [tilespmem:s20+$0x18E80];
	_ =	sdelay $0x4  }
0xbc: {  	v6 =	vld [tilespmem:s20+$0x19680];
	v7 =	vcvt.s32.f32 v5;
	_ =	sdelay $0x1  }
0xbd: {  	v7 =	vadd.f32 $5.000000000e-01, v7;
	_ =	sdelay $0x1  }
0xbe: {  	v7 =	vmul.f32 $3.999999900e-05, v7  }
0xbf: {  	v8 =	vld [tilespmem:s20+$0x19E80]  }
0xc0: {  	v5 =	vld.idx.msk [tilespmem:v5+s3+$0x0], $0xffff;
	v7 =	vtrunc.f32 v7  }
0xc1: {  	v7 =	vcvt.f32.s32 v7  }
0xc2: {  	v6 =	vld.idx.msk [tilespmem:v6+s3+$0x0], $0xffff  }
0xc3: {  	v7 =	vshll.u32 v7, $0x4  }
0xc4: {  	p0 =	sne.s32 s19, $0x100;
	v7 =	vor.u32 v1, v7  }
.Ltmp3:
0xc5: {  	v5 =	vmul.f32 v5, v8;
	(pc) =	sbr.rel @p0 .LBB2_5-.Ltmp3, $3  }
0xc6: {  	_ = 	snop  }
0xc7: {  	v5 =	vmul.f32 v6, v5;
	_ =	sdelay $0x1  }
0xc8: {  	s19 =	sadd.s32 $0x40, s19;
	[tilespmem:v7+s15+$0x0] =	vst.idx.add.f32.msk $0xffff, v5  }
0xc9: {  	p0 =	seq.s32 s18, $0x18  }
0xca: {  	s19 =	smul.u32 @!p0 $0xFA0, s18;
	_ =	sdelay $0x1  }
0xcb: {  	s19 =	sadd.s32 @!p0 s19, s13  }
0xcc: {  	s19 =	sshrl.u32 @!p0 s19, $0x3  }
0xcd: {  	s21 =	simm.s32 @!p0 $0x0;
	s22 =	simm.s32 @!p0 $0x18700;
	s20 =	sadd.s32 @!p0 s5, s19  }
0xce: {  	[tilespmem:s22], [sflag:$0x1] =	stream.linear.gather @!p0 [hbm4b:s20+s21], $0x7D0, $0x38;
	[tilespmem:$0x1B900] =	vst v63  }
0xcf: {  	s20 =	sadd.s32 @!p0 s6, s19;
	s22 =	simm.s32 @!p0 $0x18F00  }
0xd0: {  	[tilespmem:s22], [sflag:$0x1] =	stream.linear.gather @!p0 [hbm4b:s20+s21], $0x7D0, $0x38;
	[tilespmem:$0x1B900] =	vst v63  }
0xd1: {  	s19 =	sadd.s32 @!p0 s2, s19;
	s20 =	simm.s32 @!p0 $0x19700  }
0xd2: {  	[tilespmem:s20], [sflag:$0x1] =	stream.linear.gather @!p0 [hbm4b:s19+s21], $0x7D0, $0x38;
	[tilespmem:$0x1B900] =	vst v63  }
0xd3: {  	_ =	swait.ge [sflag:s16], $0x7D0  }
0xd4: {  	[sflag:s16] =	ssyncset.done $0x0  }
0xd5: {  	[sflag:s16] =	ssyncadd.s32 $0xFFFFF830  }
0xd6: {  	_ =	swait.ge [sflag:s16], $0x7D0  }
0xd7: {  	[sflag:s16] =	ssyncset.done $0x0  }
0xd8: {  	[sflag:s16] =	ssyncadd.s32 $0xFFFFF830  }
0xd9: {  	_ =	swait.ge [sflag:s16], $0x7D0  }
0xda: {  	[sflag:s16] =	ssyncset.done $0x0  }
0xdb: {  	s28 =	simm.s32 $0x19F40;
	[sflag:s16] =	ssyncadd.s32 $0xFFFFF830  }
0xdc: {  	v5 =	vld [tilespmem:s28+$0x30]  }
0xdd: {  	v6 =	vld [tilespmem:s28+$0xFFFFFFD0]  }
0xde: {  	v7 =	vld [tilespmem:s28+$0xFFFFFFE0]  }
0xdf: {  	s20 =	simm.s32 $0x1A740;
	v8 =	vld [tilespmem:s28+$0xFFFFFFF0]  }
0xe0: {  	v9 =	vld [tilespmem:s20+$0x30]  }
0xe1: {  	v10 =	vld [tilespmem:s28+$0x0]  }
0xe2: {  	v12 =	vld [tilespmem:s28+$0x10]  }
0xe3: {  	v13 =	vld [tilespmem:s28+$0x20]  }
0xe4: {  	v14 =	vld [tilespmem:s28+$0xFFFFFFC0]  }
0xe5: {  	s21 =	simm.s32 $0x1AF40;
	v15 =	vld [tilespmem:s20+$0xFFFFFFC0]  }
0xe6: {  	v16 =	vld [tilespmem:s21+$0x30]  }
0xe7: {  	v17 =	vld [tilespmem:s20+$0xFFFFFFD0]  }
0xe8: {  	v18 =	vld [tilespmem:s20+$0xFFFFFFE0]  }
0xe9: {  	v19 =	vld [tilespmem:s20+$0xFFFFFFF0]  }
0xea: {  	v20 =	vld [tilespmem:s20+$0x0];
	v11 =	vcvt.s32.f32 v5  }
0xeb: {  	v57 =	vld [tilespmem:s20+$0x10]  }
0xec: {  	v22 =	vld [tilespmem:s20+$0x20];
	v11 =	vadd.f32 $5.000000000e-01, v11  }
0xed: {  	v26 =	vld [tilespmem:s21+$0xFFFFFFC0]  }
0xee: {  	v27 =	vld [tilespmem:s21+$0xFFFFFFD0];
	v11 =	vmul.f32 $3.999999900e-05, v11  }
0xef: {  	s19 =	simm.s32 $0x0;
	v28 =	vld [tilespmem:s21+$0xFFFFFFE0];
	v21 =	vcvt.s32.f32 v6;
	v23 =	vcvt.s32.f32 v10  }
0xf0: {  	v24 =	vcvt.s32.f32 v12;
	v5 =	vld.idx.msk [tilespmem:v5+s19+$0x0], $0xffff;
	v11 =	vtrunc.f32 v11  }
0xf1: {  	v29 =	vld [tilespmem:s21+$0xFFFFFFF0];
	v25 =	vcvt.s32.f32 v13;
	v11 =	vcvt.f32.s32 v11  }
0xf2: {  	v59 =	vcvt.s32.f32 v8;
	v21 =	vadd.f32 $5.000000000e-01, v21;
	v23 =	vadd.f32 $5.000000000e-01, v23;
	v9 =	vld.idx.msk [tilespmem:v9+s19+$0x0], $0xffff  }
0xf3: {  	v30 =	vld [tilespmem:s21+$0x0];
	v24 =	vadd.f32 $5.000000000e-01, v24;
	v25 =	vadd.f32 $5.000000000e-01, v25;
	v11 =	vshll.u32 v11, $0x4  }
0xf4: {  	v58 =	vld.idx.msk [tilespmem:v14+s19+$0x0], $0xffff;
	v14 =	vcvt.s32.f32 v14;
	v21 =	vmul.f32 $3.999999900e-05, v21;
	v11 =	vor.u32 v1, v11  }
0xf5: {  	v60 =	vld [tilespmem:s21+$0x10];
	v23 =	vmul.f32 $3.999999900e-05, v23;
	v5 =	vmul.f32 v5, v16  }
0xf6: {  	v6 =	vld.idx.msk [tilespmem:v6+s19+$0x0], $0xffff;
	v24 =	vmul.f32 $3.999999900e-05, v24;
	v25 =	vmul.f32 $3.999999900e-05, v25  }
0xf7: {  	v8 =	vld.idx.msk [tilespmem:v8+s19+$0x0], $0xffff;
	v14 =	vadd.f32 $5.000000000e-01, v14;
	v21 =	vtrunc.f32 v21;
	v5 =	vmul.f32 v9, v5  }
0xf8: {  	v12 =	vld.idx.msk [tilespmem:v12+s19+$0x0], $0xffff;
	v23 =	vtrunc.f32 v23;
	v24 =	vtrunc.f32 v24  }
0xf9: {  	v14 =	vmul.f32 $3.999999900e-05, v14;
	[tilespmem:v11+s15+$0x0] =	vst.idx.add.f32.msk $0xffff, v5;
	v5 =	vcvt.s32.f32 v7  }
0xfa: {  	v61 =	vld [tilespmem:s21+$0x20];
	v21 =	vcvt.f32.s32 v21;
	v23 =	vcvt.f32.s32 v23  }
0xfb: {  	v10 =	vld.idx.msk [tilespmem:v10+s19+$0x0], $0xffff;
	v24 =	vcvt.f32.s32 v24;
	v6 =	vmul.f32 v6, v27;
	v5 =	vadd.f32 $5.000000000e-01, v5  }
0xfc: {  	v13 =	vld.idx.msk [tilespmem:v13+s19+$0x0], $0xffff;
	v8 =	vmul.f32 v8, v29;
	v14 =	vtrunc.f32 v14;
	v11 =	vadd.f32 $5.000000000e-01, v59  }
0xfd: {  	v15 =	vld.idx.msk [tilespmem:v15+s19+$0x0], $0xffff;
	v14 =	vcvt.f32.s32 v14;
	v5 =	vmul.f32 $3.999999900e-05, v5  }
0xfe: {  	v17 =	vld.idx.msk [tilespmem:v17+s19+$0x0], $0xffff;
	v63 =	vmul.f32 v12, v60;
	v21 =	vshll.u32 v21, $0x4;
	v11 =	vmul.f32 $3.999999900e-05, v11  }
0xff: {  	v24 =	vshll.u32 v24, $0x4;
	v14 =	vshll.u32 v14, $0x4;
	v7 =	vld.idx.msk [tilespmem:v7+s19+$0x0], $0xffff;
	v5 =	vtrunc.f32 v5  }
0x100: {  	v16 =	vld.idx.msk [tilespmem:v57+s19+$0x0], $0xffff;
	v14 =	vor.u32 v1, v14;
	v11 =	vtrunc.f32 v11;
	v5 =	vcvt.f32.s32 v5  }
0x101: {  	v18 =	vld.idx.msk [tilespmem:v18+s19+$0x0], $0xffff;
	v9 =	vmul.f32 v58, v26;
	v21 =	vor.u32 v1, v21;
	v11 =	vcvt.f32.s32 v11  }
0x102: {  	v19 =	vld.idx.msk [tilespmem:v19+s19+$0x0], $0xffff;
	v23 =	vshll.u32 v23, $0x4;
	v62 =	vor.u32 v1, v24;
	v5 =	vshll.u32 v5, $0x4  }
0x103: {  	v20 =	vld.idx.msk [tilespmem:v20+s19+$0x0], $0xffff;
	v9 =	vmul.f32 v15, v9;
	v11 =	vshll.u32 v11, $0x4;
	v5 =	vor.u32 v1, v5  }
0x104: {  	v22 =	vld.idx.msk [tilespmem:v22+s19+$0x0], $0xffff;
	v6 =	vmul.f32 v17, v6;
	v7 =	vmul.f32 v7, v28;
	v11 =	vor.u32 v1, v11  }
0x105: {  	v25 =	vtrunc.f32 v25;
	v23 =	vor.u32 v1, v23;
	[tilespmem:v14+s15+$0x0] =	vst.idx.add.f32.msk $0xffff, v9;
	v9 =	vmul.f32 v16, v63  }
0x106: {  	v10 =	vmul.f32 v10, v30;
	[tilespmem:v21+s15+$0x0] =	vst.idx.add.f32.msk $0xffff, v6;
	v7 =	vmul.f32 v18, v7  }
0x107: {  	v6 =	vmul.f32 v19, v8;
	v8 =	vcvt.f32.s32 v25;
	[tilespmem:v62+s15+$0x0] =	vst.idx.add.f32.msk $0xffff, v9  }
0x108: {  	[tilespmem:v5+s15+$0x0] =	vst.idx.add.f32.msk $0xffff, v7;
	v5 =	vmul.f32 v20, v10;
	v7 =	vmul.f32 v13, v61  }
0x109: {  	[tilespmem:v11+s15+$0x0] =	vst.idx.add.f32.msk $0xffff, v6;
	v6 =	vshll.u32 v8, $0x4  }
0x10a: {  	s23 =	simm.s32 $0x19FC0;
	s22 =	simm.s32 $0x0;
	[tilespmem:v23+s15+$0x0] =	vst.idx.add.f32.msk $0xffff, v5;
	v5 =	vor.u32 v1, v6;
	v6 =	vmul.f32 v22, v7  }
.LBB2_7:
0x10b: {  	v7 =	vld [tilespmem:s23+$0x30];
	s22 =	sadd.s32 $0x8, s22  }
0x10c: {  	v8 =	vld [tilespmem:s23+$0xFFFFFFD0];
	p1 =	slt.u32 s22, $0x70  }
0x10d: {  	v9 =	vld [tilespmem:s23+$0xFFFFFFE0]  }
0x10e: {  	s20 =	sadd.s32 $0x80, s20;
	v10 =	vld [tilespmem:s23+$0xFFFFFFF0]  }
0x10f: {  	v11 =	vld [tilespmem:s20+$0x30]  }
0x110: {  	v12 =	vld [tilespmem:s23+$0x0];
	v13 =	vcvt.s32.f32 v7  }
0x111: {  	v14 =	vcvt.s32.f32 v8;
	v15 =	vld [tilespmem:s23+$0x10]  }
0x112: {  	v16 =	vcvt.s32.f32 v9;
	v17 =	vld [tilespmem:s23+$0x20];
	v13 =	vadd.f32 $5.000000000e-01, v13  }
0x113: {  	v18 =	vld [tilespmem:s23+$0xFFFFFFC0];
	v14 =	vadd.f32 $5.000000000e-01, v14;
	v19 =	vcvt.s32.f32 v10  }
0x114: {  	v20 =	vld [tilespmem:s20+$0xFFFFFFC0];
	v16 =	vadd.f32 $5.000000000e-01, v16;
	v13 =	vmul.f32 $3.999999900e-05, v13  }
0x115: {  	s21 =	sadd.s32 $0x80, s21;
	v14 =	vmul.f32 $3.999999900e-05, v14;
	v19 =	vadd.f32 $5.000000000e-01, v19;
	v21 =	vcvt.s32.f32 v12;
	v7 =	vld.idx.msk [tilespmem:v7+s19+$0x0], $0xffff  }
0x116: {  	v22 =	vcvt.s32.f32 v15;
	v23 =	vld [tilespmem:s21+$0x30];
	v13 =	vtrunc.f32 v13  }
0x117: {  	v21 =	vadd.f32 $5.000000000e-01, v21;
	v24 =	vcvt.s32.f32 v17;
	v11 =	vld.idx.msk [tilespmem:v11+s19+$0x0], $0xffff;
	v13 =	vcvt.f32.s32 v13  }
0x118: {  	v16 =	vmul.f32 $3.999999900e-05, v16;
	v25 =	vcvt.s32.f32 v18;
	v26 =	vld [tilespmem:s20+$0xFFFFFFD0];
	v22 =	vadd.f32 $5.000000000e-01, v22  }
0x119: {  	v19 =	vmul.f32 $3.999999900e-05, v19;
	v27 =	vld [tilespmem:s20+$0xFFFFFFE0];
	v24 =	vadd.f32 $5.000000000e-01, v24;
	v13 =	vshll.u32 v13, $0x4  }
0x11a: {  	v21 =	vmul.f32 $3.999999900e-05, v21;
	v25 =	vadd.f32 $5.000000000e-01, v25;
	v28 =	vld [tilespmem:s20+$0xFFFFFFF0];
	v13 =	vor.u32 v1, v13  }
0x11b: {  	v22 =	vmul.f32 $3.999999900e-05, v22;
	v29 =	vld [tilespmem:s20+$0x0];
	v7 =	vmul.f32 v7, v23  }
0x11c: {  	v24 =	vmul.f32 $3.999999900e-05, v24;
	v23 =	vmul.f32 $3.999999900e-05, v25;
	v25 =	vld [tilespmem:s20+$0x10]  }
0x11d: {  	v14 =	vtrunc.f32 v14;
	v30 =	vld [tilespmem:s20+$0x20];
	v7 =	vmul.f32 v11, v7  }
0x11e: {  	v16 =	vtrunc.f32 v16;
	v11 =	vld.idx.msk [tilespmem:v18+s19+$0x0], $0xffff;
	v18 =	vtrunc.f32 v23  }
0x11f: {  	v19 =	vtrunc.f32 v19;
	v21 =	vtrunc.f32 v21;
	[tilespmem:v13+s15+$0x0] =	vst.idx.add.f32.msk $0xffff, v7  }
0x120: {  	v13 =	vtrunc.f32 v24;
	v7 =	vld.idx.msk [tilespmem:v8+s19+$0x0], $0xffff;
	v8 =	vtrunc.f32 v22  }
0x121: {  	v14 =	vcvt.f32.s32 v14;
	v18 =	vcvt.f32.s32 v18;
	v9 =	vld.idx.msk [tilespmem:v9+s19+$0x0], $0xffff  }
0x122: {  	v16 =	vcvt.f32.s32 v16;
	v19 =	vcvt.f32.s32 v19;
	v10 =	vld.idx.msk [tilespmem:v10+s19+$0x0], $0xffff  }
0x123: {  	v21 =	vcvt.f32.s32 v21;
	v18 =	vshll.u32 v18, $0x4;
	v8 =	vcvt.f32.s32 v8;
	v12 =	vld.idx.msk [tilespmem:v12+s19+$0x0], $0xffff  }
0x124: {  	v14 =	vshll.u32 v14, $0x4;
	v16 =	vshll.u32 v16, $0x4;
	v13 =	vcvt.f32.s32 v13;
	v15 =	vld.idx.msk [tilespmem:v15+s19+$0x0], $0xffff  }
0x125: {  	v19 =	vshll.u32 v19, $0x4;
	v21 =	vshll.u32 v21, $0x4;
	v8 =	vshll.u32 v8, $0x4;
	v17 =	vld.idx.msk [tilespmem:v17+s19+$0x0], $0xffff  }
0x126: {  	v14 =	vor.u32 v1, v14;
	v18 =	vor.u32 v1, v18;
	v13 =	vshll.u32 v13, $0x4;
	v22 =	vld [tilespmem:s21+$0xFFFFFFC0]  }
0x127: {  	v16 =	vor.u32 v1, v16;
	v19 =	vor.u32 v1, v19;
	v21 =	vor.u32 v1, v21;
	v23 =	vld [tilespmem:s21+$0xFFFFFFD0]  }
0x128: {  	v13 =	vor.u32 v1, v13;
	v8 =	vor.u32 v1, v8;
	v24 =	vld [tilespmem:s21+$0xFFFFFFE0]  }
0x129: {  	v31 =	vld [tilespmem:s21+$0xFFFFFFF0]  }
0x12a: {  	v32 =	vld [tilespmem:s21+$0x0]  }
0x12b: {  	v11 =	vmul.f32 v11, v22;
	v22 =	vld [tilespmem:s21+$0x10]  }
0x12c: {  	v7 =	vmul.f32 v7, v23;
	v23 =	vld [tilespmem:s21+$0x20]  }
0x12d: {  	v20 =	vld.idx.msk [tilespmem:v20+s19+$0x0], $0xffff;
	v9 =	vmul.f32 v9, v24  }
0x12e: {  	v24 =	vld.idx.msk [tilespmem:v26+s19+$0x0], $0xffff;
	v10 =	vmul.f32 v10, v31  }
0x12f: {  	v26 =	vld.idx.msk [tilespmem:v27+s19+$0x0], $0xffff;
	v12 =	vmul.f32 v12, v32  }
0x130: {  	v27 =	vld.idx.msk [tilespmem:v28+s19+$0x0], $0xffff;
	v15 =	vmul.f32 v15, v22  }
0x131: {  	v22 =	vld.idx.msk [tilespmem:v29+s19+$0x0], $0xffff;
	v17 =	vmul.f32 v17, v23  }
0x132: {  	v23 =	vld.idx.msk [tilespmem:v25+s19+$0x0], $0xffff  }
0x133: {  	v11 =	vmul.f32 v20, v11;
	v20 =	vld.idx.msk [tilespmem:v30+s19+$0x0], $0xffff  }
0x134: {  	v7 =	vmul.f32 v24, v7;
	[tilespmem:v5+s15+$0x0] =	vst.idx.add.f32.msk $0xffff, v6;
	v5 =	vmov v13  }
0x135: {  	v6 =	vmul.f32 v26, v9;
	[tilespmem:v18+s15+$0x0] =	vst.idx.add.f32.msk $0xffff, v11  }
.Ltmp4:
0x136: {  	[tilespmem:v14+s15+$0x0] =	vst.idx.add.f32.msk $0xffff, v7;
	v7 =	vmul.f32 v27, v10;
	(pc) =	sbr.rel @p1 .LBB2_7-.Ltmp4, $4  }
0x137: {  	[tilespmem:v16+s15+$0x0] =	vst.idx.add.f32.msk $0xffff, v6;
	v6 =	vmul.f32 v22, v12  }
0x138: {  	[tilespmem:v19+s15+$0x0] =	vst.idx.add.f32.msk $0xffff, v7;
	v7 =	vmul.f32 v23, v15  }
0x139: {  	[tilespmem:v21+s15+$0x0] =	vst.idx.add.f32.msk $0xffff, v6;
	v6 =	vmul.f32 v20, v17  }
0x13a: {  	s23 =	sadd.s32 $0x80, s23;
	[tilespmem:v8+s15+$0x0] =	vst.idx.add.f32.msk $0xffff, v7  }
0x13b: {  	_ =	sdelay $0x3  }
0x13c: {  	[tilespmem:v5+s15+$0x0] =	vst.idx.add.f32.msk $0xffff, v6  }
.LBB2_9:
0x13d: {  	s20 =	sshra.s32 s19, $0x2  }
0x13e: {  	v5 =	vld [tilespmem:s20+$0x1A680];
	_ =	sdelay $0x4  }
0x13f: {  	v6 =	vld [tilespmem:s20+$0x1AE80];
	v7 =	vcvt.s32.f32 v5;
	_ =	sdelay $0x1  }
0x140: {  	v7 =	vadd.f32 $5.000000000e-01, v7;
	_ =	sdelay $0x1  }
0x141: {  	v7 =	vmul.f32 $3.999999900e-05, v7  }
0x142: {  	v8 =	vld [tilespmem:s20+$0x1B680]  }
0x143: {  	v5 =	vld.idx.msk [tilespmem:v5+s3+$0x0], $0xffff;
	v7 =	vtrunc.f32 v7  }
0x144: {  	v7 =	vcvt.f32.s32 v7  }
0x145: {  	v6 =	vld.idx.msk [tilespmem:v6+s3+$0x0], $0xffff  }
0x146: {  	v7 =	vshll.u32 v7, $0x4  }
0x147: {  	p1 =	sne.s32 s19, $0x100;
	v7 =	vor.u32 v1, v7  }
.Ltmp5:
0x148: {  	v5 =	vmul.f32 v5, v8;
	(pc) =	sbr.rel @p1 .LBB2_9-.Ltmp5, $3  }
0x149: {  	_ = 	snop  }
0x14a: {  	v5 =	vmul.f32 v6, v5;
	_ =	sdelay $0x1  }
0x14b: {  	s19 =	sadd.s32 $0x40, s19;
	[tilespmem:v7+s15+$0x0] =	vst.idx.add.f32.msk $0xffff, v5  }
.Ltmp6:
0x14c: {  	(pc) =	sbr.rel @p0 .LBB2_12-.Ltmp6, $1  }
0x14d: {  	_ =	sdelay $0x3  }
0x14e: {  	s19 =	smul.u32 $0xFA0, s18;
	_ =	sdelay $0x1  }
0x14f: {  	s19 =	sadd.s32 s19, s14  }
0x150: {  	s19 =	sshrl.u32 s19, $0x3  }
0x151: {  	s20 =	sadd.s32 s5, s19  }
0x152: {  	[tilespmem:s31], [sflag:$0x2] =	stream.linear.gather [hbm4b:s20+s3], $0x7D0, $0x38;
	[tilespmem:$0x1B900] =	vst v63  }
.Ltmp7:
0x153: {  	_ = 	snop;
	(pc) =	sbr.rel .LBB2_2-.Ltmp7, $4  }
0x154: {  	s28 =	sadd.s32 s6, s19  }
0x155: {  	[tilespmem:s0], [sflag:$0x2] =	stream.linear.gather [hbm4b:s28+s3], $0x7D0, $0x38;
	[tilespmem:$0x1B900] =	vst v63  }
0x156: {  	s18 =	sadd.s32 $0x1, s18;
	s19 =	sadd.s32 s2, s19  }
0x157: {  	[tilespmem:s1], [sflag:$0x2] =	stream.linear.gather [hbm4b:s19+s3], $0x7D0, $0x38;
	[tilespmem:$0x1B900] =	vst v63  }
.LBB2_12:
0x158: {  	s18 =	simm.s32 $0x0;
	s19 =	rddreg [dreg:$0x4]  }
0x159: {  	[tilespmem:s18], [sflag:$0x3] =	stream.strided.gather [hbm4b:s19+s24], $0x18700, s25, s24, $0x38;
	[tilespmem:$0x1B900] =	vst v63  }
0x15a: {  	_ =	swait.ge [sflag:s26], $0x18700  }
0x15b: {  	[sflag:s26] =	ssyncset.done $0x0  }
0x15c: {  	s28 =	simm.s32 $0x18700;
	[sflag:s26] =	ssyncadd.s32 $0xFFFE7900  }
0x15d: {  	[tilespmem:s28], [sflag:$0x1] =	stream.linear.gather [hbm4b:s7+s18], $0x7D0, $0x38;
	[tilespmem:$0x1B900] =	vst v63  }
0x15e: {  	_ = 	snop  }
0x15f: {  	[tilespmem:s29], [sflag:$0x1] =	stream.linear.gather [hbm4b:s8+s18], $0x7D0, $0x38;
	[tilespmem:$0x1B900] =	vst v63  }
0x160: {  	_ = 	snop  }
0x161: {  	[tilespmem:s30], [sflag:$0x1] =	stream.linear.gather [hbm4b:s9+s18], $0x7D0, $0x38;
	[tilespmem:$0x1B900] =	vst v63  }
0x162: {  	_ = 	snop  }
0x163: {  	[tilespmem:s31], [sflag:$0x2] =	stream.linear.gather [hbm4b:s10+s18], $0x7D0, $0x38;
	[tilespmem:$0x1B900] =	vst v63  }
0x164: {  	_ = 	snop  }
0x165: {  	[tilespmem:s0], [sflag:$0x2] =	stream.linear.gather [hbm4b:s11+s18], $0x7D0, $0x38;
	[tilespmem:$0x1B900] =	vst v63  }
0x166: {  	s19 =	simm.s32 $0x0  }
0x167: {  	[tilespmem:s1], [sflag:$0x2] =	stream.linear.gather [hbm4b:s12+s18], $0x7D0, $0x38;
	[tilespmem:$0x1B900] =	vst v63  }
.LBB2_13:
0x168: {  	_ =	swait.ge [sflag:s4], $0x7D0  }
0x169: {  	[sflag:s4] =	ssyncset.done $0x0  }
0x16a: {  	[sflag:s4] =	ssyncadd.s32 $0xFFFFF830  }
0x16b: {  	_ =	swait.ge [sflag:s4], $0x7D0  }
0x16c: {  	[sflag:s4] =	ssyncset.done $0x0  }
0x16d: {  	[sflag:s4] =	ssyncadd.s32 $0xFFFFF830  }
0x16e: {  	_ =	swait.ge [sflag:s4], $0x7D0  }
0x16f: {  	[sflag:s4] =	ssyncset.done $0x0  }
0x170: {  	s21 =	simm.s32 $0x18740;
	[sflag:s4] =	ssyncadd.s32 $0xFFFFF830  }
0x171: {  	v5 =	vld [tilespmem:s21+$0x30]  }
0x172: {  	v6 =	vld [tilespmem:s21+$0xFFFFFFD0]  }
0x173: {  	v7 =	vld [tilespmem:s21+$0xFFFFFFE0]  }
0x174: {  	s20 =	simm.s32 $0x18F40;
	v8 =	vld [tilespmem:s21+$0xFFFFFFF0]  }
0x175: {  	v9 =	vld [tilespmem:s20+$0x30]  }
0x176: {  	v10 =	vld [tilespmem:s21+$0x0]  }
0x177: {  	v12 =	vld [tilespmem:s21+$0x10]  }
0x178: {  	v13 =	vld [tilespmem:s21+$0x20]  }
0x179: {  	v14 =	vld [tilespmem:s21+$0xFFFFFFC0]  }
0x17a: {  	v15 =	vld [tilespmem:s20+$0xFFFFFFC0]  }
0x17b: {  	v17 =	vld [tilespmem:s20+$0xFFFFFFD0]  }
0x17c: {  	v18 =	vld [tilespmem:s20+$0xFFFFFFE0]  }
0x17d: {  	v19 =	vld [tilespmem:s20+$0xFFFFFFF0]  }
0x17e: {  	v20 =	vld [tilespmem:s20+$0x0]  }
0x17f: {  	v57 =	vld [tilespmem:s20+$0x10];
	v11 =	vcvt.s32.f32 v5  }
0x180: {  	s21 =	simm.s32 $0x19740;
	v22 =	vld [tilespmem:s20+$0x20]  }
0x181: {  	v16 =	vld [tilespmem:s21+$0x30];
	v11 =	vadd.f32 $5.000000000e-01, v11  }
0x182: {  	v26 =	vld [tilespmem:s21+$0xFFFFFFC0]  }
0x183: {  	v27 =	vld [tilespmem:s21+$0xFFFFFFD0];
	v11 =	vmul.f32 $3.999999900e-05, v11  }
0x184: {  	v28 =	vld [tilespmem:s21+$0xFFFFFFE0];
	v21 =	vcvt.s32.f32 v6;
	v23 =	vcvt.s32.f32 v10  }
0x185: {  	v24 =	vcvt.s32.f32 v12;
	v5 =	vld.idx.msk [tilespmem:v5+s18+$0x0], $0xffff;
	v11 =	vtrunc.f32 v11  }
0x186: {  	v29 =	vld [tilespmem:s21+$0xFFFFFFF0];
	v25 =	vcvt.s32.f32 v13;
	v11 =	vcvt.f32.s32 v11  }
0x187: {  	v59 =	vcvt.s32.f32 v8;
	v21 =	vadd.f32 $5.000000000e-01, v21;
	v23 =	vadd.f32 $5.000000000e-01, v23;
	v9 =	vld.idx.msk [tilespmem:v9+s18+$0x0], $0xffff  }
0x188: {  	v30 =	vld [tilespmem:s21+$0x0];
	v24 =	vadd.f32 $5.000000000e-01, v24;
	v25 =	vadd.f32 $5.000000000e-01, v25;
	v11 =	vshll.u32 v11, $0x4  }
0x189: {  	v58 =	vld.idx.msk [tilespmem:v14+s18+$0x0], $0xffff;
	v14 =	vcvt.s32.f32 v14;
	v21 =	vmul.f32 $3.999999900e-05, v21;
	v11 =	vadd.s32 v2, v11  }
0x18a: {  	v60 =	vld [tilespmem:s21+$0x10];
	v23 =	vmul.f32 $3.999999900e-05, v23;
	v5 =	vmul.f32 v5, v16  }
0x18b: {  	v6 =	vld.idx.msk [tilespmem:v6+s18+$0x0], $0xffff;
	v24 =	vmul.f32 $3.999999900e-05, v24;
	v25 =	vmul.f32 $3.999999900e-05, v25  }
0x18c: {  	v8 =	vld.idx.msk [tilespmem:v8+s18+$0x0], $0xffff;
	v14 =	vadd.f32 $5.000000000e-01, v14;
	v21 =	vtrunc.f32 v21;
	v5 =	vmul.f32 v9, v5  }
0x18d: {  	v12 =	vld.idx.msk [tilespmem:v12+s18+$0x0], $0xffff;
	v23 =	vtrunc.f32 v23;
	v24 =	vtrunc.f32 v24  }
0x18e: {  	v14 =	vmul.f32 $3.999999900e-05, v14;
	[tilespmem:v11+s15+$0x0] =	vst.idx.add.f32.msk $0xffff, v5;
	v5 =	vcvt.s32.f32 v7  }
0x18f: {  	v61 =	vld [tilespmem:s21+$0x20];
	v21 =	vcvt.f32.s32 v21;
	v23 =	vcvt.f32.s32 v23  }
0x190: {  	v10 =	vld.idx.msk [tilespmem:v10+s18+$0x0], $0xffff;
	v24 =	vcvt.f32.s32 v24;
	v6 =	vmul.f32 v6, v27;
	v5 =	vadd.f32 $5.000000000e-01, v5  }
0x191: {  	v13 =	vld.idx.msk [tilespmem:v13+s18+$0x0], $0xffff;
	v8 =	vmul.f32 v8, v29;
	v14 =	vtrunc.f32 v14;
	v11 =	vadd.f32 $5.000000000e-01, v59  }
0x192: {  	v15 =	vld.idx.msk [tilespmem:v15+s18+$0x0], $0xffff;
	v14 =	vcvt.f32.s32 v14;
	v5 =	vmul.f32 $3.999999900e-05, v5  }
0x193: {  	v17 =	vld.idx.msk [tilespmem:v17+s18+$0x0], $0xffff;
	v63 =	vmul.f32 v12, v60;
	v21 =	vshll.u32 v21, $0x4;
	v11 =	vmul.f32 $3.999999900e-05, v11  }
0x194: {  	v24 =	vshll.u32 v24, $0x4;
	v14 =	vshll.u32 v14, $0x4;
	v7 =	vld.idx.msk [tilespmem:v7+s18+$0x0], $0xffff;
	v5 =	vtrunc.f32 v5  }
0x195: {  	v16 =	vld.idx.msk [tilespmem:v57+s18+$0x0], $0xffff;
	v14 =	vadd.s32 v2, v14;
	v11 =	vtrunc.f32 v11;
	v5 =	vcvt.f32.s32 v5  }
0x196: {  	v18 =	vld.idx.msk [tilespmem:v18+s18+$0x0], $0xffff;
	v9 =	vmul.f32 v58, v26;
	v21 =	vadd.s32 v2, v21;
	v11 =	vcvt.f32.s32 v11  }
0x197: {  	v19 =	vld.idx.msk [tilespmem:v19+s18+$0x0], $0xffff;
	v23 =	vshll.u32 v23, $0x4;
	v62 =	vadd.s32 v2, v24;
	v5 =	vshll.u32 v5, $0x4  }
0x198: {  	v20 =	vld.idx.msk [tilespmem:v20+s18+$0x0], $0xffff;
	v9 =	vmul.f32 v15, v9;
	v11 =	vshll.u32 v11, $0x4;
	v5 =	vadd.s32 v2, v5  }
0x199: {  	v22 =	vld.idx.msk [tilespmem:v22+s18+$0x0], $0xffff;
	v6 =	vmul.f32 v17, v6;
	v7 =	vmul.f32 v7, v28;
	v11 =	vadd.s32 v2, v11  }
0x19a: {  	v25 =	vtrunc.f32 v25;
	v23 =	vadd.s32 v2, v23;
	[tilespmem:v14+s15+$0x0] =	vst.idx.add.f32.msk $0xffff, v9;
	v9 =	vmul.f32 v16, v63  }
0x19b: {  	v10 =	vmul.f32 v10, v30;
	[tilespmem:v21+s15+$0x0] =	vst.idx.add.f32.msk $0xffff, v6;
	v7 =	vmul.f32 v18, v7  }
0x19c: {  	v6 =	vmul.f32 v19, v8;
	v8 =	vcvt.f32.s32 v25;
	[tilespmem:v62+s15+$0x0] =	vst.idx.add.f32.msk $0xffff, v9  }
0x19d: {  	[tilespmem:v5+s15+$0x0] =	vst.idx.add.f32.msk $0xffff, v7;
	v5 =	vmul.f32 v20, v10;
	v7 =	vmul.f32 v13, v61  }
0x19e: {  	[tilespmem:v11+s15+$0x0] =	vst.idx.add.f32.msk $0xffff, v6;
	v6 =	vshll.u32 v8, $0x4  }
0x19f: {  	s22 =	simm.s32 $0x0;
	s23 =	simm.s32 $0x187C0;
	[tilespmem:v23+s15+$0x0] =	vst.idx.add.f32.msk $0xffff, v5;
	v5 =	vadd.s32 v2, v6;
	v6 =	vmul.f32 v22, v7  }
.LBB2_14:
0x1a0: {  	v7 =	vld [tilespmem:s23+$0x30];
	s22 =	sadd.s32 $0x8, s22  }
0x1a1: {  	v8 =	vld [tilespmem:s23+$0xFFFFFFD0];
	p0 =	slt.u32 s22, $0x70  }
0x1a2: {  	v9 =	vld [tilespmem:s23+$0xFFFFFFE0]  }
0x1a3: {  	s20 =	sadd.s32 $0x80, s20;
	v10 =	vld [tilespmem:s23+$0xFFFFFFF0]  }
0x1a4: {  	v11 =	vld [tilespmem:s20+$0x30]  }
0x1a5: {  	v12 =	vld [tilespmem:s23+$0x0];
	v13 =	vcvt.s32.f32 v7  }
0x1a6: {  	v14 =	vcvt.s32.f32 v8;
	v15 =	vld [tilespmem:s23+$0x10]  }
0x1a7: {  	v16 =	vcvt.s32.f32 v9;
	v17 =	vld [tilespmem:s23+$0x20];
	v13 =	vadd.f32 $5.000000000e-01, v13  }
0x1a8: {  	v18 =	vld [tilespmem:s23+$0xFFFFFFC0];
	v14 =	vadd.f32 $5.000000000e-01, v14;
	v19 =	vcvt.s32.f32 v10  }
0x1a9: {  	s28 =	simm.s32 $0x0;
	v20 =	vld [tilespmem:s20+$0xFFFFFFC0];
	v16 =	vadd.f32 $5.000000000e-01, v16;
	v13 =	vmul.f32 $3.999999900e-05, v13  }
0x1aa: {  	s21 =	sadd.s32 $0x80, s21;
	v14 =	vmul.f32 $3.999999900e-05, v14;
	v19 =	vadd.f32 $5.000000000e-01, v19;
	v21 =	vcvt.s32.f32 v12;
	v7 =	vld.idx.msk [tilespmem:v7+s28+$0x0], $0xffff  }
0x1ab: {  	v22 =	vcvt.s32.f32 v15;
	v23 =	vld [tilespmem:s21+$0x30];
	v13 =	vtrunc.f32 v13  }
0x1ac: {  	v21 =	vadd.f32 $5.000000000e-01, v21;
	v24 =	vcvt.s32.f32 v17;
	v11 =	vld.idx.msk [tilespmem:v11+s28+$0x0], $0xffff;
	v13 =	vcvt.f32.s32 v13  }
0x1ad: {  	v16 =	vmul.f32 $3.999999900e-05, v16;
	v25 =	vcvt.s32.f32 v18;
	v26 =	vld [tilespmem:s20+$0xFFFFFFD0];
	v22 =	vadd.f32 $5.000000000e-01, v22  }
0x1ae: {  	v19 =	vmul.f32 $3.999999900e-05, v19;
	v27 =	vld [tilespmem:s20+$0xFFFFFFE0];
	v24 =	vadd.f32 $5.000000000e-01, v24;
	v13 =	vshll.u32 v13, $0x4  }
0x1af: {  	v21 =	vmul.f32 $3.999999900e-05, v21;
	v25 =	vadd.f32 $5.000000000e-01, v25;
	v28 =	vld [tilespmem:s20+$0xFFFFFFF0];
	v13 =	vadd.s32 v2, v13  }
0x1b0: {  	v22 =	vmul.f32 $3.999999900e-05, v22;
	v29 =	vld [tilespmem:s20+$0x0];
	v7 =	vmul.f32 v7, v23  }
0x1b1: {  	v24 =	vmul.f32 $3.999999900e-05, v24;
	v23 =	vmul.f32 $3.999999900e-05, v25;
	v25 =	vld [tilespmem:s20+$0x10]  }
0x1b2: {  	v14 =	vtrunc.f32 v14;
	v30 =	vld [tilespmem:s20+$0x20];
	v7 =	vmul.f32 v11, v7  }
0x1b3: {  	v16 =	vtrunc.f32 v16;
	v11 =	vld.idx.msk [tilespmem:v18+s28+$0x0], $0xffff;
	v18 =	vtrunc.f32 v23  }
0x1b4: {  	v19 =	vtrunc.f32 v19;
	v21 =	vtrunc.f32 v21;
	[tilespmem:v13+s15+$0x0] =	vst.idx.add.f32.msk $0xffff, v7  }
0x1b5: {  	v13 =	vtrunc.f32 v24;
	v7 =	vld.idx.msk [tilespmem:v8+s28+$0x0], $0xffff;
	v8 =	vtrunc.f32 v22  }
0x1b6: {  	v14 =	vcvt.f32.s32 v14;
	v18 =	vcvt.f32.s32 v18;
	v9 =	vld.idx.msk [tilespmem:v9+s28+$0x0], $0xffff  }
0x1b7: {  	v16 =	vcvt.f32.s32 v16;
	v19 =	vcvt.f32.s32 v19;
	v10 =	vld.idx.msk [tilespmem:v10+s28+$0x0], $0xffff  }
0x1b8: {  	v21 =	vcvt.f32.s32 v21;
	v18 =	vshll.u32 v18, $0x4;
	v8 =	vcvt.f32.s32 v8;
	v12 =	vld.idx.msk [tilespmem:v12+s28+$0x0], $0xffff  }
0x1b9: {  	v14 =	vshll.u32 v14, $0x4;
	v16 =	vshll.u32 v16, $0x4;
	v13 =	vcvt.f32.s32 v13;
	v15 =	vld.idx.msk [tilespmem:v15+s28+$0x0], $0xffff  }
0x1ba: {  	v19 =	vshll.u32 v19, $0x4;
	v21 =	vshll.u32 v21, $0x4;
	v8 =	vshll.u32 v8, $0x4;
	v17 =	vld.idx.msk [tilespmem:v17+s28+$0x0], $0xffff  }
0x1bb: {  	v14 =	vadd.s32 v2, v14;
	v18 =	vadd.s32 v2, v18;
	v13 =	vshll.u32 v13, $0x4;
	v22 =	vld [tilespmem:s21+$0xFFFFFFC0]  }
0x1bc: {  	v16 =	vadd.s32 v2, v16;
	v19 =	vadd.s32 v2, v19;
	v21 =	vadd.s32 v2, v21;
	v23 =	vld [tilespmem:s21+$0xFFFFFFD0]  }
0x1bd: {  	v13 =	vadd.s32 v2, v13;
	v8 =	vadd.s32 v2, v8;
	v24 =	vld [tilespmem:s21+$0xFFFFFFE0]  }
0x1be: {  	v31 =	vld [tilespmem:s21+$0xFFFFFFF0]  }
0x1bf: {  	v32 =	vld [tilespmem:s21+$0x0]  }
0x1c0: {  	v11 =	vmul.f32 v11, v22;
	v22 =	vld [tilespmem:s21+$0x10]  }
0x1c1: {  	v7 =	vmul.f32 v7, v23;
	v23 =	vld [tilespmem:s21+$0x20]  }
0x1c2: {  	v20 =	vld.idx.msk [tilespmem:v20+s28+$0x0], $0xffff;
	v9 =	vmul.f32 v9, v24  }
0x1c3: {  	v24 =	vld.idx.msk [tilespmem:v26+s28+$0x0], $0xffff;
	v10 =	vmul.f32 v10, v31  }
0x1c4: {  	v26 =	vld.idx.msk [tilespmem:v27+s28+$0x0], $0xffff;
	v12 =	vmul.f32 v12, v32  }
0x1c5: {  	v27 =	vld.idx.msk [tilespmem:v28+s28+$0x0], $0xffff;
	v15 =	vmul.f32 v15, v22  }
0x1c6: {  	v22 =	vld.idx.msk [tilespmem:v29+s28+$0x0], $0xffff;
	v17 =	vmul.f32 v17, v23  }
0x1c7: {  	v23 =	vld.idx.msk [tilespmem:v25+s28+$0x0], $0xffff  }
0x1c8: {  	v11 =	vmul.f32 v20, v11;
	v20 =	vld.idx.msk [tilespmem:v30+s28+$0x0], $0xffff  }
0x1c9: {  	v7 =	vmul.f32 v24, v7;
	[tilespmem:v5+s15+$0x0] =	vst.idx.add.f32.msk $0xffff, v6;
	v5 =	vmov v13  }
0x1ca: {  	v6 =	vmul.f32 v26, v9;
	[tilespmem:v18+s15+$0x0] =	vst.idx.add.f32.msk $0xffff, v11  }
.Ltmp8:
0x1cb: {  	[tilespmem:v14+s15+$0x0] =	vst.idx.add.f32.msk $0xffff, v7;
	v7 =	vmul.f32 v27, v10;
	(pc) =	sbr.rel @p0 .LBB2_14-.Ltmp8, $4  }
0x1cc: {  	[tilespmem:v16+s15+$0x0] =	vst.idx.add.f32.msk $0xffff, v6;
	v6 =	vmul.f32 v22, v12  }
0x1cd: {  	[tilespmem:v19+s15+$0x0] =	vst.idx.add.f32.msk $0xffff, v7;
	v7 =	vmul.f32 v23, v15  }
0x1ce: {  	[tilespmem:v21+s15+$0x0] =	vst.idx.add.f32.msk $0xffff, v6;
	v6 =	vmul.f32 v20, v17  }
0x1cf: {  	s23 =	sadd.s32 $0x80, s23;
	[tilespmem:v8+s15+$0x0] =	vst.idx.add.f32.msk $0xffff, v7  }
0x1d0: {  	_ =	sdelay $0x3  }
0x1d1: {  	[tilespmem:v5+s15+$0x0] =	vst.idx.add.f32.msk $0xffff, v6  }
.LBB2_16:
0x1d2: {  	s20 =	sshra.s32 s28, $0x2  }
0x1d3: {  	v5 =	vld [tilespmem:s20+$0x18E80];
	_ =	sdelay $0x4  }
0x1d4: {  	v6 =	vld [tilespmem:s20+$0x19680];
	v7 =	vcvt.s32.f32 v5;
	_ =	sdelay $0x1  }
0x1d5: {  	v7 =	vadd.f32 $5.000000000e-01, v7;
	_ =	sdelay $0x1  }
0x1d6: {  	v7 =	vmul.f32 $3.999999900e-05, v7  }
0x1d7: {  	v8 =	vld [tilespmem:s20+$0x19E80]  }
0x1d8: {  	v5 =	vld.idx.msk [tilespmem:v5+s3+$0x0], $0xffff;
	v7 =	vtrunc.f32 v7  }
0x1d9: {  	v7 =	vcvt.f32.s32 v7  }
0x1da: {  	v6 =	vld.idx.msk [tilespmem:v6+s3+$0x0], $0xffff  }
0x1db: {  	v7 =	vshll.u32 v7, $0x4  }
0x1dc: {  	p0 =	sne.s32 s28, $0x100;
	v7 =	vadd.s32 v2, v7  }
.Ltmp9:
0x1dd: {  	v5 =	vmul.f32 v5, v8;
	(pc) =	sbr.rel @p0 .LBB2_16-.Ltmp9, $3  }
0x1de: {  	_ = 	snop  }
0x1df: {  	v5 =	vmul.f32 v6, v5;
	_ =	sdelay $0x1  }
0x1e0: {  	s28 =	sadd.s32 $0x40, s28;
	[tilespmem:v7+s15+$0x0] =	vst.idx.add.f32.msk $0xffff, v5  }
0x1e1: {  	p0 =	seq.s32 s19, $0x18  }
0x1e2: {  	s20 =	smul.u32 @!p0 $0xFA0, s19;
	_ =	sdelay $0x1  }
0x1e3: {  	s20 =	sadd.s32 @!p0 s20, s13  }
0x1e4: {  	s20 =	sshrl.u32 @!p0 s20, $0x3  }
0x1e5: {  	s22 =	simm.s32 @!p0 $0x0;
	s23 =	simm.s32 @!p0 $0x18700;
	s21 =	sadd.s32 @!p0 s5, s20  }
0x1e6: {  	[tilespmem:s23], [sflag:$0x1] =	stream.linear.gather @!p0 [hbm4b:s21+s22], $0x7D0, $0x38;
	[tilespmem:$0x1B900] =	vst v63  }
0x1e7: {  	s21 =	sadd.s32 @!p0 s6, s20;
	s23 =	simm.s32 @!p0 $0x18F00  }
0x1e8: {  	[tilespmem:s23], [sflag:$0x1] =	stream.linear.gather @!p0 [hbm4b:s21+s22], $0x7D0, $0x38;
	[tilespmem:$0x1B900] =	vst v63  }
0x1e9: {  	s20 =	sadd.s32 @!p0 s2, s20;
	s21 =	simm.s32 @!p0 $0x19700  }
0x1ea: {  	[tilespmem:s21], [sflag:$0x1] =	stream.linear.gather @!p0 [hbm4b:s20+s22], $0x7D0, $0x38;
	[tilespmem:$0x1B900] =	vst v63  }
0x1eb: {  	_ =	swait.ge [sflag:s16], $0x7D0  }
0x1ec: {  	[sflag:s16] =	ssyncset.done $0x0  }
0x1ed: {  	[sflag:s16] =	ssyncadd.s32 $0xFFFFF830  }
0x1ee: {  	_ =	swait.ge [sflag:s16], $0x7D0  }
0x1ef: {  	[sflag:s16] =	ssyncset.done $0x0  }
0x1f0: {  	[sflag:s16] =	ssyncadd.s32 $0xFFFFF830  }
0x1f1: {  	_ =	swait.ge [sflag:s16], $0x7D0  }
0x1f2: {  	[sflag:s16] =	ssyncset.done $0x0  }
0x1f3: {  	s23 =	simm.s32 $0x19F40;
	[sflag:s16] =	ssyncadd.s32 $0xFFFFF830  }
0x1f4: {  	v5 =	vld [tilespmem:s23+$0x30]  }
0x1f5: {  	v6 =	vld [tilespmem:s23+$0xFFFFFFD0]  }
0x1f6: {  	v7 =	vld [tilespmem:s23+$0xFFFFFFE0]  }
0x1f7: {  	s21 =	simm.s32 $0x1A740;
	v8 =	vld [tilespmem:s23+$0xFFFFFFF0]  }
0x1f8: {  	v9 =	vld [tilespmem:s21+$0x30]  }
0x1f9: {  	v10 =	vld [tilespmem:s23+$0x0]  }
0x1fa: {  	v12 =	vld [tilespmem:s23+$0x10]  }
0x1fb: {  	v13 =	vld [tilespmem:s23+$0x20]  }
0x1fc: {  	v14 =	vld [tilespmem:s23+$0xFFFFFFC0]  }
0x1fd: {  	s22 =	simm.s32 $0x1AF40;
	v15 =	vld [tilespmem:s21+$0xFFFFFFC0]  }
0x1fe: {  	v16 =	vld [tilespmem:s22+$0x30]  }
0x1ff: {  	v17 =	vld [tilespmem:s21+$0xFFFFFFD0]  }
0x200: {  	v18 =	vld [tilespmem:s21+$0xFFFFFFE0]  }
0x201: {  	v19 =	vld [tilespmem:s21+$0xFFFFFFF0]  }
0x202: {  	v20 =	vld [tilespmem:s21+$0x0];
	v11 =	vcvt.s32.f32 v5  }
0x203: {  	v57 =	vld [tilespmem:s21+$0x10]  }
0x204: {  	v22 =	vld [tilespmem:s21+$0x20];
	v11 =	vadd.f32 $5.000000000e-01, v11  }
0x205: {  	v26 =	vld [tilespmem:s22+$0xFFFFFFC0]  }
0x206: {  	v27 =	vld [tilespmem:s22+$0xFFFFFFD0];
	v11 =	vmul.f32 $3.999999900e-05, v11  }
0x207: {  	s20 =	simm.s32 $0x0;
	v28 =	vld [tilespmem:s22+$0xFFFFFFE0];
	v21 =	vcvt.s32.f32 v6;
	v23 =	vcvt.s32.f32 v10  }
0x208: {  	v24 =	vcvt.s32.f32 v12;
	v5 =	vld.idx.msk [tilespmem:v5+s20+$0x0], $0xffff;
	v11 =	vtrunc.f32 v11  }
0x209: {  	v29 =	vld [tilespmem:s22+$0xFFFFFFF0];
	v25 =	vcvt.s32.f32 v13;
	v11 =	vcvt.f32.s32 v11  }
0x20a: {  	v59 =	vcvt.s32.f32 v8;
	v21 =	vadd.f32 $5.000000000e-01, v21;
	v23 =	vadd.f32 $5.000000000e-01, v23;
	v9 =	vld.idx.msk [tilespmem:v9+s20+$0x0], $0xffff  }
0x20b: {  	v30 =	vld [tilespmem:s22+$0x0];
	v24 =	vadd.f32 $5.000000000e-01, v24;
	v25 =	vadd.f32 $5.000000000e-01, v25;
	v11 =	vshll.u32 v11, $0x4  }
0x20c: {  	v58 =	vld.idx.msk [tilespmem:v14+s20+$0x0], $0xffff;
	v14 =	vcvt.s32.f32 v14;
	v21 =	vmul.f32 $3.999999900e-05, v21;
	v11 =	vadd.s32 v2, v11  }
0x20d: {  	v60 =	vld [tilespmem:s22+$0x10];
	v23 =	vmul.f32 $3.999999900e-05, v23;
	v5 =	vmul.f32 v5, v16  }
0x20e: {  	v6 =	vld.idx.msk [tilespmem:v6+s20+$0x0], $0xffff;
	v24 =	vmul.f32 $3.999999900e-05, v24;
	v25 =	vmul.f32 $3.999999900e-05, v25  }
0x20f: {  	v8 =	vld.idx.msk [tilespmem:v8+s20+$0x0], $0xffff;
	v14 =	vadd.f32 $5.000000000e-01, v14;
	v21 =	vtrunc.f32 v21;
	v5 =	vmul.f32 v9, v5  }
0x210: {  	v12 =	vld.idx.msk [tilespmem:v12+s20+$0x0], $0xffff;
	v23 =	vtrunc.f32 v23;
	v24 =	vtrunc.f32 v24  }
0x211: {  	v14 =	vmul.f32 $3.999999900e-05, v14;
	[tilespmem:v11+s15+$0x0] =	vst.idx.add.f32.msk $0xffff, v5;
	v5 =	vcvt.s32.f32 v7  }
0x212: {  	v61 =	vld [tilespmem:s22+$0x20];
	v21 =	vcvt.f32.s32 v21;
	v23 =	vcvt.f32.s32 v23  }
0x213: {  	v10 =	vld.idx.msk [tilespmem:v10+s20+$0x0], $0xffff;
	v24 =	vcvt.f32.s32 v24;
	v6 =	vmul.f32 v6, v27;
	v5 =	vadd.f32 $5.000000000e-01, v5  }
0x214: {  	v13 =	vld.idx.msk [tilespmem:v13+s20+$0x0], $0xffff;
	v8 =	vmul.f32 v8, v29;
	v14 =	vtrunc.f32 v14;
	v11 =	vadd.f32 $5.000000000e-01, v59  }
0x215: {  	v15 =	vld.idx.msk [tilespmem:v15+s20+$0x0], $0xffff;
	v14 =	vcvt.f32.s32 v14;
	v5 =	vmul.f32 $3.999999900e-05, v5  }
0x216: {  	v17 =	vld.idx.msk [tilespmem:v17+s20+$0x0], $0xffff;
	v63 =	vmul.f32 v12, v60;
	v21 =	vshll.u32 v21, $0x4;
	v11 =	vmul.f32 $3.999999900e-05, v11  }
0x217: {  	v24 =	vshll.u32 v24, $0x4;
	v14 =	vshll.u32 v14, $0x4;
	v7 =	vld.idx.msk [tilespmem:v7+s20+$0x0], $0xffff;
	v5 =	vtrunc.f32 v5  }
0x218: {  	v16 =	vld.idx.msk [tilespmem:v57+s20+$0x0], $0xffff;
	v14 =	vadd.s32 v2, v14;
	v11 =	vtrunc.f32 v11;
	v5 =	vcvt.f32.s32 v5  }
0x219: {  	v18 =	vld.idx.msk [tilespmem:v18+s20+$0x0], $0xffff;
	v9 =	vmul.f32 v58, v26;
	v21 =	vadd.s32 v2, v21;
	v11 =	vcvt.f32.s32 v11  }
0x21a: {  	v19 =	vld.idx.msk [tilespmem:v19+s20+$0x0], $0xffff;
	v23 =	vshll.u32 v23, $0x4;
	v62 =	vadd.s32 v2, v24;
	v5 =	vshll.u32 v5, $0x4  }
0x21b: {  	v20 =	vld.idx.msk [tilespmem:v20+s20+$0x0], $0xffff;
	v9 =	vmul.f32 v15, v9;
	v11 =	vshll.u32 v11, $0x4;
	v5 =	vadd.s32 v2, v5  }
0x21c: {  	v22 =	vld.idx.msk [tilespmem:v22+s20+$0x0], $0xffff;
	v6 =	vmul.f32 v17, v6;
	v7 =	vmul.f32 v7, v28;
	v11 =	vadd.s32 v2, v11  }
0x21d: {  	v25 =	vtrunc.f32 v25;
	v23 =	vadd.s32 v2, v23;
	[tilespmem:v14+s15+$0x0] =	vst.idx.add.f32.msk $0xffff, v9;
	v9 =	vmul.f32 v16, v63  }
0x21e: {  	v10 =	vmul.f32 v10, v30;
	[tilespmem:v21+s15+$0x0] =	vst.idx.add.f32.msk $0xffff, v6;
	v7 =	vmul.f32 v18, v7  }
0x21f: {  	v6 =	vmul.f32 v19, v8;
	v8 =	vcvt.f32.s32 v25;
	[tilespmem:v62+s15+$0x0] =	vst.idx.add.f32.msk $0xffff, v9  }
0x220: {  	[tilespmem:v5+s15+$0x0] =	vst.idx.add.f32.msk $0xffff, v7;
	v5 =	vmul.f32 v20, v10;
	v7 =	vmul.f32 v13, v61  }
0x221: {  	[tilespmem:v11+s15+$0x0] =	vst.idx.add.f32.msk $0xffff, v6;
	v6 =	vshll.u32 v8, $0x4  }
0x222: {  	s28 =	simm.s32 $0x19FC0;
	s23 =	simm.s32 $0x0;
	[tilespmem:v23+s15+$0x0] =	vst.idx.add.f32.msk $0xffff, v5;
	v5 =	vadd.s32 v2, v6;
	v6 =	vmul.f32 v22, v7  }
.LBB2_18:
0x223: {  	v7 =	vld [tilespmem:s28+$0x30];
	s23 =	sadd.s32 $0x8, s23  }
0x224: {  	v8 =	vld [tilespmem:s28+$0xFFFFFFD0];
	p1 =	slt.u32 s23, $0x70  }
0x225: {  	v9 =	vld [tilespmem:s28+$0xFFFFFFE0]  }
0x226: {  	s21 =	sadd.s32 $0x80, s21;
	v10 =	vld [tilespmem:s28+$0xFFFFFFF0]  }
0x227: {  	v11 =	vld [tilespmem:s21+$0x30]  }
0x228: {  	v12 =	vld [tilespmem:s28+$0x0];
	v13 =	vcvt.s32.f32 v7  }
0x229: {  	v14 =	vcvt.s32.f32 v8;
	v15 =	vld [tilespmem:s28+$0x10]  }
0x22a: {  	v16 =	vcvt.s32.f32 v9;
	v17 =	vld [tilespmem:s28+$0x20];
	v13 =	vadd.f32 $5.000000000e-01, v13  }
0x22b: {  	v18 =	vld [tilespmem:s28+$0xFFFFFFC0];
	v14 =	vadd.f32 $5.000000000e-01, v14;
	v19 =	vcvt.s32.f32 v10  }
0x22c: {  	v20 =	vld [tilespmem:s21+$0xFFFFFFC0];
	v16 =	vadd.f32 $5.000000000e-01, v16;
	v13 =	vmul.f32 $3.999999900e-05, v13  }
0x22d: {  	s22 =	sadd.s32 $0x80, s22;
	v14 =	vmul.f32 $3.999999900e-05, v14;
	v19 =	vadd.f32 $5.000000000e-01, v19;
	v21 =	vcvt.s32.f32 v12;
	v7 =	vld.idx.msk [tilespmem:v7+s20+$0x0], $0xffff  }
0x22e: {  	v22 =	vcvt.s32.f32 v15;
	v23 =	vld [tilespmem:s22+$0x30];
	v13 =	vtrunc.f32 v13  }
0x22f: {  	v21 =	vadd.f32 $5.000000000e-01, v21;
	v24 =	vcvt.s32.f32 v17;
	v11 =	vld.idx.msk [tilespmem:v11+s20+$0x0], $0xffff;
	v13 =	vcvt.f32.s32 v13  }
0x230: {  	v16 =	vmul.f32 $3.999999900e-05, v16;
	v25 =	vcvt.s32.f32 v18;
	v26 =	vld [tilespmem:s21+$0xFFFFFFD0];
	v22 =	vadd.f32 $5.000000000e-01, v22  }
0x231: {  	v19 =	vmul.f32 $3.999999900e-05, v19;
	v27 =	vld [tilespmem:s21+$0xFFFFFFE0];
	v24 =	vadd.f32 $5.000000000e-01, v24;
	v13 =	vshll.u32 v13, $0x4  }
0x232: {  	v21 =	vmul.f32 $3.999999900e-05, v21;
	v25 =	vadd.f32 $5.000000000e-01, v25;
	v28 =	vld [tilespmem:s21+$0xFFFFFFF0];
	v13 =	vadd.s32 v2, v13  }
0x233: {  	v22 =	vmul.f32 $3.999999900e-05, v22;
	v29 =	vld [tilespmem:s21+$0x0];
	v7 =	vmul.f32 v7, v23  }
0x234: {  	v24 =	vmul.f32 $3.999999900e-05, v24;
	v23 =	vmul.f32 $3.999999900e-05, v25;
	v25 =	vld [tilespmem:s21+$0x10]  }
0x235: {  	v14 =	vtrunc.f32 v14;
	v30 =	vld [tilespmem:s21+$0x20];
	v7 =	vmul.f32 v11, v7  }
0x236: {  	v16 =	vtrunc.f32 v16;
	v11 =	vld.idx.msk [tilespmem:v18+s20+$0x0], $0xffff;
	v18 =	vtrunc.f32 v23  }
0x237: {  	v19 =	vtrunc.f32 v19;
	v21 =	vtrunc.f32 v21;
	[tilespmem:v13+s15+$0x0] =	vst.idx.add.f32.msk $0xffff, v7  }
0x238: {  	v13 =	vtrunc.f32 v24;
	v7 =	vld.idx.msk [tilespmem:v8+s20+$0x0], $0xffff;
	v8 =	vtrunc.f32 v22  }
0x239: {  	v14 =	vcvt.f32.s32 v14;
	v18 =	vcvt.f32.s32 v18;
	v9 =	vld.idx.msk [tilespmem:v9+s20+$0x0], $0xffff  }
0x23a: {  	v16 =	vcvt.f32.s32 v16;
	v19 =	vcvt.f32.s32 v19;
	v10 =	vld.idx.msk [tilespmem:v10+s20+$0x0], $0xffff  }
0x23b: {  	v21 =	vcvt.f32.s32 v21;
	v18 =	vshll.u32 v18, $0x4;
	v8 =	vcvt.f32.s32 v8;
	v12 =	vld.idx.msk [tilespmem:v12+s20+$0x0], $0xffff  }
0x23c: {  	v14 =	vshll.u32 v14, $0x4;
	v16 =	vshll.u32 v16, $0x4;
	v13 =	vcvt.f32.s32 v13;
	v15 =	vld.idx.msk [tilespmem:v15+s20+$0x0], $0xffff  }
0x23d: {  	v19 =	vshll.u32 v19, $0x4;
	v21 =	vshll.u32 v21, $0x4;
	v8 =	vshll.u32 v8, $0x4;
	v17 =	vld.idx.msk [tilespmem:v17+s20+$0x0], $0xffff  }
0x23e: {  	v14 =	vadd.s32 v2, v14;
	v18 =	vadd.s32 v2, v18;
	v13 =	vshll.u32 v13, $0x4;
	v22 =	vld [tilespmem:s22+$0xFFFFFFC0]  }
0x23f: {  	v16 =	vadd.s32 v2, v16;
	v19 =	vadd.s32 v2, v19;
	v21 =	vadd.s32 v2, v21;
	v23 =	vld [tilespmem:s22+$0xFFFFFFD0]  }
0x240: {  	v13 =	vadd.s32 v2, v13;
	v8 =	vadd.s32 v2, v8;
	v24 =	vld [tilespmem:s22+$0xFFFFFFE0]  }
0x241: {  	v31 =	vld [tilespmem:s22+$0xFFFFFFF0]  }
0x242: {  	v32 =	vld [tilespmem:s22+$0x0]  }
0x243: {  	v11 =	vmul.f32 v11, v22;
	v22 =	vld [tilespmem:s22+$0x10]  }
0x244: {  	v7 =	vmul.f32 v7, v23;
	v23 =	vld [tilespmem:s22+$0x20]  }
0x245: {  	v20 =	vld.idx.msk [tilespmem:v20+s20+$0x0], $0xffff;
	v9 =	vmul.f32 v9, v24  }
0x246: {  	v24 =	vld.idx.msk [tilespmem:v26+s20+$0x0], $0xffff;
	v10 =	vmul.f32 v10, v31  }
0x247: {  	v26 =	vld.idx.msk [tilespmem:v27+s20+$0x0], $0xffff;
	v12 =	vmul.f32 v12, v32  }
0x248: {  	v27 =	vld.idx.msk [tilespmem:v28+s20+$0x0], $0xffff;
	v15 =	vmul.f32 v15, v22  }
0x249: {  	v22 =	vld.idx.msk [tilespmem:v29+s20+$0x0], $0xffff;
	v17 =	vmul.f32 v17, v23  }
0x24a: {  	v23 =	vld.idx.msk [tilespmem:v25+s20+$0x0], $0xffff  }
0x24b: {  	v11 =	vmul.f32 v20, v11;
	v20 =	vld.idx.msk [tilespmem:v30+s20+$0x0], $0xffff  }
0x24c: {  	v7 =	vmul.f32 v24, v7;
	[tilespmem:v5+s15+$0x0] =	vst.idx.add.f32.msk $0xffff, v6;
	v5 =	vmov v13  }
0x24d: {  	v6 =	vmul.f32 v26, v9;
	[tilespmem:v18+s15+$0x0] =	vst.idx.add.f32.msk $0xffff, v11  }
.Ltmp10:
0x24e: {  	[tilespmem:v14+s15+$0x0] =	vst.idx.add.f32.msk $0xffff, v7;
	v7 =	vmul.f32 v27, v10;
	(pc) =	sbr.rel @p1 .LBB2_18-.Ltmp10, $4  }
0x24f: {  	[tilespmem:v16+s15+$0x0] =	vst.idx.add.f32.msk $0xffff, v6;
	v6 =	vmul.f32 v22, v12  }
0x250: {  	[tilespmem:v19+s15+$0x0] =	vst.idx.add.f32.msk $0xffff, v7;
	v7 =	vmul.f32 v23, v15  }
0x251: {  	[tilespmem:v21+s15+$0x0] =	vst.idx.add.f32.msk $0xffff, v6;
	v6 =	vmul.f32 v20, v17  }
0x252: {  	s28 =	sadd.s32 $0x80, s28;
	[tilespmem:v8+s15+$0x0] =	vst.idx.add.f32.msk $0xffff, v7  }
0x253: {  	_ =	sdelay $0x3  }
0x254: {  	[tilespmem:v5+s15+$0x0] =	vst.idx.add.f32.msk $0xffff, v6  }
.LBB2_20:
0x255: {  	s21 =	sshra.s32 s20, $0x2  }
0x256: {  	v5 =	vld [tilespmem:s21+$0x1A680];
	_ =	sdelay $0x4  }
0x257: {  	v6 =	vld [tilespmem:s21+$0x1AE80];
	v7 =	vcvt.s32.f32 v5;
	_ =	sdelay $0x1  }
0x258: {  	v7 =	vadd.f32 $5.000000000e-01, v7;
	_ =	sdelay $0x1  }
0x259: {  	v7 =	vmul.f32 $3.999999900e-05, v7  }
0x25a: {  	v8 =	vld [tilespmem:s21+$0x1B680]  }
0x25b: {  	v5 =	vld.idx.msk [tilespmem:v5+s3+$0x0], $0xffff;
	v7 =	vtrunc.f32 v7  }
0x25c: {  	v7 =	vcvt.f32.s32 v7  }
0x25d: {  	v6 =	vld.idx.msk [tilespmem:v6+s3+$0x0], $0xffff  }
0x25e: {  	v7 =	vshll.u32 v7, $0x4  }
0x25f: {  	p1 =	sne.s32 s20, $0x100;
	v7 =	vadd.s32 v2, v7  }
.Ltmp11:
0x260: {  	v5 =	vmul.f32 v5, v8;
	(pc) =	sbr.rel @p1 .LBB2_20-.Ltmp11, $3  }
0x261: {  	_ = 	snop  }
0x262: {  	v5 =	vmul.f32 v6, v5;
	_ =	sdelay $0x1  }
0x263: {  	s20 =	sadd.s32 $0x40, s20;
	[tilespmem:v7+s15+$0x0] =	vst.idx.add.f32.msk $0xffff, v5  }
.Ltmp12:
0x264: {  	(pc) =	sbr.rel @p0 .LBB2_23-.Ltmp12, $1  }
0x265: {  	_ =	sdelay $0x3  }
0x266: {  	s20 =	smul.u32 $0xFA0, s19;
	_ =	sdelay $0x1  }
0x267: {  	s20 =	sadd.s32 s20, s14  }
0x268: {  	s20 =	sshrl.u32 s20, $0x3  }
0x269: {  	s21 =	sadd.s32 s5, s20  }
0x26a: {  	[tilespmem:s31], [sflag:$0x2] =	stream.linear.gather [hbm4b:s21+s3], $0x7D0, $0x38;
	[tilespmem:$0x1B900] =	vst v63  }
.Ltmp13:
0x26b: {  	_ = 	snop;
	(pc) =	sbr.rel .LBB2_13-.Ltmp13, $4  }
0x26c: {  	s28 =	sadd.s32 s6, s20  }
0x26d: {  	[tilespmem:s0], [sflag:$0x2] =	stream.linear.gather [hbm4b:s28+s3], $0x7D0, $0x38;
	[tilespmem:$0x1B900] =	vst v63  }
0x26e: {  	s19 =	sadd.s32 $0x1, s19;
	s20 =	sadd.s32 s2, s20  }
0x26f: {  	[tilespmem:s1], [sflag:$0x2] =	stream.linear.gather [hbm4b:s20+s3], $0x7D0, $0x38;
	[tilespmem:$0x1B900] =	vst v63  }
.LBB2_23:
0x270: {  	s18 =	simm.s32 $0x0;
	s19 =	rddreg [dreg:$0x5]  }
0x271: {  	[tilespmem:s18], [sflag:$0x3] =	stream.strided.gather [hbm4b:s19+s24], $0x18700, s25, s24, $0x38;
	[tilespmem:$0x1B900] =	vst v63  }
0x272: {  	_ =	swait.ge [sflag:s26], $0x18700  }
0x273: {  	[sflag:s26] =	ssyncset.done $0x0  }
0x274: {  	s28 =	simm.s32 $0x18700;
	[sflag:s26] =	ssyncadd.s32 $0xFFFE7900  }
0x275: {  	[tilespmem:s28], [sflag:$0x1] =	stream.linear.gather [hbm4b:s7+s18], $0x7D0, $0x38;
	[tilespmem:$0x1B900] =	vst v63  }
0x276: {  	_ = 	snop  }
0x277: {  	[tilespmem:s29], [sflag:$0x1] =	stream.linear.gather [hbm4b:s8+s18], $0x7D0, $0x38;
	[tilespmem:$0x1B900] =	vst v63  }
0x278: {  	_ = 	snop  }
0x279: {  	[tilespmem:s30], [sflag:$0x1] =	stream.linear.gather [hbm4b:s9+s18], $0x7D0, $0x38;
	[tilespmem:$0x1B900] =	vst v63  }
0x27a: {  	_ = 	snop  }
0x27b: {  	[tilespmem:s31], [sflag:$0x2] =	stream.linear.gather [hbm4b:s10+s18], $0x7D0, $0x38;
	[tilespmem:$0x1B900] =	vst v63  }
0x27c: {  	_ = 	snop  }
0x27d: {  	[tilespmem:s0], [sflag:$0x2] =	stream.linear.gather [hbm4b:s11+s18], $0x7D0, $0x38;
	[tilespmem:$0x1B900] =	vst v63  }
0x27e: {  	s19 =	simm.s32 $0x0  }
0x27f: {  	[tilespmem:s1], [sflag:$0x2] =	stream.linear.gather [hbm4b:s12+s18], $0x7D0, $0x38;
	[tilespmem:$0x1B900] =	vst v63  }
.LBB2_24:
0x280: {  	_ =	swait.ge [sflag:s4], $0x7D0  }
0x281: {  	[sflag:s4] =	ssyncset.done $0x0  }
0x282: {  	[sflag:s4] =	ssyncadd.s32 $0xFFFFF830  }
0x283: {  	_ =	swait.ge [sflag:s4], $0x7D0  }
0x284: {  	[sflag:s4] =	ssyncset.done $0x0  }
0x285: {  	[sflag:s4] =	ssyncadd.s32 $0xFFFFF830  }
0x286: {  	_ =	swait.ge [sflag:s4], $0x7D0  }
0x287: {  	[sflag:s4] =	ssyncset.done $0x0  }
0x288: {  	s21 =	simm.s32 $0x18740;
	[sflag:s4] =	ssyncadd.s32 $0xFFFFF830  }
0x289: {  	v5 =	vld [tilespmem:s21+$0x30]  }
0x28a: {  	v6 =	vld [tilespmem:s21+$0xFFFFFFD0]  }
0x28b: {  	v7 =	vld [tilespmem:s21+$0xFFFFFFE0]  }
0x28c: {  	s20 =	simm.s32 $0x18F40;
	v8 =	vld [tilespmem:s21+$0xFFFFFFF0]  }
0x28d: {  	v9 =	vld [tilespmem:s20+$0x30]  }
0x28e: {  	v10 =	vld [tilespmem:s21+$0x0]  }
0x28f: {  	v12 =	vld [tilespmem:s21+$0x10]  }
0x290: {  	v13 =	vld [tilespmem:s21+$0x20]  }
0x291: {  	v14 =	vld [tilespmem:s21+$0xFFFFFFC0]  }
0x292: {  	v15 =	vld [tilespmem:s20+$0xFFFFFFC0]  }
0x293: {  	v17 =	vld [tilespmem:s20+$0xFFFFFFD0]  }
0x294: {  	v18 =	vld [tilespmem:s20+$0xFFFFFFE0]  }
0x295: {  	v19 =	vld [tilespmem:s20+$0xFFFFFFF0]  }
0x296: {  	v20 =	vld [tilespmem:s20+$0x0]  }
0x297: {  	v57 =	vld [tilespmem:s20+$0x10];
	v11 =	vcvt.s32.f32 v5  }
0x298: {  	s21 =	simm.s32 $0x19740;
	v22 =	vld [tilespmem:s20+$0x20]  }
0x299: {  	v16 =	vld [tilespmem:s21+$0x30];
	v11 =	vadd.f32 $5.000000000e-01, v11  }
0x29a: {  	v26 =	vld [tilespmem:s21+$0xFFFFFFC0]  }
0x29b: {  	v27 =	vld [tilespmem:s21+$0xFFFFFFD0];
	v11 =	vmul.f32 $3.999999900e-05, v11  }
0x29c: {  	v28 =	vld [tilespmem:s21+$0xFFFFFFE0];
	v21 =	vcvt.s32.f32 v6;
	v23 =	vcvt.s32.f32 v10  }
0x29d: {  	v24 =	vcvt.s32.f32 v12;
	v5 =	vld.idx.msk [tilespmem:v5+s18+$0x0], $0xffff;
	v11 =	vtrunc.f32 v11  }
0x29e: {  	v29 =	vld [tilespmem:s21+$0xFFFFFFF0];
	v25 =	vcvt.s32.f32 v13;
	v11 =	vcvt.f32.s32 v11  }
0x29f: {  	v59 =	vcvt.s32.f32 v8;
	v21 =	vadd.f32 $5.000000000e-01, v21;
	v23 =	vadd.f32 $5.000000000e-01, v23;
	v9 =	vld.idx.msk [tilespmem:v9+s18+$0x0], $0xffff  }
0x2a0: {  	v30 =	vld [tilespmem:s21+$0x0];
	v24 =	vadd.f32 $5.000000000e-01, v24;
	v25 =	vadd.f32 $5.000000000e-01, v25;
	v11 =	vshll.u32 v11, $0x4  }
0x2a1: {  	v58 =	vld.idx.msk [tilespmem:v14+s18+$0x0], $0xffff;
	v14 =	vcvt.s32.f32 v14;
	v21 =	vmul.f32 $3.999999900e-05, v21;
	v11 =	vadd.s32 v3, v11  }
0x2a2: {  	v60 =	vld [tilespmem:s21+$0x10];
	v23 =	vmul.f32 $3.999999900e-05, v23;
	v5 =	vmul.f32 v5, v16  }
0x2a3: {  	v6 =	vld.idx.msk [tilespmem:v6+s18+$0x0], $0xffff;
	v24 =	vmul.f32 $3.999999900e-05, v24;
	v25 =	vmul.f32 $3.999999900e-05, v25  }
0x2a4: {  	v8 =	vld.idx.msk [tilespmem:v8+s18+$0x0], $0xffff;
	v14 =	vadd.f32 $5.000000000e-01, v14;
	v21 =	vtrunc.f32 v21;
	v5 =	vmul.f32 v9, v5  }
0x2a5: {  	v12 =	vld.idx.msk [tilespmem:v12+s18+$0x0], $0xffff;
	v23 =	vtrunc.f32 v23;
	v24 =	vtrunc.f32 v24  }
0x2a6: {  	v14 =	vmul.f32 $3.999999900e-05, v14;
	[tilespmem:v11+s15+$0x0] =	vst.idx.add.f32.msk $0xffff, v5;
	v5 =	vcvt.s32.f32 v7  }
0x2a7: {  	v61 =	vld [tilespmem:s21+$0x20];
	v21 =	vcvt.f32.s32 v21;
	v23 =	vcvt.f32.s32 v23  }
0x2a8: {  	v10 =	vld.idx.msk [tilespmem:v10+s18+$0x0], $0xffff;
	v24 =	vcvt.f32.s32 v24;
	v6 =	vmul.f32 v6, v27;
	v5 =	vadd.f32 $5.000000000e-01, v5  }
0x2a9: {  	v13 =	vld.idx.msk [tilespmem:v13+s18+$0x0], $0xffff;
	v8 =	vmul.f32 v8, v29;
	v14 =	vtrunc.f32 v14;
	v11 =	vadd.f32 $5.000000000e-01, v59  }
0x2aa: {  	v15 =	vld.idx.msk [tilespmem:v15+s18+$0x0], $0xffff;
	v14 =	vcvt.f32.s32 v14;
	v5 =	vmul.f32 $3.999999900e-05, v5  }
0x2ab: {  	v17 =	vld.idx.msk [tilespmem:v17+s18+$0x0], $0xffff;
	v63 =	vmul.f32 v12, v60;
	v21 =	vshll.u32 v21, $0x4;
	v11 =	vmul.f32 $3.999999900e-05, v11  }
0x2ac: {  	v24 =	vshll.u32 v24, $0x4;
	v14 =	vshll.u32 v14, $0x4;
	v7 =	vld.idx.msk [tilespmem:v7+s18+$0x0], $0xffff;
	v5 =	vtrunc.f32 v5  }
0x2ad: {  	v16 =	vld.idx.msk [tilespmem:v57+s18+$0x0], $0xffff;
	v14 =	vadd.s32 v3, v14;
	v11 =	vtrunc.f32 v11;
	v5 =	vcvt.f32.s32 v5  }
0x2ae: {  	v18 =	vld.idx.msk [tilespmem:v18+s18+$0x0], $0xffff;
	v9 =	vmul.f32 v58, v26;
	v21 =	vadd.s32 v3, v21;
	v11 =	vcvt.f32.s32 v11  }
0x2af: {  	v19 =	vld.idx.msk [tilespmem:v19+s18+$0x0], $0xffff;
	v23 =	vshll.u32 v23, $0x4;
	v62 =	vadd.s32 v3, v24;
	v5 =	vshll.u32 v5, $0x4  }
0x2b0: {  	v20 =	vld.idx.msk [tilespmem:v20+s18+$0x0], $0xffff;
	v9 =	vmul.f32 v15, v9;
	v11 =	vshll.u32 v11, $0x4;
	v5 =	vadd.s32 v3, v5  }
0x2b1: {  	v22 =	vld.idx.msk [tilespmem:v22+s18+$0x0], $0xffff;
	v6 =	vmul.f32 v17, v6;
	v7 =	vmul.f32 v7, v28;
	v11 =	vadd.s32 v3, v11  }
0x2b2: {  	v25 =	vtrunc.f32 v25;
	v23 =	vadd.s32 v3, v23;
	[tilespmem:v14+s15+$0x0] =	vst.idx.add.f32.msk $0xffff, v9;
	v9 =	vmul.f32 v16, v63  }
0x2b3: {  	v10 =	vmul.f32 v10, v30;
	[tilespmem:v21+s15+$0x0] =	vst.idx.add.f32.msk $0xffff, v6;
	v7 =	vmul.f32 v18, v7  }
0x2b4: {  	v6 =	vmul.f32 v19, v8;
	v8 =	vcvt.f32.s32 v25;
	[tilespmem:v62+s15+$0x0] =	vst.idx.add.f32.msk $0xffff, v9  }
0x2b5: {  	[tilespmem:v5+s15+$0x0] =	vst.idx.add.f32.msk $0xffff, v7;
	v5 =	vmul.f32 v20, v10;
	v7 =	vmul.f32 v13, v61  }
0x2b6: {  	[tilespmem:v11+s15+$0x0] =	vst.idx.add.f32.msk $0xffff, v6;
	v6 =	vshll.u32 v8, $0x4  }
0x2b7: {  	s22 =	simm.s32 $0x0;
	s23 =	simm.s32 $0x187C0;
	[tilespmem:v23+s15+$0x0] =	vst.idx.add.f32.msk $0xffff, v5;
	v5 =	vadd.s32 v3, v6;
	v6 =	vmul.f32 v22, v7  }
.LBB2_25:
0x2b8: {  	v7 =	vld [tilespmem:s23+$0x30];
	s22 =	sadd.s32 $0x8, s22  }
0x2b9: {  	v8 =	vld [tilespmem:s23+$0xFFFFFFD0];
	p0 =	slt.u32 s22, $0x70  }
0x2ba: {  	v9 =	vld [tilespmem:s23+$0xFFFFFFE0]  }
0x2bb: {  	s20 =	sadd.s32 $0x80, s20;
	v10 =	vld [tilespmem:s23+$0xFFFFFFF0]  }
0x2bc: {  	v11 =	vld [tilespmem:s20+$0x30]  }
0x2bd: {  	v12 =	vld [tilespmem:s23+$0x0];
	v13 =	vcvt.s32.f32 v7  }
0x2be: {  	v14 =	vcvt.s32.f32 v8;
	v15 =	vld [tilespmem:s23+$0x10]  }
0x2bf: {  	v16 =	vcvt.s32.f32 v9;
	v17 =	vld [tilespmem:s23+$0x20];
	v13 =	vadd.f32 $5.000000000e-01, v13  }
0x2c0: {  	v18 =	vld [tilespmem:s23+$0xFFFFFFC0];
	v14 =	vadd.f32 $5.000000000e-01, v14;
	v19 =	vcvt.s32.f32 v10  }
0x2c1: {  	s28 =	simm.s32 $0x0;
	v20 =	vld [tilespmem:s20+$0xFFFFFFC0];
	v16 =	vadd.f32 $5.000000000e-01, v16;
	v13 =	vmul.f32 $3.999999900e-05, v13  }
0x2c2: {  	s21 =	sadd.s32 $0x80, s21;
	v14 =	vmul.f32 $3.999999900e-05, v14;
	v19 =	vadd.f32 $5.000000000e-01, v19;
	v21 =	vcvt.s32.f32 v12;
	v7 =	vld.idx.msk [tilespmem:v7+s28+$0x0], $0xffff  }
0x2c3: {  	v22 =	vcvt.s32.f32 v15;
	v23 =	vld [tilespmem:s21+$0x30];
	v13 =	vtrunc.f32 v13  }
0x2c4: {  	v21 =	vadd.f32 $5.000000000e-01, v21;
	v24 =	vcvt.s32.f32 v17;
	v11 =	vld.idx.msk [tilespmem:v11+s28+$0x0], $0xffff;
	v13 =	vcvt.f32.s32 v13  }
0x2c5: {  	v16 =	vmul.f32 $3.999999900e-05, v16;
	v25 =	vcvt.s32.f32 v18;
	v26 =	vld [tilespmem:s20+$0xFFFFFFD0];
	v22 =	vadd.f32 $5.000000000e-01, v22  }
0x2c6: {  	v19 =	vmul.f32 $3.999999900e-05, v19;
	v27 =	vld [tilespmem:s20+$0xFFFFFFE0];
	v24 =	vadd.f32 $5.000000000e-01, v24;
	v13 =	vshll.u32 v13, $0x4  }
0x2c7: {  	v21 =	vmul.f32 $3.999999900e-05, v21;
	v25 =	vadd.f32 $5.000000000e-01, v25;
	v28 =	vld [tilespmem:s20+$0xFFFFFFF0];
	v13 =	vadd.s32 v3, v13  }
0x2c8: {  	v22 =	vmul.f32 $3.999999900e-05, v22;
	v29 =	vld [tilespmem:s20+$0x0];
	v7 =	vmul.f32 v7, v23  }
0x2c9: {  	v24 =	vmul.f32 $3.999999900e-05, v24;
	v23 =	vmul.f32 $3.999999900e-05, v25;
	v25 =	vld [tilespmem:s20+$0x10]  }
0x2ca: {  	v14 =	vtrunc.f32 v14;
	v30 =	vld [tilespmem:s20+$0x20];
	v7 =	vmul.f32 v11, v7  }
0x2cb: {  	v16 =	vtrunc.f32 v16;
	v11 =	vld.idx.msk [tilespmem:v18+s28+$0x0], $0xffff;
	v18 =	vtrunc.f32 v23  }
0x2cc: {  	v19 =	vtrunc.f32 v19;
	v21 =	vtrunc.f32 v21;
	[tilespmem:v13+s15+$0x0] =	vst.idx.add.f32.msk $0xffff, v7  }
0x2cd: {  	v13 =	vtrunc.f32 v24;
	v7 =	vld.idx.msk [tilespmem:v8+s28+$0x0], $0xffff;
	v8 =	vtrunc.f32 v22  }
0x2ce: {  	v14 =	vcvt.f32.s32 v14;
	v18 =	vcvt.f32.s32 v18;
	v9 =	vld.idx.msk [tilespmem:v9+s28+$0x0], $0xffff  }
0x2cf: {  	v16 =	vcvt.f32.s32 v16;
	v19 =	vcvt.f32.s32 v19;
	v10 =	vld.idx.msk [tilespmem:v10+s28+$0x0], $0xffff  }
0x2d0: {  	v21 =	vcvt.f32.s32 v21;
	v18 =	vshll.u32 v18, $0x4;
	v8 =	vcvt.f32.s32 v8;
	v12 =	vld.idx.msk [tilespmem:v12+s28+$0x0], $0xffff  }
0x2d1: {  	v14 =	vshll.u32 v14, $0x4;
	v16 =	vshll.u32 v16, $0x4;
	v13 =	vcvt.f32.s32 v13;
	v15 =	vld.idx.msk [tilespmem:v15+s28+$0x0], $0xffff  }
0x2d2: {  	v19 =	vshll.u32 v19, $0x4;
	v21 =	vshll.u32 v21, $0x4;
	v8 =	vshll.u32 v8, $0x4;
	v17 =	vld.idx.msk [tilespmem:v17+s28+$0x0], $0xffff  }
0x2d3: {  	v14 =	vadd.s32 v3, v14;
	v18 =	vadd.s32 v3, v18;
	v13 =	vshll.u32 v13, $0x4;
	v22 =	vld [tilespmem:s21+$0xFFFFFFC0]  }
0x2d4: {  	v16 =	vadd.s32 v3, v16;
	v19 =	vadd.s32 v3, v19;
	v21 =	vadd.s32 v3, v21;
	v23 =	vld [tilespmem:s21+$0xFFFFFFD0]  }
0x2d5: {  	v13 =	vadd.s32 v3, v13;
	v8 =	vadd.s32 v3, v8;
	v24 =	vld [tilespmem:s21+$0xFFFFFFE0]  }
0x2d6: {  	v31 =	vld [tilespmem:s21+$0xFFFFFFF0]  }
0x2d7: {  	v32 =	vld [tilespmem:s21+$0x0]  }
0x2d8: {  	v11 =	vmul.f32 v11, v22;
	v22 =	vld [tilespmem:s21+$0x10]  }
0x2d9: {  	v7 =	vmul.f32 v7, v23;
	v23 =	vld [tilespmem:s21+$0x20]  }
0x2da: {  	v20 =	vld.idx.msk [tilespmem:v20+s28+$0x0], $0xffff;
	v9 =	vmul.f32 v9, v24  }
0x2db: {  	v24 =	vld.idx.msk [tilespmem:v26+s28+$0x0], $0xffff;
	v10 =	vmul.f32 v10, v31  }
0x2dc: {  	v26 =	vld.idx.msk [tilespmem:v27+s28+$0x0], $0xffff;
	v12 =	vmul.f32 v12, v32  }
0x2dd: {  	v27 =	vld.idx.msk [tilespmem:v28+s28+$0x0], $0xffff;
	v15 =	vmul.f32 v15, v22  }
0x2de: {  	v22 =	vld.idx.msk [tilespmem:v29+s28+$0x0], $0xffff;
	v17 =	vmul.f32 v17, v23  }
0x2df: {  	v23 =	vld.idx.msk [tilespmem:v25+s28+$0x0], $0xffff  }
0x2e0: {  	v11 =	vmul.f32 v20, v11;
	v20 =	vld.idx.msk [tilespmem:v30+s28+$0x0], $0xffff  }
0x2e1: {  	v7 =	vmul.f32 v24, v7;
	[tilespmem:v5+s15+$0x0] =	vst.idx.add.f32.msk $0xffff, v6;
	v5 =	vmov v13  }
0x2e2: {  	v6 =	vmul.f32 v26, v9;
	[tilespmem:v18+s15+$0x0] =	vst.idx.add.f32.msk $0xffff, v11  }
.Ltmp14:
0x2e3: {  	[tilespmem:v14+s15+$0x0] =	vst.idx.add.f32.msk $0xffff, v7;
	v7 =	vmul.f32 v27, v10;
	(pc) =	sbr.rel @p0 .LBB2_25-.Ltmp14, $4  }
0x2e4: {  	[tilespmem:v16+s15+$0x0] =	vst.idx.add.f32.msk $0xffff, v6;
	v6 =	vmul.f32 v22, v12  }
0x2e5: {  	[tilespmem:v19+s15+$0x0] =	vst.idx.add.f32.msk $0xffff, v7;
	v7 =	vmul.f32 v23, v15  }
0x2e6: {  	[tilespmem:v21+s15+$0x0] =	vst.idx.add.f32.msk $0xffff, v6;
	v6 =	vmul.f32 v20, v17  }
0x2e7: {  	s23 =	sadd.s32 $0x80, s23;
	[tilespmem:v8+s15+$0x0] =	vst.idx.add.f32.msk $0xffff, v7  }
0x2e8: {  	_ =	sdelay $0x3  }
0x2e9: {  	[tilespmem:v5+s15+$0x0] =	vst.idx.add.f32.msk $0xffff, v6  }
.LBB2_27:
0x2ea: {  	s20 =	sshra.s32 s28, $0x2  }
0x2eb: {  	v5 =	vld [tilespmem:s20+$0x18E80];
	_ =	sdelay $0x4  }
0x2ec: {  	v6 =	vld [tilespmem:s20+$0x19680];
	v7 =	vcvt.s32.f32 v5;
	_ =	sdelay $0x1  }
0x2ed: {  	v7 =	vadd.f32 $5.000000000e-01, v7;
	_ =	sdelay $0x1  }
0x2ee: {  	v7 =	vmul.f32 $3.999999900e-05, v7  }
0x2ef: {  	v8 =	vld [tilespmem:s20+$0x19E80]  }
0x2f0: {  	v5 =	vld.idx.msk [tilespmem:v5+s3+$0x0], $0xffff;
	v7 =	vtrunc.f32 v7  }
0x2f1: {  	v7 =	vcvt.f32.s32 v7  }
0x2f2: {  	v6 =	vld.idx.msk [tilespmem:v6+s3+$0x0], $0xffff  }
0x2f3: {  	v7 =	vshll.u32 v7, $0x4  }
0x2f4: {  	p0 =	sne.s32 s28, $0x100;
	v7 =	vadd.s32 v3, v7  }
.Ltmp15:
0x2f5: {  	v5 =	vmul.f32 v5, v8;
	(pc) =	sbr.rel @p0 .LBB2_27-.Ltmp15, $3  }
0x2f6: {  	_ = 	snop  }
0x2f7: {  	v5 =	vmul.f32 v6, v5;
	_ =	sdelay $0x1  }
0x2f8: {  	s28 =	sadd.s32 $0x40, s28;
	[tilespmem:v7+s15+$0x0] =	vst.idx.add.f32.msk $0xffff, v5  }
0x2f9: {  	p0 =	seq.s32 s19, $0x18  }
0x2fa: {  	s20 =	smul.u32 @!p0 $0xFA0, s19;
	_ =	sdelay $0x1  }
0x2fb: {  	s20 =	sadd.s32 @!p0 s20, s13  }
0x2fc: {  	s20 =	sshrl.u32 @!p0 s20, $0x3  }
0x2fd: {  	s22 =	simm.s32 @!p0 $0x0;
	s23 =	simm.s32 @!p0 $0x18700;
	s21 =	sadd.s32 @!p0 s5, s20  }
0x2fe: {  	[tilespmem:s23], [sflag:$0x1] =	stream.linear.gather @!p0 [hbm4b:s21+s22], $0x7D0, $0x38;
	[tilespmem:$0x1B900] =	vst v63  }
0x2ff: {  	s21 =	sadd.s32 @!p0 s6, s20;
	s23 =	simm.s32 @!p0 $0x18F00  }
0x300: {  	[tilespmem:s23], [sflag:$0x1] =	stream.linear.gather @!p0 [hbm4b:s21+s22], $0x7D0, $0x38;
	[tilespmem:$0x1B900] =	vst v63  }
0x301: {  	s20 =	sadd.s32 @!p0 s2, s20;
	s21 =	simm.s32 @!p0 $0x19700  }
0x302: {  	[tilespmem:s21], [sflag:$0x1] =	stream.linear.gather @!p0 [hbm4b:s20+s22], $0x7D0, $0x38;
	[tilespmem:$0x1B900] =	vst v63  }
0x303: {  	_ =	swait.ge [sflag:s16], $0x7D0  }
0x304: {  	[sflag:s16] =	ssyncset.done $0x0  }
0x305: {  	[sflag:s16] =	ssyncadd.s32 $0xFFFFF830  }
0x306: {  	_ =	swait.ge [sflag:s16], $0x7D0  }
0x307: {  	[sflag:s16] =	ssyncset.done $0x0  }
0x308: {  	[sflag:s16] =	ssyncadd.s32 $0xFFFFF830  }
0x309: {  	_ =	swait.ge [sflag:s16], $0x7D0  }
0x30a: {  	[sflag:s16] =	ssyncset.done $0x0  }
0x30b: {  	s23 =	simm.s32 $0x19F40;
	[sflag:s16] =	ssyncadd.s32 $0xFFFFF830  }
0x30c: {  	v5 =	vld [tilespmem:s23+$0x30]  }
0x30d: {  	v6 =	vld [tilespmem:s23+$0xFFFFFFD0]  }
0x30e: {  	v7 =	vld [tilespmem:s23+$0xFFFFFFE0]  }
0x30f: {  	s21 =	simm.s32 $0x1A740;
	v8 =	vld [tilespmem:s23+$0xFFFFFFF0]  }
0x310: {  	v9 =	vld [tilespmem:s21+$0x30]  }
0x311: {  	v10 =	vld [tilespmem:s23+$0x0]  }
0x312: {  	v12 =	vld [tilespmem:s23+$0x10]  }
0x313: {  	v13 =	vld [tilespmem:s23+$0x20]  }
0x314: {  	v14 =	vld [tilespmem:s23+$0xFFFFFFC0]  }
0x315: {  	s22 =	simm.s32 $0x1AF40;
	v15 =	vld [tilespmem:s21+$0xFFFFFFC0]  }
0x316: {  	v16 =	vld [tilespmem:s22+$0x30]  }
0x317: {  	v17 =	vld [tilespmem:s21+$0xFFFFFFD0]  }
0x318: {  	v18 =	vld [tilespmem:s21+$0xFFFFFFE0]  }
0x319: {  	v19 =	vld [tilespmem:s21+$0xFFFFFFF0]  }
0x31a: {  	v20 =	vld [tilespmem:s21+$0x0];
	v11 =	vcvt.s32.f32 v5  }
0x31b: {  	v57 =	vld [tilespmem:s21+$0x10]  }
0x31c: {  	v22 =	vld [tilespmem:s21+$0x20];
	v11 =	vadd.f32 $5.000000000e-01, v11  }
0x31d: {  	v26 =	vld [tilespmem:s22+$0xFFFFFFC0]  }
0x31e: {  	v27 =	vld [tilespmem:s22+$0xFFFFFFD0];
	v11 =	vmul.f32 $3.999999900e-05, v11  }
0x31f: {  	s20 =	simm.s32 $0x0;
	v28 =	vld [tilespmem:s22+$0xFFFFFFE0];
	v21 =	vcvt.s32.f32 v6;
	v23 =	vcvt.s32.f32 v10  }
0x320: {  	v24 =	vcvt.s32.f32 v12;
	v5 =	vld.idx.msk [tilespmem:v5+s20+$0x0], $0xffff;
	v11 =	vtrunc.f32 v11  }
0x321: {  	v29 =	vld [tilespmem:s22+$0xFFFFFFF0];
	v25 =	vcvt.s32.f32 v13;
	v11 =	vcvt.f32.s32 v11  }
0x322: {  	v59 =	vcvt.s32.f32 v8;
	v21 =	vadd.f32 $5.000000000e-01, v21;
	v23 =	vadd.f32 $5.000000000e-01, v23;
	v9 =	vld.idx.msk [tilespmem:v9+s20+$0x0], $0xffff  }
0x323: {  	v30 =	vld [tilespmem:s22+$0x0];
	v24 =	vadd.f32 $5.000000000e-01, v24;
	v25 =	vadd.f32 $5.000000000e-01, v25;
	v11 =	vshll.u32 v11, $0x4  }
0x324: {  	v58 =	vld.idx.msk [tilespmem:v14+s20+$0x0], $0xffff;
	v14 =	vcvt.s32.f32 v14;
	v21 =	vmul.f32 $3.999999900e-05, v21;
	v11 =	vadd.s32 v3, v11  }
0x325: {  	v60 =	vld [tilespmem:s22+$0x10];
	v23 =	vmul.f32 $3.999999900e-05, v23;
	v5 =	vmul.f32 v5, v16  }
0x326: {  	v6 =	vld.idx.msk [tilespmem:v6+s20+$0x0], $0xffff;
	v24 =	vmul.f32 $3.999999900e-05, v24;
	v25 =	vmul.f32 $3.999999900e-05, v25  }
0x327: {  	v8 =	vld.idx.msk [tilespmem:v8+s20+$0x0], $0xffff;
	v14 =	vadd.f32 $5.000000000e-01, v14;
	v21 =	vtrunc.f32 v21;
	v5 =	vmul.f32 v9, v5  }
0x328: {  	v12 =	vld.idx.msk [tilespmem:v12+s20+$0x0], $0xffff;
	v23 =	vtrunc.f32 v23;
	v24 =	vtrunc.f32 v24  }
0x329: {  	v14 =	vmul.f32 $3.999999900e-05, v14;
	[tilespmem:v11+s15+$0x0] =	vst.idx.add.f32.msk $0xffff, v5;
	v5 =	vcvt.s32.f32 v7  }
0x32a: {  	v61 =	vld [tilespmem:s22+$0x20];
	v21 =	vcvt.f32.s32 v21;
	v23 =	vcvt.f32.s32 v23  }
0x32b: {  	v10 =	vld.idx.msk [tilespmem:v10+s20+$0x0], $0xffff;
	v24 =	vcvt.f32.s32 v24;
	v6 =	vmul.f32 v6, v27;
	v5 =	vadd.f32 $5.000000000e-01, v5  }
0x32c: {  	v13 =	vld.idx.msk [tilespmem:v13+s20+$0x0], $0xffff;
	v8 =	vmul.f32 v8, v29;
	v14 =	vtrunc.f32 v14;
	v11 =	vadd.f32 $5.000000000e-01, v59  }
0x32d: {  	v15 =	vld.idx.msk [tilespmem:v15+s20+$0x0], $0xffff;
	v14 =	vcvt.f32.s32 v14;
	v5 =	vmul.f32 $3.999999900e-05, v5  }
0x32e: {  	v17 =	vld.idx.msk [tilespmem:v17+s20+$0x0], $0xffff;
	v63 =	vmul.f32 v12, v60;
	v21 =	vshll.u32 v21, $0x4;
	v11 =	vmul.f32 $3.999999900e-05, v11  }
0x32f: {  	v24 =	vshll.u32 v24, $0x4;
	v14 =	vshll.u32 v14, $0x4;
	v7 =	vld.idx.msk [tilespmem:v7+s20+$0x0], $0xffff;
	v5 =	vtrunc.f32 v5  }
0x330: {  	v16 =	vld.idx.msk [tilespmem:v57+s20+$0x0], $0xffff;
	v14 =	vadd.s32 v3, v14;
	v11 =	vtrunc.f32 v11;
	v5 =	vcvt.f32.s32 v5  }
0x331: {  	v18 =	vld.idx.msk [tilespmem:v18+s20+$0x0], $0xffff;
	v9 =	vmul.f32 v58, v26;
	v21 =	vadd.s32 v3, v21;
	v11 =	vcvt.f32.s32 v11  }
0x332: {  	v19 =	vld.idx.msk [tilespmem:v19+s20+$0x0], $0xffff;
	v23 =	vshll.u32 v23, $0x4;
	v62 =	vadd.s32 v3, v24;
	v5 =	vshll.u32 v5, $0x4  }
0x333: {  	v20 =	vld.idx.msk [tilespmem:v20+s20+$0x0], $0xffff;
	v9 =	vmul.f32 v15, v9;
	v11 =	vshll.u32 v11, $0x4;
	v5 =	vadd.s32 v3, v5  }
0x334: {  	v22 =	vld.idx.msk [tilespmem:v22+s20+$0x0], $0xffff;
	v6 =	vmul.f32 v17, v6;
	v7 =	vmul.f32 v7, v28;
	v11 =	vadd.s32 v3, v11  }
0x335: {  	v25 =	vtrunc.f32 v25;
	v23 =	vadd.s32 v3, v23;
	[tilespmem:v14+s15+$0x0] =	vst.idx.add.f32.msk $0xffff, v9;
	v9 =	vmul.f32 v16, v63  }
0x336: {  	v10 =	vmul.f32 v10, v30;
	[tilespmem:v21+s15+$0x0] =	vst.idx.add.f32.msk $0xffff, v6;
	v7 =	vmul.f32 v18, v7  }
0x337: {  	v6 =	vmul.f32 v19, v8;
	v8 =	vcvt.f32.s32 v25;
	[tilespmem:v62+s15+$0x0] =	vst.idx.add.f32.msk $0xffff, v9  }
0x338: {  	[tilespmem:v5+s15+$0x0] =	vst.idx.add.f32.msk $0xffff, v7;
	v5 =	vmul.f32 v20, v10;
	v7 =	vmul.f32 v13, v61  }
0x339: {  	[tilespmem:v11+s15+$0x0] =	vst.idx.add.f32.msk $0xffff, v6;
	v6 =	vshll.u32 v8, $0x4  }
0x33a: {  	s28 =	simm.s32 $0x19FC0;
	s23 =	simm.s32 $0x0;
	[tilespmem:v23+s15+$0x0] =	vst.idx.add.f32.msk $0xffff, v5;
	v5 =	vadd.s32 v3, v6;
	v6 =	vmul.f32 v22, v7  }
.LBB2_29:
0x33b: {  	v7 =	vld [tilespmem:s28+$0x30];
	s23 =	sadd.s32 $0x8, s23  }
0x33c: {  	v8 =	vld [tilespmem:s28+$0xFFFFFFD0];
	p1 =	slt.u32 s23, $0x70  }
0x33d: {  	v9 =	vld [tilespmem:s28+$0xFFFFFFE0]  }
0x33e: {  	s21 =	sadd.s32 $0x80, s21;
	v10 =	vld [tilespmem:s28+$0xFFFFFFF0]  }
0x33f: {  	v11 =	vld [tilespmem:s21+$0x30]  }
0x340: {  	v12 =	vld [tilespmem:s28+$0x0];
	v13 =	vcvt.s32.f32 v7  }
0x341: {  	v14 =	vcvt.s32.f32 v8;
	v15 =	vld [tilespmem:s28+$0x10]  }
0x342: {  	v16 =	vcvt.s32.f32 v9;
	v17 =	vld [tilespmem:s28+$0x20];
	v13 =	vadd.f32 $5.000000000e-01, v13  }
0x343: {  	v18 =	vld [tilespmem:s28+$0xFFFFFFC0];
	v14 =	vadd.f32 $5.000000000e-01, v14;
	v19 =	vcvt.s32.f32 v10  }
0x344: {  	v20 =	vld [tilespmem:s21+$0xFFFFFFC0];
	v16 =	vadd.f32 $5.000000000e-01, v16;
	v13 =	vmul.f32 $3.999999900e-05, v13  }
0x345: {  	s22 =	sadd.s32 $0x80, s22;
	v14 =	vmul.f32 $3.999999900e-05, v14;
	v19 =	vadd.f32 $5.000000000e-01, v19;
	v21 =	vcvt.s32.f32 v12;
	v7 =	vld.idx.msk [tilespmem:v7+s20+$0x0], $0xffff  }
0x346: {  	v22 =	vcvt.s32.f32 v15;
	v23 =	vld [tilespmem:s22+$0x30];
	v13 =	vtrunc.f32 v13  }
0x347: {  	v21 =	vadd.f32 $5.000000000e-01, v21;
	v24 =	vcvt.s32.f32 v17;
	v11 =	vld.idx.msk [tilespmem:v11+s20+$0x0], $0xffff;
	v13 =	vcvt.f32.s32 v13  }
0x348: {  	v16 =	vmul.f32 $3.999999900e-05, v16;
	v25 =	vcvt.s32.f32 v18;
	v26 =	vld [tilespmem:s21+$0xFFFFFFD0];
	v22 =	vadd.f32 $5.000000000e-01, v22  }
0x349: {  	v19 =	vmul.f32 $3.999999900e-05, v19;
	v27 =	vld [tilespmem:s21+$0xFFFFFFE0];
	v24 =	vadd.f32 $5.000000000e-01, v24;
	v13 =	vshll.u32 v13, $0x4  }
0x34a: {  	v21 =	vmul.f32 $3.999999900e-05, v21;
	v25 =	vadd.f32 $5.000000000e-01, v25;
	v28 =	vld [tilespmem:s21+$0xFFFFFFF0];
	v13 =	vadd.s32 v3, v13  }
0x34b: {  	v22 =	vmul.f32 $3.999999900e-05, v22;
	v29 =	vld [tilespmem:s21+$0x0];
	v7 =	vmul.f32 v7, v23  }
0x34c: {  	v24 =	vmul.f32 $3.999999900e-05, v24;
	v23 =	vmul.f32 $3.999999900e-05, v25;
	v25 =	vld [tilespmem:s21+$0x10]  }
0x34d: {  	v14 =	vtrunc.f32 v14;
	v30 =	vld [tilespmem:s21+$0x20];
	v7 =	vmul.f32 v11, v7  }
0x34e: {  	v16 =	vtrunc.f32 v16;
	v11 =	vld.idx.msk [tilespmem:v18+s20+$0x0], $0xffff;
	v18 =	vtrunc.f32 v23  }
0x34f: {  	v19 =	vtrunc.f32 v19;
	v21 =	vtrunc.f32 v21;
	[tilespmem:v13+s15+$0x0] =	vst.idx.add.f32.msk $0xffff, v7  }
0x350: {  	v13 =	vtrunc.f32 v24;
	v7 =	vld.idx.msk [tilespmem:v8+s20+$0x0], $0xffff;
	v8 =	vtrunc.f32 v22  }
0x351: {  	v14 =	vcvt.f32.s32 v14;
	v18 =	vcvt.f32.s32 v18;
	v9 =	vld.idx.msk [tilespmem:v9+s20+$0x0], $0xffff  }
0x352: {  	v16 =	vcvt.f32.s32 v16;
	v19 =	vcvt.f32.s32 v19;
	v10 =	vld.idx.msk [tilespmem:v10+s20+$0x0], $0xffff  }
0x353: {  	v21 =	vcvt.f32.s32 v21;
	v18 =	vshll.u32 v18, $0x4;
	v8 =	vcvt.f32.s32 v8;
	v12 =	vld.idx.msk [tilespmem:v12+s20+$0x0], $0xffff  }
0x354: {  	v14 =	vshll.u32 v14, $0x4;
	v16 =	vshll.u32 v16, $0x4;
	v13 =	vcvt.f32.s32 v13;
	v15 =	vld.idx.msk [tilespmem:v15+s20+$0x0], $0xffff  }
0x355: {  	v19 =	vshll.u32 v19, $0x4;
	v21 =	vshll.u32 v21, $0x4;
	v8 =	vshll.u32 v8, $0x4;
	v17 =	vld.idx.msk [tilespmem:v17+s20+$0x0], $0xffff  }
0x356: {  	v14 =	vadd.s32 v3, v14;
	v18 =	vadd.s32 v3, v18;
	v13 =	vshll.u32 v13, $0x4;
	v22 =	vld [tilespmem:s22+$0xFFFFFFC0]  }
0x357: {  	v16 =	vadd.s32 v3, v16;
	v19 =	vadd.s32 v3, v19;
	v21 =	vadd.s32 v3, v21;
	v23 =	vld [tilespmem:s22+$0xFFFFFFD0]  }
0x358: {  	v13 =	vadd.s32 v3, v13;
	v8 =	vadd.s32 v3, v8;
	v24 =	vld [tilespmem:s22+$0xFFFFFFE0]  }
0x359: {  	v31 =	vld [tilespmem:s22+$0xFFFFFFF0]  }
0x35a: {  	v32 =	vld [tilespmem:s22+$0x0]  }
0x35b: {  	v11 =	vmul.f32 v11, v22;
	v22 =	vld [tilespmem:s22+$0x10]  }
0x35c: {  	v7 =	vmul.f32 v7, v23;
	v23 =	vld [tilespmem:s22+$0x20]  }
0x35d: {  	v20 =	vld.idx.msk [tilespmem:v20+s20+$0x0], $0xffff;
	v9 =	vmul.f32 v9, v24  }
0x35e: {  	v24 =	vld.idx.msk [tilespmem:v26+s20+$0x0], $0xffff;
	v10 =	vmul.f32 v10, v31  }
0x35f: {  	v26 =	vld.idx.msk [tilespmem:v27+s20+$0x0], $0xffff;
	v12 =	vmul.f32 v12, v32  }
0x360: {  	v27 =	vld.idx.msk [tilespmem:v28+s20+$0x0], $0xffff;
	v15 =	vmul.f32 v15, v22  }
0x361: {  	v22 =	vld.idx.msk [tilespmem:v29+s20+$0x0], $0xffff;
	v17 =	vmul.f32 v17, v23  }
0x362: {  	v23 =	vld.idx.msk [tilespmem:v25+s20+$0x0], $0xffff  }
0x363: {  	v11 =	vmul.f32 v20, v11;
	v20 =	vld.idx.msk [tilespmem:v30+s20+$0x0], $0xffff  }
0x364: {  	v7 =	vmul.f32 v24, v7;
	[tilespmem:v5+s15+$0x0] =	vst.idx.add.f32.msk $0xffff, v6;
	v5 =	vmov v13  }
0x365: {  	v6 =	vmul.f32 v26, v9;
	[tilespmem:v18+s15+$0x0] =	vst.idx.add.f32.msk $0xffff, v11  }
.Ltmp16:
0x366: {  	[tilespmem:v14+s15+$0x0] =	vst.idx.add.f32.msk $0xffff, v7;
	v7 =	vmul.f32 v27, v10;
	(pc) =	sbr.rel @p1 .LBB2_29-.Ltmp16, $4  }
0x367: {  	[tilespmem:v16+s15+$0x0] =	vst.idx.add.f32.msk $0xffff, v6;
	v6 =	vmul.f32 v22, v12  }
0x368: {  	[tilespmem:v19+s15+$0x0] =	vst.idx.add.f32.msk $0xffff, v7;
	v7 =	vmul.f32 v23, v15  }
0x369: {  	[tilespmem:v21+s15+$0x0] =	vst.idx.add.f32.msk $0xffff, v6;
	v6 =	vmul.f32 v20, v17  }
0x36a: {  	s28 =	sadd.s32 $0x80, s28;
	[tilespmem:v8+s15+$0x0] =	vst.idx.add.f32.msk $0xffff, v7  }
0x36b: {  	_ =	sdelay $0x3  }
0x36c: {  	[tilespmem:v5+s15+$0x0] =	vst.idx.add.f32.msk $0xffff, v6  }
.LBB2_31:
0x36d: {  	s21 =	sshra.s32 s20, $0x2  }
0x36e: {  	v5 =	vld [tilespmem:s21+$0x1A680];
	_ =	sdelay $0x4  }
0x36f: {  	v6 =	vld [tilespmem:s21+$0x1AE80];
	v7 =	vcvt.s32.f32 v5;
	_ =	sdelay $0x1  }
0x370: {  	v7 =	vadd.f32 $5.000000000e-01, v7;
	_ =	sdelay $0x1  }
0x371: {  	v7 =	vmul.f32 $3.999999900e-05, v7  }
0x372: {  	v8 =	vld [tilespmem:s21+$0x1B680]  }
0x373: {  	v5 =	vld.idx.msk [tilespmem:v5+s3+$0x0], $0xffff;
	v7 =	vtrunc.f32 v7  }
0x374: {  	v7 =	vcvt.f32.s32 v7  }
0x375: {  	v6 =	vld.idx.msk [tilespmem:v6+s3+$0x0], $0xffff  }
0x376: {  	v7 =	vshll.u32 v7, $0x4  }
0x377: {  	p1 =	sne.s32 s20, $0x100;
	v7 =	vadd.s32 v3, v7  }
.Ltmp17:
0x378: {  	v5 =	vmul.f32 v5, v8;
	(pc) =	sbr.rel @p1 .LBB2_31-.Ltmp17, $3  }
0x379: {  	_ = 	snop  }
0x37a: {  	v5 =	vmul.f32 v6, v5;
	_ =	sdelay $0x1  }
0x37b: {  	s20 =	sadd.s32 $0x40, s20;
	[tilespmem:v7+s15+$0x0] =	vst.idx.add.f32.msk $0xffff, v5  }
.Ltmp18:
0x37c: {  	(pc) =	sbr.rel @p0 .LBB2_34-.Ltmp18, $1  }
0x37d: {  	_ =	sdelay $0x3  }
0x37e: {  	s20 =	smul.u32 $0xFA0, s19;
	_ =	sdelay $0x1  }
0x37f: {  	s20 =	sadd.s32 s20, s14  }
0x380: {  	s20 =	sshrl.u32 s20, $0x3  }
0x381: {  	s21 =	sadd.s32 s5, s20  }
0x382: {  	[tilespmem:s31], [sflag:$0x2] =	stream.linear.gather [hbm4b:s21+s3], $0x7D0, $0x38;
	[tilespmem:$0x1B900] =	vst v63  }
.Ltmp19:
0x383: {  	_ = 	snop;
	(pc) =	sbr.rel .LBB2_24-.Ltmp19, $4  }
0x384: {  	s28 =	sadd.s32 s6, s20  }
0x385: {  	[tilespmem:s0], [sflag:$0x2] =	stream.linear.gather [hbm4b:s28+s3], $0x7D0, $0x38;
	[tilespmem:$0x1B900] =	vst v63  }
0x386: {  	s19 =	sadd.s32 $0x1, s19;
	s20 =	sadd.s32 s2, s20  }
0x387: {  	[tilespmem:s1], [sflag:$0x2] =	stream.linear.gather [hbm4b:s20+s3], $0x7D0, $0x38;
	[tilespmem:$0x1B900] =	vst v63  }
.LBB2_34:
0x388: {  	s18 =	simm.s32 $0x0;
	s19 =	rddreg [dreg:$0x6]  }
0x389: {  	[tilespmem:s18], [sflag:$0x3] =	stream.strided.gather [hbm4b:s19+s24], $0x18700, s25, s24, $0x38;
	[tilespmem:$0x1B900] =	vst v63  }
0x38a: {  	_ =	swait.ge [sflag:s26], $0x18700  }
0x38b: {  	[sflag:s26] =	ssyncset.done $0x0  }
0x38c: {  	s28 =	simm.s32 $0x18700;
	[sflag:s26] =	ssyncadd.s32 $0xFFFE7900  }
0x38d: {  	[tilespmem:s28], [sflag:$0x1] =	stream.linear.gather [hbm4b:s7+s18], $0x7D0, $0x38;
	[tilespmem:$0x1B900] =	vst v63  }
0x38e: {  	_ = 	snop  }
0x38f: {  	[tilespmem:s29], [sflag:$0x1] =	stream.linear.gather [hbm4b:s8+s18], $0x7D0, $0x38;
	[tilespmem:$0x1B900] =	vst v63  }
0x390: {  	_ = 	snop  }
0x391: {  	[tilespmem:s30], [sflag:$0x1] =	stream.linear.gather [hbm4b:s9+s18], $0x7D0, $0x38;
	[tilespmem:$0x1B900] =	vst v63  }
0x392: {  	_ = 	snop  }
0x393: {  	[tilespmem:s31], [sflag:$0x2] =	stream.linear.gather [hbm4b:s10+s18], $0x7D0, $0x38;
	[tilespmem:$0x1B900] =	vst v63  }
0x394: {  	_ = 	snop  }
0x395: {  	[tilespmem:s0], [sflag:$0x2] =	stream.linear.gather [hbm4b:s11+s18], $0x7D0, $0x38;
	[tilespmem:$0x1B900] =	vst v63  }
0x396: {  	s19 =	simm.s32 $0x0  }
0x397: {  	[tilespmem:s1], [sflag:$0x2] =	stream.linear.gather [hbm4b:s12+s18], $0x7D0, $0x38;
	[tilespmem:$0x1B900] =	vst v63  }
.LBB2_35:
0x398: {  	_ =	swait.ge [sflag:s4], $0x7D0  }
0x399: {  	[sflag:s4] =	ssyncset.done $0x0  }
0x39a: {  	[sflag:s4] =	ssyncadd.s32 $0xFFFFF830  }
0x39b: {  	_ =	swait.ge [sflag:s4], $0x7D0  }
0x39c: {  	[sflag:s4] =	ssyncset.done $0x0  }
0x39d: {  	[sflag:s4] =	ssyncadd.s32 $0xFFFFF830  }
0x39e: {  	_ =	swait.ge [sflag:s4], $0x7D0  }
0x39f: {  	[sflag:s4] =	ssyncset.done $0x0  }
0x3a0: {  	s21 =	simm.s32 $0x18740;
	[sflag:s4] =	ssyncadd.s32 $0xFFFFF830  }
0x3a1: {  	v5 =	vld [tilespmem:s21+$0x30]  }
0x3a2: {  	v6 =	vld [tilespmem:s21+$0xFFFFFFD0]  }
0x3a3: {  	v7 =	vld [tilespmem:s21+$0xFFFFFFE0]  }
0x3a4: {  	s20 =	simm.s32 $0x18F40;
	v8 =	vld [tilespmem:s21+$0xFFFFFFF0]  }
0x3a5: {  	v9 =	vld [tilespmem:s20+$0x30]  }
0x3a6: {  	v10 =	vld [tilespmem:s21+$0x0]  }
0x3a7: {  	v12 =	vld [tilespmem:s21+$0x10]  }
0x3a8: {  	v13 =	vld [tilespmem:s21+$0x20]  }
0x3a9: {  	v14 =	vld [tilespmem:s21+$0xFFFFFFC0]  }
0x3aa: {  	v15 =	vld [tilespmem:s20+$0xFFFFFFC0]  }
0x3ab: {  	v17 =	vld [tilespmem:s20+$0xFFFFFFD0]  }
0x3ac: {  	v18 =	vld [tilespmem:s20+$0xFFFFFFE0]  }
0x3ad: {  	v19 =	vld [tilespmem:s20+$0xFFFFFFF0]  }
0x3ae: {  	v20 =	vld [tilespmem:s20+$0x0]  }
0x3af: {  	v57 =	vld [tilespmem:s20+$0x10];
	v11 =	vcvt.s32.f32 v5  }
0x3b0: {  	s21 =	simm.s32 $0x19740;
	v22 =	vld [tilespmem:s20+$0x20]  }
0x3b1: {  	v16 =	vld [tilespmem:s21+$0x30];
	v11 =	vadd.f32 $5.000000000e-01, v11  }
0x3b2: {  	v26 =	vld [tilespmem:s21+$0xFFFFFFC0]  }
0x3b3: {  	v27 =	vld [tilespmem:s21+$0xFFFFFFD0];
	v11 =	vmul.f32 $3.999999900e-05, v11  }
0x3b4: {  	v28 =	vld [tilespmem:s21+$0xFFFFFFE0];
	v21 =	vcvt.s32.f32 v6;
	v23 =	vcvt.s32.f32 v10  }
0x3b5: {  	v24 =	vcvt.s32.f32 v12;
	v5 =	vld.idx.msk [tilespmem:v5+s18+$0x0], $0xffff;
	v11 =	vtrunc.f32 v11  }
0x3b6: {  	v29 =	vld [tilespmem:s21+$0xFFFFFFF0];
	v25 =	vcvt.s32.f32 v13;
	v11 =	vcvt.f32.s32 v11  }
0x3b7: {  	v59 =	vcvt.s32.f32 v8;
	v21 =	vadd.f32 $5.000000000e-01, v21;
	v23 =	vadd.f32 $5.000000000e-01, v23;
	v9 =	vld.idx.msk [tilespmem:v9+s18+$0x0], $0xffff  }
0x3b8: {  	v30 =	vld [tilespmem:s21+$0x0];
	v24 =	vadd.f32 $5.000000000e-01, v24;
	v25 =	vadd.f32 $5.000000000e-01, v25;
	v11 =	vshll.u32 v11, $0x4  }
0x3b9: {  	v58 =	vld.idx.msk [tilespmem:v14+s18+$0x0], $0xffff;
	v14 =	vcvt.s32.f32 v14;
	v21 =	vmul.f32 $3.999999900e-05, v21;
	v11 =	vadd.s32 v4, v11  }
0x3ba: {  	v60 =	vld [tilespmem:s21+$0x10];
	v23 =	vmul.f32 $3.999999900e-05, v23;
	v5 =	vmul.f32 v5, v16  }
0x3bb: {  	v6 =	vld.idx.msk [tilespmem:v6+s18+$0x0], $0xffff;
	v24 =	vmul.f32 $3.999999900e-05, v24;
	v25 =	vmul.f32 $3.999999900e-05, v25  }
0x3bc: {  	v8 =	vld.idx.msk [tilespmem:v8+s18+$0x0], $0xffff;
	v14 =	vadd.f32 $5.000000000e-01, v14;
	v21 =	vtrunc.f32 v21;
	v5 =	vmul.f32 v9, v5  }
0x3bd: {  	v12 =	vld.idx.msk [tilespmem:v12+s18+$0x0], $0xffff;
	v23 =	vtrunc.f32 v23;
	v24 =	vtrunc.f32 v24  }
0x3be: {  	v14 =	vmul.f32 $3.999999900e-05, v14;
	[tilespmem:v11+s15+$0x0] =	vst.idx.add.f32.msk $0xffff, v5;
	v5 =	vcvt.s32.f32 v7  }
0x3bf: {  	v61 =	vld [tilespmem:s21+$0x20];
	v21 =	vcvt.f32.s32 v21;
	v23 =	vcvt.f32.s32 v23  }
0x3c0: {  	v10 =	vld.idx.msk [tilespmem:v10+s18+$0x0], $0xffff;
	v24 =	vcvt.f32.s32 v24;
	v6 =	vmul.f32 v6, v27;
	v5 =	vadd.f32 $5.000000000e-01, v5  }
0x3c1: {  	v13 =	vld.idx.msk [tilespmem:v13+s18+$0x0], $0xffff;
	v8 =	vmul.f32 v8, v29;
	v14 =	vtrunc.f32 v14;
	v11 =	vadd.f32 $5.000000000e-01, v59  }
0x3c2: {  	v15 =	vld.idx.msk [tilespmem:v15+s18+$0x0], $0xffff;
	v14 =	vcvt.f32.s32 v14;
	v5 =	vmul.f32 $3.999999900e-05, v5  }
0x3c3: {  	v17 =	vld.idx.msk [tilespmem:v17+s18+$0x0], $0xffff;
	v63 =	vmul.f32 v12, v60;
	v21 =	vshll.u32 v21, $0x4;
	v11 =	vmul.f32 $3.999999900e-05, v11  }
0x3c4: {  	v24 =	vshll.u32 v24, $0x4;
	v14 =	vshll.u32 v14, $0x4;
	v7 =	vld.idx.msk [tilespmem:v7+s18+$0x0], $0xffff;
	v5 =	vtrunc.f32 v5  }
0x3c5: {  	v16 =	vld.idx.msk [tilespmem:v57+s18+$0x0], $0xffff;
	v14 =	vadd.s32 v4, v14;
	v11 =	vtrunc.f32 v11;
	v5 =	vcvt.f32.s32 v5  }
0x3c6: {  	v18 =	vld.idx.msk [tilespmem:v18+s18+$0x0], $0xffff;
	v9 =	vmul.f32 v58, v26;
	v21 =	vadd.s32 v4, v21;
	v11 =	vcvt.f32.s32 v11  }
0x3c7: {  	v19 =	vld.idx.msk [tilespmem:v19+s18+$0x0], $0xffff;
	v23 =	vshll.u32 v23, $0x4;
	v62 =	vadd.s32 v4, v24;
	v5 =	vshll.u32 v5, $0x4  }
0x3c8: {  	v20 =	vld.idx.msk [tilespmem:v20+s18+$0x0], $0xffff;
	v9 =	vmul.f32 v15, v9;
	v11 =	vshll.u32 v11, $0x4;
	v5 =	vadd.s32 v4, v5  }
0x3c9: {  	v22 =	vld.idx.msk [tilespmem:v22+s18+$0x0], $0xffff;
	v6 =	vmul.f32 v17, v6;
	v7 =	vmul.f32 v7, v28;
	v11 =	vadd.s32 v4, v11  }
0x3ca: {  	v25 =	vtrunc.f32 v25;
	v23 =	vadd.s32 v4, v23;
	[tilespmem:v14+s15+$0x0] =	vst.idx.add.f32.msk $0xffff, v9;
	v9 =	vmul.f32 v16, v63  }
0x3cb: {  	v10 =	vmul.f32 v10, v30;
	[tilespmem:v21+s15+$0x0] =	vst.idx.add.f32.msk $0xffff, v6;
	v7 =	vmul.f32 v18, v7  }
0x3cc: {  	v6 =	vmul.f32 v19, v8;
	v8 =	vcvt.f32.s32 v25;
	[tilespmem:v62+s15+$0x0] =	vst.idx.add.f32.msk $0xffff, v9  }
0x3cd: {  	[tilespmem:v5+s15+$0x0] =	vst.idx.add.f32.msk $0xffff, v7;
	v5 =	vmul.f32 v20, v10;
	v7 =	vmul.f32 v13, v61  }
0x3ce: {  	[tilespmem:v11+s15+$0x0] =	vst.idx.add.f32.msk $0xffff, v6;
	v6 =	vshll.u32 v8, $0x4  }
0x3cf: {  	s22 =	simm.s32 $0x0;
	s23 =	simm.s32 $0x187C0;
	[tilespmem:v23+s15+$0x0] =	vst.idx.add.f32.msk $0xffff, v5;
	v5 =	vadd.s32 v4, v6;
	v6 =	vmul.f32 v22, v7  }
.LBB2_36:
0x3d0: {  	v7 =	vld [tilespmem:s23+$0x30];
	s22 =	sadd.s32 $0x8, s22  }
0x3d1: {  	v8 =	vld [tilespmem:s23+$0xFFFFFFD0];
	p0 =	slt.u32 s22, $0x70  }
0x3d2: {  	v9 =	vld [tilespmem:s23+$0xFFFFFFE0]  }
0x3d3: {  	s20 =	sadd.s32 $0x80, s20;
	v10 =	vld [tilespmem:s23+$0xFFFFFFF0]  }
0x3d4: {  	v11 =	vld [tilespmem:s20+$0x30]  }
0x3d5: {  	v12 =	vld [tilespmem:s23+$0x0];
	v13 =	vcvt.s32.f32 v7  }
0x3d6: {  	v14 =	vcvt.s32.f32 v8;
	v15 =	vld [tilespmem:s23+$0x10]  }
0x3d7: {  	v16 =	vcvt.s32.f32 v9;
	v17 =	vld [tilespmem:s23+$0x20];
	v13 =	vadd.f32 $5.000000000e-01, v13  }
0x3d8: {  	v18 =	vld [tilespmem:s23+$0xFFFFFFC0];
	v14 =	vadd.f32 $5.000000000e-01, v14;
	v19 =	vcvt.s32.f32 v10  }
0x3d9: {  	s28 =	simm.s32 $0x0;
	v20 =	vld [tilespmem:s20+$0xFFFFFFC0];
	v16 =	vadd.f32 $5.000000000e-01, v16;
	v13 =	vmul.f32 $3.999999900e-05, v13  }
0x3da: {  	s21 =	sadd.s32 $0x80, s21;
	v14 =	vmul.f32 $3.999999900e-05, v14;
	v19 =	vadd.f32 $5.000000000e-01, v19;
	v21 =	vcvt.s32.f32 v12;
	v7 =	vld.idx.msk [tilespmem:v7+s28+$0x0], $0xffff  }
0x3db: {  	v22 =	vcvt.s32.f32 v15;
	v23 =	vld [tilespmem:s21+$0x30];
	v13 =	vtrunc.f32 v13  }
0x3dc: {  	v21 =	vadd.f32 $5.000000000e-01, v21;
	v24 =	vcvt.s32.f32 v17;
	v11 =	vld.idx.msk [tilespmem:v11+s28+$0x0], $0xffff;
	v13 =	vcvt.f32.s32 v13  }
0x3dd: {  	v16 =	vmul.f32 $3.999999900e-05, v16;
	v25 =	vcvt.s32.f32 v18;
	v26 =	vld [tilespmem:s20+$0xFFFFFFD0];
	v22 =	vadd.f32 $5.000000000e-01, v22  }
0x3de: {  	v19 =	vmul.f32 $3.999999900e-05, v19;
	v27 =	vld [tilespmem:s20+$0xFFFFFFE0];
	v24 =	vadd.f32 $5.000000000e-01, v24;
	v13 =	vshll.u32 v13, $0x4  }
0x3df: {  	v21 =	vmul.f32 $3.999999900e-05, v21;
	v25 =	vadd.f32 $5.000000000e-01, v25;
	v28 =	vld [tilespmem:s20+$0xFFFFFFF0];
	v13 =	vadd.s32 v4, v13  }
0x3e0: {  	v22 =	vmul.f32 $3.999999900e-05, v22;
	v29 =	vld [tilespmem:s20+$0x0];
	v7 =	vmul.f32 v7, v23  }
0x3e1: {  	v24 =	vmul.f32 $3.999999900e-05, v24;
	v23 =	vmul.f32 $3.999999900e-05, v25;
	v25 =	vld [tilespmem:s20+$0x10]  }
0x3e2: {  	v14 =	vtrunc.f32 v14;
	v30 =	vld [tilespmem:s20+$0x20];
	v7 =	vmul.f32 v11, v7  }
0x3e3: {  	v16 =	vtrunc.f32 v16;
	v11 =	vld.idx.msk [tilespmem:v18+s28+$0x0], $0xffff;
	v18 =	vtrunc.f32 v23  }
0x3e4: {  	v19 =	vtrunc.f32 v19;
	v21 =	vtrunc.f32 v21;
	[tilespmem:v13+s15+$0x0] =	vst.idx.add.f32.msk $0xffff, v7  }
0x3e5: {  	v13 =	vtrunc.f32 v24;
	v7 =	vld.idx.msk [tilespmem:v8+s28+$0x0], $0xffff;
	v8 =	vtrunc.f32 v22  }
0x3e6: {  	v14 =	vcvt.f32.s32 v14;
	v18 =	vcvt.f32.s32 v18;
	v9 =	vld.idx.msk [tilespmem:v9+s28+$0x0], $0xffff  }
0x3e7: {  	v16 =	vcvt.f32.s32 v16;
	v19 =	vcvt.f32.s32 v19;
	v10 =	vld.idx.msk [tilespmem:v10+s28+$0x0], $0xffff  }
0x3e8: {  	v21 =	vcvt.f32.s32 v21;
	v18 =	vshll.u32 v18, $0x4;
	v8 =	vcvt.f32.s32 v8;
	v12 =	vld.idx.msk [tilespmem:v12+s28+$0x0], $0xffff  }
0x3e9: {  	v14 =	vshll.u32 v14, $0x4;
	v16 =	vshll.u32 v16, $0x4;
	v13 =	vcvt.f32.s32 v13;
	v15 =	vld.idx.msk [tilespmem:v15+s28+$0x0], $0xffff  }
0x3ea: {  	v19 =	vshll.u32 v19, $0x4;
	v21 =	vshll.u32 v21, $0x4;
	v8 =	vshll.u32 v8, $0x4;
	v17 =	vld.idx.msk [tilespmem:v17+s28+$0x0], $0xffff  }
0x3eb: {  	v14 =	vadd.s32 v4, v14;
	v18 =	vadd.s32 v4, v18;
	v13 =	vshll.u32 v13, $0x4;
	v22 =	vld [tilespmem:s21+$0xFFFFFFC0]  }
0x3ec: {  	v16 =	vadd.s32 v4, v16;
	v19 =	vadd.s32 v4, v19;
	v21 =	vadd.s32 v4, v21;
	v23 =	vld [tilespmem:s21+$0xFFFFFFD0]  }
0x3ed: {  	v13 =	vadd.s32 v4, v13;
	v8 =	vadd.s32 v4, v8;
	v24 =	vld [tilespmem:s21+$0xFFFFFFE0]  }
0x3ee: {  	v31 =	vld [tilespmem:s21+$0xFFFFFFF0]  }
0x3ef: {  	v32 =	vld [tilespmem:s21+$0x0]  }
0x3f0: {  	v11 =	vmul.f32 v11, v22;
	v22 =	vld [tilespmem:s21+$0x10]  }
0x3f1: {  	v7 =	vmul.f32 v7, v23;
	v23 =	vld [tilespmem:s21+$0x20]  }
0x3f2: {  	v20 =	vld.idx.msk [tilespmem:v20+s28+$0x0], $0xffff;
	v9 =	vmul.f32 v9, v24  }
0x3f3: {  	v24 =	vld.idx.msk [tilespmem:v26+s28+$0x0], $0xffff;
	v10 =	vmul.f32 v10, v31  }
0x3f4: {  	v26 =	vld.idx.msk [tilespmem:v27+s28+$0x0], $0xffff;
	v12 =	vmul.f32 v12, v32  }
0x3f5: {  	v27 =	vld.idx.msk [tilespmem:v28+s28+$0x0], $0xffff;
	v15 =	vmul.f32 v15, v22  }
0x3f6: {  	v22 =	vld.idx.msk [tilespmem:v29+s28+$0x0], $0xffff;
	v17 =	vmul.f32 v17, v23  }
0x3f7: {  	v23 =	vld.idx.msk [tilespmem:v25+s28+$0x0], $0xffff  }
0x3f8: {  	v11 =	vmul.f32 v20, v11;
	v20 =	vld.idx.msk [tilespmem:v30+s28+$0x0], $0xffff  }
0x3f9: {  	v7 =	vmul.f32 v24, v7;
	[tilespmem:v5+s15+$0x0] =	vst.idx.add.f32.msk $0xffff, v6;
	v5 =	vmov v13  }
0x3fa: {  	v6 =	vmul.f32 v26, v9;
	[tilespmem:v18+s15+$0x0] =	vst.idx.add.f32.msk $0xffff, v11  }
.Ltmp20:
0x3fb: {  	[tilespmem:v14+s15+$0x0] =	vst.idx.add.f32.msk $0xffff, v7;
	v7 =	vmul.f32 v27, v10;
	(pc) =	sbr.rel @p0 .LBB2_36-.Ltmp20, $4  }
0x3fc: {  	[tilespmem:v16+s15+$0x0] =	vst.idx.add.f32.msk $0xffff, v6;
	v6 =	vmul.f32 v22, v12  }
0x3fd: {  	[tilespmem:v19+s15+$0x0] =	vst.idx.add.f32.msk $0xffff, v7;
	v7 =	vmul.f32 v23, v15  }
0x3fe: {  	[tilespmem:v21+s15+$0x0] =	vst.idx.add.f32.msk $0xffff, v6;
	v6 =	vmul.f32 v20, v17  }
0x3ff: {  	s23 =	sadd.s32 $0x80, s23;
	[tilespmem:v8+s15+$0x0] =	vst.idx.add.f32.msk $0xffff, v7  }
0x400: {  	_ =	sdelay $0x3  }
0x401: {  	[tilespmem:v5+s15+$0x0] =	vst.idx.add.f32.msk $0xffff, v6  }
.LBB2_38:
0x402: {  	s20 =	sshra.s32 s28, $0x2  }
0x403: {  	v5 =	vld [tilespmem:s20+$0x18E80];
	_ =	sdelay $0x4  }
0x404: {  	v6 =	vld [tilespmem:s20+$0x19680];
	v7 =	vcvt.s32.f32 v5;
	_ =	sdelay $0x1  }
0x405: {  	v7 =	vadd.f32 $5.000000000e-01, v7;
	_ =	sdelay $0x1  }
0x406: {  	v7 =	vmul.f32 $3.999999900e-05, v7  }
0x407: {  	v8 =	vld [tilespmem:s20+$0x19E80]  }
0x408: {  	v5 =	vld.idx.msk [tilespmem:v5+s3+$0x0], $0xffff;
	v7 =	vtrunc.f32 v7  }
0x409: {  	v7 =	vcvt.f32.s32 v7  }
0x40a: {  	v6 =	vld.idx.msk [tilespmem:v6+s3+$0x0], $0xffff  }
0x40b: {  	v7 =	vshll.u32 v7, $0x4  }
0x40c: {  	p0 =	sne.s32 s28, $0x100;
	v7 =	vadd.s32 v4, v7  }
.Ltmp21:
0x40d: {  	v5 =	vmul.f32 v5, v8;
	(pc) =	sbr.rel @p0 .LBB2_38-.Ltmp21, $3  }
0x40e: {  	_ = 	snop  }
0x40f: {  	v5 =	vmul.f32 v6, v5;
	_ =	sdelay $0x1  }
0x410: {  	s28 =	sadd.s32 $0x40, s28;
	[tilespmem:v7+s15+$0x0] =	vst.idx.add.f32.msk $0xffff, v5  }
0x411: {  	p0 =	seq.s32 s19, $0x18  }
0x412: {  	s20 =	smul.u32 @!p0 $0xFA0, s19;
	_ =	sdelay $0x1  }
0x413: {  	s20 =	sadd.s32 @!p0 s20, s13  }
0x414: {  	s20 =	sshrl.u32 @!p0 s20, $0x3  }
0x415: {  	s22 =	simm.s32 @!p0 $0x0;
	s23 =	simm.s32 @!p0 $0x18700;
	s21 =	sadd.s32 @!p0 s5, s20  }
0x416: {  	[tilespmem:s23], [sflag:$0x1] =	stream.linear.gather @!p0 [hbm4b:s21+s22], $0x7D0, $0x38;
	[tilespmem:$0x1B900] =	vst v63  }
0x417: {  	s21 =	sadd.s32 @!p0 s6, s20;
	s23 =	simm.s32 @!p0 $0x18F00  }
0x418: {  	[tilespmem:s23], [sflag:$0x1] =	stream.linear.gather @!p0 [hbm4b:s21+s22], $0x7D0, $0x38;
	[tilespmem:$0x1B900] =	vst v63  }
0x419: {  	s20 =	sadd.s32 @!p0 s2, s20;
	s21 =	simm.s32 @!p0 $0x19700  }
0x41a: {  	[tilespmem:s21], [sflag:$0x1] =	stream.linear.gather @!p0 [hbm4b:s20+s22], $0x7D0, $0x38;
	[tilespmem:$0x1B900] =	vst v63  }
0x41b: {  	_ =	swait.ge [sflag:s16], $0x7D0  }
0x41c: {  	[sflag:s16] =	ssyncset.done $0x0  }
0x41d: {  	[sflag:s16] =	ssyncadd.s32 $0xFFFFF830  }
0x41e: {  	_ =	swait.ge [sflag:s16], $0x7D0  }
0x41f: {  	[sflag:s16] =	ssyncset.done $0x0  }
0x420: {  	[sflag:s16] =	ssyncadd.s32 $0xFFFFF830  }
0x421: {  	_ =	swait.ge [sflag:s16], $0x7D0  }
0x422: {  	[sflag:s16] =	ssyncset.done $0x0  }
0x423: {  	s23 =	simm.s32 $0x19F40;
	[sflag:s16] =	ssyncadd.s32 $0xFFFFF830  }
0x424: {  	v5 =	vld [tilespmem:s23+$0x30]  }
0x425: {  	v6 =	vld [tilespmem:s23+$0xFFFFFFD0]  }
0x426: {  	v7 =	vld [tilespmem:s23+$0xFFFFFFE0]  }
0x427: {  	s21 =	simm.s32 $0x1A740;
	v8 =	vld [tilespmem:s23+$0xFFFFFFF0]  }
0x428: {  	v9 =	vld [tilespmem:s21+$0x30]  }
0x429: {  	v10 =	vld [tilespmem:s23+$0x0]  }
0x42a: {  	v12 =	vld [tilespmem:s23+$0x10]  }
0x42b: {  	v13 =	vld [tilespmem:s23+$0x20]  }
0x42c: {  	v14 =	vld [tilespmem:s23+$0xFFFFFFC0]  }
0x42d: {  	s22 =	simm.s32 $0x1AF40;
	v15 =	vld [tilespmem:s21+$0xFFFFFFC0]  }
0x42e: {  	v16 =	vld [tilespmem:s22+$0x30]  }
0x42f: {  	v17 =	vld [tilespmem:s21+$0xFFFFFFD0]  }
0x430: {  	v18 =	vld [tilespmem:s21+$0xFFFFFFE0]  }
0x431: {  	v19 =	vld [tilespmem:s21+$0xFFFFFFF0]  }
0x432: {  	v20 =	vld [tilespmem:s21+$0x0];
	v11 =	vcvt.s32.f32 v5  }
0x433: {  	v57 =	vld [tilespmem:s21+$0x10]  }
0x434: {  	v22 =	vld [tilespmem:s21+$0x20];
	v11 =	vadd.f32 $5.000000000e-01, v11  }
0x435: {  	v26 =	vld [tilespmem:s22+$0xFFFFFFC0]  }
0x436: {  	v27 =	vld [tilespmem:s22+$0xFFFFFFD0];
	v11 =	vmul.f32 $3.999999900e-05, v11  }
0x437: {  	s20 =	simm.s32 $0x0;
	v28 =	vld [tilespmem:s22+$0xFFFFFFE0];
	v21 =	vcvt.s32.f32 v6;
	v23 =	vcvt.s32.f32 v10  }
0x438: {  	v24 =	vcvt.s32.f32 v12;
	v5 =	vld.idx.msk [tilespmem:v5+s20+$0x0], $0xffff;
	v11 =	vtrunc.f32 v11  }
0x439: {  	v29 =	vld [tilespmem:s22+$0xFFFFFFF0];
	v25 =	vcvt.s32.f32 v13;
	v11 =	vcvt.f32.s32 v11  }
0x43a: {  	v59 =	vcvt.s32.f32 v8;
	v21 =	vadd.f32 $5.000000000e-01, v21;
	v23 =	vadd.f32 $5.000000000e-01, v23;
	v9 =	vld.idx.msk [tilespmem:v9+s20+$0x0], $0xffff  }
0x43b: {  	v30 =	vld [tilespmem:s22+$0x0];
	v24 =	vadd.f32 $5.000000000e-01, v24;
	v25 =	vadd.f32 $5.000000000e-01, v25;
	v11 =	vshll.u32 v11, $0x4  }
0x43c: {  	v58 =	vld.idx.msk [tilespmem:v14+s20+$0x0], $0xffff;
	v14 =	vcvt.s32.f32 v14;
	v21 =	vmul.f32 $3.999999900e-05, v21;
	v11 =	vadd.s32 v4, v11  }
0x43d: {  	v60 =	vld [tilespmem:s22+$0x10];
	v23 =	vmul.f32 $3.999999900e-05, v23;
	v5 =	vmul.f32 v5, v16  }
0x43e: {  	v6 =	vld.idx.msk [tilespmem:v6+s20+$0x0], $0xffff;
	v24 =	vmul.f32 $3.999999900e-05, v24;
	v25 =	vmul.f32 $3.999999900e-05, v25  }
0x43f: {  	v8 =	vld.idx.msk [tilespmem:v8+s20+$0x0], $0xffff;
	v14 =	vadd.f32 $5.000000000e-01, v14;
	v21 =	vtrunc.f32 v21;
	v5 =	vmul.f32 v9, v5  }
0x440: {  	v12 =	vld.idx.msk [tilespmem:v12+s20+$0x0], $0xffff;
	v23 =	vtrunc.f32 v23;
	v24 =	vtrunc.f32 v24  }
0x441: {  	v14 =	vmul.f32 $3.999999900e-05, v14;
	[tilespmem:v11+s15+$0x0] =	vst.idx.add.f32.msk $0xffff, v5;
	v5 =	vcvt.s32.f32 v7  }
0x442: {  	v61 =	vld [tilespmem:s22+$0x20];
	v21 =	vcvt.f32.s32 v21;
	v23 =	vcvt.f32.s32 v23  }
0x443: {  	v10 =	vld.idx.msk [tilespmem:v10+s20+$0x0], $0xffff;
	v24 =	vcvt.f32.s32 v24;
	v6 =	vmul.f32 v6, v27;
	v5 =	vadd.f32 $5.000000000e-01, v5  }
0x444: {  	v13 =	vld.idx.msk [tilespmem:v13+s20+$0x0], $0xffff;
	v8 =	vmul.f32 v8, v29;
	v14 =	vtrunc.f32 v14;
	v11 =	vadd.f32 $5.000000000e-01, v59  }
0x445: {  	v15 =	vld.idx.msk [tilespmem:v15+s20+$0x0], $0xffff;
	v14 =	vcvt.f32.s32 v14;
	v5 =	vmul.f32 $3.999999900e-05, v5  }
0x446: {  	v17 =	vld.idx.msk [tilespmem:v17+s20+$0x0], $0xffff;
	v63 =	vmul.f32 v12, v60;
	v21 =	vshll.u32 v21, $0x4;
	v11 =	vmul.f32 $3.999999900e-05, v11  }
0x447: {  	v24 =	vshll.u32 v24, $0x4;
	v14 =	vshll.u32 v14, $0x4;
	v7 =	vld.idx.msk [tilespmem:v7+s20+$0x0], $0xffff;
	v5 =	vtrunc.f32 v5  }
0x448: {  	v16 =	vld.idx.msk [tilespmem:v57+s20+$0x0], $0xffff;
	v14 =	vadd.s32 v4, v14;
	v11 =	vtrunc.f32 v11;
	v5 =	vcvt.f32.s32 v5  }
0x449: {  	v18 =	vld.idx.msk [tilespmem:v18+s20+$0x0], $0xffff;
	v9 =	vmul.f32 v58, v26;
	v21 =	vadd.s32 v4, v21;
	v11 =	vcvt.f32.s32 v11  }
0x44a: {  	v19 =	vld.idx.msk [tilespmem:v19+s20+$0x0], $0xffff;
	v23 =	vshll.u32 v23, $0x4;
	v62 =	vadd.s32 v4, v24;
	v5 =	vshll.u32 v5, $0x4  }
0x44b: {  	v20 =	vld.idx.msk [tilespmem:v20+s20+$0x0], $0xffff;
	v9 =	vmul.f32 v15, v9;
	v11 =	vshll.u32 v11, $0x4;
	v5 =	vadd.s32 v4, v5  }
0x44c: {  	v22 =	vld.idx.msk [tilespmem:v22+s20+$0x0], $0xffff;
	v6 =	vmul.f32 v17, v6;
	v7 =	vmul.f32 v7, v28;
	v11 =	vadd.s32 v4, v11  }
0x44d: {  	v25 =	vtrunc.f32 v25;
	v23 =	vadd.s32 v4, v23;
	[tilespmem:v14+s15+$0x0] =	vst.idx.add.f32.msk $0xffff, v9;
	v9 =	vmul.f32 v16, v63  }
0x44e: {  	v10 =	vmul.f32 v10, v30;
	[tilespmem:v21+s15+$0x0] =	vst.idx.add.f32.msk $0xffff, v6;
	v7 =	vmul.f32 v18, v7  }
0x44f: {  	v6 =	vmul.f32 v19, v8;
	v8 =	vcvt.f32.s32 v25;
	[tilespmem:v62+s15+$0x0] =	vst.idx.add.f32.msk $0xffff, v9  }
0x450: {  	[tilespmem:v5+s15+$0x0] =	vst.idx.add.f32.msk $0xffff, v7;
	v5 =	vmul.f32 v20, v10;
	v7 =	vmul.f32 v13, v61  }
0x451: {  	[tilespmem:v11+s15+$0x0] =	vst.idx.add.f32.msk $0xffff, v6;
	v6 =	vshll.u32 v8, $0x4  }
0x452: {  	s28 =	simm.s32 $0x19FC0;
	s23 =	simm.s32 $0x0;
	[tilespmem:v23+s15+$0x0] =	vst.idx.add.f32.msk $0xffff, v5;
	v5 =	vadd.s32 v4, v6;
	v6 =	vmul.f32 v22, v7  }
.LBB2_40:
0x453: {  	v7 =	vld [tilespmem:s28+$0x30];
	s23 =	sadd.s32 $0x8, s23  }
0x454: {  	v8 =	vld [tilespmem:s28+$0xFFFFFFD0];
	p1 =	slt.u32 s23, $0x70  }
0x455: {  	v9 =	vld [tilespmem:s28+$0xFFFFFFE0]  }
0x456: {  	s21 =	sadd.s32 $0x80, s21;
	v10 =	vld [tilespmem:s28+$0xFFFFFFF0]  }
0x457: {  	v11 =	vld [tilespmem:s21+$0x30]  }
0x458: {  	v12 =	vld [tilespmem:s28+$0x0];
	v13 =	vcvt.s32.f32 v7  }
0x459: {  	v14 =	vcvt.s32.f32 v8;
	v15 =	vld [tilespmem:s28+$0x10]  }
0x45a: {  	v16 =	vcvt.s32.f32 v9;
	v17 =	vld [tilespmem:s28+$0x20];
	v13 =	vadd.f32 $5.000000000e-01, v13  }
0x45b: {  	v18 =	vld [tilespmem:s28+$0xFFFFFFC0];
	v14 =	vadd.f32 $5.000000000e-01, v14;
	v19 =	vcvt.s32.f32 v10  }
0x45c: {  	v20 =	vld [tilespmem:s21+$0xFFFFFFC0];
	v16 =	vadd.f32 $5.000000000e-01, v16;
	v13 =	vmul.f32 $3.999999900e-05, v13  }
0x45d: {  	s22 =	sadd.s32 $0x80, s22;
	v14 =	vmul.f32 $3.999999900e-05, v14;
	v19 =	vadd.f32 $5.000000000e-01, v19;
	v21 =	vcvt.s32.f32 v12;
	v7 =	vld.idx.msk [tilespmem:v7+s20+$0x0], $0xffff  }
0x45e: {  	v22 =	vcvt.s32.f32 v15;
	v23 =	vld [tilespmem:s22+$0x30];
	v13 =	vtrunc.f32 v13  }
0x45f: {  	v21 =	vadd.f32 $5.000000000e-01, v21;
	v24 =	vcvt.s32.f32 v17;
	v11 =	vld.idx.msk [tilespmem:v11+s20+$0x0], $0xffff;
	v13 =	vcvt.f32.s32 v13  }
0x460: {  	v16 =	vmul.f32 $3.999999900e-05, v16;
	v25 =	vcvt.s32.f32 v18;
	v26 =	vld [tilespmem:s21+$0xFFFFFFD0];
	v22 =	vadd.f32 $5.000000000e-01, v22  }
0x461: {  	v19 =	vmul.f32 $3.999999900e-05, v19;
	v27 =	vld [tilespmem:s21+$0xFFFFFFE0];
	v24 =	vadd.f32 $5.000000000e-01, v24;
	v13 =	vshll.u32 v13, $0x4  }
0x462: {  	v21 =	vmul.f32 $3.999999900e-05, v21;
	v25 =	vadd.f32 $5.000000000e-01, v25;
	v28 =	vld [tilespmem:s21+$0xFFFFFFF0];
	v13 =	vadd.s32 v4, v13  }
0x463: {  	v22 =	vmul.f32 $3.999999900e-05, v22;
	v29 =	vld [tilespmem:s21+$0x0];
	v7 =	vmul.f32 v7, v23  }
0x464: {  	v24 =	vmul.f32 $3.999999900e-05, v24;
	v23 =	vmul.f32 $3.999999900e-05, v25;
	v25 =	vld [tilespmem:s21+$0x10]  }
0x465: {  	v14 =	vtrunc.f32 v14;
	v30 =	vld [tilespmem:s21+$0x20];
	v7 =	vmul.f32 v11, v7  }
0x466: {  	v16 =	vtrunc.f32 v16;
	v11 =	vld.idx.msk [tilespmem:v18+s20+$0x0], $0xffff;
	v18 =	vtrunc.f32 v23  }
0x467: {  	v19 =	vtrunc.f32 v19;
	v21 =	vtrunc.f32 v21;
	[tilespmem:v13+s15+$0x0] =	vst.idx.add.f32.msk $0xffff, v7  }
0x468: {  	v13 =	vtrunc.f32 v24;
	v7 =	vld.idx.msk [tilespmem:v8+s20+$0x0], $0xffff;
	v8 =	vtrunc.f32 v22  }
0x469: {  	v14 =	vcvt.f32.s32 v14;
	v18 =	vcvt.f32.s32 v18;
	v9 =	vld.idx.msk [tilespmem:v9+s20+$0x0], $0xffff  }
0x46a: {  	v16 =	vcvt.f32.s32 v16;
	v19 =	vcvt.f32.s32 v19;
	v10 =	vld.idx.msk [tilespmem:v10+s20+$0x0], $0xffff  }
0x46b: {  	v21 =	vcvt.f32.s32 v21;
	v18 =	vshll.u32 v18, $0x4;
	v8 =	vcvt.f32.s32 v8;
	v12 =	vld.idx.msk [tilespmem:v12+s20+$0x0], $0xffff  }
0x46c: {  	v14 =	vshll.u32 v14, $0x4;
	v16 =	vshll.u32 v16, $0x4;
	v13 =	vcvt.f32.s32 v13;
	v15 =	vld.idx.msk [tilespmem:v15+s20+$0x0], $0xffff  }
0x46d: {  	v19 =	vshll.u32 v19, $0x4;
	v21 =	vshll.u32 v21, $0x4;
	v8 =	vshll.u32 v8, $0x4;
	v17 =	vld.idx.msk [tilespmem:v17+s20+$0x0], $0xffff  }
0x46e: {  	v14 =	vadd.s32 v4, v14;
	v18 =	vadd.s32 v4, v18;
	v13 =	vshll.u32 v13, $0x4;
	v22 =	vld [tilespmem:s22+$0xFFFFFFC0]  }
0x46f: {  	v16 =	vadd.s32 v4, v16;
	v19 =	vadd.s32 v4, v19;
	v21 =	vadd.s32 v4, v21;
	v23 =	vld [tilespmem:s22+$0xFFFFFFD0]  }
0x470: {  	v13 =	vadd.s32 v4, v13;
	v8 =	vadd.s32 v4, v8;
	v24 =	vld [tilespmem:s22+$0xFFFFFFE0]  }
0x471: {  	v31 =	vld [tilespmem:s22+$0xFFFFFFF0]  }
0x472: {  	v32 =	vld [tilespmem:s22+$0x0]  }
0x473: {  	v11 =	vmul.f32 v11, v22;
	v22 =	vld [tilespmem:s22+$0x10]  }
0x474: {  	v7 =	vmul.f32 v7, v23;
	v23 =	vld [tilespmem:s22+$0x20]  }
0x475: {  	v20 =	vld.idx.msk [tilespmem:v20+s20+$0x0], $0xffff;
	v9 =	vmul.f32 v9, v24  }
0x476: {  	v24 =	vld.idx.msk [tilespmem:v26+s20+$0x0], $0xffff;
	v10 =	vmul.f32 v10, v31  }
0x477: {  	v26 =	vld.idx.msk [tilespmem:v27+s20+$0x0], $0xffff;
	v12 =	vmul.f32 v12, v32  }
0x478: {  	v27 =	vld.idx.msk [tilespmem:v28+s20+$0x0], $0xffff;
	v15 =	vmul.f32 v15, v22  }
0x479: {  	v22 =	vld.idx.msk [tilespmem:v29+s20+$0x0], $0xffff;
	v17 =	vmul.f32 v17, v23  }
0x47a: {  	v23 =	vld.idx.msk [tilespmem:v25+s20+$0x0], $0xffff  }
0x47b: {  	v11 =	vmul.f32 v20, v11;
	v20 =	vld.idx.msk [tilespmem:v30+s20+$0x0], $0xffff  }
0x47c: {  	v7 =	vmul.f32 v24, v7;
	[tilespmem:v5+s15+$0x0] =	vst.idx.add.f32.msk $0xffff, v6;
	v5 =	vmov v13  }
0x47d: {  	v6 =	vmul.f32 v26, v9;
	[tilespmem:v18+s15+$0x0] =	vst.idx.add.f32.msk $0xffff, v11  }
.Ltmp22:
0x47e: {  	[tilespmem:v14+s15+$0x0] =	vst.idx.add.f32.msk $0xffff, v7;
	v7 =	vmul.f32 v27, v10;
	(pc) =	sbr.rel @p1 .LBB2_40-.Ltmp22, $4  }
0x47f: {  	[tilespmem:v16+s15+$0x0] =	vst.idx.add.f32.msk $0xffff, v6;
	v6 =	vmul.f32 v22, v12  }
0x480: {  	[tilespmem:v19+s15+$0x0] =	vst.idx.add.f32.msk $0xffff, v7;
	v7 =	vmul.f32 v23, v15  }
0x481: {  	[tilespmem:v21+s15+$0x0] =	vst.idx.add.f32.msk $0xffff, v6;
	v6 =	vmul.f32 v20, v17  }
0x482: {  	s28 =	sadd.s32 $0x80, s28;
	[tilespmem:v8+s15+$0x0] =	vst.idx.add.f32.msk $0xffff, v7  }
0x483: {  	_ =	sdelay $0x3  }
0x484: {  	[tilespmem:v5+s15+$0x0] =	vst.idx.add.f32.msk $0xffff, v6  }
.LBB2_42:
0x485: {  	s21 =	sshra.s32 s20, $0x2  }
0x486: {  	v5 =	vld [tilespmem:s21+$0x1A680];
	_ =	sdelay $0x4  }
0x487: {  	v6 =	vld [tilespmem:s21+$0x1AE80];
	v7 =	vcvt.s32.f32 v5;
	_ =	sdelay $0x1  }
0x488: {  	v7 =	vadd.f32 $5.000000000e-01, v7;
	_ =	sdelay $0x1  }
0x489: {  	v7 =	vmul.f32 $3.999999900e-05, v7  }
0x48a: {  	v8 =	vld [tilespmem:s21+$0x1B680]  }
0x48b: {  	v5 =	vld.idx.msk [tilespmem:v5+s3+$0x0], $0xffff;
	v7 =	vtrunc.f32 v7  }
0x48c: {  	v7 =	vcvt.f32.s32 v7  }
0x48d: {  	v6 =	vld.idx.msk [tilespmem:v6+s3+$0x0], $0xffff  }
0x48e: {  	v7 =	vshll.u32 v7, $0x4  }
0x48f: {  	p1 =	sne.s32 s20, $0x100;
	v7 =	vadd.s32 v4, v7  }
.Ltmp23:
0x490: {  	v5 =	vmul.f32 v5, v8;
	(pc) =	sbr.rel @p1 .LBB2_42-.Ltmp23, $3  }
0x491: {  	_ = 	snop  }
0x492: {  	v5 =	vmul.f32 v6, v5;
	_ =	sdelay $0x1  }
0x493: {  	s20 =	sadd.s32 $0x40, s20;
	[tilespmem:v7+s15+$0x0] =	vst.idx.add.f32.msk $0xffff, v5  }
.Ltmp24:
0x494: {  	(pc) =	sbr.rel @p0 .LBB2_45-.Ltmp24, $1  }
0x495: {  	_ =	sdelay $0x3  }
0x496: {  	s20 =	smul.u32 $0xFA0, s19;
	_ =	sdelay $0x1  }
0x497: {  	s20 =	sadd.s32 s20, s14  }
0x498: {  	s20 =	sshrl.u32 s20, $0x3  }
0x499: {  	s21 =	sadd.s32 s5, s20  }
0x49a: {  	[tilespmem:s31], [sflag:$0x2] =	stream.linear.gather [hbm4b:s21+s3], $0x7D0, $0x38;
	[tilespmem:$0x1B900] =	vst v63  }
.Ltmp25:
0x49b: {  	_ = 	snop;
	(pc) =	sbr.rel .LBB2_35-.Ltmp25, $4  }
0x49c: {  	s28 =	sadd.s32 s6, s20  }
0x49d: {  	[tilespmem:s0], [sflag:$0x2] =	stream.linear.gather [hbm4b:s28+s3], $0x7D0, $0x38;
	[tilespmem:$0x1B900] =	vst v63  }
0x49e: {  	s19 =	sadd.s32 $0x1, s19;
	s20 =	sadd.s32 s2, s20  }
0x49f: {  	[tilespmem:s1], [sflag:$0x2] =	stream.linear.gather [hbm4b:s20+s3], $0x7D0, $0x38;
	[tilespmem:$0x1B900] =	vst v63  }
.LBB2_45:
0x4a0: {  	s18 =	simm.s32 $0x0;
	s19 =	rddreg [dreg:$0x7]  }
0x4a1: {  	[tilespmem:s18], [sflag:$0x3] =	stream.strided.gather [hbm4b:s19+s24], $0x18700, s25, s24, $0x38;
	[tilespmem:$0x1B900] =	vst v63  }
0x4a2: {  	_ =	swait.ge [sflag:s26], $0x18700  }
0x4a3: {  	[sflag:s26] =	ssyncset.done $0x0  }
0x4a4: {  	s28 =	simm.s32 $0x18700;
	[sflag:s26] =	ssyncadd.s32 $0xFFFE7900  }
0x4a5: {  	[tilespmem:s28], [sflag:$0x1] =	stream.linear.gather [hbm4b:s7+s18], $0x7D0, $0x38;
	[tilespmem:$0x1B900] =	vst v63  }
0x4a6: {  	_ = 	snop  }
0x4a7: {  	[tilespmem:s29], [sflag:$0x1] =	stream.linear.gather [hbm4b:s8+s18], $0x7D0, $0x38;
	[tilespmem:$0x1B900] =	vst v63  }
0x4a8: {  	_ = 	snop  }
0x4a9: {  	[tilespmem:s30], [sflag:$0x1] =	stream.linear.gather [hbm4b:s9+s18], $0x7D0, $0x38;
	[tilespmem:$0x1B900] =	vst v63  }
0x4aa: {  	_ = 	snop  }
0x4ab: {  	[tilespmem:s31], [sflag:$0x2] =	stream.linear.gather [hbm4b:s10+s18], $0x7D0, $0x38;
	[tilespmem:$0x1B900] =	vst v63  }
0x4ac: {  	_ = 	snop  }
0x4ad: {  	[tilespmem:s0], [sflag:$0x2] =	stream.linear.gather [hbm4b:s11+s18], $0x7D0, $0x38;
	[tilespmem:$0x1B900] =	vst v63  }
0x4ae: {  	s19 =	simm.s32 $0x0  }
0x4af: {  	[tilespmem:s1], [sflag:$0x2] =	stream.linear.gather [hbm4b:s12+s18], $0x7D0, $0x38;
	[tilespmem:$0x1B900] =	vst v63  }
.LBB2_46:
0x4b0: {  	_ =	swait.ge [sflag:s4], $0x7D0  }
0x4b1: {  	[sflag:s4] =	ssyncset.done $0x0  }
0x4b2: {  	[sflag:s4] =	ssyncadd.s32 $0xFFFFF830  }
0x4b3: {  	_ =	swait.ge [sflag:s4], $0x7D0  }
0x4b4: {  	[sflag:s4] =	ssyncset.done $0x0  }
0x4b5: {  	[sflag:s4] =	ssyncadd.s32 $0xFFFFF830  }
0x4b6: {  	_ =	swait.ge [sflag:s4], $0x7D0  }
0x4b7: {  	[sflag:s4] =	ssyncset.done $0x0  }
0x4b8: {  	s21 =	simm.s32 $0x18740;
	[sflag:s4] =	ssyncadd.s32 $0xFFFFF830  }
0x4b9: {  	v5 =	vld [tilespmem:s21+$0x30]  }
0x4ba: {  	v6 =	vld [tilespmem:s21+$0xFFFFFFD0]  }
0x4bb: {  	v7 =	vld [tilespmem:s21+$0xFFFFFFE0]  }
0x4bc: {  	s20 =	simm.s32 $0x18F40;
	v8 =	vld [tilespmem:s21+$0xFFFFFFF0]  }
0x4bd: {  	v9 =	vld [tilespmem:s20+$0x30]  }
0x4be: {  	v10 =	vld [tilespmem:s21+$0x0]  }
0x4bf: {  	v12 =	vld [tilespmem:s21+$0x10]  }
0x4c0: {  	v13 =	vld [tilespmem:s21+$0x20]  }
0x4c1: {  	v14 =	vld [tilespmem:s21+$0xFFFFFFC0]  }
0x4c2: {  	v15 =	vld [tilespmem:s20+$0xFFFFFFC0]  }
0x4c3: {  	v18 =	vld [tilespmem:s20+$0xFFFFFFD0]  }
0x4c4: {  	v19 =	vld [tilespmem:s20+$0xFFFFFFE0]  }
0x4c5: {  	v20 =	vld [tilespmem:s20+$0xFFFFFFF0]  }
0x4c6: {  	v21 =	vld [tilespmem:s20+$0x0]  }
0x4c7: {  	v55 =	vld [tilespmem:s20+$0x10]  }
0x4c8: {  	s21 =	simm.s32 $0x19740;
	v23 =	vld [tilespmem:s20+$0x20]  }
0x4c9: {  	v17 =	vld [tilespmem:s21+$0x30];
	v11 =	vcvt.s32.f32 v5  }
0x4ca: {  	v27 =	vld [tilespmem:s21+$0xFFFFFFC0]  }
0x4cb: {  	v28 =	vld [tilespmem:s21+$0xFFFFFFD0];
	v11 =	vadd.f32 $5.000000000e-01, v11  }
0x4cc: {  	v29 =	vld [tilespmem:s21+$0xFFFFFFE0];
	v22 =	vcvt.s32.f32 v6;
	v57 =	vcvt.s32.f32 v7  }
0x4cd: {  	v30 =	vld [tilespmem:s21+$0xFFFFFFF0];
	v58 =	vcvt.s32.f32 v8;
	v11 =	vmul.f32 $3.999999900e-05, v11  }
0x4ce: {  	v59 =	vld [tilespmem:s21+$0x10];
	v24 =	vcvt.s32.f32 v10;
	v25 =	vcvt.s32.f32 v12  }
0x4cf: {  	v26 =	vcvt.s32.f32 v13;
	v22 =	vadd.f32 $5.000000000e-01, v22;
	v16 =	vld.idx.msk [tilespmem:v5+s18+$0x0], $0xffff;
	v5 =	vtrunc.f32 v11  }
0x4d0: {  	v24 =	vadd.f32 $5.000000000e-01, v24;
	v25 =	vadd.f32 $5.000000000e-01, v25;
	v9 =	vld.idx.msk [tilespmem:v9+s18+$0x0], $0xffff;
	v11 =	vcvt.f32.s32 v5  }
0x4d1: {  	v26 =	vadd.f32 $5.000000000e-01, v26;
	v56 =	vld.idx.msk [tilespmem:v14+s18+$0x0], $0xffff;
	v14 =	vcvt.s32.f32 v14;
	v22 =	vmul.f32 $3.999999900e-05, v22  }
0x4d2: {  	v6 =	vld.idx.msk [tilespmem:v6+s18+$0x0], $0xffff;
	v24 =	vmul.f32 $3.999999900e-05, v24;
	v5 =	vor.u32 $0x100, v1;
	v11 =	vshll.u32 v11, $0x4  }
0x4d3: {  	v7 =	vld.idx.msk [tilespmem:v7+s18+$0x0], $0xffff;
	v25 =	vmul.f32 $3.999999900e-05, v25;
	v26 =	vmul.f32 $3.999999900e-05, v26;
	v11 =	vadd.s32 v5, v11  }
0x4d4: {  	v8 =	vld.idx.msk [tilespmem:v8+s18+$0x0], $0xffff;
	v14 =	vadd.f32 $5.000000000e-01, v14;
	v22 =	vtrunc.f32 v22;
	v16 =	vmul.f32 v16, v17  }
0x4d5: {  	v12 =	vld.idx.msk [tilespmem:v12+s18+$0x0], $0xffff;
	v24 =	vtrunc.f32 v24;
	v25 =	vtrunc.f32 v25  }
0x4d6: {  	v31 =	vld [tilespmem:s21+$0x0];
	v14 =	vmul.f32 $3.999999900e-05, v14;
	v9 =	vmul.f32 v9, v16  }
0x4d7: {  	v60 =	vld [tilespmem:s21+$0x20];
	v22 =	vcvt.f32.s32 v22;
	v24 =	vcvt.f32.s32 v24  }
0x4d8: {  	v25 =	vcvt.f32.s32 v25;
	v6 =	vmul.f32 v6, v28;
	[tilespmem:v11+s15+$0x0] =	vst.idx.add.f32.msk $0xffff, v9;
	v9 =	vadd.f32 $5.000000000e-01, v57  }
0x4d9: {  	v10 =	vld.idx.msk [tilespmem:v10+s18+$0x0], $0xffff;
	v7 =	vmul.f32 v7, v29;
	v8 =	vmul.f32 v8, v30;
	v11 =	vadd.f32 $5.000000000e-01, v58  }
0x4da: {  	v13 =	vld.idx.msk [tilespmem:v13+s18+$0x0], $0xffff;
	v12 =	vmul.f32 v12, v59;
	v9 =	vmul.f32 $3.999999900e-05, v9  }
0x4db: {  	v18 =	vld.idx.msk [tilespmem:v18+s18+$0x0], $0xffff;
	v14 =	vtrunc.f32 v14;
	v22 =	vshll.u32 v22, $0x4;
	v11 =	vmul.f32 $3.999999900e-05, v11  }
0x4dc: {  	v17 =	vld.idx.msk [tilespmem:v55+s18+$0x0], $0xffff;
	v25 =	vshll.u32 v25, $0x4;
	v14 =	vcvt.f32.s32 v14;
	v9 =	vtrunc.f32 v9  }
0x4dd: {  	v15 =	vld.idx.msk [tilespmem:v15+s18+$0x0], $0xffff;
	v22 =	vadd.s32 v5, v22;
	v11 =	vtrunc.f32 v11;
	v9 =	vcvt.f32.s32 v9  }
0x4de: {  	v19 =	vld.idx.msk [tilespmem:v19+s18+$0x0], $0xffff;
	v61 =	vadd.s32 v5, v25;
	v14 =	vshll.u32 v14, $0x4;
	v11 =	vcvt.f32.s32 v11  }
0x4df: {  	v20 =	vld.idx.msk [tilespmem:v20+s18+$0x0], $0xffff;
	v16 =	vmul.f32 v56, v27;
	v14 =	vadd.s32 v5, v14;
	v9 =	vshll.u32 v9, $0x4  }
0x4e0: {  	v21 =	vld.idx.msk [tilespmem:v21+s18+$0x0], $0xffff;
	v6 =	vmul.f32 v18, v6;
	v11 =	vshll.u32 v11, $0x4;
	v9 =	vadd.s32 v5, v9  }
0x4e1: {  	v23 =	vld.idx.msk [tilespmem:v23+s18+$0x0], $0xffff;
	v24 =	vshll.u32 v24, $0x4;
	v63 =	vmul.f32 v17, v12;
	v11 =	vadd.s32 v5, v11  }
0x4e2: {  	v26 =	vtrunc.f32 v26;
	v24 =	vadd.s32 v5, v24;
	v15 =	vmul.f32 v15, v16;
	[tilespmem:v22+s15+$0x0] =	vst.idx.add.f32.msk $0xffff, v6  }
0x4e3: {  	v10 =	vmul.f32 v10, v31;
	v7 =	vmul.f32 v19, v7;
	[tilespmem:v61+s15+$0x0] =	vst.idx.add.f32.msk $0xffff, v63  }
0x4e4: {  	v6 =	vmul.f32 v20, v8;
	v8 =	vcvt.f32.s32 v26;
	[tilespmem:v14+s15+$0x0] =	vst.idx.add.f32.msk $0xffff, v15  }
0x4e5: {  	v62 =	vmul.f32 v13, v60;
	[tilespmem:v9+s15+$0x0] =	vst.idx.add.f32.msk $0xffff, v7;
	v7 =	vmul.f32 v21, v10  }
0x4e6: {  	[tilespmem:v11+s15+$0x0] =	vst.idx.add.f32.msk $0xffff, v6;
	v6 =	vshll.u32 v8, $0x4  }
0x4e7: {  	s22 =	simm.s32 $0x0;
	s23 =	simm.s32 $0x187C0;
	v6 =	vadd.s32 v5, v6;
	[tilespmem:v24+s15+$0x0] =	vst.idx.add.f32.msk $0xffff, v7;
	v7 =	vmul.f32 v23, v62  }
.LBB2_47:
0x4e8: {  	v8 =	vld [tilespmem:s23+$0x30];
	s22 =	sadd.s32 $0x8, s22  }
0x4e9: {  	v9 =	vld [tilespmem:s23+$0xFFFFFFD0];
	p0 =	slt.u32 s22, $0x70  }
0x4ea: {  	v10 =	vld [tilespmem:s23+$0xFFFFFFE0]  }
0x4eb: {  	s20 =	sadd.s32 $0x80, s20;
	v11 =	vld [tilespmem:s23+$0xFFFFFFF0]  }
0x4ec: {  	v12 =	vld [tilespmem:s20+$0x30]  }
0x4ed: {  	v13 =	vld [tilespmem:s23+$0x0];
	v14 =	vcvt.s32.f32 v8  }
0x4ee: {  	v15 =	vcvt.s32.f32 v9;
	v16 =	vld [tilespmem:s23+$0x10]  }
0x4ef: {  	v17 =	vcvt.s32.f32 v10;
	v18 =	vld [tilespmem:s23+$0x20];
	v14 =	vadd.f32 $5.000000000e-01, v14  }
0x4f0: {  	v19 =	vld [tilespmem:s23+$0xFFFFFFC0];
	v15 =	vadd.f32 $5.000000000e-01, v15;
	v20 =	vcvt.s32.f32 v11  }
0x4f1: {  	s28 =	simm.s32 $0x0;
	v21 =	vld [tilespmem:s20+$0xFFFFFFC0];
	v17 =	vadd.f32 $5.000000000e-01, v17;
	v14 =	vmul.f32 $3.999999900e-05, v14  }
0x4f2: {  	s21 =	sadd.s32 $0x80, s21;
	v15 =	vmul.f32 $3.999999900e-05, v15;
	v20 =	vadd.f32 $5.000000000e-01, v20;
	v22 =	vcvt.s32.f32 v13;
	v8 =	vld.idx.msk [tilespmem:v8+s28+$0x0], $0xffff  }
0x4f3: {  	v23 =	vcvt.s32.f32 v16;
	v24 =	vld [tilespmem:s21+$0x30];
	v14 =	vtrunc.f32 v14  }
0x4f4: {  	v22 =	vadd.f32 $5.000000000e-01, v22;
	v25 =	vcvt.s32.f32 v18;
	v12 =	vld.idx.msk [tilespmem:v12+s28+$0x0], $0xffff;
	v14 =	vcvt.f32.s32 v14  }
0x4f5: {  	v17 =	vmul.f32 $3.999999900e-05, v17;
	v26 =	vcvt.s32.f32 v19;
	v27 =	vld [tilespmem:s20+$0xFFFFFFD0];
	v23 =	vadd.f32 $5.000000000e-01, v23  }
0x4f6: {  	v28 =	vld [tilespmem:s20+$0xFFFFFFE0];
	v25 =	vadd.f32 $5.000000000e-01, v25;
	v14 =	vshll.u32 v14, $0x4  }
0x4f7: {  	v20 =	vmul.f32 $3.999999900e-05, v20;
	v26 =	vadd.f32 $5.000000000e-01, v26;
	v29 =	vld [tilespmem:s20+$0xFFFFFFF0];
	v14 =	vadd.s32 v5, v14  }
0x4f8: {  	v22 =	vmul.f32 $3.999999900e-05, v22;
	v30 =	vld [tilespmem:s20+$0x0];
	v8 =	vmul.f32 v8, v24  }
0x4f9: {  	v23 =	vmul.f32 $3.999999900e-05, v23;
	v24 =	vmul.f32 $3.999999900e-05, v26;
	v26 =	vld [tilespmem:s20+$0x10]  }
0x4fa: {  	v25 =	vmul.f32 $3.999999900e-05, v25;
	v31 =	vld [tilespmem:s20+$0x20];
	v8 =	vmul.f32 v12, v8  }
0x4fb: {  	v15 =	vtrunc.f32 v15;
	v12 =	vld.idx.msk [tilespmem:v19+s28+$0x0], $0xffff;
	v19 =	vtrunc.f32 v24  }
0x4fc: {  	v17 =	vtrunc.f32 v17;
	v20 =	vtrunc.f32 v20;
	[tilespmem:v14+s15+$0x0] =	vst.idx.add.f32.msk $0xffff, v8  }
0x4fd: {  	v14 =	vtrunc.f32 v23;
	v8 =	vld.idx.msk [tilespmem:v9+s28+$0x0], $0xffff;
	v9 =	vtrunc.f32 v22  }
0x4fe: {  	v19 =	vcvt.f32.s32 v19;
	v22 =	vtrunc.f32 v25;
	v10 =	vld.idx.msk [tilespmem:v10+s28+$0x0], $0xffff  }
0x4ff: {  	v15 =	vcvt.f32.s32 v15;
	v17 =	vcvt.f32.s32 v17;
	v11 =	vld.idx.msk [tilespmem:v11+s28+$0x0], $0xffff  }
0x500: {  	v20 =	vcvt.f32.s32 v20;
	v19 =	vshll.u32 v19, $0x4;
	v9 =	vcvt.f32.s32 v9;
	v13 =	vld.idx.msk [tilespmem:v13+s28+$0x0], $0xffff  }
0x501: {  	v15 =	vshll.u32 v15, $0x4;
	v14 =	vcvt.f32.s32 v14;
	v22 =	vcvt.f32.s32 v22;
	v16 =	vld.idx.msk [tilespmem:v16+s28+$0x0], $0xffff  }
0x502: {  	v17 =	vshll.u32 v17, $0x4;
	v20 =	vshll.u32 v20, $0x4;
	v9 =	vshll.u32 v9, $0x4;
	v18 =	vld.idx.msk [tilespmem:v18+s28+$0x0], $0xffff  }
0x503: {  	v19 =	vadd.s32 v5, v19;
	v14 =	vshll.u32 v14, $0x4;
	v22 =	vshll.u32 v22, $0x4;
	v23 =	vld [tilespmem:s21+$0xFFFFFFC0]  }
0x504: {  	v15 =	vadd.s32 v5, v15;
	v17 =	vadd.s32 v5, v17;
	v20 =	vadd.s32 v5, v20;
	v24 =	vld [tilespmem:s21+$0xFFFFFFD0]  }
0x505: {  	v14 =	vadd.s32 v5, v14;
	v9 =	vadd.s32 v5, v9;
	v22 =	vadd.s32 v5, v22;
	v25 =	vld [tilespmem:s21+$0xFFFFFFE0]  }
0x506: {  	v32 =	vld [tilespmem:s21+$0xFFFFFFF0]  }
0x507: {  	v33 =	vld [tilespmem:s21+$0x0]  }
0x508: {  	v12 =	vmul.f32 v12, v23;
	v23 =	vld [tilespmem:s21+$0x10]  }
0x509: {  	v8 =	vmul.f32 v8, v24;
	v24 =	vld [tilespmem:s21+$0x20]  }
0x50a: {  	v21 =	vld.idx.msk [tilespmem:v21+s28+$0x0], $0xffff;
	v10 =	vmul.f32 v10, v25  }
0x50b: {  	v25 =	vld.idx.msk [tilespmem:v27+s28+$0x0], $0xffff;
	v11 =	vmul.f32 v11, v32  }
0x50c: {  	v27 =	vld.idx.msk [tilespmem:v28+s28+$0x0], $0xffff;
	v13 =	vmul.f32 v13, v33  }
0x50d: {  	v28 =	vld.idx.msk [tilespmem:v29+s28+$0x0], $0xffff;
	v16 =	vmul.f32 v16, v23  }
0x50e: {  	v23 =	vld.idx.msk [tilespmem:v30+s28+$0x0], $0xffff;
	v18 =	vmul.f32 v18, v24  }
0x50f: {  	v24 =	vld.idx.msk [tilespmem:v26+s28+$0x0], $0xffff  }
0x510: {  	v12 =	vmul.f32 v21, v12;
	v21 =	vld.idx.msk [tilespmem:v31+s28+$0x0], $0xffff  }
0x511: {  	v8 =	vmul.f32 v25, v8;
	[tilespmem:v6+s15+$0x0] =	vst.idx.add.f32.msk $0xffff, v7;
	v6 =	vmov v22  }
0x512: {  	v7 =	vmul.f32 v27, v10;
	[tilespmem:v19+s15+$0x0] =	vst.idx.add.f32.msk $0xffff, v12  }
.Ltmp26:
0x513: {  	[tilespmem:v15+s15+$0x0] =	vst.idx.add.f32.msk $0xffff, v8;
	v8 =	vmul.f32 v28, v11;
	(pc) =	sbr.rel @p0 .LBB2_47-.Ltmp26, $4  }
0x514: {  	[tilespmem:v17+s15+$0x0] =	vst.idx.add.f32.msk $0xffff, v7;
	v7 =	vmul.f32 v23, v13  }
0x515: {  	[tilespmem:v20+s15+$0x0] =	vst.idx.add.f32.msk $0xffff, v8;
	v8 =	vmul.f32 v24, v16  }
0x516: {  	[tilespmem:v9+s15+$0x0] =	vst.idx.add.f32.msk $0xffff, v7;
	v7 =	vmul.f32 v21, v18  }
0x517: {  	s23 =	sadd.s32 $0x80, s23;
	[tilespmem:v14+s15+$0x0] =	vst.idx.add.f32.msk $0xffff, v8  }
0x518: {  	_ =	sdelay $0x3  }
0x519: {  	[tilespmem:v6+s15+$0x0] =	vst.idx.add.f32.msk $0xffff, v7  }
.LBB2_49:
0x51a: {  	s20 =	sshra.s32 s28, $0x2  }
0x51b: {  	v6 =	vld [tilespmem:s20+$0x18E80];
	_ =	sdelay $0x4  }
0x51c: {  	v7 =	vld [tilespmem:s20+$0x19680];
	v8 =	vcvt.s32.f32 v6;
	_ =	sdelay $0x1  }
0x51d: {  	v8 =	vadd.f32 $5.000000000e-01, v8;
	_ =	sdelay $0x1  }
0x51e: {  	v8 =	vmul.f32 $3.999999900e-05, v8  }
0x51f: {  	v9 =	vld [tilespmem:s20+$0x19E80]  }
0x520: {  	v6 =	vld.idx.msk [tilespmem:v6+s3+$0x0], $0xffff;
	v8 =	vtrunc.f32 v8  }
0x521: {  	v8 =	vcvt.f32.s32 v8  }
0x522: {  	v7 =	vld.idx.msk [tilespmem:v7+s3+$0x0], $0xffff  }
0x523: {  	v8 =	vshll.u32 v8, $0x4  }
0x524: {  	p0 =	sne.s32 s28, $0x100;
	v8 =	vadd.s32 v5, v8  }
.Ltmp27:
0x525: {  	v6 =	vmul.f32 v6, v9;
	(pc) =	sbr.rel @p0 .LBB2_49-.Ltmp27, $3  }
0x526: {  	_ = 	snop  }
0x527: {  	v6 =	vmul.f32 v7, v6;
	_ =	sdelay $0x1  }
0x528: {  	s28 =	sadd.s32 $0x40, s28;
	[tilespmem:v8+s15+$0x0] =	vst.idx.add.f32.msk $0xffff, v6  }
0x529: {  	p0 =	seq.s32 s19, $0x18  }
0x52a: {  	s20 =	smul.u32 @!p0 $0xFA0, s19;
	_ =	sdelay $0x1  }
0x52b: {  	s20 =	sadd.s32 @!p0 s20, s13  }
0x52c: {  	s20 =	sshrl.u32 @!p0 s20, $0x3  }
0x52d: {  	s22 =	simm.s32 @!p0 $0x0;
	s23 =	simm.s32 @!p0 $0x18700;
	s21 =	sadd.s32 @!p0 s5, s20  }
0x52e: {  	[tilespmem:s23], [sflag:$0x1] =	stream.linear.gather @!p0 [hbm4b:s21+s22], $0x7D0, $0x38;
	[tilespmem:$0x1B900] =	vst v63  }
0x52f: {  	s21 =	sadd.s32 @!p0 s6, s20;
	s23 =	simm.s32 @!p0 $0x18F00  }
0x530: {  	[tilespmem:s23], [sflag:$0x1] =	stream.linear.gather @!p0 [hbm4b:s21+s22], $0x7D0, $0x38;
	[tilespmem:$0x1B900] =	vst v63  }
0x531: {  	s20 =	sadd.s32 @!p0 s2, s20;
	s21 =	simm.s32 @!p0 $0x19700  }
0x532: {  	[tilespmem:s21], [sflag:$0x1] =	stream.linear.gather @!p0 [hbm4b:s20+s22], $0x7D0, $0x38;
	[tilespmem:$0x1B900] =	vst v63  }
0x533: {  	_ =	swait.ge [sflag:s16], $0x7D0  }
0x534: {  	[sflag:s16] =	ssyncset.done $0x0  }
0x535: {  	[sflag:s16] =	ssyncadd.s32 $0xFFFFF830  }
0x536: {  	_ =	swait.ge [sflag:s16], $0x7D0  }
0x537: {  	[sflag:s16] =	ssyncset.done $0x0  }
0x538: {  	[sflag:s16] =	ssyncadd.s32 $0xFFFFF830  }
0x539: {  	_ =	swait.ge [sflag:s16], $0x7D0  }
0x53a: {  	[sflag:s16] =	ssyncset.done $0x0  }
0x53b: {  	s23 =	simm.s32 $0x19F40;
	[sflag:s16] =	ssyncadd.s32 $0xFFFFF830  }
0x53c: {  	v6 =	vld [tilespmem:s23+$0x30]  }
0x53d: {  	v7 =	vld [tilespmem:s23+$0xFFFFFFD0]  }
0x53e: {  	v8 =	vld [tilespmem:s23+$0xFFFFFFE0]  }
0x53f: {  	s21 =	simm.s32 $0x1A740;
	v9 =	vld [tilespmem:s23+$0xFFFFFFF0]  }
0x540: {  	v10 =	vld [tilespmem:s21+$0x30]  }
0x541: {  	v11 =	vld [tilespmem:s23+$0x0]  }
0x542: {  	v13 =	vld [tilespmem:s23+$0x10]  }
0x543: {  	v14 =	vld [tilespmem:s23+$0x20]  }
0x544: {  	v15 =	vld [tilespmem:s23+$0xFFFFFFC0]  }
0x545: {  	s22 =	simm.s32 $0x1AF40;
	v16 =	vld [tilespmem:s21+$0xFFFFFFC0]  }
0x546: {  	v17 =	vld [tilespmem:s22+$0x30]  }
0x547: {  	v18 =	vld [tilespmem:s21+$0xFFFFFFD0]  }
0x548: {  	v19 =	vld [tilespmem:s21+$0xFFFFFFE0]  }
0x549: {  	v20 =	vld [tilespmem:s21+$0xFFFFFFF0]  }
0x54a: {  	v21 =	vld [tilespmem:s21+$0x0];
	v12 =	vcvt.s32.f32 v6  }
0x54b: {  	v56 =	vld [tilespmem:s21+$0x10]  }
0x54c: {  	v23 =	vld [tilespmem:s21+$0x20];
	v12 =	vadd.f32 $5.000000000e-01, v12  }
0x54d: {  	v27 =	vld [tilespmem:s22+$0xFFFFFFC0]  }
0x54e: {  	v28 =	vld [tilespmem:s22+$0xFFFFFFD0];
	v12 =	vmul.f32 $3.999999900e-05, v12  }
0x54f: {  	s20 =	simm.s32 $0x0;
	v29 =	vld [tilespmem:s22+$0xFFFFFFE0];
	v22 =	vcvt.s32.f32 v7;
	v24 =	vcvt.s32.f32 v11  }
0x550: {  	v25 =	vcvt.s32.f32 v13;
	v6 =	vld.idx.msk [tilespmem:v6+s20+$0x0], $0xffff;
	v12 =	vtrunc.f32 v12  }
0x551: {  	v30 =	vld [tilespmem:s22+$0xFFFFFFF0];
	v26 =	vcvt.s32.f32 v14;
	v12 =	vcvt.f32.s32 v12  }
0x552: {  	v58 =	vcvt.s32.f32 v9;
	v22 =	vadd.f32 $5.000000000e-01, v22;
	v24 =	vadd.f32 $5.000000000e-01, v24;
	v10 =	vld.idx.msk [tilespmem:v10+s20+$0x0], $0xffff  }
0x553: {  	v31 =	vld [tilespmem:s22+$0x0];
	v25 =	vadd.f32 $5.000000000e-01, v25;
	v26 =	vadd.f32 $5.000000000e-01, v26;
	v12 =	vshll.u32 v12, $0x4  }
0x554: {  	v57 =	vld.idx.msk [tilespmem:v15+s20+$0x0], $0xffff;
	v15 =	vcvt.s32.f32 v15;
	v22 =	vmul.f32 $3.999999900e-05, v22;
	v12 =	vadd.s32 v5, v12  }
0x555: {  	v59 =	vld [tilespmem:s22+$0x10];
	v24 =	vmul.f32 $3.999999900e-05, v24;
	v6 =	vmul.f32 v6, v17  }
0x556: {  	v7 =	vld.idx.msk [tilespmem:v7+s20+$0x0], $0xffff;
	v25 =	vmul.f32 $3.999999900e-05, v25;
	v26 =	vmul.f32 $3.999999900e-05, v26  }
0x557: {  	v9 =	vld.idx.msk [tilespmem:v9+s20+$0x0], $0xffff;
	v15 =	vadd.f32 $5.000000000e-01, v15;
	v22 =	vtrunc.f32 v22;
	v6 =	vmul.f32 v10, v6  }
0x558: {  	v13 =	vld.idx.msk [tilespmem:v13+s20+$0x0], $0xffff;
	v24 =	vtrunc.f32 v24;
	v25 =	vtrunc.f32 v25  }
0x559: {  	v15 =	vmul.f32 $3.999999900e-05, v15;
	[tilespmem:v12+s15+$0x0] =	vst.idx.add.f32.msk $0xffff, v6;
	v6 =	vcvt.s32.f32 v8  }
0x55a: {  	v60 =	vld [tilespmem:s22+$0x20];
	v22 =	vcvt.f32.s32 v22;
	v24 =	vcvt.f32.s32 v24  }
0x55b: {  	v11 =	vld.idx.msk [tilespmem:v11+s20+$0x0], $0xffff;
	v25 =	vcvt.f32.s32 v25;
	v7 =	vmul.f32 v7, v28;
	v6 =	vadd.f32 $5.000000000e-01, v6  }
0x55c: {  	v14 =	vld.idx.msk [tilespmem:v14+s20+$0x0], $0xffff;
	v9 =	vmul.f32 v9, v30;
	v15 =	vtrunc.f32 v15;
	v12 =	vadd.f32 $5.000000000e-01, v58  }
0x55d: {  	v16 =	vld.idx.msk [tilespmem:v16+s20+$0x0], $0xffff;
	v15 =	vcvt.f32.s32 v15;
	v6 =	vmul.f32 $3.999999900e-05, v6  }
0x55e: {  	v18 =	vld.idx.msk [tilespmem:v18+s20+$0x0], $0xffff;
	v62 =	vmul.f32 v13, v59;
	v22 =	vshll.u32 v22, $0x4;
	v12 =	vmul.f32 $3.999999900e-05, v12  }
0x55f: {  	v25 =	vshll.u32 v25, $0x4;
	v15 =	vshll.u32 v15, $0x4;
	v8 =	vld.idx.msk [tilespmem:v8+s20+$0x0], $0xffff;
	v6 =	vtrunc.f32 v6  }
0x560: {  	v17 =	vld.idx.msk [tilespmem:v56+s20+$0x0], $0xffff;
	v15 =	vadd.s32 v5, v15;
	v12 =	vtrunc.f32 v12;
	v6 =	vcvt.f32.s32 v6  }
0x561: {  	v19 =	vld.idx.msk [tilespmem:v19+s20+$0x0], $0xffff;
	v10 =	vmul.f32 v57, v27;
	v22 =	vadd.s32 v5, v22;
	v12 =	vcvt.f32.s32 v12  }
0x562: {  	v20 =	vld.idx.msk [tilespmem:v20+s20+$0x0], $0xffff;
	v24 =	vshll.u32 v24, $0x4;
	v61 =	vadd.s32 v5, v25;
	v6 =	vshll.u32 v6, $0x4  }
0x563: {  	v21 =	vld.idx.msk [tilespmem:v21+s20+$0x0], $0xffff;
	v10 =	vmul.f32 v16, v10;
	v12 =	vshll.u32 v12, $0x4;
	v6 =	vadd.s32 v5, v6  }
0x564: {  	v23 =	vld.idx.msk [tilespmem:v23+s20+$0x0], $0xffff;
	v7 =	vmul.f32 v18, v7;
	v8 =	vmul.f32 v8, v29;
	v12 =	vadd.s32 v5, v12  }
0x565: {  	v26 =	vtrunc.f32 v26;
	v24 =	vadd.s32 v5, v24;
	[tilespmem:v15+s15+$0x0] =	vst.idx.add.f32.msk $0xffff, v10;
	v10 =	vmul.f32 v17, v62  }
0x566: {  	v11 =	vmul.f32 v11, v31;
	[tilespmem:v22+s15+$0x0] =	vst.idx.add.f32.msk $0xffff, v7;
	v8 =	vmul.f32 v19, v8  }
0x567: {  	v63 =	vcvt.f32.s32 v26;
	v7 =	vmul.f32 v20, v9;
	[tilespmem:v61+s15+$0x0] =	vst.idx.add.f32.msk $0xffff, v10  }
0x568: {  	[tilespmem:v6+s15+$0x0] =	vst.idx.add.f32.msk $0xffff, v8;
	v6 =	vmul.f32 v21, v11;
	v8 =	vmul.f32 v14, v60  }
0x569: {  	[tilespmem:v12+s15+$0x0] =	vst.idx.add.f32.msk $0xffff, v7;
	v7 =	vshll.u32 v63, $0x4  }
0x56a: {  	s28 =	simm.s32 $0x19FC0;
	s23 =	simm.s32 $0x0;
	[tilespmem:v24+s15+$0x0] =	vst.idx.add.f32.msk $0xffff, v6;
	v6 =	vadd.s32 v5, v7;
	v7 =	vmul.f32 v23, v8  }
.LBB2_51:
0x56b: {  	v8 =	vld [tilespmem:s28+$0x30];
	s23 =	sadd.s32 $0x8, s23  }
0x56c: {  	v9 =	vld [tilespmem:s28+$0xFFFFFFD0];
	p1 =	slt.u32 s23, $0x70  }
0x56d: {  	v10 =	vld [tilespmem:s28+$0xFFFFFFE0]  }
0x56e: {  	s21 =	sadd.s32 $0x80, s21;
	v11 =	vld [tilespmem:s28+$0xFFFFFFF0]  }
0x56f: {  	v12 =	vld [tilespmem:s21+$0x30]  }
0x570: {  	v13 =	vld [tilespmem:s28+$0x0];
	v14 =	vcvt.s32.f32 v8  }
0x571: {  	v15 =	vcvt.s32.f32 v9;
	v16 =	vld [tilespmem:s28+$0x10]  }
0x572: {  	v17 =	vcvt.s32.f32 v10;
	v18 =	vld [tilespmem:s28+$0x20];
	v14 =	vadd.f32 $5.000000000e-01, v14  }
0x573: {  	v19 =	vld [tilespmem:s28+$0xFFFFFFC0];
	v15 =	vadd.f32 $5.000000000e-01, v15;
	v20 =	vcvt.s32.f32 v11  }
0x574: {  	v21 =	vld [tilespmem:s21+$0xFFFFFFC0];
	v17 =	vadd.f32 $5.000000000e-01, v17;
	v14 =	vmul.f32 $3.999999900e-05, v14  }
0x575: {  	s22 =	sadd.s32 $0x80, s22;
	v15 =	vmul.f32 $3.999999900e-05, v15;
	v20 =	vadd.f32 $5.000000000e-01, v20;
	v22 =	vcvt.s32.f32 v13;
	v8 =	vld.idx.msk [tilespmem:v8+s20+$0x0], $0xffff  }
0x576: {  	v23 =	vcvt.s32.f32 v16;
	v24 =	vld [tilespmem:s22+$0x30];
	v14 =	vtrunc.f32 v14  }
0x577: {  	v22 =	vadd.f32 $5.000000000e-01, v22;
	v25 =	vcvt.s32.f32 v18;
	v12 =	vld.idx.msk [tilespmem:v12+s20+$0x0], $0xffff;
	v14 =	vcvt.f32.s32 v14  }
0x578: {  	v17 =	vmul.f32 $3.999999900e-05, v17;
	v26 =	vcvt.s32.f32 v19;
	v27 =	vld [tilespmem:s21+$0xFFFFFFD0];
	v23 =	vadd.f32 $5.000000000e-01, v23  }
0x579: {  	v20 =	vmul.f32 $3.999999900e-05, v20;
	v28 =	vld [tilespmem:s21+$0xFFFFFFE0];
	v25 =	vadd.f32 $5.000000000e-01, v25;
	v14 =	vshll.u32 v14, $0x4  }
0x57a: {  	v22 =	vmul.f32 $3.999999900e-05, v22;
	v26 =	vadd.f32 $5.000000000e-01, v26;
	v29 =	vld [tilespmem:s21+$0xFFFFFFF0];
	v14 =	vadd.s32 v5, v14  }
0x57b: {  	v23 =	vmul.f32 $3.999999900e-05, v23;
	v30 =	vld [tilespmem:s21+$0x0];
	v8 =	vmul.f32 v8, v24  }
0x57c: {  	v25 =	vmul.f32 $3.999999900e-05, v25;
	v24 =	vmul.f32 $3.999999900e-05, v26;
	v26 =	vld [tilespmem:s21+$0x10]  }
0x57d: {  	v15 =	vtrunc.f32 v15;
	v31 =	vld [tilespmem:s21+$0x20];
	v8 =	vmul.f32 v12, v8  }
0x57e: {  	v17 =	vtrunc.f32 v17;
	v12 =	vld.idx.msk [tilespmem:v19+s20+$0x0], $0xffff;
	v19 =	vtrunc.f32 v24  }
0x57f: {  	v20 =	vtrunc.f32 v20;
	v22 =	vtrunc.f32 v22;
	[tilespmem:v14+s15+$0x0] =	vst.idx.add.f32.msk $0xffff, v8  }
0x580: {  	v14 =	vtrunc.f32 v25;
	v8 =	vld.idx.msk [tilespmem:v9+s20+$0x0], $0xffff;
	v9 =	vtrunc.f32 v23  }
0x581: {  	v15 =	vcvt.f32.s32 v15;
	v19 =	vcvt.f32.s32 v19;
	v10 =	vld.idx.msk [tilespmem:v10+s20+$0x0], $0xffff  }
0x582: {  	v17 =	vcvt.f32.s32 v17;
	v20 =	vcvt.f32.s32 v20;
	v11 =	vld.idx.msk [tilespmem:v11+s20+$0x0], $0xffff  }
0x583: {  	v22 =	vcvt.f32.s32 v22;
	v19 =	vshll.u32 v19, $0x4;
	v9 =	vcvt.f32.s32 v9;
	v13 =	vld.idx.msk [tilespmem:v13+s20+$0x0], $0xffff  }
0x584: {  	v15 =	vshll.u32 v15, $0x4;
	v17 =	vshll.u32 v17, $0x4;
	v14 =	vcvt.f32.s32 v14;
	v16 =	vld.idx.msk [tilespmem:v16+s20+$0x0], $0xffff  }
0x585: {  	v20 =	vshll.u32 v20, $0x4;
	v22 =	vshll.u32 v22, $0x4;
	v9 =	vshll.u32 v9, $0x4;
	v18 =	vld.idx.msk [tilespmem:v18+s20+$0x0], $0xffff  }
0x586: {  	v15 =	vadd.s32 v5, v15;
	v19 =	vadd.s32 v5, v19;
	v14 =	vshll.u32 v14, $0x4;
	v23 =	vld [tilespmem:s22+$0xFFFFFFC0]  }
0x587: {  	v17 =	vadd.s32 v5, v17;
	v20 =	vadd.s32 v5, v20;
	v22 =	vadd.s32 v5, v22;
	v24 =	vld [tilespmem:s22+$0xFFFFFFD0]  }
0x588: {  	v14 =	vadd.s32 v5, v14;
	v9 =	vadd.s32 v5, v9;
	v25 =	vld [tilespmem:s22+$0xFFFFFFE0]  }
0x589: {  	v32 =	vld [tilespmem:s22+$0xFFFFFFF0]  }
0x58a: {  	v33 =	vld [tilespmem:s22+$0x0]  }
0x58b: {  	v12 =	vmul.f32 v12, v23;
	v23 =	vld [tilespmem:s22+$0x10]  }
0x58c: {  	v8 =	vmul.f32 v8, v24;
	v24 =	vld [tilespmem:s22+$0x20]  }
0x58d: {  	v21 =	vld.idx.msk [tilespmem:v21+s20+$0x0], $0xffff;
	v10 =	vmul.f32 v10, v25  }
0x58e: {  	v25 =	vld.idx.msk [tilespmem:v27+s20+$0x0], $0xffff;
	v11 =	vmul.f32 v11, v32  }
0x58f: {  	v27 =	vld.idx.msk [tilespmem:v28+s20+$0x0], $0xffff;
	v13 =	vmul.f32 v13, v33  }
0x590: {  	v28 =	vld.idx.msk [tilespmem:v29+s20+$0x0], $0xffff;
	v16 =	vmul.f32 v16, v23  }
0x591: {  	v23 =	vld.idx.msk [tilespmem:v30+s20+$0x0], $0xffff;
	v18 =	vmul.f32 v18, v24  }
0x592: {  	v24 =	vld.idx.msk [tilespmem:v26+s20+$0x0], $0xffff  }
0x593: {  	v12 =	vmul.f32 v21, v12;
	v21 =	vld.idx.msk [tilespmem:v31+s20+$0x0], $0xffff  }
0x594: {  	v8 =	vmul.f32 v25, v8;
	[tilespmem:v6+s15+$0x0] =	vst.idx.add.f32.msk $0xffff, v7;
	v6 =	vmov v14  }
0x595: {  	v7 =	vmul.f32 v27, v10;
	[tilespmem:v19+s15+$0x0] =	vst.idx.add.f32.msk $0xffff, v12  }
.Ltmp28:
0x596: {  	[tilespmem:v15+s15+$0x0] =	vst.idx.add.f32.msk $0xffff, v8;
	v8 =	vmul.f32 v28, v11;
	(pc) =	sbr.rel @p1 .LBB2_51-.Ltmp28, $4  }
0x597: {  	[tilespmem:v17+s15+$0x0] =	vst.idx.add.f32.msk $0xffff, v7;
	v7 =	vmul.f32 v23, v13  }
0x598: {  	[tilespmem:v20+s15+$0x0] =	vst.idx.add.f32.msk $0xffff, v8;
	v8 =	vmul.f32 v24, v16  }
0x599: {  	[tilespmem:v22+s15+$0x0] =	vst.idx.add.f32.msk $0xffff, v7;
	v7 =	vmul.f32 v21, v18  }
0x59a: {  	s28 =	sadd.s32 $0x80, s28;
	[tilespmem:v9+s15+$0x0] =	vst.idx.add.f32.msk $0xffff, v8  }
0x59b: {  	_ =	sdelay $0x3  }
0x59c: {  	[tilespmem:v6+s15+$0x0] =	vst.idx.add.f32.msk $0xffff, v7  }
.LBB2_53:
0x59d: {  	s21 =	sshra.s32 s20, $0x2  }
0x59e: {  	v6 =	vld [tilespmem:s21+$0x1A680];
	_ =	sdelay $0x4  }
0x59f: {  	v7 =	vld [tilespmem:s21+$0x1AE80];
	v8 =	vcvt.s32.f32 v6;
	_ =	sdelay $0x1  }
0x5a0: {  	v8 =	vadd.f32 $5.000000000e-01, v8;
	_ =	sdelay $0x1  }
0x5a1: {  	v8 =	vmul.f32 $3.999999900e-05, v8  }
0x5a2: {  	v9 =	vld [tilespmem:s21+$0x1B680]  }
0x5a3: {  	v6 =	vld.idx.msk [tilespmem:v6+s3+$0x0], $0xffff;
	v8 =	vtrunc.f32 v8  }
0x5a4: {  	v8 =	vcvt.f32.s32 v8  }
0x5a5: {  	v7 =	vld.idx.msk [tilespmem:v7+s3+$0x0], $0xffff  }
0x5a6: {  	v8 =	vshll.u32 v8, $0x4  }
0x5a7: {  	p1 =	sne.s32 s20, $0x100;
	v8 =	vadd.s32 v5, v8  }
.Ltmp29:
0x5a8: {  	v6 =	vmul.f32 v6, v9;
	(pc) =	sbr.rel @p1 .LBB2_53-.Ltmp29, $3  }
0x5a9: {  	_ = 	snop  }
0x5aa: {  	v6 =	vmul.f32 v7, v6;
	_ =	sdelay $0x1  }
0x5ab: {  	s20 =	sadd.s32 $0x40, s20;
	[tilespmem:v8+s15+$0x0] =	vst.idx.add.f32.msk $0xffff, v6  }
.Ltmp30:
0x5ac: {  	(pc) =	sbr.rel @p0 .LBB2_56-.Ltmp30, $1  }
0x5ad: {  	_ =	sdelay $0x3  }
0x5ae: {  	s20 =	smul.u32 $0xFA0, s19;
	_ =	sdelay $0x1  }
0x5af: {  	s20 =	sadd.s32 s20, s14  }
0x5b0: {  	s20 =	sshrl.u32 s20, $0x3  }
0x5b1: {  	s21 =	sadd.s32 s5, s20  }
0x5b2: {  	[tilespmem:s31], [sflag:$0x2] =	stream.linear.gather [hbm4b:s21+s3], $0x7D0, $0x38;
	[tilespmem:$0x1B900] =	vst v63  }
.Ltmp31:
0x5b3: {  	_ = 	snop;
	(pc) =	sbr.rel .LBB2_46-.Ltmp31, $4  }
0x5b4: {  	s28 =	sadd.s32 s6, s20  }
0x5b5: {  	[tilespmem:s0], [sflag:$0x2] =	stream.linear.gather [hbm4b:s28+s3], $0x7D0, $0x38;
	[tilespmem:$0x1B900] =	vst v63  }
0x5b6: {  	s19 =	sadd.s32 $0x1, s19;
	s20 =	sadd.s32 s2, s20  }
0x5b7: {  	[tilespmem:s1], [sflag:$0x2] =	stream.linear.gather [hbm4b:s20+s3], $0x7D0, $0x38;
	[tilespmem:$0x1B900] =	vst v63  }
.LBB2_56:
0x5b8: {  	s18 =	simm.s32 $0x0;
	s19 =	rddreg [dreg:$0x8]  }
0x5b9: {  	[tilespmem:s18], [sflag:$0x3] =	stream.strided.gather [hbm4b:s19+s24], $0x18700, s25, s24, $0x38;
	[tilespmem:$0x1B900] =	vst v63  }
0x5ba: {  	_ =	swait.ge [sflag:s26], $0x18700  }
0x5bb: {  	[sflag:s26] =	ssyncset.done $0x0  }
0x5bc: {  	s28 =	simm.s32 $0x18700;
	[sflag:s26] =	ssyncadd.s32 $0xFFFE7900  }
0x5bd: {  	[tilespmem:s28], [sflag:$0x1] =	stream.linear.gather [hbm4b:s7+s18], $0x7D0, $0x38;
	[tilespmem:$0x1B900] =	vst v63  }
0x5be: {  	_ = 	snop  }
0x5bf: {  	[tilespmem:s29], [sflag:$0x1] =	stream.linear.gather [hbm4b:s8+s18], $0x7D0, $0x38;
	[tilespmem:$0x1B900] =	vst v63  }
0x5c0: {  	_ = 	snop  }
0x5c1: {  	[tilespmem:s30], [sflag:$0x1] =	stream.linear.gather [hbm4b:s9+s18], $0x7D0, $0x38;
	[tilespmem:$0x1B900] =	vst v63  }
0x5c2: {  	_ = 	snop  }
0x5c3: {  	[tilespmem:s31], [sflag:$0x2] =	stream.linear.gather [hbm4b:s10+s18], $0x7D0, $0x38;
	[tilespmem:$0x1B900] =	vst v63  }
0x5c4: {  	_ = 	snop  }
0x5c5: {  	[tilespmem:s0], [sflag:$0x2] =	stream.linear.gather [hbm4b:s11+s18], $0x7D0, $0x38;
	[tilespmem:$0x1B900] =	vst v63  }
0x5c6: {  	s19 =	simm.s32 $0x0  }
0x5c7: {  	[tilespmem:s1], [sflag:$0x2] =	stream.linear.gather [hbm4b:s12+s18], $0x7D0, $0x38;
	[tilespmem:$0x1B900] =	vst v63  }
.LBB2_57:
0x5c8: {  	_ =	swait.ge [sflag:s4], $0x7D0  }
0x5c9: {  	[sflag:s4] =	ssyncset.done $0x0  }
0x5ca: {  	[sflag:s4] =	ssyncadd.s32 $0xFFFFF830  }
0x5cb: {  	_ =	swait.ge [sflag:s4], $0x7D0  }
0x5cc: {  	[sflag:s4] =	ssyncset.done $0x0  }
0x5cd: {  	[sflag:s4] =	ssyncadd.s32 $0xFFFFF830  }
0x5ce: {  	_ =	swait.ge [sflag:s4], $0x7D0  }
0x5cf: {  	[sflag:s4] =	ssyncset.done $0x0  }
0x5d0: {  	s21 =	simm.s32 $0x18740;
	[sflag:s4] =	ssyncadd.s32 $0xFFFFF830  }
0x5d1: {  	v5 =	vld [tilespmem:s21+$0x30]  }
0x5d2: {  	v6 =	vld [tilespmem:s21+$0xFFFFFFD0]  }
0x5d3: {  	v7 =	vld [tilespmem:s21+$0xFFFFFFE0]  }
0x5d4: {  	s20 =	simm.s32 $0x18F40;
	v8 =	vld [tilespmem:s21+$0xFFFFFFF0]  }
0x5d5: {  	v9 =	vld [tilespmem:s20+$0x30]  }
0x5d6: {  	v10 =	vld [tilespmem:s21+$0x0]  }
0x5d7: {  	v12 =	vld [tilespmem:s21+$0x10]  }
0x5d8: {  	v13 =	vld [tilespmem:s21+$0x20]  }
0x5d9: {  	v14 =	vld [tilespmem:s21+$0xFFFFFFC0]  }
0x5da: {  	v15 =	vld [tilespmem:s20+$0xFFFFFFC0]  }
0x5db: {  	v18 =	vld [tilespmem:s20+$0xFFFFFFD0]  }
0x5dc: {  	v19 =	vld [tilespmem:s20+$0xFFFFFFE0]  }
0x5dd: {  	v20 =	vld [tilespmem:s20+$0xFFFFFFF0]  }
0x5de: {  	v21 =	vld [tilespmem:s20+$0x0]  }
0x5df: {  	v55 =	vld [tilespmem:s20+$0x10]  }
0x5e0: {  	s21 =	simm.s32 $0x19740;
	v23 =	vld [tilespmem:s20+$0x20]  }
0x5e1: {  	v17 =	vld [tilespmem:s21+$0x30];
	v11 =	vcvt.s32.f32 v5  }
0x5e2: {  	v27 =	vld [tilespmem:s21+$0xFFFFFFC0]  }
0x5e3: {  	v28 =	vld [tilespmem:s21+$0xFFFFFFD0];
	v11 =	vadd.f32 $5.000000000e-01, v11  }
0x5e4: {  	v29 =	vld [tilespmem:s21+$0xFFFFFFE0];
	v22 =	vcvt.s32.f32 v6;
	v57 =	vcvt.s32.f32 v7  }
0x5e5: {  	v30 =	vld [tilespmem:s21+$0xFFFFFFF0];
	v58 =	vcvt.s32.f32 v8;
	v11 =	vmul.f32 $3.999999900e-05, v11  }
0x5e6: {  	v59 =	vld [tilespmem:s21+$0x10];
	v24 =	vcvt.s32.f32 v10;
	v25 =	vcvt.s32.f32 v12  }
0x5e7: {  	v26 =	vcvt.s32.f32 v13;
	v22 =	vadd.f32 $5.000000000e-01, v22;
	v16 =	vld.idx.msk [tilespmem:v5+s18+$0x0], $0xffff;
	v5 =	vtrunc.f32 v11  }
0x5e8: {  	v24 =	vadd.f32 $5.000000000e-01, v24;
	v25 =	vadd.f32 $5.000000000e-01, v25;
	v9 =	vld.idx.msk [tilespmem:v9+s18+$0x0], $0xffff;
	v11 =	vcvt.f32.s32 v5  }
0x5e9: {  	v26 =	vadd.f32 $5.000000000e-01, v26;
	v56 =	vld.idx.msk [tilespmem:v14+s18+$0x0], $0xffff;
	v14 =	vcvt.s32.f32 v14;
	v22 =	vmul.f32 $3.999999900e-05, v22  }
0x5ea: {  	v6 =	vld.idx.msk [tilespmem:v6+s18+$0x0], $0xffff;
	v24 =	vmul.f32 $3.999999900e-05, v24;
	v5 =	vor.u32 $0x140, v1;
	v11 =	vshll.u32 v11, $0x4  }
0x5eb: {  	v7 =	vld.idx.msk [tilespmem:v7+s18+$0x0], $0xffff;
	v25 =	vmul.f32 $3.999999900e-05, v25;
	v26 =	vmul.f32 $3.999999900e-05, v26;
	v11 =	vadd.s32 v5, v11  }
0x5ec: {  	v8 =	vld.idx.msk [tilespmem:v8+s18+$0x0], $0xffff;
	v14 =	vadd.f32 $5.000000000e-01, v14;
	v22 =	vtrunc.f32 v22;
	v16 =	vmul.f32 v16, v17  }
0x5ed: {  	v12 =	vld.idx.msk [tilespmem:v12+s18+$0x0], $0xffff;
	v24 =	vtrunc.f32 v24;
	v25 =	vtrunc.f32 v25  }
0x5ee: {  	v31 =	vld [tilespmem:s21+$0x0];
	v14 =	vmul.f32 $3.999999900e-05, v14;
	v9 =	vmul.f32 v9, v16  }
0x5ef: {  	v60 =	vld [tilespmem:s21+$0x20];
	v22 =	vcvt.f32.s32 v22;
	v24 =	vcvt.f32.s32 v24  }
0x5f0: {  	v25 =	vcvt.f32.s32 v25;
	v6 =	vmul.f32 v6, v28;
	[tilespmem:v11+s15+$0x0] =	vst.idx.add.f32.msk $0xffff, v9;
	v9 =	vadd.f32 $5.000000000e-01, v57  }
0x5f1: {  	v10 =	vld.idx.msk [tilespmem:v10+s18+$0x0], $0xffff;
	v7 =	vmul.f32 v7, v29;
	v8 =	vmul.f32 v8, v30;
	v11 =	vadd.f32 $5.000000000e-01, v58  }
0x5f2: {  	v13 =	vld.idx.msk [tilespmem:v13+s18+$0x0], $0xffff;
	v12 =	vmul.f32 v12, v59;
	v9 =	vmul.f32 $3.999999900e-05, v9  }
0x5f3: {  	v18 =	vld.idx.msk [tilespmem:v18+s18+$0x0], $0xffff;
	v14 =	vtrunc.f32 v14;
	v22 =	vshll.u32 v22, $0x4;
	v11 =	vmul.f32 $3.999999900e-05, v11  }
0x5f4: {  	v17 =	vld.idx.msk [tilespmem:v55+s18+$0x0], $0xffff;
	v25 =	vshll.u32 v25, $0x4;
	v14 =	vcvt.f32.s32 v14;
	v9 =	vtrunc.f32 v9  }
0x5f5: {  	v15 =	vld.idx.msk [tilespmem:v15+s18+$0x0], $0xffff;
	v22 =	vadd.s32 v5, v22;
	v11 =	vtrunc.f32 v11;
	v9 =	vcvt.f32.s32 v9  }
0x5f6: {  	v19 =	vld.idx.msk [tilespmem:v19+s18+$0x0], $0xffff;
	v61 =	vadd.s32 v5, v25;
	v14 =	vshll.u32 v14, $0x4;
	v11 =	vcvt.f32.s32 v11  }
0x5f7: {  	v20 =	vld.idx.msk [tilespmem:v20+s18+$0x0], $0xffff;
	v16 =	vmul.f32 v56, v27;
	v14 =	vadd.s32 v5, v14;
	v9 =	vshll.u32 v9, $0x4  }
0x5f8: {  	v21 =	vld.idx.msk [tilespmem:v21+s18+$0x0], $0xffff;
	v6 =	vmul.f32 v18, v6;
	v11 =	vshll.u32 v11, $0x4;
	v9 =	vadd.s32 v5, v9  }
0x5f9: {  	v23 =	vld.idx.msk [tilespmem:v23+s18+$0x0], $0xffff;
	v24 =	vshll.u32 v24, $0x4;
	v63 =	vmul.f32 v17, v12;
	v11 =	vadd.s32 v5, v11  }
0x5fa: {  	v26 =	vtrunc.f32 v26;
	v24 =	vadd.s32 v5, v24;
	v15 =	vmul.f32 v15, v16;
	[tilespmem:v22+s15+$0x0] =	vst.idx.add.f32.msk $0xffff, v6  }
0x5fb: {  	v10 =	vmul.f32 v10, v31;
	v7 =	vmul.f32 v19, v7;
	[tilespmem:v61+s15+$0x0] =	vst.idx.add.f32.msk $0xffff, v63  }
0x5fc: {  	v6 =	vmul.f32 v20, v8;
	v8 =	vcvt.f32.s32 v26;
	[tilespmem:v14+s15+$0x0] =	vst.idx.add.f32.msk $0xffff, v15  }
0x5fd: {  	v62 =	vmul.f32 v13, v60;
	[tilespmem:v9+s15+$0x0] =	vst.idx.add.f32.msk $0xffff, v7;
	v7 =	vmul.f32 v21, v10  }
0x5fe: {  	[tilespmem:v11+s15+$0x0] =	vst.idx.add.f32.msk $0xffff, v6;
	v6 =	vshll.u32 v8, $0x4  }
0x5ff: {  	s22 =	simm.s32 $0x0;
	s23 =	simm.s32 $0x187C0;
	v6 =	vadd.s32 v5, v6;
	[tilespmem:v24+s15+$0x0] =	vst.idx.add.f32.msk $0xffff, v7;
	v7 =	vmul.f32 v23, v62  }
.LBB2_58:
0x600: {  	v8 =	vld [tilespmem:s23+$0x30];
	s22 =	sadd.s32 $0x8, s22  }
0x601: {  	v9 =	vld [tilespmem:s23+$0xFFFFFFD0];
	p0 =	slt.u32 s22, $0x70  }
0x602: {  	v10 =	vld [tilespmem:s23+$0xFFFFFFE0]  }
0x603: {  	s20 =	sadd.s32 $0x80, s20;
	v11 =	vld [tilespmem:s23+$0xFFFFFFF0]  }
0x604: {  	v12 =	vld [tilespmem:s20+$0x30]  }
0x605: {  	v13 =	vld [tilespmem:s23+$0x0];
	v14 =	vcvt.s32.f32 v8  }
0x606: {  	v15 =	vcvt.s32.f32 v9;
	v16 =	vld [tilespmem:s23+$0x10]  }
0x607: {  	v17 =	vcvt.s32.f32 v10;
	v18 =	vld [tilespmem:s23+$0x20];
	v14 =	vadd.f32 $5.000000000e-01, v14  }
0x608: {  	v19 =	vld [tilespmem:s23+$0xFFFFFFC0];
	v15 =	vadd.f32 $5.000000000e-01, v15;
	v20 =	vcvt.s32.f32 v11  }
0x609: {  	s28 =	simm.s32 $0x0;
	v21 =	vld [tilespmem:s20+$0xFFFFFFC0];
	v17 =	vadd.f32 $5.000000000e-01, v17;
	v14 =	vmul.f32 $3.999999900e-05, v14  }
0x60a: {  	s21 =	sadd.s32 $0x80, s21;
	v15 =	vmul.f32 $3.999999900e-05, v15;
	v20 =	vadd.f32 $5.000000000e-01, v20;
	v22 =	vcvt.s32.f32 v13;
	v8 =	vld.idx.msk [tilespmem:v8+s28+$0x0], $0xffff  }
0x60b: {  	v23 =	vcvt.s32.f32 v16;
	v24 =	vld [tilespmem:s21+$0x30];
	v14 =	vtrunc.f32 v14  }
0x60c: {  	v22 =	vadd.f32 $5.000000000e-01, v22;
	v25 =	vcvt.s32.f32 v18;
	v12 =	vld.idx.msk [tilespmem:v12+s28+$0x0], $0xffff;
	v14 =	vcvt.f32.s32 v14  }
0x60d: {  	v17 =	vmul.f32 $3.999999900e-05, v17;
	v26 =	vcvt.s32.f32 v19;
	v27 =	vld [tilespmem:s20+$0xFFFFFFD0];
	v23 =	vadd.f32 $5.000000000e-01, v23  }
0x60e: {  	v28 =	vld [tilespmem:s20+$0xFFFFFFE0];
	v25 =	vadd.f32 $5.000000000e-01, v25;
	v14 =	vshll.u32 v14, $0x4  }
0x60f: {  	v20 =	vmul.f32 $3.999999900e-05, v20;
	v26 =	vadd.f32 $5.000000000e-01, v26;
	v29 =	vld [tilespmem:s20+$0xFFFFFFF0];
	v14 =	vadd.s32 v5, v14  }
0x610: {  	v22 =	vmul.f32 $3.999999900e-05, v22;
	v30 =	vld [tilespmem:s20+$0x0];
	v8 =	vmul.f32 v8, v24  }
0x611: {  	v23 =	vmul.f32 $3.999999900e-05, v23;
	v24 =	vmul.f32 $3.999999900e-05, v26;
	v26 =	vld [tilespmem:s20+$0x10]  }
0x612: {  	v25 =	vmul.f32 $3.999999900e-05, v25;
	v31 =	vld [tilespmem:s20+$0x20];
	v8 =	vmul.f32 v12, v8  }
0x613: {  	v15 =	vtrunc.f32 v15;
	v12 =	vld.idx.msk [tilespmem:v19+s28+$0x0], $0xffff;
	v19 =	vtrunc.f32 v24  }
0x614: {  	v17 =	vtrunc.f32 v17;
	v20 =	vtrunc.f32 v20;
	[tilespmem:v14+s15+$0x0] =	vst.idx.add.f32.msk $0xffff, v8  }
0x615: {  	v14 =	vtrunc.f32 v23;
	v8 =	vld.idx.msk [tilespmem:v9+s28+$0x0], $0xffff;
	v9 =	vtrunc.f32 v22  }
0x616: {  	v19 =	vcvt.f32.s32 v19;
	v22 =	vtrunc.f32 v25;
	v10 =	vld.idx.msk [tilespmem:v10+s28+$0x0], $0xffff  }
0x617: {  	v15 =	vcvt.f32.s32 v15;
	v17 =	vcvt.f32.s32 v17;
	v11 =	vld.idx.msk [tilespmem:v11+s28+$0x0], $0xffff  }
0x618: {  	v20 =	vcvt.f32.s32 v20;
	v19 =	vshll.u32 v19, $0x4;
	v9 =	vcvt.f32.s32 v9;
	v13 =	vld.idx.msk [tilespmem:v13+s28+$0x0], $0xffff  }
0x619: {  	v15 =	vshll.u32 v15, $0x4;
	v14 =	vcvt.f32.s32 v14;
	v22 =	vcvt.f32.s32 v22;
	v16 =	vld.idx.msk [tilespmem:v16+s28+$0x0], $0xffff  }
0x61a: {  	v17 =	vshll.u32 v17, $0x4;
	v20 =	vshll.u32 v20, $0x4;
	v9 =	vshll.u32 v9, $0x4;
	v18 =	vld.idx.msk [tilespmem:v18+s28+$0x0], $0xffff  }
0x61b: {  	v19 =	vadd.s32 v5, v19;
	v14 =	vshll.u32 v14, $0x4;
	v22 =	vshll.u32 v22, $0x4;
	v23 =	vld [tilespmem:s21+$0xFFFFFFC0]  }
0x61c: {  	v15 =	vadd.s32 v5, v15;
	v17 =	vadd.s32 v5, v17;
	v20 =	vadd.s32 v5, v20;
	v24 =	vld [tilespmem:s21+$0xFFFFFFD0]  }
0x61d: {  	v14 =	vadd.s32 v5, v14;
	v9 =	vadd.s32 v5, v9;
	v22 =	vadd.s32 v5, v22;
	v25 =	vld [tilespmem:s21+$0xFFFFFFE0]  }
0x61e: {  	v32 =	vld [tilespmem:s21+$0xFFFFFFF0]  }
0x61f: {  	v33 =	vld [tilespmem:s21+$0x0]  }
0x620: {  	v12 =	vmul.f32 v12, v23;
	v23 =	vld [tilespmem:s21+$0x10]  }
0x621: {  	v8 =	vmul.f32 v8, v24;
	v24 =	vld [tilespmem:s21+$0x20]  }
0x622: {  	v21 =	vld.idx.msk [tilespmem:v21+s28+$0x0], $0xffff;
	v10 =	vmul.f32 v10, v25  }
0x623: {  	v25 =	vld.idx.msk [tilespmem:v27+s28+$0x0], $0xffff;
	v11 =	vmul.f32 v11, v32  }
0x624: {  	v27 =	vld.idx.msk [tilespmem:v28+s28+$0x0], $0xffff;
	v13 =	vmul.f32 v13, v33  }
0x625: {  	v28 =	vld.idx.msk [tilespmem:v29+s28+$0x0], $0xffff;
	v16 =	vmul.f32 v16, v23  }
0x626: {  	v23 =	vld.idx.msk [tilespmem:v30+s28+$0x0], $0xffff;
	v18 =	vmul.f32 v18, v24  }
0x627: {  	v24 =	vld.idx.msk [tilespmem:v26+s28+$0x0], $0xffff  }
0x628: {  	v12 =	vmul.f32 v21, v12;
	v21 =	vld.idx.msk [tilespmem:v31+s28+$0x0], $0xffff  }
0x629: {  	v8 =	vmul.f32 v25, v8;
	[tilespmem:v6+s15+$0x0] =	vst.idx.add.f32.msk $0xffff, v7;
	v6 =	vmov v22  }
0x62a: {  	v7 =	vmul.f32 v27, v10;
	[tilespmem:v19+s15+$0x0] =	vst.idx.add.f32.msk $0xffff, v12  }
.Ltmp32:
0x62b: {  	[tilespmem:v15+s15+$0x0] =	vst.idx.add.f32.msk $0xffff, v8;
	v8 =	vmul.f32 v28, v11;
	(pc) =	sbr.rel @p0 .LBB2_58-.Ltmp32, $4  }
0x62c: {  	[tilespmem:v17+s15+$0x0] =	vst.idx.add.f32.msk $0xffff, v7;
	v7 =	vmul.f32 v23, v13  }
0x62d: {  	[tilespmem:v20+s15+$0x0] =	vst.idx.add.f32.msk $0xffff, v8;
	v8 =	vmul.f32 v24, v16  }
0x62e: {  	[tilespmem:v9+s15+$0x0] =	vst.idx.add.f32.msk $0xffff, v7;
	v7 =	vmul.f32 v21, v18  }
0x62f: {  	s23 =	sadd.s32 $0x80, s23;
	[tilespmem:v14+s15+$0x0] =	vst.idx.add.f32.msk $0xffff, v8  }
0x630: {  	_ =	sdelay $0x3  }
0x631: {  	[tilespmem:v6+s15+$0x0] =	vst.idx.add.f32.msk $0xffff, v7  }
.LBB2_60:
0x632: {  	s20 =	sshra.s32 s28, $0x2  }
0x633: {  	v6 =	vld [tilespmem:s20+$0x18E80];
	_ =	sdelay $0x4  }
0x634: {  	v7 =	vld [tilespmem:s20+$0x19680];
	v8 =	vcvt.s32.f32 v6;
	_ =	sdelay $0x1  }
0x635: {  	v8 =	vadd.f32 $5.000000000e-01, v8;
	_ =	sdelay $0x1  }
0x636: {  	v8 =	vmul.f32 $3.999999900e-05, v8  }
0x637: {  	v9 =	vld [tilespmem:s20+$0x19E80]  }
0x638: {  	v6 =	vld.idx.msk [tilespmem:v6+s3+$0x0], $0xffff;
	v8 =	vtrunc.f32 v8  }
0x639: {  	v8 =	vcvt.f32.s32 v8  }
0x63a: {  	v7 =	vld.idx.msk [tilespmem:v7+s3+$0x0], $0xffff  }
0x63b: {  	v8 =	vshll.u32 v8, $0x4  }
0x63c: {  	p0 =	sne.s32 s28, $0x100;
	v8 =	vadd.s32 v5, v8  }
.Ltmp33:
0x63d: {  	v6 =	vmul.f32 v6, v9;
	(pc) =	sbr.rel @p0 .LBB2_60-.Ltmp33, $3  }
0x63e: {  	_ = 	snop  }
0x63f: {  	v6 =	vmul.f32 v7, v6;
	_ =	sdelay $0x1  }
0x640: {  	s28 =	sadd.s32 $0x40, s28;
	[tilespmem:v8+s15+$0x0] =	vst.idx.add.f32.msk $0xffff, v6  }
0x641: {  	p0 =	seq.s32 s19, $0x18  }
0x642: {  	s20 =	smul.u32 @!p0 $0xFA0, s19;
	_ =	sdelay $0x1  }
0x643: {  	s20 =	sadd.s32 @!p0 s20, s13  }
0x644: {  	s20 =	sshrl.u32 @!p0 s20, $0x3  }
0x645: {  	s22 =	simm.s32 @!p0 $0x0;
	s23 =	simm.s32 @!p0 $0x18700;
	s21 =	sadd.s32 @!p0 s5, s20  }
0x646: {  	[tilespmem:s23], [sflag:$0x1] =	stream.linear.gather @!p0 [hbm4b:s21+s22], $0x7D0, $0x38;
	[tilespmem:$0x1B900] =	vst v63  }
0x647: {  	s21 =	sadd.s32 @!p0 s6, s20;
	s23 =	simm.s32 @!p0 $0x18F00  }
0x648: {  	[tilespmem:s23], [sflag:$0x1] =	stream.linear.gather @!p0 [hbm4b:s21+s22], $0x7D0, $0x38;
	[tilespmem:$0x1B900] =	vst v63  }
0x649: {  	s20 =	sadd.s32 @!p0 s2, s20;
	s21 =	simm.s32 @!p0 $0x19700  }
0x64a: {  	[tilespmem:s21], [sflag:$0x1] =	stream.linear.gather @!p0 [hbm4b:s20+s22], $0x7D0, $0x38;
	[tilespmem:$0x1B900] =	vst v63  }
0x64b: {  	_ =	swait.ge [sflag:s16], $0x7D0  }
0x64c: {  	[sflag:s16] =	ssyncset.done $0x0  }
0x64d: {  	[sflag:s16] =	ssyncadd.s32 $0xFFFFF830  }
0x64e: {  	_ =	swait.ge [sflag:s16], $0x7D0  }
0x64f: {  	[sflag:s16] =	ssyncset.done $0x0  }
0x650: {  	[sflag:s16] =	ssyncadd.s32 $0xFFFFF830  }
0x651: {  	_ =	swait.ge [sflag:s16], $0x7D0  }
0x652: {  	[sflag:s16] =	ssyncset.done $0x0  }
0x653: {  	s23 =	simm.s32 $0x19F40;
	[sflag:s16] =	ssyncadd.s32 $0xFFFFF830  }
0x654: {  	v6 =	vld [tilespmem:s23+$0x30]  }
0x655: {  	v7 =	vld [tilespmem:s23+$0xFFFFFFD0]  }
0x656: {  	v8 =	vld [tilespmem:s23+$0xFFFFFFE0]  }
0x657: {  	s21 =	simm.s32 $0x1A740;
	v9 =	vld [tilespmem:s23+$0xFFFFFFF0]  }
0x658: {  	v10 =	vld [tilespmem:s21+$0x30]  }
0x659: {  	v11 =	vld [tilespmem:s23+$0x0]  }
0x65a: {  	v13 =	vld [tilespmem:s23+$0x10]  }
0x65b: {  	v14 =	vld [tilespmem:s23+$0x20]  }
0x65c: {  	v15 =	vld [tilespmem:s23+$0xFFFFFFC0]  }
0x65d: {  	s22 =	simm.s32 $0x1AF40;
	v16 =	vld [tilespmem:s21+$0xFFFFFFC0]  }
0x65e: {  	v17 =	vld [tilespmem:s22+$0x30]  }
0x65f: {  	v18 =	vld [tilespmem:s21+$0xFFFFFFD0]  }
0x660: {  	v19 =	vld [tilespmem:s21+$0xFFFFFFE0]  }
0x661: {  	v20 =	vld [tilespmem:s21+$0xFFFFFFF0]  }
0x662: {  	v21 =	vld [tilespmem:s21+$0x0];
	v12 =	vcvt.s32.f32 v6  }
0x663: {  	v56 =	vld [tilespmem:s21+$0x10]  }
0x664: {  	v23 =	vld [tilespmem:s21+$0x20];
	v12 =	vadd.f32 $5.000000000e-01, v12  }
0x665: {  	v27 =	vld [tilespmem:s22+$0xFFFFFFC0]  }
0x666: {  	v28 =	vld [tilespmem:s22+$0xFFFFFFD0];
	v12 =	vmul.f32 $3.999999900e-05, v12  }
0x667: {  	s20 =	simm.s32 $0x0;
	v29 =	vld [tilespmem:s22+$0xFFFFFFE0];
	v22 =	vcvt.s32.f32 v7;
	v24 =	vcvt.s32.f32 v11  }
0x668: {  	v25 =	vcvt.s32.f32 v13;
	v6 =	vld.idx.msk [tilespmem:v6+s20+$0x0], $0xffff;
	v12 =	vtrunc.f32 v12  }
0x669: {  	v30 =	vld [tilespmem:s22+$0xFFFFFFF0];
	v26 =	vcvt.s32.f32 v14;
	v12 =	vcvt.f32.s32 v12  }
0x66a: {  	v58 =	vcvt.s32.f32 v9;
	v22 =	vadd.f32 $5.000000000e-01, v22;
	v24 =	vadd.f32 $5.000000000e-01, v24;
	v10 =	vld.idx.msk [tilespmem:v10+s20+$0x0], $0xffff  }
0x66b: {  	v31 =	vld [tilespmem:s22+$0x0];
	v25 =	vadd.f32 $5.000000000e-01, v25;
	v26 =	vadd.f32 $5.000000000e-01, v26;
	v12 =	vshll.u32 v12, $0x4  }
0x66c: {  	v57 =	vld.idx.msk [tilespmem:v15+s20+$0x0], $0xffff;
	v15 =	vcvt.s32.f32 v15;
	v22 =	vmul.f32 $3.999999900e-05, v22;
	v12 =	vadd.s32 v5, v12  }
0x66d: {  	v59 =	vld [tilespmem:s22+$0x10];
	v24 =	vmul.f32 $3.999999900e-05, v24;
	v6 =	vmul.f32 v6, v17  }
0x66e: {  	v7 =	vld.idx.msk [tilespmem:v7+s20+$0x0], $0xffff;
	v25 =	vmul.f32 $3.999999900e-05, v25;
	v26 =	vmul.f32 $3.999999900e-05, v26  }
0x66f: {  	v9 =	vld.idx.msk [tilespmem:v9+s20+$0x0], $0xffff;
	v15 =	vadd.f32 $5.000000000e-01, v15;
	v22 =	vtrunc.f32 v22;
	v6 =	vmul.f32 v10, v6  }
0x670: {  	v13 =	vld.idx.msk [tilespmem:v13+s20+$0x0], $0xffff;
	v24 =	vtrunc.f32 v24;
	v25 =	vtrunc.f32 v25  }
0x671: {  	v15 =	vmul.f32 $3.999999900e-05, v15;
	[tilespmem:v12+s15+$0x0] =	vst.idx.add.f32.msk $0xffff, v6;
	v6 =	vcvt.s32.f32 v8  }
0x672: {  	v60 =	vld [tilespmem:s22+$0x20];
	v22 =	vcvt.f32.s32 v22;
	v24 =	vcvt.f32.s32 v24  }
0x673: {  	v11 =	vld.idx.msk [tilespmem:v11+s20+$0x0], $0xffff;
	v25 =	vcvt.f32.s32 v25;
	v7 =	vmul.f32 v7, v28;
	v6 =	vadd.f32 $5.000000000e-01, v6  }
0x674: {  	v14 =	vld.idx.msk [tilespmem:v14+s20+$0x0], $0xffff;
	v9 =	vmul.f32 v9, v30;
	v15 =	vtrunc.f32 v15;
	v12 =	vadd.f32 $5.000000000e-01, v58  }
0x675: {  	v16 =	vld.idx.msk [tilespmem:v16+s20+$0x0], $0xffff;
	v15 =	vcvt.f32.s32 v15;
	v6 =	vmul.f32 $3.999999900e-05, v6  }
0x676: {  	v18 =	vld.idx.msk [tilespmem:v18+s20+$0x0], $0xffff;
	v62 =	vmul.f32 v13, v59;
	v22 =	vshll.u32 v22, $0x4;
	v12 =	vmul.f32 $3.999999900e-05, v12  }
0x677: {  	v25 =	vshll.u32 v25, $0x4;
	v15 =	vshll.u32 v15, $0x4;
	v8 =	vld.idx.msk [tilespmem:v8+s20+$0x0], $0xffff;
	v6 =	vtrunc.f32 v6  }
0x678: {  	v17 =	vld.idx.msk [tilespmem:v56+s20+$0x0], $0xffff;
	v15 =	vadd.s32 v5, v15;
	v12 =	vtrunc.f32 v12;
	v6 =	vcvt.f32.s32 v6  }
0x679: {  	v19 =	vld.idx.msk [tilespmem:v19+s20+$0x0], $0xffff;
	v10 =	vmul.f32 v57, v27;
	v22 =	vadd.s32 v5, v22;
	v12 =	vcvt.f32.s32 v12  }
0x67a: {  	v20 =	vld.idx.msk [tilespmem:v20+s20+$0x0], $0xffff;
	v24 =	vshll.u32 v24, $0x4;
	v61 =	vadd.s32 v5, v25;
	v6 =	vshll.u32 v6, $0x4  }
0x67b: {  	v21 =	vld.idx.msk [tilespmem:v21+s20+$0x0], $0xffff;
	v10 =	vmul.f32 v16, v10;
	v12 =	vshll.u32 v12, $0x4;
	v6 =	vadd.s32 v5, v6  }
0x67c: {  	v23 =	vld.idx.msk [tilespmem:v23+s20+$0x0], $0xffff;
	v7 =	vmul.f32 v18, v7;
	v8 =	vmul.f32 v8, v29;
	v12 =	vadd.s32 v5, v12  }
0x67d: {  	v26 =	vtrunc.f32 v26;
	v24 =	vadd.s32 v5, v24;
	[tilespmem:v15+s15+$0x0] =	vst.idx.add.f32.msk $0xffff, v10;
	v10 =	vmul.f32 v17, v62  }
0x67e: {  	v11 =	vmul.f32 v11, v31;
	[tilespmem:v22+s15+$0x0] =	vst.idx.add.f32.msk $0xffff, v7;
	v8 =	vmul.f32 v19, v8  }
0x67f: {  	v63 =	vcvt.f32.s32 v26;
	v7 =	vmul.f32 v20, v9;
	[tilespmem:v61+s15+$0x0] =	vst.idx.add.f32.msk $0xffff, v10  }
0x680: {  	[tilespmem:v6+s15+$0x0] =	vst.idx.add.f32.msk $0xffff, v8;
	v6 =	vmul.f32 v21, v11;
	v8 =	vmul.f32 v14, v60  }
0x681: {  	[tilespmem:v12+s15+$0x0] =	vst.idx.add.f32.msk $0xffff, v7;
	v7 =	vshll.u32 v63, $0x4  }
0x682: {  	s28 =	simm.s32 $0x19FC0;
	s23 =	simm.s32 $0x0;
	[tilespmem:v24+s15+$0x0] =	vst.idx.add.f32.msk $0xffff, v6;
	v6 =	vadd.s32 v5, v7;
	v7 =	vmul.f32 v23, v8  }
.LBB2_62:
0x683: {  	v8 =	vld [tilespmem:s28+$0x30];
	s23 =	sadd.s32 $0x8, s23  }
0x684: {  	v9 =	vld [tilespmem:s28+$0xFFFFFFD0];
	p1 =	slt.u32 s23, $0x70  }
0x685: {  	v10 =	vld [tilespmem:s28+$0xFFFFFFE0]  }
0x686: {  	s21 =	sadd.s32 $0x80, s21;
	v11 =	vld [tilespmem:s28+$0xFFFFFFF0]  }
0x687: {  	v12 =	vld [tilespmem:s21+$0x30]  }
0x688: {  	v13 =	vld [tilespmem:s28+$0x0];
	v14 =	vcvt.s32.f32 v8  }
0x689: {  	v15 =	vcvt.s32.f32 v9;
	v16 =	vld [tilespmem:s28+$0x10]  }
0x68a: {  	v17 =	vcvt.s32.f32 v10;
	v18 =	vld [tilespmem:s28+$0x20];
	v14 =	vadd.f32 $5.000000000e-01, v14  }
0x68b: {  	v19 =	vld [tilespmem:s28+$0xFFFFFFC0];
	v15 =	vadd.f32 $5.000000000e-01, v15;
	v20 =	vcvt.s32.f32 v11  }
0x68c: {  	v21 =	vld [tilespmem:s21+$0xFFFFFFC0];
	v17 =	vadd.f32 $5.000000000e-01, v17;
	v14 =	vmul.f32 $3.999999900e-05, v14  }
0x68d: {  	s22 =	sadd.s32 $0x80, s22;
	v15 =	vmul.f32 $3.999999900e-05, v15;
	v20 =	vadd.f32 $5.000000000e-01, v20;
	v22 =	vcvt.s32.f32 v13;
	v8 =	vld.idx.msk [tilespmem:v8+s20+$0x0], $0xffff  }
0x68e: {  	v23 =	vcvt.s32.f32 v16;
	v24 =	vld [tilespmem:s22+$0x30];
	v14 =	vtrunc.f32 v14  }
0x68f: {  	v22 =	vadd.f32 $5.000000000e-01, v22;
	v25 =	vcvt.s32.f32 v18;
	v12 =	vld.idx.msk [tilespmem:v12+s20+$0x0], $0xffff;
	v14 =	vcvt.f32.s32 v14  }
0x690: {  	v17 =	vmul.f32 $3.999999900e-05, v17;
	v26 =	vcvt.s32.f32 v19;
	v27 =	vld [tilespmem:s21+$0xFFFFFFD0];
	v23 =	vadd.f32 $5.000000000e-01, v23  }
0x691: {  	v20 =	vmul.f32 $3.999999900e-05, v20;
	v28 =	vld [tilespmem:s21+$0xFFFFFFE0];
	v25 =	vadd.f32 $5.000000000e-01, v25;
	v14 =	vshll.u32 v14, $0x4  }
0x692: {  	v22 =	vmul.f32 $3.999999900e-05, v22;
	v26 =	vadd.f32 $5.000000000e-01, v26;
	v29 =	vld [tilespmem:s21+$0xFFFFFFF0];
	v14 =	vadd.s32 v5, v14  }
0x693: {  	v23 =	vmul.f32 $3.999999900e-05, v23;
	v30 =	vld [tilespmem:s21+$0x0];
	v8 =	vmul.f32 v8, v24  }
0x694: {  	v25 =	vmul.f32 $3.999999900e-05, v25;
	v24 =	vmul.f32 $3.999999900e-05, v26;
	v26 =	vld [tilespmem:s21+$0x10]  }
0x695: {  	v15 =	vtrunc.f32 v15;
	v31 =	vld [tilespmem:s21+$0x20];
	v8 =	vmul.f32 v12, v8  }
0x696: {  	v17 =	vtrunc.f32 v17;
	v12 =	vld.idx.msk [tilespmem:v19+s20+$0x0], $0xffff;
	v19 =	vtrunc.f32 v24  }
0x697: {  	v20 =	vtrunc.f32 v20;
	v22 =	vtrunc.f32 v22;
	[tilespmem:v14+s15+$0x0] =	vst.idx.add.f32.msk $0xffff, v8  }
0x698: {  	v14 =	vtrunc.f32 v25;
	v8 =	vld.idx.msk [tilespmem:v9+s20+$0x0], $0xffff;
	v9 =	vtrunc.f32 v23  }
0x699: {  	v15 =	vcvt.f32.s32 v15;
	v19 =	vcvt.f32.s32 v19;
	v10 =	vld.idx.msk [tilespmem:v10+s20+$0x0], $0xffff  }
0x69a: {  	v17 =	vcvt.f32.s32 v17;
	v20 =	vcvt.f32.s32 v20;
	v11 =	vld.idx.msk [tilespmem:v11+s20+$0x0], $0xffff  }
0x69b: {  	v22 =	vcvt.f32.s32 v22;
	v19 =	vshll.u32 v19, $0x4;
	v9 =	vcvt.f32.s32 v9;
	v13 =	vld.idx.msk [tilespmem:v13+s20+$0x0], $0xffff  }
0x69c: {  	v15 =	vshll.u32 v15, $0x4;
	v17 =	vshll.u32 v17, $0x4;
	v14 =	vcvt.f32.s32 v14;
	v16 =	vld.idx.msk [tilespmem:v16+s20+$0x0], $0xffff  }
0x69d: {  	v20 =	vshll.u32 v20, $0x4;
	v22 =	vshll.u32 v22, $0x4;
	v9 =	vshll.u32 v9, $0x4;
	v18 =	vld.idx.msk [tilespmem:v18+s20+$0x0], $0xffff  }
0x69e: {  	v15 =	vadd.s32 v5, v15;
	v19 =	vadd.s32 v5, v19;
	v14 =	vshll.u32 v14, $0x4;
	v23 =	vld [tilespmem:s22+$0xFFFFFFC0]  }
0x69f: {  	v17 =	vadd.s32 v5, v17;
	v20 =	vadd.s32 v5, v20;
	v22 =	vadd.s32 v5, v22;
	v24 =	vld [tilespmem:s22+$0xFFFFFFD0]  }
0x6a0: {  	v14 =	vadd.s32 v5, v14;
	v9 =	vadd.s32 v5, v9;
	v25 =	vld [tilespmem:s22+$0xFFFFFFE0]  }
0x6a1: {  	v32 =	vld [tilespmem:s22+$0xFFFFFFF0]  }
0x6a2: {  	v33 =	vld [tilespmem:s22+$0x0]  }
0x6a3: {  	v12 =	vmul.f32 v12, v23;
	v23 =	vld [tilespmem:s22+$0x10]  }
0x6a4: {  	v8 =	vmul.f32 v8, v24;
	v24 =	vld [tilespmem:s22+$0x20]  }
0x6a5: {  	v21 =	vld.idx.msk [tilespmem:v21+s20+$0x0], $0xffff;
	v10 =	vmul.f32 v10, v25  }
0x6a6: {  	v25 =	vld.idx.msk [tilespmem:v27+s20+$0x0], $0xffff;
	v11 =	vmul.f32 v11, v32  }
0x6a7: {  	v27 =	vld.idx.msk [tilespmem:v28+s20+$0x0], $0xffff;
	v13 =	vmul.f32 v13, v33  }
0x6a8: {  	v28 =	vld.idx.msk [tilespmem:v29+s20+$0x0], $0xffff;
	v16 =	vmul.f32 v16, v23  }
0x6a9: {  	v23 =	vld.idx.msk [tilespmem:v30+s20+$0x0], $0xffff;
	v18 =	vmul.f32 v18, v24  }
0x6aa: {  	v24 =	vld.idx.msk [tilespmem:v26+s20+$0x0], $0xffff  }
0x6ab: {  	v12 =	vmul.f32 v21, v12;
	v21 =	vld.idx.msk [tilespmem:v31+s20+$0x0], $0xffff  }
0x6ac: {  	v8 =	vmul.f32 v25, v8;
	[tilespmem:v6+s15+$0x0] =	vst.idx.add.f32.msk $0xffff, v7;
	v6 =	vmov v14  }
0x6ad: {  	v7 =	vmul.f32 v27, v10;
	[tilespmem:v19+s15+$0x0] =	vst.idx.add.f32.msk $0xffff, v12  }
.Ltmp34:
0x6ae: {  	[tilespmem:v15+s15+$0x0] =	vst.idx.add.f32.msk $0xffff, v8;
	v8 =	vmul.f32 v28, v11;
	(pc) =	sbr.rel @p1 .LBB2_62-.Ltmp34, $4  }
0x6af: {  	[tilespmem:v17+s15+$0x0] =	vst.idx.add.f32.msk $0xffff, v7;
	v7 =	vmul.f32 v23, v13  }
0x6b0: {  	[tilespmem:v20+s15+$0x0] =	vst.idx.add.f32.msk $0xffff, v8;
	v8 =	vmul.f32 v24, v16  }
0x6b1: {  	[tilespmem:v22+s15+$0x0] =	vst.idx.add.f32.msk $0xffff, v7;
	v7 =	vmul.f32 v21, v18  }
0x6b2: {  	s28 =	sadd.s32 $0x80, s28;
	[tilespmem:v9+s15+$0x0] =	vst.idx.add.f32.msk $0xffff, v8  }
0x6b3: {  	_ =	sdelay $0x3  }
0x6b4: {  	[tilespmem:v6+s15+$0x0] =	vst.idx.add.f32.msk $0xffff, v7  }
.LBB2_64:
0x6b5: {  	s21 =	sshra.s32 s20, $0x2  }
0x6b6: {  	v6 =	vld [tilespmem:s21+$0x1A680];
	_ =	sdelay $0x4  }
0x6b7: {  	v7 =	vld [tilespmem:s21+$0x1AE80];
	v8 =	vcvt.s32.f32 v6;
	_ =	sdelay $0x1  }
0x6b8: {  	v8 =	vadd.f32 $5.000000000e-01, v8;
	_ =	sdelay $0x1  }
0x6b9: {  	v8 =	vmul.f32 $3.999999900e-05, v8  }
0x6ba: {  	v9 =	vld [tilespmem:s21+$0x1B680]  }
0x6bb: {  	v6 =	vld.idx.msk [tilespmem:v6+s3+$0x0], $0xffff;
	v8 =	vtrunc.f32 v8  }
0x6bc: {  	v8 =	vcvt.f32.s32 v8  }
0x6bd: {  	v7 =	vld.idx.msk [tilespmem:v7+s3+$0x0], $0xffff  }
0x6be: {  	v8 =	vshll.u32 v8, $0x4  }
0x6bf: {  	p1 =	sne.s32 s20, $0x100;
	v8 =	vadd.s32 v5, v8  }
.Ltmp35:
0x6c0: {  	v6 =	vmul.f32 v6, v9;
	(pc) =	sbr.rel @p1 .LBB2_64-.Ltmp35, $3  }
0x6c1: {  	_ = 	snop  }
0x6c2: {  	v6 =	vmul.f32 v7, v6;
	_ =	sdelay $0x1  }
0x6c3: {  	s20 =	sadd.s32 $0x40, s20;
	[tilespmem:v8+s15+$0x0] =	vst.idx.add.f32.msk $0xffff, v6  }
.Ltmp36:
0x6c4: {  	(pc) =	sbr.rel @p0 .LBB2_67-.Ltmp36, $1  }
0x6c5: {  	_ =	sdelay $0x3  }
0x6c6: {  	s20 =	smul.u32 $0xFA0, s19;
	_ =	sdelay $0x1  }
0x6c7: {  	s20 =	sadd.s32 s20, s14  }
0x6c8: {  	s20 =	sshrl.u32 s20, $0x3  }
0x6c9: {  	s21 =	sadd.s32 s5, s20  }
0x6ca: {  	[tilespmem:s31], [sflag:$0x2] =	stream.linear.gather [hbm4b:s21+s3], $0x7D0, $0x38;
	[tilespmem:$0x1B900] =	vst v63  }
.Ltmp37:
0x6cb: {  	_ = 	snop;
	(pc) =	sbr.rel .LBB2_57-.Ltmp37, $4  }
0x6cc: {  	s28 =	sadd.s32 s6, s20  }
0x6cd: {  	[tilespmem:s0], [sflag:$0x2] =	stream.linear.gather [hbm4b:s28+s3], $0x7D0, $0x38;
	[tilespmem:$0x1B900] =	vst v63  }
0x6ce: {  	s19 =	sadd.s32 $0x1, s19;
	s20 =	sadd.s32 s2, s20  }
0x6cf: {  	[tilespmem:s1], [sflag:$0x2] =	stream.linear.gather [hbm4b:s20+s3], $0x7D0, $0x38;
	[tilespmem:$0x1B900] =	vst v63  }
.LBB2_67:
0x6d0: {  	s18 =	simm.s32 $0x0;
	s19 =	rddreg [dreg:$0x9]  }
0x6d1: {  	[tilespmem:s18], [sflag:$0x3] =	stream.strided.gather [hbm4b:s19+s24], $0x18700, s25, s24, $0x38;
	[tilespmem:$0x1B900] =	vst v63  }
0x6d2: {  	_ =	swait.ge [sflag:s26], $0x18700  }
0x6d3: {  	[sflag:s26] =	ssyncset.done $0x0  }
0x6d4: {  	s28 =	simm.s32 $0x18700;
	[sflag:s26] =	ssyncadd.s32 $0xFFFE7900  }
0x6d5: {  	[tilespmem:s28], [sflag:$0x1] =	stream.linear.gather [hbm4b:s7+s18], $0x7D0, $0x38;
	[tilespmem:$0x1B900] =	vst v63  }
0x6d6: {  	_ = 	snop  }
0x6d7: {  	[tilespmem:s29], [sflag:$0x1] =	stream.linear.gather [hbm4b:s8+s18], $0x7D0, $0x38;
	[tilespmem:$0x1B900] =	vst v63  }
0x6d8: {  	_ = 	snop  }
0x6d9: {  	[tilespmem:s30], [sflag:$0x1] =	stream.linear.gather [hbm4b:s9+s18], $0x7D0, $0x38;
	[tilespmem:$0x1B900] =	vst v63  }
0x6da: {  	_ = 	snop  }
0x6db: {  	[tilespmem:s31], [sflag:$0x2] =	stream.linear.gather [hbm4b:s10+s18], $0x7D0, $0x38;
	[tilespmem:$0x1B900] =	vst v63  }
0x6dc: {  	_ = 	snop  }
0x6dd: {  	[tilespmem:s0], [sflag:$0x2] =	stream.linear.gather [hbm4b:s11+s18], $0x7D0, $0x38;
	[tilespmem:$0x1B900] =	vst v63  }
0x6de: {  	s19 =	simm.s32 $0x0  }
0x6df: {  	[tilespmem:s1], [sflag:$0x2] =	stream.linear.gather [hbm4b:s12+s18], $0x7D0, $0x38;
	[tilespmem:$0x1B900] =	vst v63  }
.LBB2_68:
0x6e0: {  	_ =	swait.ge [sflag:s4], $0x7D0  }
0x6e1: {  	[sflag:s4] =	ssyncset.done $0x0  }
0x6e2: {  	[sflag:s4] =	ssyncadd.s32 $0xFFFFF830  }
0x6e3: {  	_ =	swait.ge [sflag:s4], $0x7D0  }
0x6e4: {  	[sflag:s4] =	ssyncset.done $0x0  }
0x6e5: {  	[sflag:s4] =	ssyncadd.s32 $0xFFFFF830  }
0x6e6: {  	_ =	swait.ge [sflag:s4], $0x7D0  }
0x6e7: {  	[sflag:s4] =	ssyncset.done $0x0  }
0x6e8: {  	s21 =	simm.s32 $0x18740;
	[sflag:s4] =	ssyncadd.s32 $0xFFFFF830  }
0x6e9: {  	v5 =	vld [tilespmem:s21+$0x30]  }
0x6ea: {  	v6 =	vld [tilespmem:s21+$0xFFFFFFD0]  }
0x6eb: {  	v7 =	vld [tilespmem:s21+$0xFFFFFFE0]  }
0x6ec: {  	s20 =	simm.s32 $0x18F40;
	v8 =	vld [tilespmem:s21+$0xFFFFFFF0]  }
0x6ed: {  	v9 =	vld [tilespmem:s20+$0x30]  }
0x6ee: {  	v10 =	vld [tilespmem:s21+$0x0]  }
0x6ef: {  	v12 =	vld [tilespmem:s21+$0x10]  }
0x6f0: {  	v13 =	vld [tilespmem:s21+$0x20]  }
0x6f1: {  	v14 =	vld [tilespmem:s21+$0xFFFFFFC0]  }
0x6f2: {  	v15 =	vld [tilespmem:s20+$0xFFFFFFC0]  }
0x6f3: {  	v18 =	vld [tilespmem:s20+$0xFFFFFFD0]  }
0x6f4: {  	v19 =	vld [tilespmem:s20+$0xFFFFFFE0]  }
0x6f5: {  	v20 =	vld [tilespmem:s20+$0xFFFFFFF0]  }
0x6f6: {  	v21 =	vld [tilespmem:s20+$0x0]  }
0x6f7: {  	v55 =	vld [tilespmem:s20+$0x10]  }
0x6f8: {  	s21 =	simm.s32 $0x19740;
	v23 =	vld [tilespmem:s20+$0x20]  }
0x6f9: {  	v17 =	vld [tilespmem:s21+$0x30];
	v11 =	vcvt.s32.f32 v5  }
0x6fa: {  	v27 =	vld [tilespmem:s21+$0xFFFFFFC0]  }
0x6fb: {  	v28 =	vld [tilespmem:s21+$0xFFFFFFD0];
	v11 =	vadd.f32 $5.000000000e-01, v11  }
0x6fc: {  	v29 =	vld [tilespmem:s21+$0xFFFFFFE0];
	v22 =	vcvt.s32.f32 v6;
	v57 =	vcvt.s32.f32 v7  }
0x6fd: {  	v30 =	vld [tilespmem:s21+$0xFFFFFFF0];
	v58 =	vcvt.s32.f32 v8;
	v11 =	vmul.f32 $3.999999900e-05, v11  }
0x6fe: {  	v59 =	vld [tilespmem:s21+$0x10];
	v24 =	vcvt.s32.f32 v10;
	v25 =	vcvt.s32.f32 v12  }
0x6ff: {  	v26 =	vcvt.s32.f32 v13;
	v22 =	vadd.f32 $5.000000000e-01, v22;
	v16 =	vld.idx.msk [tilespmem:v5+s18+$0x0], $0xffff;
	v5 =	vtrunc.f32 v11  }
0x700: {  	v24 =	vadd.f32 $5.000000000e-01, v24;
	v25 =	vadd.f32 $5.000000000e-01, v25;
	v9 =	vld.idx.msk [tilespmem:v9+s18+$0x0], $0xffff;
	v11 =	vcvt.f32.s32 v5  }
0x701: {  	v26 =	vadd.f32 $5.000000000e-01, v26;
	v56 =	vld.idx.msk [tilespmem:v14+s18+$0x0], $0xffff;
	v14 =	vcvt.s32.f32 v14;
	v22 =	vmul.f32 $3.999999900e-05, v22  }
0x702: {  	v6 =	vld.idx.msk [tilespmem:v6+s18+$0x0], $0xffff;
	v24 =	vmul.f32 $3.999999900e-05, v24;
	v5 =	vor.u32 $0x180, v1;
	v11 =	vshll.u32 v11, $0x4  }
0x703: {  	v7 =	vld.idx.msk [tilespmem:v7+s18+$0x0], $0xffff;
	v25 =	vmul.f32 $3.999999900e-05, v25;
	v26 =	vmul.f32 $3.999999900e-05, v26;
	v11 =	vadd.s32 v5, v11  }
0x704: {  	v8 =	vld.idx.msk [tilespmem:v8+s18+$0x0], $0xffff;
	v14 =	vadd.f32 $5.000000000e-01, v14;
	v22 =	vtrunc.f32 v22;
	v16 =	vmul.f32 v16, v17  }
0x705: {  	v12 =	vld.idx.msk [tilespmem:v12+s18+$0x0], $0xffff;
	v24 =	vtrunc.f32 v24;
	v25 =	vtrunc.f32 v25  }
0x706: {  	v31 =	vld [tilespmem:s21+$0x0];
	v14 =	vmul.f32 $3.999999900e-05, v14;
	v9 =	vmul.f32 v9, v16  }
0x707: {  	v60 =	vld [tilespmem:s21+$0x20];
	v22 =	vcvt.f32.s32 v22;
	v24 =	vcvt.f32.s32 v24  }
0x708: {  	v25 =	vcvt.f32.s32 v25;
	v6 =	vmul.f32 v6, v28;
	[tilespmem:v11+s15+$0x0] =	vst.idx.add.f32.msk $0xffff, v9;
	v9 =	vadd.f32 $5.000000000e-01, v57  }
0x709: {  	v10 =	vld.idx.msk [tilespmem:v10+s18+$0x0], $0xffff;
	v7 =	vmul.f32 v7, v29;
	v8 =	vmul.f32 v8, v30;
	v11 =	vadd.f32 $5.000000000e-01, v58  }
0x70a: {  	v13 =	vld.idx.msk [tilespmem:v13+s18+$0x0], $0xffff;
	v12 =	vmul.f32 v12, v59;
	v9 =	vmul.f32 $3.999999900e-05, v9  }
0x70b: {  	v18 =	vld.idx.msk [tilespmem:v18+s18+$0x0], $0xffff;
	v14 =	vtrunc.f32 v14;
	v22 =	vshll.u32 v22, $0x4;
	v11 =	vmul.f32 $3.999999900e-05, v11  }
0x70c: {  	v17 =	vld.idx.msk [tilespmem:v55+s18+$0x0], $0xffff;
	v25 =	vshll.u32 v25, $0x4;
	v14 =	vcvt.f32.s32 v14;
	v9 =	vtrunc.f32 v9  }
0x70d: {  	v15 =	vld.idx.msk [tilespmem:v15+s18+$0x0], $0xffff;
	v22 =	vadd.s32 v5, v22;
	v11 =	vtrunc.f32 v11;
	v9 =	vcvt.f32.s32 v9  }
0x70e: {  	v19 =	vld.idx.msk [tilespmem:v19+s18+$0x0], $0xffff;
	v61 =	vadd.s32 v5, v25;
	v14 =	vshll.u32 v14, $0x4;
	v11 =	vcvt.f32.s32 v11  }
0x70f: {  	v20 =	vld.idx.msk [tilespmem:v20+s18+$0x0], $0xffff;
	v16 =	vmul.f32 v56, v27;
	v14 =	vadd.s32 v5, v14;
	v9 =	vshll.u32 v9, $0x4  }
0x710: {  	v21 =	vld.idx.msk [tilespmem:v21+s18+$0x0], $0xffff;
	v6 =	vmul.f32 v18, v6;
	v11 =	vshll.u32 v11, $0x4;
	v9 =	vadd.s32 v5, v9  }
0x711: {  	v23 =	vld.idx.msk [tilespmem:v23+s18+$0x0], $0xffff;
	v24 =	vshll.u32 v24, $0x4;
	v63 =	vmul.f32 v17, v12;
	v11 =	vadd.s32 v5, v11  }
0x712: {  	v26 =	vtrunc.f32 v26;
	v24 =	vadd.s32 v5, v24;
	v15 =	vmul.f32 v15, v16;
	[tilespmem:v22+s15+$0x0] =	vst.idx.add.f32.msk $0xffff, v6  }
0x713: {  	v10 =	vmul.f32 v10, v31;
	v7 =	vmul.f32 v19, v7;
	[tilespmem:v61+s15+$0x0] =	vst.idx.add.f32.msk $0xffff, v63  }
0x714: {  	v6 =	vmul.f32 v20, v8;
	v8 =	vcvt.f32.s32 v26;
	[tilespmem:v14+s15+$0x0] =	vst.idx.add.f32.msk $0xffff, v15  }
0x715: {  	v62 =	vmul.f32 v13, v60;
	[tilespmem:v9+s15+$0x0] =	vst.idx.add.f32.msk $0xffff, v7;
	v7 =	vmul.f32 v21, v10  }
0x716: {  	[tilespmem:v11+s15+$0x0] =	vst.idx.add.f32.msk $0xffff, v6;
	v6 =	vshll.u32 v8, $0x4  }
0x717: {  	s22 =	simm.s32 $0x0;
	s23 =	simm.s32 $0x187C0;
	v6 =	vadd.s32 v5, v6;
	[tilespmem:v24+s15+$0x0] =	vst.idx.add.f32.msk $0xffff, v7;
	v7 =	vmul.f32 v23, v62  }
.LBB2_69:
0x718: {  	v8 =	vld [tilespmem:s23+$0x30];
	s22 =	sadd.s32 $0x8, s22  }
0x719: {  	v9 =	vld [tilespmem:s23+$0xFFFFFFD0];
	p0 =	slt.u32 s22, $0x70  }
0x71a: {  	v10 =	vld [tilespmem:s23+$0xFFFFFFE0]  }
0x71b: {  	s20 =	sadd.s32 $0x80, s20;
	v11 =	vld [tilespmem:s23+$0xFFFFFFF0]  }
0x71c: {  	v12 =	vld [tilespmem:s20+$0x30]  }
0x71d: {  	v13 =	vld [tilespmem:s23+$0x0];
	v14 =	vcvt.s32.f32 v8  }
0x71e: {  	v15 =	vcvt.s32.f32 v9;
	v16 =	vld [tilespmem:s23+$0x10]  }
0x71f: {  	v17 =	vcvt.s32.f32 v10;
	v18 =	vld [tilespmem:s23+$0x20];
	v14 =	vadd.f32 $5.000000000e-01, v14  }
0x720: {  	v19 =	vld [tilespmem:s23+$0xFFFFFFC0];
	v15 =	vadd.f32 $5.000000000e-01, v15;
	v20 =	vcvt.s32.f32 v11  }
0x721: {  	s28 =	simm.s32 $0x0;
	v21 =	vld [tilespmem:s20+$0xFFFFFFC0];
	v17 =	vadd.f32 $5.000000000e-01, v17;
	v14 =	vmul.f32 $3.999999900e-05, v14  }
0x722: {  	s21 =	sadd.s32 $0x80, s21;
	v15 =	vmul.f32 $3.999999900e-05, v15;
	v20 =	vadd.f32 $5.000000000e-01, v20;
	v22 =	vcvt.s32.f32 v13;
	v8 =	vld.idx.msk [tilespmem:v8+s28+$0x0], $0xffff  }
0x723: {  	v23 =	vcvt.s32.f32 v16;
	v24 =	vld [tilespmem:s21+$0x30];
	v14 =	vtrunc.f32 v14  }
0x724: {  	v22 =	vadd.f32 $5.000000000e-01, v22;
	v25 =	vcvt.s32.f32 v18;
	v12 =	vld.idx.msk [tilespmem:v12+s28+$0x0], $0xffff;
	v14 =	vcvt.f32.s32 v14  }
0x725: {  	v17 =	vmul.f32 $3.999999900e-05, v17;
	v26 =	vcvt.s32.f32 v19;
	v27 =	vld [tilespmem:s20+$0xFFFFFFD0];
	v23 =	vadd.f32 $5.000000000e-01, v23  }
0x726: {  	v28 =	vld [tilespmem:s20+$0xFFFFFFE0];
	v25 =	vadd.f32 $5.000000000e-01, v25;
	v14 =	vshll.u32 v14, $0x4  }
0x727: {  	v20 =	vmul.f32 $3.999999900e-05, v20;
	v26 =	vadd.f32 $5.000000000e-01, v26;
	v29 =	vld [tilespmem:s20+$0xFFFFFFF0];
	v14 =	vadd.s32 v5, v14  }
0x728: {  	v22 =	vmul.f32 $3.999999900e-05, v22;
	v30 =	vld [tilespmem:s20+$0x0];
	v8 =	vmul.f32 v8, v24  }
0x729: {  	v23 =	vmul.f32 $3.999999900e-05, v23;
	v24 =	vmul.f32 $3.999999900e-05, v26;
	v26 =	vld [tilespmem:s20+$0x10]  }
0x72a: {  	v25 =	vmul.f32 $3.999999900e-05, v25;
	v31 =	vld [tilespmem:s20+$0x20];
	v8 =	vmul.f32 v12, v8  }
0x72b: {  	v15 =	vtrunc.f32 v15;
	v12 =	vld.idx.msk [tilespmem:v19+s28+$0x0], $0xffff;
	v19 =	vtrunc.f32 v24  }
0x72c: {  	v17 =	vtrunc.f32 v17;
	v20 =	vtrunc.f32 v20;
	[tilespmem:v14+s15+$0x0] =	vst.idx.add.f32.msk $0xffff, v8  }
0x72d: {  	v14 =	vtrunc.f32 v23;
	v8 =	vld.idx.msk [tilespmem:v9+s28+$0x0], $0xffff;
	v9 =	vtrunc.f32 v22  }
0x72e: {  	v19 =	vcvt.f32.s32 v19;
	v22 =	vtrunc.f32 v25;
	v10 =	vld.idx.msk [tilespmem:v10+s28+$0x0], $0xffff  }
0x72f: {  	v15 =	vcvt.f32.s32 v15;
	v17 =	vcvt.f32.s32 v17;
	v11 =	vld.idx.msk [tilespmem:v11+s28+$0x0], $0xffff  }
0x730: {  	v20 =	vcvt.f32.s32 v20;
	v19 =	vshll.u32 v19, $0x4;
	v9 =	vcvt.f32.s32 v9;
	v13 =	vld.idx.msk [tilespmem:v13+s28+$0x0], $0xffff  }
0x731: {  	v15 =	vshll.u32 v15, $0x4;
	v14 =	vcvt.f32.s32 v14;
	v22 =	vcvt.f32.s32 v22;
	v16 =	vld.idx.msk [tilespmem:v16+s28+$0x0], $0xffff  }
0x732: {  	v17 =	vshll.u32 v17, $0x4;
	v20 =	vshll.u32 v20, $0x4;
	v9 =	vshll.u32 v9, $0x4;
	v18 =	vld.idx.msk [tilespmem:v18+s28+$0x0], $0xffff  }
0x733: {  	v19 =	vadd.s32 v5, v19;
	v14 =	vshll.u32 v14, $0x4;
	v22 =	vshll.u32 v22, $0x4;
	v23 =	vld [tilespmem:s21+$0xFFFFFFC0]  }
0x734: {  	v15 =	vadd.s32 v5, v15;
	v17 =	vadd.s32 v5, v17;
	v20 =	vadd.s32 v5, v20;
	v24 =	vld [tilespmem:s21+$0xFFFFFFD0]  }
0x735: {  	v14 =	vadd.s32 v5, v14;
	v9 =	vadd.s32 v5, v9;
	v22 =	vadd.s32 v5, v22;
	v25 =	vld [tilespmem:s21+$0xFFFFFFE0]  }
0x736: {  	v32 =	vld [tilespmem:s21+$0xFFFFFFF0]  }
0x737: {  	v33 =	vld [tilespmem:s21+$0x0]  }
0x738: {  	v12 =	vmul.f32 v12, v23;
	v23 =	vld [tilespmem:s21+$0x10]  }
0x739: {  	v8 =	vmul.f32 v8, v24;
	v24 =	vld [tilespmem:s21+$0x20]  }
0x73a: {  	v21 =	vld.idx.msk [tilespmem:v21+s28+$0x0], $0xffff;
	v10 =	vmul.f32 v10, v25  }
0x73b: {  	v25 =	vld.idx.msk [tilespmem:v27+s28+$0x0], $0xffff;
	v11 =	vmul.f32 v11, v32  }
0x73c: {  	v27 =	vld.idx.msk [tilespmem:v28+s28+$0x0], $0xffff;
	v13 =	vmul.f32 v13, v33  }
0x73d: {  	v28 =	vld.idx.msk [tilespmem:v29+s28+$0x0], $0xffff;
	v16 =	vmul.f32 v16, v23  }
0x73e: {  	v23 =	vld.idx.msk [tilespmem:v30+s28+$0x0], $0xffff;
	v18 =	vmul.f32 v18, v24  }
0x73f: {  	v24 =	vld.idx.msk [tilespmem:v26+s28+$0x0], $0xffff  }
0x740: {  	v12 =	vmul.f32 v21, v12;
	v21 =	vld.idx.msk [tilespmem:v31+s28+$0x0], $0xffff  }
0x741: {  	v8 =	vmul.f32 v25, v8;
	[tilespmem:v6+s15+$0x0] =	vst.idx.add.f32.msk $0xffff, v7;
	v6 =	vmov v22  }
0x742: {  	v7 =	vmul.f32 v27, v10;
	[tilespmem:v19+s15+$0x0] =	vst.idx.add.f32.msk $0xffff, v12  }
.Ltmp38:
0x743: {  	[tilespmem:v15+s15+$0x0] =	vst.idx.add.f32.msk $0xffff, v8;
	v8 =	vmul.f32 v28, v11;
	(pc) =	sbr.rel @p0 .LBB2_69-.Ltmp38, $4  }
0x744: {  	[tilespmem:v17+s15+$0x0] =	vst.idx.add.f32.msk $0xffff, v7;
	v7 =	vmul.f32 v23, v13  }
0x745: {  	[tilespmem:v20+s15+$0x0] =	vst.idx.add.f32.msk $0xffff, v8;
	v8 =	vmul.f32 v24, v16  }
0x746: {  	[tilespmem:v9+s15+$0x0] =	vst.idx.add.f32.msk $0xffff, v7;
	v7 =	vmul.f32 v21, v18  }
0x747: {  	s23 =	sadd.s32 $0x80, s23;
	[tilespmem:v14+s15+$0x0] =	vst.idx.add.f32.msk $0xffff, v8  }
0x748: {  	_ =	sdelay $0x3  }
0x749: {  	[tilespmem:v6+s15+$0x0] =	vst.idx.add.f32.msk $0xffff, v7  }
.LBB2_71:
0x74a: {  	s20 =	sshra.s32 s28, $0x2  }
0x74b: {  	v6 =	vld [tilespmem:s20+$0x18E80];
	_ =	sdelay $0x4  }
0x74c: {  	v7 =	vld [tilespmem:s20+$0x19680];
	v8 =	vcvt.s32.f32 v6;
	_ =	sdelay $0x1  }
0x74d: {  	v8 =	vadd.f32 $5.000000000e-01, v8;
	_ =	sdelay $0x1  }
0x74e: {  	v8 =	vmul.f32 $3.999999900e-05, v8  }
0x74f: {  	v9 =	vld [tilespmem:s20+$0x19E80]  }
0x750: {  	v6 =	vld.idx.msk [tilespmem:v6+s3+$0x0], $0xffff;
	v8 =	vtrunc.f32 v8  }
0x751: {  	v8 =	vcvt.f32.s32 v8  }
0x752: {  	v7 =	vld.idx.msk [tilespmem:v7+s3+$0x0], $0xffff  }
0x753: {  	v8 =	vshll.u32 v8, $0x4  }
0x754: {  	p0 =	sne.s32 s28, $0x100;
	v8 =	vadd.s32 v5, v8  }
.Ltmp39:
0x755: {  	v6 =	vmul.f32 v6, v9;
	(pc) =	sbr.rel @p0 .LBB2_71-.Ltmp39, $3  }
0x756: {  	_ = 	snop  }
0x757: {  	v6 =	vmul.f32 v7, v6;
	_ =	sdelay $0x1  }
0x758: {  	s28 =	sadd.s32 $0x40, s28;
	[tilespmem:v8+s15+$0x0] =	vst.idx.add.f32.msk $0xffff, v6  }
0x759: {  	p0 =	seq.s32 s19, $0x18  }
0x75a: {  	s20 =	smul.u32 @!p0 $0xFA0, s19;
	_ =	sdelay $0x1  }
0x75b: {  	s20 =	sadd.s32 @!p0 s20, s13  }
0x75c: {  	s20 =	sshrl.u32 @!p0 s20, $0x3  }
0x75d: {  	s22 =	simm.s32 @!p0 $0x0;
	s23 =	simm.s32 @!p0 $0x18700;
	s21 =	sadd.s32 @!p0 s5, s20  }
0x75e: {  	[tilespmem:s23], [sflag:$0x1] =	stream.linear.gather @!p0 [hbm4b:s21+s22], $0x7D0, $0x38;
	[tilespmem:$0x1B900] =	vst v63  }
0x75f: {  	s21 =	sadd.s32 @!p0 s6, s20;
	s23 =	simm.s32 @!p0 $0x18F00  }
0x760: {  	[tilespmem:s23], [sflag:$0x1] =	stream.linear.gather @!p0 [hbm4b:s21+s22], $0x7D0, $0x38;
	[tilespmem:$0x1B900] =	vst v63  }
0x761: {  	s20 =	sadd.s32 @!p0 s2, s20;
	s21 =	simm.s32 @!p0 $0x19700  }
0x762: {  	[tilespmem:s21], [sflag:$0x1] =	stream.linear.gather @!p0 [hbm4b:s20+s22], $0x7D0, $0x38;
	[tilespmem:$0x1B900] =	vst v63  }
0x763: {  	_ =	swait.ge [sflag:s16], $0x7D0  }
0x764: {  	[sflag:s16] =	ssyncset.done $0x0  }
0x765: {  	[sflag:s16] =	ssyncadd.s32 $0xFFFFF830  }
0x766: {  	_ =	swait.ge [sflag:s16], $0x7D0  }
0x767: {  	[sflag:s16] =	ssyncset.done $0x0  }
0x768: {  	[sflag:s16] =	ssyncadd.s32 $0xFFFFF830  }
0x769: {  	_ =	swait.ge [sflag:s16], $0x7D0  }
0x76a: {  	[sflag:s16] =	ssyncset.done $0x0  }
0x76b: {  	s23 =	simm.s32 $0x19F40;
	[sflag:s16] =	ssyncadd.s32 $0xFFFFF830  }
0x76c: {  	v6 =	vld [tilespmem:s23+$0x30]  }
0x76d: {  	v7 =	vld [tilespmem:s23+$0xFFFFFFD0]  }
0x76e: {  	v8 =	vld [tilespmem:s23+$0xFFFFFFE0]  }
0x76f: {  	s21 =	simm.s32 $0x1A740;
	v9 =	vld [tilespmem:s23+$0xFFFFFFF0]  }
0x770: {  	v10 =	vld [tilespmem:s21+$0x30]  }
0x771: {  	v11 =	vld [tilespmem:s23+$0x0]  }
0x772: {  	v13 =	vld [tilespmem:s23+$0x10]  }
0x773: {  	v14 =	vld [tilespmem:s23+$0x20]  }
0x774: {  	v15 =	vld [tilespmem:s23+$0xFFFFFFC0]  }
0x775: {  	s22 =	simm.s32 $0x1AF40;
	v16 =	vld [tilespmem:s21+$0xFFFFFFC0]  }
0x776: {  	v17 =	vld [tilespmem:s22+$0x30]  }
0x777: {  	v18 =	vld [tilespmem:s21+$0xFFFFFFD0]  }
0x778: {  	v19 =	vld [tilespmem:s21+$0xFFFFFFE0]  }
0x779: {  	v20 =	vld [tilespmem:s21+$0xFFFFFFF0]  }
0x77a: {  	v21 =	vld [tilespmem:s21+$0x0];
	v12 =	vcvt.s32.f32 v6  }
0x77b: {  	v56 =	vld [tilespmem:s21+$0x10]  }
0x77c: {  	v23 =	vld [tilespmem:s21+$0x20];
	v12 =	vadd.f32 $5.000000000e-01, v12  }
0x77d: {  	v27 =	vld [tilespmem:s22+$0xFFFFFFC0]  }
0x77e: {  	v28 =	vld [tilespmem:s22+$0xFFFFFFD0];
	v12 =	vmul.f32 $3.999999900e-05, v12  }
0x77f: {  	s20 =	simm.s32 $0x0;
	v29 =	vld [tilespmem:s22+$0xFFFFFFE0];
	v22 =	vcvt.s32.f32 v7;
	v24 =	vcvt.s32.f32 v11  }
0x780: {  	v25 =	vcvt.s32.f32 v13;
	v6 =	vld.idx.msk [tilespmem:v6+s20+$0x0], $0xffff;
	v12 =	vtrunc.f32 v12  }
0x781: {  	v30 =	vld [tilespmem:s22+$0xFFFFFFF0];
	v26 =	vcvt.s32.f32 v14;
	v12 =	vcvt.f32.s32 v12  }
0x782: {  	v58 =	vcvt.s32.f32 v9;
	v22 =	vadd.f32 $5.000000000e-01, v22;
	v24 =	vadd.f32 $5.000000000e-01, v24;
	v10 =	vld.idx.msk [tilespmem:v10+s20+$0x0], $0xffff  }
0x783: {  	v31 =	vld [tilespmem:s22+$0x0];
	v25 =	vadd.f32 $5.000000000e-01, v25;
	v26 =	vadd.f32 $5.000000000e-01, v26;
	v12 =	vshll.u32 v12, $0x4  }
0x784: {  	v57 =	vld.idx.msk [tilespmem:v15+s20+$0x0], $0xffff;
	v15 =	vcvt.s32.f32 v15;
	v22 =	vmul.f32 $3.999999900e-05, v22;
	v12 =	vadd.s32 v5, v12  }
0x785: {  	v59 =	vld [tilespmem:s22+$0x10];
	v24 =	vmul.f32 $3.999999900e-05, v24;
	v6 =	vmul.f32 v6, v17  }
0x786: {  	v7 =	vld.idx.msk [tilespmem:v7+s20+$0x0], $0xffff;
	v25 =	vmul.f32 $3.999999900e-05, v25;
	v26 =	vmul.f32 $3.999999900e-05, v26  }
0x787: {  	v9 =	vld.idx.msk [tilespmem:v9+s20+$0x0], $0xffff;
	v15 =	vadd.f32 $5.000000000e-01, v15;
	v22 =	vtrunc.f32 v22;
	v6 =	vmul.f32 v10, v6  }
0x788: {  	v13 =	vld.idx.msk [tilespmem:v13+s20+$0x0], $0xffff;
	v24 =	vtrunc.f32 v24;
	v25 =	vtrunc.f32 v25  }
0x789: {  	v15 =	vmul.f32 $3.999999900e-05, v15;
	[tilespmem:v12+s15+$0x0] =	vst.idx.add.f32.msk $0xffff, v6;
	v6 =	vcvt.s32.f32 v8  }
0x78a: {  	v60 =	vld [tilespmem:s22+$0x20];
	v22 =	vcvt.f32.s32 v22;
	v24 =	vcvt.f32.s32 v24  }
0x78b: {  	v11 =	vld.idx.msk [tilespmem:v11+s20+$0x0], $0xffff;
	v25 =	vcvt.f32.s32 v25;
	v7 =	vmul.f32 v7, v28;
	v6 =	vadd.f32 $5.000000000e-01, v6  }
0x78c: {  	v14 =	vld.idx.msk [tilespmem:v14+s20+$0x0], $0xffff;
	v9 =	vmul.f32 v9, v30;
	v15 =	vtrunc.f32 v15;
	v12 =	vadd.f32 $5.000000000e-01, v58  }
0x78d: {  	v16 =	vld.idx.msk [tilespmem:v16+s20+$0x0], $0xffff;
	v15 =	vcvt.f32.s32 v15;
	v6 =	vmul.f32 $3.999999900e-05, v6  }
0x78e: {  	v18 =	vld.idx.msk [tilespmem:v18+s20+$0x0], $0xffff;
	v62 =	vmul.f32 v13, v59;
	v22 =	vshll.u32 v22, $0x4;
	v12 =	vmul.f32 $3.999999900e-05, v12  }
0x78f: {  	v25 =	vshll.u32 v25, $0x4;
	v15 =	vshll.u32 v15, $0x4;
	v8 =	vld.idx.msk [tilespmem:v8+s20+$0x0], $0xffff;
	v6 =	vtrunc.f32 v6  }
0x790: {  	v17 =	vld.idx.msk [tilespmem:v56+s20+$0x0], $0xffff;
	v15 =	vadd.s32 v5, v15;
	v12 =	vtrunc.f32 v12;
	v6 =	vcvt.f32.s32 v6  }
0x791: {  	v19 =	vld.idx.msk [tilespmem:v19+s20+$0x0], $0xffff;
	v10 =	vmul.f32 v57, v27;
	v22 =	vadd.s32 v5, v22;
	v12 =	vcvt.f32.s32 v12  }
0x792: {  	v20 =	vld.idx.msk [tilespmem:v20+s20+$0x0], $0xffff;
	v24 =	vshll.u32 v24, $0x4;
	v61 =	vadd.s32 v5, v25;
	v6 =	vshll.u32 v6, $0x4  }
0x793: {  	v21 =	vld.idx.msk [tilespmem:v21+s20+$0x0], $0xffff;
	v10 =	vmul.f32 v16, v10;
	v12 =	vshll.u32 v12, $0x4;
	v6 =	vadd.s32 v5, v6  }
0x794: {  	v23 =	vld.idx.msk [tilespmem:v23+s20+$0x0], $0xffff;
	v7 =	vmul.f32 v18, v7;
	v8 =	vmul.f32 v8, v29;
	v12 =	vadd.s32 v5, v12  }
0x795: {  	v26 =	vtrunc.f32 v26;
	v24 =	vadd.s32 v5, v24;
	[tilespmem:v15+s15+$0x0] =	vst.idx.add.f32.msk $0xffff, v10;
	v10 =	vmul.f32 v17, v62  }
0x796: {  	v11 =	vmul.f32 v11, v31;
	[tilespmem:v22+s15+$0x0] =	vst.idx.add.f32.msk $0xffff, v7;
	v8 =	vmul.f32 v19, v8  }
0x797: {  	v63 =	vcvt.f32.s32 v26;
	v7 =	vmul.f32 v20, v9;
	[tilespmem:v61+s15+$0x0] =	vst.idx.add.f32.msk $0xffff, v10  }
0x798: {  	[tilespmem:v6+s15+$0x0] =	vst.idx.add.f32.msk $0xffff, v8;
	v6 =	vmul.f32 v21, v11;
	v8 =	vmul.f32 v14, v60  }
0x799: {  	[tilespmem:v12+s15+$0x0] =	vst.idx.add.f32.msk $0xffff, v7;
	v7 =	vshll.u32 v63, $0x4  }
0x79a: {  	s28 =	simm.s32 $0x19FC0;
	s23 =	simm.s32 $0x0;
	[tilespmem:v24+s15+$0x0] =	vst.idx.add.f32.msk $0xffff, v6;
	v6 =	vadd.s32 v5, v7;
	v7 =	vmul.f32 v23, v8  }
.LBB2_73:
0x79b: {  	v8 =	vld [tilespmem:s28+$0x30];
	s23 =	sadd.s32 $0x8, s23  }
0x79c: {  	v9 =	vld [tilespmem:s28+$0xFFFFFFD0];
	p1 =	slt.u32 s23, $0x70  }
0x79d: {  	v10 =	vld [tilespmem:s28+$0xFFFFFFE0]  }
0x79e: {  	s21 =	sadd.s32 $0x80, s21;
	v11 =	vld [tilespmem:s28+$0xFFFFFFF0]  }
0x79f: {  	v12 =	vld [tilespmem:s21+$0x30]  }
0x7a0: {  	v13 =	vld [tilespmem:s28+$0x0];
	v14 =	vcvt.s32.f32 v8  }
0x7a1: {  	v15 =	vcvt.s32.f32 v9;
	v16 =	vld [tilespmem:s28+$0x10]  }
0x7a2: {  	v17 =	vcvt.s32.f32 v10;
	v18 =	vld [tilespmem:s28+$0x20];
	v14 =	vadd.f32 $5.000000000e-01, v14  }
0x7a3: {  	v19 =	vld [tilespmem:s28+$0xFFFFFFC0];
	v15 =	vadd.f32 $5.000000000e-01, v15;
	v20 =	vcvt.s32.f32 v11  }
0x7a4: {  	v21 =	vld [tilespmem:s21+$0xFFFFFFC0];
	v17 =	vadd.f32 $5.000000000e-01, v17;
	v14 =	vmul.f32 $3.999999900e-05, v14  }
0x7a5: {  	s22 =	sadd.s32 $0x80, s22;
	v15 =	vmul.f32 $3.999999900e-05, v15;
	v20 =	vadd.f32 $5.000000000e-01, v20;
	v22 =	vcvt.s32.f32 v13;
	v8 =	vld.idx.msk [tilespmem:v8+s20+$0x0], $0xffff  }
0x7a6: {  	v23 =	vcvt.s32.f32 v16;
	v24 =	vld [tilespmem:s22+$0x30];
	v14 =	vtrunc.f32 v14  }
0x7a7: {  	v22 =	vadd.f32 $5.000000000e-01, v22;
	v25 =	vcvt.s32.f32 v18;
	v12 =	vld.idx.msk [tilespmem:v12+s20+$0x0], $0xffff;
	v14 =	vcvt.f32.s32 v14  }
0x7a8: {  	v17 =	vmul.f32 $3.999999900e-05, v17;
	v26 =	vcvt.s32.f32 v19;
	v27 =	vld [tilespmem:s21+$0xFFFFFFD0];
	v23 =	vadd.f32 $5.000000000e-01, v23  }
0x7a9: {  	v20 =	vmul.f32 $3.999999900e-05, v20;
	v28 =	vld [tilespmem:s21+$0xFFFFFFE0];
	v25 =	vadd.f32 $5.000000000e-01, v25;
	v14 =	vshll.u32 v14, $0x4  }
0x7aa: {  	v22 =	vmul.f32 $3.999999900e-05, v22;
	v26 =	vadd.f32 $5.000000000e-01, v26;
	v29 =	vld [tilespmem:s21+$0xFFFFFFF0];
	v14 =	vadd.s32 v5, v14  }
0x7ab: {  	v23 =	vmul.f32 $3.999999900e-05, v23;
	v30 =	vld [tilespmem:s21+$0x0];
	v8 =	vmul.f32 v8, v24  }
0x7ac: {  	v25 =	vmul.f32 $3.999999900e-05, v25;
	v24 =	vmul.f32 $3.999999900e-05, v26;
	v26 =	vld [tilespmem:s21+$0x10]  }
0x7ad: {  	v15 =	vtrunc.f32 v15;
	v31 =	vld [tilespmem:s21+$0x20];
	v8 =	vmul.f32 v12, v8  }
0x7ae: {  	v17 =	vtrunc.f32 v17;
	v12 =	vld.idx.msk [tilespmem:v19+s20+$0x0], $0xffff;
	v19 =	vtrunc.f32 v24  }
0x7af: {  	v20 =	vtrunc.f32 v20;
	v22 =	vtrunc.f32 v22;
	[tilespmem:v14+s15+$0x0] =	vst.idx.add.f32.msk $0xffff, v8  }
0x7b0: {  	v14 =	vtrunc.f32 v25;
	v8 =	vld.idx.msk [tilespmem:v9+s20+$0x0], $0xffff;
	v9 =	vtrunc.f32 v23  }
0x7b1: {  	v15 =	vcvt.f32.s32 v15;
	v19 =	vcvt.f32.s32 v19;
	v10 =	vld.idx.msk [tilespmem:v10+s20+$0x0], $0xffff  }
0x7b2: {  	v17 =	vcvt.f32.s32 v17;
	v20 =	vcvt.f32.s32 v20;
	v11 =	vld.idx.msk [tilespmem:v11+s20+$0x0], $0xffff  }
0x7b3: {  	v22 =	vcvt.f32.s32 v22;
	v19 =	vshll.u32 v19, $0x4;
	v9 =	vcvt.f32.s32 v9;
	v13 =	vld.idx.msk [tilespmem:v13+s20+$0x0], $0xffff  }
0x7b4: {  	v15 =	vshll.u32 v15, $0x4;
	v17 =	vshll.u32 v17, $0x4;
	v14 =	vcvt.f32.s32 v14;
	v16 =	vld.idx.msk [tilespmem:v16+s20+$0x0], $0xffff  }
0x7b5: {  	v20 =	vshll.u32 v20, $0x4;
	v22 =	vshll.u32 v22, $0x4;
	v9 =	vshll.u32 v9, $0x4;
	v18 =	vld.idx.msk [tilespmem:v18+s20+$0x0], $0xffff  }
0x7b6: {  	v15 =	vadd.s32 v5, v15;
	v19 =	vadd.s32 v5, v19;
	v14 =	vshll.u32 v14, $0x4;
	v23 =	vld [tilespmem:s22+$0xFFFFFFC0]  }
0x7b7: {  	v17 =	vadd.s32 v5, v17;
	v20 =	vadd.s32 v5, v20;
	v22 =	vadd.s32 v5, v22;
	v24 =	vld [tilespmem:s22+$0xFFFFFFD0]  }
0x7b8: {  	v14 =	vadd.s32 v5, v14;
	v9 =	vadd.s32 v5, v9;
	v25 =	vld [tilespmem:s22+$0xFFFFFFE0]  }
0x7b9: {  	v32 =	vld [tilespmem:s22+$0xFFFFFFF0]  }
0x7ba: {  	v33 =	vld [tilespmem:s22+$0x0]  }
0x7bb: {  	v12 =	vmul.f32 v12, v23;
	v23 =	vld [tilespmem:s22+$0x10]  }
0x7bc: {  	v8 =	vmul.f32 v8, v24;
	v24 =	vld [tilespmem:s22+$0x20]  }
0x7bd: {  	v21 =	vld.idx.msk [tilespmem:v21+s20+$0x0], $0xffff;
	v10 =	vmul.f32 v10, v25  }
0x7be: {  	v25 =	vld.idx.msk [tilespmem:v27+s20+$0x0], $0xffff;
	v11 =	vmul.f32 v11, v32  }
0x7bf: {  	v27 =	vld.idx.msk [tilespmem:v28+s20+$0x0], $0xffff;
	v13 =	vmul.f32 v13, v33  }
0x7c0: {  	v28 =	vld.idx.msk [tilespmem:v29+s20+$0x0], $0xffff;
	v16 =	vmul.f32 v16, v23  }
0x7c1: {  	v23 =	vld.idx.msk [tilespmem:v30+s20+$0x0], $0xffff;
	v18 =	vmul.f32 v18, v24  }
0x7c2: {  	v24 =	vld.idx.msk [tilespmem:v26+s20+$0x0], $0xffff  }
0x7c3: {  	v12 =	vmul.f32 v21, v12;
	v21 =	vld.idx.msk [tilespmem:v31+s20+$0x0], $0xffff  }
0x7c4: {  	v8 =	vmul.f32 v25, v8;
	[tilespmem:v6+s15+$0x0] =	vst.idx.add.f32.msk $0xffff, v7;
	v6 =	vmov v14  }
0x7c5: {  	v7 =	vmul.f32 v27, v10;
	[tilespmem:v19+s15+$0x0] =	vst.idx.add.f32.msk $0xffff, v12  }
.Ltmp40:
0x7c6: {  	[tilespmem:v15+s15+$0x0] =	vst.idx.add.f32.msk $0xffff, v8;
	v8 =	vmul.f32 v28, v11;
	(pc) =	sbr.rel @p1 .LBB2_73-.Ltmp40, $4  }
0x7c7: {  	[tilespmem:v17+s15+$0x0] =	vst.idx.add.f32.msk $0xffff, v7;
	v7 =	vmul.f32 v23, v13  }
0x7c8: {  	[tilespmem:v20+s15+$0x0] =	vst.idx.add.f32.msk $0xffff, v8;
	v8 =	vmul.f32 v24, v16  }
0x7c9: {  	[tilespmem:v22+s15+$0x0] =	vst.idx.add.f32.msk $0xffff, v7;
	v7 =	vmul.f32 v21, v18  }
0x7ca: {  	s28 =	sadd.s32 $0x80, s28;
	[tilespmem:v9+s15+$0x0] =	vst.idx.add.f32.msk $0xffff, v8  }
0x7cb: {  	_ =	sdelay $0x3  }
0x7cc: {  	[tilespmem:v6+s15+$0x0] =	vst.idx.add.f32.msk $0xffff, v7  }
.LBB2_75:
0x7cd: {  	s21 =	sshra.s32 s20, $0x2  }
0x7ce: {  	v6 =	vld [tilespmem:s21+$0x1A680];
	_ =	sdelay $0x4  }
0x7cf: {  	v7 =	vld [tilespmem:s21+$0x1AE80];
	v8 =	vcvt.s32.f32 v6;
	_ =	sdelay $0x1  }
0x7d0: {  	v8 =	vadd.f32 $5.000000000e-01, v8;
	_ =	sdelay $0x1  }
0x7d1: {  	v8 =	vmul.f32 $3.999999900e-05, v8  }
0x7d2: {  	v9 =	vld [tilespmem:s21+$0x1B680]  }
0x7d3: {  	v6 =	vld.idx.msk [tilespmem:v6+s3+$0x0], $0xffff;
	v8 =	vtrunc.f32 v8  }
0x7d4: {  	v8 =	vcvt.f32.s32 v8  }
0x7d5: {  	v7 =	vld.idx.msk [tilespmem:v7+s3+$0x0], $0xffff  }
0x7d6: {  	v8 =	vshll.u32 v8, $0x4  }
0x7d7: {  	p1 =	sne.s32 s20, $0x100;
	v8 =	vadd.s32 v5, v8  }
.Ltmp41:
0x7d8: {  	v6 =	vmul.f32 v6, v9;
	(pc) =	sbr.rel @p1 .LBB2_75-.Ltmp41, $3  }
0x7d9: {  	_ = 	snop  }
0x7da: {  	v6 =	vmul.f32 v7, v6;
	_ =	sdelay $0x1  }
0x7db: {  	s20 =	sadd.s32 $0x40, s20;
	[tilespmem:v8+s15+$0x0] =	vst.idx.add.f32.msk $0xffff, v6  }
.Ltmp42:
0x7dc: {  	(pc) =	sbr.rel @p0 .LBB2_78-.Ltmp42, $1  }
0x7dd: {  	_ =	sdelay $0x3  }
0x7de: {  	s20 =	smul.u32 $0xFA0, s19;
	_ =	sdelay $0x1  }
0x7df: {  	s20 =	sadd.s32 s20, s14  }
0x7e0: {  	s20 =	sshrl.u32 s20, $0x3  }
0x7e1: {  	s21 =	sadd.s32 s5, s20  }
0x7e2: {  	[tilespmem:s31], [sflag:$0x2] =	stream.linear.gather [hbm4b:s21+s3], $0x7D0, $0x38;
	[tilespmem:$0x1B900] =	vst v63  }
.Ltmp43:
0x7e3: {  	_ = 	snop;
	(pc) =	sbr.rel .LBB2_68-.Ltmp43, $4  }
0x7e4: {  	s28 =	sadd.s32 s6, s20  }
0x7e5: {  	[tilespmem:s0], [sflag:$0x2] =	stream.linear.gather [hbm4b:s28+s3], $0x7D0, $0x38;
	[tilespmem:$0x1B900] =	vst v63  }
0x7e6: {  	s19 =	sadd.s32 $0x1, s19;
	s20 =	sadd.s32 s2, s20  }
0x7e7: {  	[tilespmem:s1], [sflag:$0x2] =	stream.linear.gather [hbm4b:s20+s3], $0x7D0, $0x38;
	[tilespmem:$0x1B900] =	vst v63  }
.LBB2_78:
0x7e8: {  	s18 =	simm.s32 $0x0;
	s19 =	rddreg [dreg:$0xa]  }
0x7e9: {  	[tilespmem:s18], [sflag:$0x3] =	stream.strided.gather [hbm4b:s19+s24], $0x18700, s25, s24, $0x38;
	[tilespmem:$0x1B900] =	vst v63  }
0x7ea: {  	_ =	swait.ge [sflag:s26], $0x18700  }
0x7eb: {  	[sflag:s26] =	ssyncset.done $0x0  }
0x7ec: {  	s28 =	simm.s32 $0x18700;
	[sflag:s26] =	ssyncadd.s32 $0xFFFE7900  }
0x7ed: {  	[tilespmem:s28], [sflag:$0x1] =	stream.linear.gather [hbm4b:s7+s18], $0x7D0, $0x38;
	[tilespmem:$0x1B900] =	vst v63  }
0x7ee: {  	_ = 	snop  }
0x7ef: {  	[tilespmem:s29], [sflag:$0x1] =	stream.linear.gather [hbm4b:s8+s18], $0x7D0, $0x38;
	[tilespmem:$0x1B900] =	vst v63  }
0x7f0: {  	_ = 	snop  }
0x7f1: {  	[tilespmem:s30], [sflag:$0x1] =	stream.linear.gather [hbm4b:s9+s18], $0x7D0, $0x38;
	[tilespmem:$0x1B900] =	vst v63  }
0x7f2: {  	_ = 	snop  }
0x7f3: {  	[tilespmem:s31], [sflag:$0x2] =	stream.linear.gather [hbm4b:s10+s18], $0x7D0, $0x38;
	[tilespmem:$0x1B900] =	vst v63  }
0x7f4: {  	_ = 	snop  }
0x7f5: {  	[tilespmem:s0], [sflag:$0x2] =	stream.linear.gather [hbm4b:s11+s18], $0x7D0, $0x38;
	[tilespmem:$0x1B900] =	vst v63  }
0x7f6: {  	s19 =	simm.s32 $0x0  }
0x7f7: {  	[tilespmem:s1], [sflag:$0x2] =	stream.linear.gather [hbm4b:s12+s18], $0x7D0, $0x38;
	[tilespmem:$0x1B900] =	vst v63  }
.LBB2_79:
0x7f8: {  	_ =	swait.ge [sflag:s4], $0x7D0  }
0x7f9: {  	[sflag:s4] =	ssyncset.done $0x0  }
0x7fa: {  	[sflag:s4] =	ssyncadd.s32 $0xFFFFF830  }
0x7fb: {  	_ =	swait.ge [sflag:s4], $0x7D0  }
0x7fc: {  	[sflag:s4] =	ssyncset.done $0x0  }
0x7fd: {  	[sflag:s4] =	ssyncadd.s32 $0xFFFFF830  }
0x7fe: {  	_ =	swait.ge [sflag:s4], $0x7D0  }
0x7ff: {  	[sflag:s4] =	ssyncset.done $0x0  }
0x800: {  	s21 =	simm.s32 $0x18740;
	[sflag:s4] =	ssyncadd.s32 $0xFFFFF830  }
0x801: {  	v5 =	vld [tilespmem:s21+$0x30]  }
0x802: {  	v6 =	vld [tilespmem:s21+$0xFFFFFFD0]  }
0x803: {  	v7 =	vld [tilespmem:s21+$0xFFFFFFE0]  }
0x804: {  	s20 =	simm.s32 $0x18F40;
	v8 =	vld [tilespmem:s21+$0xFFFFFFF0]  }
0x805: {  	v9 =	vld [tilespmem:s20+$0x30]  }
0x806: {  	v10 =	vld [tilespmem:s21+$0x0]  }
0x807: {  	v12 =	vld [tilespmem:s21+$0x10]  }
0x808: {  	v13 =	vld [tilespmem:s21+$0x20]  }
0x809: {  	v14 =	vld [tilespmem:s21+$0xFFFFFFC0]  }
0x80a: {  	v15 =	vld [tilespmem:s20+$0xFFFFFFC0]  }
0x80b: {  	v18 =	vld [tilespmem:s20+$0xFFFFFFD0]  }
0x80c: {  	v19 =	vld [tilespmem:s20+$0xFFFFFFE0]  }
0x80d: {  	v20 =	vld [tilespmem:s20+$0xFFFFFFF0]  }
0x80e: {  	v21 =	vld [tilespmem:s20+$0x0]  }
0x80f: {  	v55 =	vld [tilespmem:s20+$0x10]  }
0x810: {  	s21 =	simm.s32 $0x19740;
	v23 =	vld [tilespmem:s20+$0x20]  }
0x811: {  	v17 =	vld [tilespmem:s21+$0x30];
	v11 =	vcvt.s32.f32 v5  }
0x812: {  	v27 =	vld [tilespmem:s21+$0xFFFFFFC0]  }
0x813: {  	v28 =	vld [tilespmem:s21+$0xFFFFFFD0];
	v11 =	vadd.f32 $5.000000000e-01, v11  }
0x814: {  	v29 =	vld [tilespmem:s21+$0xFFFFFFE0];
	v22 =	vcvt.s32.f32 v6;
	v57 =	vcvt.s32.f32 v7  }
0x815: {  	v30 =	vld [tilespmem:s21+$0xFFFFFFF0];
	v58 =	vcvt.s32.f32 v8;
	v11 =	vmul.f32 $3.999999900e-05, v11  }
0x816: {  	v59 =	vld [tilespmem:s21+$0x10];
	v24 =	vcvt.s32.f32 v10;
	v25 =	vcvt.s32.f32 v12  }
0x817: {  	v26 =	vcvt.s32.f32 v13;
	v22 =	vadd.f32 $5.000000000e-01, v22;
	v16 =	vld.idx.msk [tilespmem:v5+s18+$0x0], $0xffff;
	v5 =	vtrunc.f32 v11  }
0x818: {  	v24 =	vadd.f32 $5.000000000e-01, v24;
	v25 =	vadd.f32 $5.000000000e-01, v25;
	v9 =	vld.idx.msk [tilespmem:v9+s18+$0x0], $0xffff;
	v11 =	vcvt.f32.s32 v5  }
0x819: {  	v26 =	vadd.f32 $5.000000000e-01, v26;
	v56 =	vld.idx.msk [tilespmem:v14+s18+$0x0], $0xffff;
	v14 =	vcvt.s32.f32 v14;
	v22 =	vmul.f32 $3.999999900e-05, v22  }
0x81a: {  	v6 =	vld.idx.msk [tilespmem:v6+s18+$0x0], $0xffff;
	v24 =	vmul.f32 $3.999999900e-05, v24;
	v5 =	vor.u32 $0x1C0, v1;
	v11 =	vshll.u32 v11, $0x4  }
0x81b: {  	v7 =	vld.idx.msk [tilespmem:v7+s18+$0x0], $0xffff;
	v25 =	vmul.f32 $3.999999900e-05, v25;
	v26 =	vmul.f32 $3.999999900e-05, v26;
	v11 =	vadd.s32 v5, v11  }
0x81c: {  	v8 =	vld.idx.msk [tilespmem:v8+s18+$0x0], $0xffff;
	v14 =	vadd.f32 $5.000000000e-01, v14;
	v22 =	vtrunc.f32 v22;
	v16 =	vmul.f32 v16, v17  }
0x81d: {  	v12 =	vld.idx.msk [tilespmem:v12+s18+$0x0], $0xffff;
	v24 =	vtrunc.f32 v24;
	v25 =	vtrunc.f32 v25  }
0x81e: {  	v31 =	vld [tilespmem:s21+$0x0];
	v14 =	vmul.f32 $3.999999900e-05, v14;
	v9 =	vmul.f32 v9, v16  }
0x81f: {  	v60 =	vld [tilespmem:s21+$0x20];
	v22 =	vcvt.f32.s32 v22;
	v24 =	vcvt.f32.s32 v24  }
0x820: {  	v25 =	vcvt.f32.s32 v25;
	v6 =	vmul.f32 v6, v28;
	[tilespmem:v11+s15+$0x0] =	vst.idx.add.f32.msk $0xffff, v9;
	v9 =	vadd.f32 $5.000000000e-01, v57  }
0x821: {  	v10 =	vld.idx.msk [tilespmem:v10+s18+$0x0], $0xffff;
	v7 =	vmul.f32 v7, v29;
	v8 =	vmul.f32 v8, v30;
	v11 =	vadd.f32 $5.000000000e-01, v58  }
0x822: {  	v13 =	vld.idx.msk [tilespmem:v13+s18+$0x0], $0xffff;
	v12 =	vmul.f32 v12, v59;
	v9 =	vmul.f32 $3.999999900e-05, v9  }
0x823: {  	v18 =	vld.idx.msk [tilespmem:v18+s18+$0x0], $0xffff;
	v14 =	vtrunc.f32 v14;
	v22 =	vshll.u32 v22, $0x4;
	v11 =	vmul.f32 $3.999999900e-05, v11  }
0x824: {  	v17 =	vld.idx.msk [tilespmem:v55+s18+$0x0], $0xffff;
	v25 =	vshll.u32 v25, $0x4;
	v14 =	vcvt.f32.s32 v14;
	v9 =	vtrunc.f32 v9  }
0x825: {  	v15 =	vld.idx.msk [tilespmem:v15+s18+$0x0], $0xffff;
	v22 =	vadd.s32 v5, v22;
	v11 =	vtrunc.f32 v11;
	v9 =	vcvt.f32.s32 v9  }
0x826: {  	v19 =	vld.idx.msk [tilespmem:v19+s18+$0x0], $0xffff;
	v61 =	vadd.s32 v5, v25;
	v14 =	vshll.u32 v14, $0x4;
	v11 =	vcvt.f32.s32 v11  }
0x827: {  	v20 =	vld.idx.msk [tilespmem:v20+s18+$0x0], $0xffff;
	v16 =	vmul.f32 v56, v27;
	v14 =	vadd.s32 v5, v14;
	v9 =	vshll.u32 v9, $0x4  }
0x828: {  	v21 =	vld.idx.msk [tilespmem:v21+s18+$0x0], $0xffff;
	v6 =	vmul.f32 v18, v6;
	v11 =	vshll.u32 v11, $0x4;
	v9 =	vadd.s32 v5, v9  }
0x829: {  	v23 =	vld.idx.msk [tilespmem:v23+s18+$0x0], $0xffff;
	v24 =	vshll.u32 v24, $0x4;
	v63 =	vmul.f32 v17, v12;
	v11 =	vadd.s32 v5, v11  }
0x82a: {  	v26 =	vtrunc.f32 v26;
	v24 =	vadd.s32 v5, v24;
	v15 =	vmul.f32 v15, v16;
	[tilespmem:v22+s15+$0x0] =	vst.idx.add.f32.msk $0xffff, v6  }
0x82b: {  	v10 =	vmul.f32 v10, v31;
	v7 =	vmul.f32 v19, v7;
	[tilespmem:v61+s15+$0x0] =	vst.idx.add.f32.msk $0xffff, v63  }
0x82c: {  	v6 =	vmul.f32 v20, v8;
	v8 =	vcvt.f32.s32 v26;
	[tilespmem:v14+s15+$0x0] =	vst.idx.add.f32.msk $0xffff, v15  }
0x82d: {  	v62 =	vmul.f32 v13, v60;
	[tilespmem:v9+s15+$0x0] =	vst.idx.add.f32.msk $0xffff, v7;
	v7 =	vmul.f32 v21, v10  }
0x82e: {  	[tilespmem:v11+s15+$0x0] =	vst.idx.add.f32.msk $0xffff, v6;
	v6 =	vshll.u32 v8, $0x4  }
0x82f: {  	s22 =	simm.s32 $0x0;
	s23 =	simm.s32 $0x187C0;
	v6 =	vadd.s32 v5, v6;
	[tilespmem:v24+s15+$0x0] =	vst.idx.add.f32.msk $0xffff, v7;
	v7 =	vmul.f32 v23, v62  }
.LBB2_80:
0x830: {  	v8 =	vld [tilespmem:s23+$0x30];
	s22 =	sadd.s32 $0x8, s22  }
0x831: {  	v9 =	vld [tilespmem:s23+$0xFFFFFFD0];
	p0 =	slt.u32 s22, $0x70  }
0x832: {  	v10 =	vld [tilespmem:s23+$0xFFFFFFE0]  }
0x833: {  	s20 =	sadd.s32 $0x80, s20;
	v11 =	vld [tilespmem:s23+$0xFFFFFFF0]  }
0x834: {  	v12 =	vld [tilespmem:s20+$0x30]  }
0x835: {  	v13 =	vld [tilespmem:s23+$0x0];
	v14 =	vcvt.s32.f32 v8  }
0x836: {  	v15 =	vcvt.s32.f32 v9;
	v16 =	vld [tilespmem:s23+$0x10]  }
0x837: {  	v17 =	vcvt.s32.f32 v10;
	v18 =	vld [tilespmem:s23+$0x20];
	v14 =	vadd.f32 $5.000000000e-01, v14  }
0x838: {  	v19 =	vld [tilespmem:s23+$0xFFFFFFC0];
	v15 =	vadd.f32 $5.000000000e-01, v15;
	v20 =	vcvt.s32.f32 v11  }
0x839: {  	s28 =	simm.s32 $0x0;
	v21 =	vld [tilespmem:s20+$0xFFFFFFC0];
	v17 =	vadd.f32 $5.000000000e-01, v17;
	v14 =	vmul.f32 $3.999999900e-05, v14  }
0x83a: {  	s21 =	sadd.s32 $0x80, s21;
	v15 =	vmul.f32 $3.999999900e-05, v15;
	v20 =	vadd.f32 $5.000000000e-01, v20;
	v22 =	vcvt.s32.f32 v13;
	v8 =	vld.idx.msk [tilespmem:v8+s28+$0x0], $0xffff  }
0x83b: {  	v23 =	vcvt.s32.f32 v16;
	v24 =	vld [tilespmem:s21+$0x30];
	v14 =	vtrunc.f32 v14  }
0x83c: {  	v22 =	vadd.f32 $5.000000000e-01, v22;
	v25 =	vcvt.s32.f32 v18;
	v12 =	vld.idx.msk [tilespmem:v12+s28+$0x0], $0xffff;
	v14 =	vcvt.f32.s32 v14  }
0x83d: {  	v17 =	vmul.f32 $3.999999900e-05, v17;
	v26 =	vcvt.s32.f32 v19;
	v27 =	vld [tilespmem:s20+$0xFFFFFFD0];
	v23 =	vadd.f32 $5.000000000e-01, v23  }
0x83e: {  	v28 =	vld [tilespmem:s20+$0xFFFFFFE0];
	v25 =	vadd.f32 $5.000000000e-01, v25;
	v14 =	vshll.u32 v14, $0x4  }
0x83f: {  	v20 =	vmul.f32 $3.999999900e-05, v20;
	v26 =	vadd.f32 $5.000000000e-01, v26;
	v29 =	vld [tilespmem:s20+$0xFFFFFFF0];
	v14 =	vadd.s32 v5, v14  }
0x840: {  	v22 =	vmul.f32 $3.999999900e-05, v22;
	v30 =	vld [tilespmem:s20+$0x0];
	v8 =	vmul.f32 v8, v24  }
0x841: {  	v23 =	vmul.f32 $3.999999900e-05, v23;
	v24 =	vmul.f32 $3.999999900e-05, v26;
	v26 =	vld [tilespmem:s20+$0x10]  }
0x842: {  	v25 =	vmul.f32 $3.999999900e-05, v25;
	v31 =	vld [tilespmem:s20+$0x20];
	v8 =	vmul.f32 v12, v8  }
0x843: {  	v15 =	vtrunc.f32 v15;
	v12 =	vld.idx.msk [tilespmem:v19+s28+$0x0], $0xffff;
	v19 =	vtrunc.f32 v24  }
0x844: {  	v17 =	vtrunc.f32 v17;
	v20 =	vtrunc.f32 v20;
	[tilespmem:v14+s15+$0x0] =	vst.idx.add.f32.msk $0xffff, v8  }
0x845: {  	v14 =	vtrunc.f32 v23;
	v8 =	vld.idx.msk [tilespmem:v9+s28+$0x0], $0xffff;
	v9 =	vtrunc.f32 v22  }
0x846: {  	v19 =	vcvt.f32.s32 v19;
	v22 =	vtrunc.f32 v25;
	v10 =	vld.idx.msk [tilespmem:v10+s28+$0x0], $0xffff  }
0x847: {  	v15 =	vcvt.f32.s32 v15;
	v17 =	vcvt.f32.s32 v17;
	v11 =	vld.idx.msk [tilespmem:v11+s28+$0x0], $0xffff  }
0x848: {  	v20 =	vcvt.f32.s32 v20;
	v19 =	vshll.u32 v19, $0x4;
	v9 =	vcvt.f32.s32 v9;
	v13 =	vld.idx.msk [tilespmem:v13+s28+$0x0], $0xffff  }
0x849: {  	v15 =	vshll.u32 v15, $0x4;
	v14 =	vcvt.f32.s32 v14;
	v22 =	vcvt.f32.s32 v22;
	v16 =	vld.idx.msk [tilespmem:v16+s28+$0x0], $0xffff  }
0x84a: {  	v17 =	vshll.u32 v17, $0x4;
	v20 =	vshll.u32 v20, $0x4;
	v9 =	vshll.u32 v9, $0x4;
	v18 =	vld.idx.msk [tilespmem:v18+s28+$0x0], $0xffff  }
0x84b: {  	v19 =	vadd.s32 v5, v19;
	v14 =	vshll.u32 v14, $0x4;
	v22 =	vshll.u32 v22, $0x4;
	v23 =	vld [tilespmem:s21+$0xFFFFFFC0]  }
0x84c: {  	v15 =	vadd.s32 v5, v15;
	v17 =	vadd.s32 v5, v17;
	v20 =	vadd.s32 v5, v20;
	v24 =	vld [tilespmem:s21+$0xFFFFFFD0]  }
0x84d: {  	v14 =	vadd.s32 v5, v14;
	v9 =	vadd.s32 v5, v9;
	v22 =	vadd.s32 v5, v22;
	v25 =	vld [tilespmem:s21+$0xFFFFFFE0]  }
0x84e: {  	v32 =	vld [tilespmem:s21+$0xFFFFFFF0]  }
0x84f: {  	v33 =	vld [tilespmem:s21+$0x0]  }
0x850: {  	v12 =	vmul.f32 v12, v23;
	v23 =	vld [tilespmem:s21+$0x10]  }
0x851: {  	v8 =	vmul.f32 v8, v24;
	v24 =	vld [tilespmem:s21+$0x20]  }
0x852: {  	v21 =	vld.idx.msk [tilespmem:v21+s28+$0x0], $0xffff;
	v10 =	vmul.f32 v10, v25  }
0x853: {  	v25 =	vld.idx.msk [tilespmem:v27+s28+$0x0], $0xffff;
	v11 =	vmul.f32 v11, v32  }
0x854: {  	v27 =	vld.idx.msk [tilespmem:v28+s28+$0x0], $0xffff;
	v13 =	vmul.f32 v13, v33  }
0x855: {  	v28 =	vld.idx.msk [tilespmem:v29+s28+$0x0], $0xffff;
	v16 =	vmul.f32 v16, v23  }
0x856: {  	v23 =	vld.idx.msk [tilespmem:v30+s28+$0x0], $0xffff;
	v18 =	vmul.f32 v18, v24  }
0x857: {  	v24 =	vld.idx.msk [tilespmem:v26+s28+$0x0], $0xffff  }
0x858: {  	v12 =	vmul.f32 v21, v12;
	v21 =	vld.idx.msk [tilespmem:v31+s28+$0x0], $0xffff  }
0x859: {  	v8 =	vmul.f32 v25, v8;
	[tilespmem:v6+s15+$0x0] =	vst.idx.add.f32.msk $0xffff, v7;
	v6 =	vmov v22  }
0x85a: {  	v7 =	vmul.f32 v27, v10;
	[tilespmem:v19+s15+$0x0] =	vst.idx.add.f32.msk $0xffff, v12  }
.Ltmp44:
0x85b: {  	[tilespmem:v15+s15+$0x0] =	vst.idx.add.f32.msk $0xffff, v8;
	v8 =	vmul.f32 v28, v11;
	(pc) =	sbr.rel @p0 .LBB2_80-.Ltmp44, $4  }
0x85c: {  	[tilespmem:v17+s15+$0x0] =	vst.idx.add.f32.msk $0xffff, v7;
	v7 =	vmul.f32 v23, v13  }
0x85d: {  	[tilespmem:v20+s15+$0x0] =	vst.idx.add.f32.msk $0xffff, v8;
	v8 =	vmul.f32 v24, v16  }
0x85e: {  	[tilespmem:v9+s15+$0x0] =	vst.idx.add.f32.msk $0xffff, v7;
	v7 =	vmul.f32 v21, v18  }
0x85f: {  	s23 =	sadd.s32 $0x80, s23;
	[tilespmem:v14+s15+$0x0] =	vst.idx.add.f32.msk $0xffff, v8  }
0x860: {  	_ =	sdelay $0x3  }
0x861: {  	[tilespmem:v6+s15+$0x0] =	vst.idx.add.f32.msk $0xffff, v7  }
.LBB2_82:
0x862: {  	s20 =	sshra.s32 s28, $0x2  }
0x863: {  	v6 =	vld [tilespmem:s20+$0x18E80];
	_ =	sdelay $0x4  }
0x864: {  	v7 =	vld [tilespmem:s20+$0x19680];
	v8 =	vcvt.s32.f32 v6;
	_ =	sdelay $0x1  }
0x865: {  	v8 =	vadd.f32 $5.000000000e-01, v8;
	_ =	sdelay $0x1  }
0x866: {  	v8 =	vmul.f32 $3.999999900e-05, v8  }
0x867: {  	v9 =	vld [tilespmem:s20+$0x19E80]  }
0x868: {  	v6 =	vld.idx.msk [tilespmem:v6+s3+$0x0], $0xffff;
	v8 =	vtrunc.f32 v8  }
0x869: {  	v8 =	vcvt.f32.s32 v8  }
0x86a: {  	v7 =	vld.idx.msk [tilespmem:v7+s3+$0x0], $0xffff  }
0x86b: {  	v8 =	vshll.u32 v8, $0x4  }
0x86c: {  	p0 =	sne.s32 s28, $0x100;
	v8 =	vadd.s32 v5, v8  }
.Ltmp45:
0x86d: {  	v6 =	vmul.f32 v6, v9;
	(pc) =	sbr.rel @p0 .LBB2_82-.Ltmp45, $3  }
0x86e: {  	_ = 	snop  }
0x86f: {  	v6 =	vmul.f32 v7, v6;
	_ =	sdelay $0x1  }
0x870: {  	s28 =	sadd.s32 $0x40, s28;
	[tilespmem:v8+s15+$0x0] =	vst.idx.add.f32.msk $0xffff, v6  }
0x871: {  	p0 =	seq.s32 s19, $0x18  }
0x872: {  	s20 =	smul.u32 @!p0 $0xFA0, s19;
	_ =	sdelay $0x1  }
0x873: {  	s20 =	sadd.s32 @!p0 s20, s13  }
0x874: {  	s20 =	sshrl.u32 @!p0 s20, $0x3  }
0x875: {  	s22 =	simm.s32 @!p0 $0x0;
	s23 =	simm.s32 @!p0 $0x18700;
	s21 =	sadd.s32 @!p0 s5, s20  }
0x876: {  	[tilespmem:s23], [sflag:$0x1] =	stream.linear.gather @!p0 [hbm4b:s21+s22], $0x7D0, $0x38;
	[tilespmem:$0x1B900] =	vst v63  }
0x877: {  	s21 =	sadd.s32 @!p0 s6, s20;
	s23 =	simm.s32 @!p0 $0x18F00  }
0x878: {  	[tilespmem:s23], [sflag:$0x1] =	stream.linear.gather @!p0 [hbm4b:s21+s22], $0x7D0, $0x38;
	[tilespmem:$0x1B900] =	vst v63  }
0x879: {  	s20 =	sadd.s32 @!p0 s2, s20;
	s21 =	simm.s32 @!p0 $0x19700  }
0x87a: {  	[tilespmem:s21], [sflag:$0x1] =	stream.linear.gather @!p0 [hbm4b:s20+s22], $0x7D0, $0x38;
	[tilespmem:$0x1B900] =	vst v63  }
0x87b: {  	_ =	swait.ge [sflag:s16], $0x7D0  }
0x87c: {  	[sflag:s16] =	ssyncset.done $0x0  }
0x87d: {  	[sflag:s16] =	ssyncadd.s32 $0xFFFFF830  }
0x87e: {  	_ =	swait.ge [sflag:s16], $0x7D0  }
0x87f: {  	[sflag:s16] =	ssyncset.done $0x0  }
0x880: {  	[sflag:s16] =	ssyncadd.s32 $0xFFFFF830  }
0x881: {  	_ =	swait.ge [sflag:s16], $0x7D0  }
0x882: {  	[sflag:s16] =	ssyncset.done $0x0  }
0x883: {  	s23 =	simm.s32 $0x19F40;
	[sflag:s16] =	ssyncadd.s32 $0xFFFFF830  }
0x884: {  	v6 =	vld [tilespmem:s23+$0x30]  }
0x885: {  	v7 =	vld [tilespmem:s23+$0xFFFFFFD0]  }
0x886: {  	v8 =	vld [tilespmem:s23+$0xFFFFFFE0]  }
0x887: {  	s21 =	simm.s32 $0x1A740;
	v9 =	vld [tilespmem:s23+$0xFFFFFFF0]  }
0x888: {  	v10 =	vld [tilespmem:s21+$0x30]  }
0x889: {  	v11 =	vld [tilespmem:s23+$0x0]  }
0x88a: {  	v13 =	vld [tilespmem:s23+$0x10]  }
0x88b: {  	v14 =	vld [tilespmem:s23+$0x20]  }
0x88c: {  	v15 =	vld [tilespmem:s23+$0xFFFFFFC0]  }
0x88d: {  	s22 =	simm.s32 $0x1AF40;
	v16 =	vld [tilespmem:s21+$0xFFFFFFC0]  }
0x88e: {  	v17 =	vld [tilespmem:s22+$0x30]  }
0x88f: {  	v18 =	vld [tilespmem:s21+$0xFFFFFFD0]  }
0x890: {  	v19 =	vld [tilespmem:s21+$0xFFFFFFE0]  }
0x891: {  	v20 =	vld [tilespmem:s21+$0xFFFFFFF0]  }
0x892: {  	v21 =	vld [tilespmem:s21+$0x0];
	v12 =	vcvt.s32.f32 v6  }
0x893: {  	v56 =	vld [tilespmem:s21+$0x10]  }
0x894: {  	v23 =	vld [tilespmem:s21+$0x20];
	v12 =	vadd.f32 $5.000000000e-01, v12  }
0x895: {  	v27 =	vld [tilespmem:s22+$0xFFFFFFC0]  }
0x896: {  	v28 =	vld [tilespmem:s22+$0xFFFFFFD0];
	v12 =	vmul.f32 $3.999999900e-05, v12  }
0x897: {  	s20 =	simm.s32 $0x0;
	v29 =	vld [tilespmem:s22+$0xFFFFFFE0];
	v22 =	vcvt.s32.f32 v7;
	v24 =	vcvt.s32.f32 v11  }
0x898: {  	v25 =	vcvt.s32.f32 v13;
	v6 =	vld.idx.msk [tilespmem:v6+s20+$0x0], $0xffff;
	v12 =	vtrunc.f32 v12  }
0x899: {  	v30 =	vld [tilespmem:s22+$0xFFFFFFF0];
	v26 =	vcvt.s32.f32 v14;
	v12 =	vcvt.f32.s32 v12  }
0x89a: {  	v58 =	vcvt.s32.f32 v9;
	v22 =	vadd.f32 $5.000000000e-01, v22;
	v24 =	vadd.f32 $5.000000000e-01, v24;
	v10 =	vld.idx.msk [tilespmem:v10+s20+$0x0], $0xffff  }
0x89b: {  	v31 =	vld [tilespmem:s22+$0x0];
	v25 =	vadd.f32 $5.000000000e-01, v25;
	v26 =	vadd.f32 $5.000000000e-01, v26;
	v12 =	vshll.u32 v12, $0x4  }
0x89c: {  	v57 =	vld.idx.msk [tilespmem:v15+s20+$0x0], $0xffff;
	v15 =	vcvt.s32.f32 v15;
	v22 =	vmul.f32 $3.999999900e-05, v22;
	v12 =	vadd.s32 v5, v12  }
0x89d: {  	v59 =	vld [tilespmem:s22+$0x10];
	v24 =	vmul.f32 $3.999999900e-05, v24;
	v6 =	vmul.f32 v6, v17  }
0x89e: {  	v7 =	vld.idx.msk [tilespmem:v7+s20+$0x0], $0xffff;
	v25 =	vmul.f32 $3.999999900e-05, v25;
	v26 =	vmul.f32 $3.999999900e-05, v26  }
0x89f: {  	v9 =	vld.idx.msk [tilespmem:v9+s20+$0x0], $0xffff;
	v15 =	vadd.f32 $5.000000000e-01, v15;
	v22 =	vtrunc.f32 v22;
	v6 =	vmul.f32 v10, v6  }
0x8a0: {  	v13 =	vld.idx.msk [tilespmem:v13+s20+$0x0], $0xffff;
	v24 =	vtrunc.f32 v24;
	v25 =	vtrunc.f32 v25  }
0x8a1: {  	v15 =	vmul.f32 $3.999999900e-05, v15;
	[tilespmem:v12+s15+$0x0] =	vst.idx.add.f32.msk $0xffff, v6;
	v6 =	vcvt.s32.f32 v8  }
0x8a2: {  	v60 =	vld [tilespmem:s22+$0x20];
	v22 =	vcvt.f32.s32 v22;
	v24 =	vcvt.f32.s32 v24  }
0x8a3: {  	v11 =	vld.idx.msk [tilespmem:v11+s20+$0x0], $0xffff;
	v25 =	vcvt.f32.s32 v25;
	v7 =	vmul.f32 v7, v28;
	v6 =	vadd.f32 $5.000000000e-01, v6  }
0x8a4: {  	v14 =	vld.idx.msk [tilespmem:v14+s20+$0x0], $0xffff;
	v9 =	vmul.f32 v9, v30;
	v15 =	vtrunc.f32 v15;
	v12 =	vadd.f32 $5.000000000e-01, v58  }
0x8a5: {  	v16 =	vld.idx.msk [tilespmem:v16+s20+$0x0], $0xffff;
	v15 =	vcvt.f32.s32 v15;
	v6 =	vmul.f32 $3.999999900e-05, v6  }
0x8a6: {  	v18 =	vld.idx.msk [tilespmem:v18+s20+$0x0], $0xffff;
	v62 =	vmul.f32 v13, v59;
	v22 =	vshll.u32 v22, $0x4;
	v12 =	vmul.f32 $3.999999900e-05, v12  }
0x8a7: {  	v25 =	vshll.u32 v25, $0x4;
	v15 =	vshll.u32 v15, $0x4;
	v8 =	vld.idx.msk [tilespmem:v8+s20+$0x0], $0xffff;
	v6 =	vtrunc.f32 v6  }
0x8a8: {  	v17 =	vld.idx.msk [tilespmem:v56+s20+$0x0], $0xffff;
	v15 =	vadd.s32 v5, v15;
	v12 =	vtrunc.f32 v12;
	v6 =	vcvt.f32.s32 v6  }
0x8a9: {  	v19 =	vld.idx.msk [tilespmem:v19+s20+$0x0], $0xffff;
	v10 =	vmul.f32 v57, v27;
	v22 =	vadd.s32 v5, v22;
	v12 =	vcvt.f32.s32 v12  }
0x8aa: {  	v20 =	vld.idx.msk [tilespmem:v20+s20+$0x0], $0xffff;
	v24 =	vshll.u32 v24, $0x4;
	v61 =	vadd.s32 v5, v25;
	v6 =	vshll.u32 v6, $0x4  }
0x8ab: {  	v21 =	vld.idx.msk [tilespmem:v21+s20+$0x0], $0xffff;
	v10 =	vmul.f32 v16, v10;
	v12 =	vshll.u32 v12, $0x4;
	v6 =	vadd.s32 v5, v6  }
0x8ac: {  	v23 =	vld.idx.msk [tilespmem:v23+s20+$0x0], $0xffff;
	v7 =	vmul.f32 v18, v7;
	v8 =	vmul.f32 v8, v29;
	v12 =	vadd.s32 v5, v12  }
0x8ad: {  	v26 =	vtrunc.f32 v26;
	v24 =	vadd.s32 v5, v24;
	[tilespmem:v15+s15+$0x0] =	vst.idx.add.f32.msk $0xffff, v10;
	v10 =	vmul.f32 v17, v62  }
0x8ae: {  	v11 =	vmul.f32 v11, v31;
	[tilespmem:v22+s15+$0x0] =	vst.idx.add.f32.msk $0xffff, v7;
	v8 =	vmul.f32 v19, v8  }
0x8af: {  	v63 =	vcvt.f32.s32 v26;
	v7 =	vmul.f32 v20, v9;
	[tilespmem:v61+s15+$0x0] =	vst.idx.add.f32.msk $0xffff, v10  }
0x8b0: {  	[tilespmem:v6+s15+$0x0] =	vst.idx.add.f32.msk $0xffff, v8;
	v6 =	vmul.f32 v21, v11;
	v8 =	vmul.f32 v14, v60  }
0x8b1: {  	[tilespmem:v12+s15+$0x0] =	vst.idx.add.f32.msk $0xffff, v7;
	v7 =	vshll.u32 v63, $0x4  }
0x8b2: {  	s28 =	simm.s32 $0x19FC0;
	s23 =	simm.s32 $0x0;
	[tilespmem:v24+s15+$0x0] =	vst.idx.add.f32.msk $0xffff, v6;
	v6 =	vadd.s32 v5, v7;
	v7 =	vmul.f32 v23, v8  }
.LBB2_84:
0x8b3: {  	v8 =	vld [tilespmem:s28+$0x30];
	s23 =	sadd.s32 $0x8, s23  }
0x8b4: {  	v9 =	vld [tilespmem:s28+$0xFFFFFFD0];
	p1 =	slt.u32 s23, $0x70  }
0x8b5: {  	v10 =	vld [tilespmem:s28+$0xFFFFFFE0]  }
0x8b6: {  	s21 =	sadd.s32 $0x80, s21;
	v11 =	vld [tilespmem:s28+$0xFFFFFFF0]  }
0x8b7: {  	v12 =	vld [tilespmem:s21+$0x30]  }
0x8b8: {  	v13 =	vld [tilespmem:s28+$0x0];
	v14 =	vcvt.s32.f32 v8  }
0x8b9: {  	v15 =	vcvt.s32.f32 v9;
	v16 =	vld [tilespmem:s28+$0x10]  }
0x8ba: {  	v17 =	vcvt.s32.f32 v10;
	v18 =	vld [tilespmem:s28+$0x20];
	v14 =	vadd.f32 $5.000000000e-01, v14  }
0x8bb: {  	v19 =	vld [tilespmem:s28+$0xFFFFFFC0];
	v15 =	vadd.f32 $5.000000000e-01, v15;
	v20 =	vcvt.s32.f32 v11  }
0x8bc: {  	v21 =	vld [tilespmem:s21+$0xFFFFFFC0];
	v17 =	vadd.f32 $5.000000000e-01, v17;
	v14 =	vmul.f32 $3.999999900e-05, v14  }
0x8bd: {  	s22 =	sadd.s32 $0x80, s22;
	v15 =	vmul.f32 $3.999999900e-05, v15;
	v20 =	vadd.f32 $5.000000000e-01, v20;
	v22 =	vcvt.s32.f32 v13;
	v8 =	vld.idx.msk [tilespmem:v8+s20+$0x0], $0xffff  }
0x8be: {  	v23 =	vcvt.s32.f32 v16;
	v24 =	vld [tilespmem:s22+$0x30];
	v14 =	vtrunc.f32 v14  }
0x8bf: {  	v22 =	vadd.f32 $5.000000000e-01, v22;
	v25 =	vcvt.s32.f32 v18;
	v12 =	vld.idx.msk [tilespmem:v12+s20+$0x0], $0xffff;
	v14 =	vcvt.f32.s32 v14  }
0x8c0: {  	v17 =	vmul.f32 $3.999999900e-05, v17;
	v26 =	vcvt.s32.f32 v19;
	v27 =	vld [tilespmem:s21+$0xFFFFFFD0];
	v23 =	vadd.f32 $5.000000000e-01, v23  }
0x8c1: {  	v20 =	vmul.f32 $3.999999900e-05, v20;
	v28 =	vld [tilespmem:s21+$0xFFFFFFE0];
	v25 =	vadd.f32 $5.000000000e-01, v25;
	v14 =	vshll.u32 v14, $0x4  }
0x8c2: {  	v22 =	vmul.f32 $3.999999900e-05, v22;
	v26 =	vadd.f32 $5.000000000e-01, v26;
	v29 =	vld [tilespmem:s21+$0xFFFFFFF0];
	v14 =	vadd.s32 v5, v14  }
0x8c3: {  	v23 =	vmul.f32 $3.999999900e-05, v23;
	v30 =	vld [tilespmem:s21+$0x0];
	v8 =	vmul.f32 v8, v24  }
0x8c4: {  	v25 =	vmul.f32 $3.999999900e-05, v25;
	v24 =	vmul.f32 $3.999999900e-05, v26;
	v26 =	vld [tilespmem:s21+$0x10]  }
0x8c5: {  	v15 =	vtrunc.f32 v15;
	v31 =	vld [tilespmem:s21+$0x20];
	v8 =	vmul.f32 v12, v8  }
0x8c6: {  	v17 =	vtrunc.f32 v17;
	v12 =	vld.idx.msk [tilespmem:v19+s20+$0x0], $0xffff;
	v19 =	vtrunc.f32 v24  }
0x8c7: {  	v20 =	vtrunc.f32 v20;
	v22 =	vtrunc.f32 v22;
	[tilespmem:v14+s15+$0x0] =	vst.idx.add.f32.msk $0xffff, v8  }
0x8c8: {  	v14 =	vtrunc.f32 v25;
	v8 =	vld.idx.msk [tilespmem:v9+s20+$0x0], $0xffff;
	v9 =	vtrunc.f32 v23  }
0x8c9: {  	v15 =	vcvt.f32.s32 v15;
	v19 =	vcvt.f32.s32 v19;
	v10 =	vld.idx.msk [tilespmem:v10+s20+$0x0], $0xffff  }
0x8ca: {  	v17 =	vcvt.f32.s32 v17;
	v20 =	vcvt.f32.s32 v20;
	v11 =	vld.idx.msk [tilespmem:v11+s20+$0x0], $0xffff  }
0x8cb: {  	v22 =	vcvt.f32.s32 v22;
	v19 =	vshll.u32 v19, $0x4;
	v9 =	vcvt.f32.s32 v9;
	v13 =	vld.idx.msk [tilespmem:v13+s20+$0x0], $0xffff  }
0x8cc: {  	v15 =	vshll.u32 v15, $0x4;
	v17 =	vshll.u32 v17, $0x4;
	v14 =	vcvt.f32.s32 v14;
	v16 =	vld.idx.msk [tilespmem:v16+s20+$0x0], $0xffff  }
0x8cd: {  	v20 =	vshll.u32 v20, $0x4;
	v22 =	vshll.u32 v22, $0x4;
	v9 =	vshll.u32 v9, $0x4;
	v18 =	vld.idx.msk [tilespmem:v18+s20+$0x0], $0xffff  }
0x8ce: {  	v15 =	vadd.s32 v5, v15;
	v19 =	vadd.s32 v5, v19;
	v14 =	vshll.u32 v14, $0x4;
	v23 =	vld [tilespmem:s22+$0xFFFFFFC0]  }
0x8cf: {  	v17 =	vadd.s32 v5, v17;
	v20 =	vadd.s32 v5, v20;
	v22 =	vadd.s32 v5, v22;
	v24 =	vld [tilespmem:s22+$0xFFFFFFD0]  }
0x8d0: {  	v14 =	vadd.s32 v5, v14;
	v9 =	vadd.s32 v5, v9;
	v25 =	vld [tilespmem:s22+$0xFFFFFFE0]  }
0x8d1: {  	v32 =	vld [tilespmem:s22+$0xFFFFFFF0]  }
0x8d2: {  	v33 =	vld [tilespmem:s22+$0x0]  }
0x8d3: {  	v12 =	vmul.f32 v12, v23;
	v23 =	vld [tilespmem:s22+$0x10]  }
0x8d4: {  	v8 =	vmul.f32 v8, v24;
	v24 =	vld [tilespmem:s22+$0x20]  }
0x8d5: {  	v21 =	vld.idx.msk [tilespmem:v21+s20+$0x0], $0xffff;
	v10 =	vmul.f32 v10, v25  }
0x8d6: {  	v25 =	vld.idx.msk [tilespmem:v27+s20+$0x0], $0xffff;
	v11 =	vmul.f32 v11, v32  }
0x8d7: {  	v27 =	vld.idx.msk [tilespmem:v28+s20+$0x0], $0xffff;
	v13 =	vmul.f32 v13, v33  }
0x8d8: {  	v28 =	vld.idx.msk [tilespmem:v29+s20+$0x0], $0xffff;
	v16 =	vmul.f32 v16, v23  }
0x8d9: {  	v23 =	vld.idx.msk [tilespmem:v30+s20+$0x0], $0xffff;
	v18 =	vmul.f32 v18, v24  }
0x8da: {  	v24 =	vld.idx.msk [tilespmem:v26+s20+$0x0], $0xffff  }
0x8db: {  	v12 =	vmul.f32 v21, v12;
	v21 =	vld.idx.msk [tilespmem:v31+s20+$0x0], $0xffff  }
0x8dc: {  	v8 =	vmul.f32 v25, v8;
	[tilespmem:v6+s15+$0x0] =	vst.idx.add.f32.msk $0xffff, v7;
	v6 =	vmov v14  }
0x8dd: {  	v7 =	vmul.f32 v27, v10;
	[tilespmem:v19+s15+$0x0] =	vst.idx.add.f32.msk $0xffff, v12  }
.Ltmp46:
0x8de: {  	[tilespmem:v15+s15+$0x0] =	vst.idx.add.f32.msk $0xffff, v8;
	v8 =	vmul.f32 v28, v11;
	(pc) =	sbr.rel @p1 .LBB2_84-.Ltmp46, $4  }
0x8df: {  	[tilespmem:v17+s15+$0x0] =	vst.idx.add.f32.msk $0xffff, v7;
	v7 =	vmul.f32 v23, v13  }
0x8e0: {  	[tilespmem:v20+s15+$0x0] =	vst.idx.add.f32.msk $0xffff, v8;
	v8 =	vmul.f32 v24, v16  }
0x8e1: {  	[tilespmem:v22+s15+$0x0] =	vst.idx.add.f32.msk $0xffff, v7;
	v7 =	vmul.f32 v21, v18  }
0x8e2: {  	s28 =	sadd.s32 $0x80, s28;
	[tilespmem:v9+s15+$0x0] =	vst.idx.add.f32.msk $0xffff, v8  }
0x8e3: {  	_ =	sdelay $0x3  }
0x8e4: {  	[tilespmem:v6+s15+$0x0] =	vst.idx.add.f32.msk $0xffff, v7  }
.LBB2_86:
0x8e5: {  	s21 =	sshra.s32 s20, $0x2  }
0x8e6: {  	v6 =	vld [tilespmem:s21+$0x1A680];
	_ =	sdelay $0x4  }
0x8e7: {  	v7 =	vld [tilespmem:s21+$0x1AE80];
	v8 =	vcvt.s32.f32 v6;
	_ =	sdelay $0x1  }
0x8e8: {  	v8 =	vadd.f32 $5.000000000e-01, v8;
	_ =	sdelay $0x1  }
0x8e9: {  	v8 =	vmul.f32 $3.999999900e-05, v8  }
0x8ea: {  	v9 =	vld [tilespmem:s21+$0x1B680]  }
0x8eb: {  	v6 =	vld.idx.msk [tilespmem:v6+s3+$0x0], $0xffff;
	v8 =	vtrunc.f32 v8  }
0x8ec: {  	v8 =	vcvt.f32.s32 v8  }
0x8ed: {  	v7 =	vld.idx.msk [tilespmem:v7+s3+$0x0], $0xffff  }
0x8ee: {  	v8 =	vshll.u32 v8, $0x4  }
0x8ef: {  	p1 =	sne.s32 s20, $0x100;
	v8 =	vadd.s32 v5, v8  }
.Ltmp47:
0x8f0: {  	v6 =	vmul.f32 v6, v9;
	(pc) =	sbr.rel @p1 .LBB2_86-.Ltmp47, $3  }
0x8f1: {  	_ = 	snop  }
0x8f2: {  	v6 =	vmul.f32 v7, v6;
	_ =	sdelay $0x1  }
0x8f3: {  	s20 =	sadd.s32 $0x40, s20;
	[tilespmem:v8+s15+$0x0] =	vst.idx.add.f32.msk $0xffff, v6  }
.Ltmp48:
0x8f4: {  	(pc) =	sbr.rel @p0 .LBB2_89-.Ltmp48, $1  }
0x8f5: {  	_ =	sdelay $0x3  }
0x8f6: {  	s20 =	smul.u32 $0xFA0, s19;
	_ =	sdelay $0x1  }
0x8f7: {  	s20 =	sadd.s32 s20, s14  }
0x8f8: {  	s20 =	sshrl.u32 s20, $0x3  }
0x8f9: {  	s21 =	sadd.s32 s5, s20  }
0x8fa: {  	[tilespmem:s31], [sflag:$0x2] =	stream.linear.gather [hbm4b:s21+s3], $0x7D0, $0x38;
	[tilespmem:$0x1B900] =	vst v63  }
.Ltmp49:
0x8fb: {  	_ = 	snop;
	(pc) =	sbr.rel .LBB2_79-.Ltmp49, $4  }
0x8fc: {  	s28 =	sadd.s32 s6, s20  }
0x8fd: {  	[tilespmem:s0], [sflag:$0x2] =	stream.linear.gather [hbm4b:s28+s3], $0x7D0, $0x38;
	[tilespmem:$0x1B900] =	vst v63  }
0x8fe: {  	s19 =	sadd.s32 $0x1, s19;
	s20 =	sadd.s32 s2, s20  }
0x8ff: {  	[tilespmem:s1], [sflag:$0x2] =	stream.linear.gather [hbm4b:s20+s3], $0x7D0, $0x38;
	[tilespmem:$0x1B900] =	vst v63  }
.LBB2_90:
0x900: {  	_ =	sfence.sel $0x180000  }
0x901: {  	[bflag:$0x0] =	sbarrier.arrive $0xFFFF  }
0x902: {  	_ =	strace $0x90000047  }
0x903: {  	s0 =	stileid.u32;
	[bflag:$0x2] =	sbarrier.arrive $0xFFFF  }
0x904: {  	p0 =	sne.s32 s0, $0x0;
	s0 =	rddreg [dreg:$0x2]  }
0x905: {  	s0 =	sadd.s32 @!p0 $0x100000, s0  }
0x906: {  	[sflag:s0] =	ssyncadd.tile.s32 @!p0 $0x1;
	_ =	shalt  }
.Lfunc_end2:
_tile_overlayer_lowered:
.L_overlay_start_2:
0x907: {  	(tag) =	ssettag $0x2  }
0x908: {  	s0 =	rddreg [dreg:$0x0];
	s2 =	stileid.u32  }
0x909: {  	s1 =	rddreg [dreg:$0x1];
	p0 =	sne.s32 s2, $0x0  }
0x90a: {  	s3 =	rddreg [dreg:$0x2];
	[bflag:$0x3] =	sbarrier.arrive $0xFFFF;
	s2 =	simm.s32 @!p0 $0x1C03  }
0x90b: {  	[timem:s3], [sflag:s2] =	dma.local @!p0 [hbm:s0], s1  }
0x90c: {  	s0 =	simm.s32 @!p0 $0x3  }
0x90d: {  	_ =	swait.ge @!p0 [sflag:s0], s1  }
0x90e: {  	s1 =	ssub.s32 @!p0 $0x0, s1;
	[sflag:s0] =	ssyncset.done @!p0 $0x0  }
0x90f: {  	[sflag:s0] =	ssyncadd.s32 @!p0 s1  }
0x910: {  	[bflag:$0x3] =	sbarrier.arrive $0xFFFF  }
0x911: {  	_ =	shalt  }

</sc_bundles>
